<compile_context>
chip_gen: v7x
topology: tpu7x:2x2x1
jax: 0.10.2.dev20260603
libtpu: 0.0.44.dev20260713+nightly
codegen_flags: <defaults>
</compile_context>

<pallas_src>
import functools

import jax
import jax.numpy as jnp
from jax import lax
from jax.experimental import pallas as pl
from jax.experimental.pallas import tpu as pltpu
from jax.experimental.pallas import tpu_sc as plsc

D = 2048
B = 4
S = 2048

_info = plsc.get_sparse_core_info()
_NC, _NS, _L = _info.num_cores, _info.num_subcores, _info.num_lanes
_NW = _NC * _NS
_S_PER_W = S // _NW
_CB = 8
_NBLK = _S_PER_W // _CB
_NCHUNK = _NBLK * B
_NR = 5
_NP = 2
_DEPTH = 4
_SLICES = _CB * (D // _L)
_UNROLL = 8


def _add_pe(rows_ref, pe_ref, po, n):
    @plsc.parallel_loop(0, n * (D // _L), unroll=_UNROLL)
    def body(i):
        r = i >> 7
        col = (i & 127) * _L
        rows_ref[r, pl.ds(col, _L)] = (
            rows_ref[r, pl.ds(col, _L)] + pe_ref[po + r, pl.ds(col, _L)]
        )


_mesh = plsc.VectorSubcoreMesh(core_axis_name="c", subcore_axis_name="s")


@functools.partial(
    pl.kernel,
    out_type=jax.ShapeDtypeStruct((B, S, D), jnp.float32),
    mesh=_mesh,
    scratch_types=(
        [pltpu.VMEM((B, _S_PER_W), jnp.int32)]
        + [pltpu.VMEM((_CB, D), jnp.float32) for _ in range(_NR + _NP)]
        + [pltpu.SemaphoreType.DMA for _ in range(_NR + _NR + _NP)]
    ),
)
def _emb(table, tok, pe, out, idx_v, *rest):
    rows = rest[:_NR]
    pes = rest[_NR:_NR + _NP]
    sem_g = rest[_NR + _NP:2 * _NR + _NP]
    sem_o = rest[2 * _NR + _NP:3 * _NR + _NP]
    sem_p = rest[3 * _NR + _NP:]

    wid = lax.axis_index("s") * _NC + lax.axis_index("c")
    s0 = wid * _S_PER_W

    idx_h = [
        pltpu.async_copy(tok.at[bt, pl.ds(s0, _S_PER_W)], idx_v.at[bt],
                         sem_p[0])
        for bt in range(B)
    ]
    _idx_waited = set()

    def gather(j):
        p, bt = divmod(j, B)
        rb = j % _NR
        if bt not in _idx_waited:
            idx_h[bt].wait()
            _idx_waited.add(bt)
        idx = idx_v.at[bt, pl.ds(p * _CB, _CB)]
        return pltpu.async_copy(table.at[idx], rows[rb], sem_g[rb])

    def pe_load(p):
        return pltpu.async_copy(
            pe.at[pl.ds(s0 + p * _CB, _CB)], pes[p % _NP], sem_p[p % _NP])

    pe_h = [pe_load(0), None]
    g_h = [None] * _NR
    o_h = [None] * _NR
    for j in range(_DEPTH):
        g_h[j % _NR] = gather(j)
    pe_h[1] = pe_load(1)

    for j in range(_NCHUNK):
        p, bt = divmod(j, B)
        rb = j % _NR
        pb = p % _NP
        g_h[rb].wait()
        if bt == 0:
            pe_h[pb].wait()
        _add_pe(rows[rb], pes[pb], 0, _CB)
        o_h[rb] = pltpu.async_copy(
            rows[rb], out.at[bt, pl.ds(s0 + p * _CB, _CB)], sem_o[rb])
        if bt == B - 1 and p + _NP < _NBLK:
            pe_h[pb] = pe_load(p + _NP)
        jn = j + _DEPTH
        if jn < _NCHUNK:
            rbn = jn % _NR
            if o_h[rbn] is not None:
                o_h[rbn].wait()
                o_h[rbn] = None
            g_h[rbn] = gather(jn)
    for h in o_h:
        if h is not None:
            h.wait()


def kernel(tokens, embedding_weight, pe):
    return _emb(embedding_weight, tokens.astype(jnp.int32), pe)

# --- scband reference (transcript-rebuilt; emitter-appended) ---
"""Pipeline reference for scband-text-embedding-65292092834400 (READ-ONLY COPY).

The authoritative reference and input builder live on the scoring server;
editing this copy changes nothing except your own understanding.
"""

import jax, jax.numpy as jnp
import numpy as np
import math

N_VOCAB = 100000
D_MODEL = 2048
N_CTX = 2048
BATCH = 4
SEQ = 2048


def _make_sin_pe(max_n_ctx, d_model):
    position = jnp.arange(max_n_ctx, dtype=jnp.float32)[:, None]
    div_term = jnp.exp(jnp.arange(0, d_model, 2, dtype=jnp.float32) * (-math.log(10000.0) / d_model))
    pe = jnp.zeros((max_n_ctx, d_model), dtype=jnp.float32)
    pe = pe.at[:, 0::2].set(jnp.sin(position * div_term))
    pe = pe.at[:, 1::2].set(jnp.cos(position * div_term))
    return pe


def setup_inputs(seed: int = 0) -> dict:
    key = jax.random.key(seed)
    k_tok, k_emb = jax.random.split(key)
    tokens = jax.random.randint(k_tok, (BATCH, SEQ), 0, N_VOCAB, dtype=jnp.int64 if jax.config.jax_enable_x64 else jnp.int32)
    embedding_weight = jax.random.normal(k_emb, (N_VOCAB, D_MODEL), dtype=jnp.float32) * (0.02 * math.sqrt(D_MODEL))
    pe = _make_sin_pe(N_CTX, D_MODEL)
    return {"tokens": tokens, "embedding_weight": embedding_weight, "pe": pe}


def reference(tokens, embedding_weight, pe):
    # nn.Embedding lookup -> gather rows
    acts = jnp.take(embedding_weight, tokens, axis=0)  # [B, S, D]
    # PositionalEncoding (sin): x + pe[:n_ctx]
    acts = acts + pe[: acts.shape[1]]
    return acts

if __name__ == "__main__":
    import jax
    _d = setup_inputs()
    print(jax.jit(kernel)(*tuple(_d.values())))

</pallas_src>

<mosaic_0001>
#map = affine_map<(d0, d1) -> (0, 0)>
#map1 = affine_map<(d0, d1) -> (0, 0, 0)>
module attributes {stable_mosaic.version = 14 : i64} {
  func.func @_emb(%arg0: i32, %arg1: i32, %arg2: memref<100000x2048xf32, #tpu.memory_space<hbm>>, %arg3: memref<4x2048xi32, #tpu.memory_space<hbm>>, %arg4: memref<2048x2048xf32, #tpu.memory_space<hbm>>, %arg5: memref<4x2048x2048xf32, #tpu.memory_space<hbm>>, %arg6: memref<4x64xi32, #tpu.memory_space<vmem>>, %arg7: memref<8x2048xf32, #tpu.memory_space<vmem>>, %arg8: memref<8x2048xf32, #tpu.memory_space<vmem>>, %arg9: memref<8x2048xf32, #tpu.memory_space<vmem>>, %arg10: memref<8x2048xf32, #tpu.memory_space<vmem>>, %arg11: memref<8x2048xf32, #tpu.memory_space<vmem>>, %arg12: memref<8x2048xf32, #tpu.memory_space<vmem>>, %arg13: memref<8x2048xf32, #tpu.memory_space<vmem>>, %arg14: memref<!tpu.dma_semaphore, #tpu.memory_space<semaphore_mem>>, %arg15: memref<!tpu.dma_semaphore, #tpu.memory_space<semaphore_mem>>, %arg16: memref<!tpu.dma_semaphore, #tpu.memory_space<semaphore_mem>>, %arg17: memref<!tpu.dma_semaphore, #tpu.memory_space<semaphore_mem>>, %arg18: memref<!tpu.dma_semaphore, #tpu.memory_space<semaphore_mem>>, %arg19: memref<!tpu.dma_semaphore, #tpu.memory_space<semaphore_mem>>, %arg20: memref<!tpu.dma_semaphore, #tpu.memory_space<semaphore_mem>>, %arg21: memref<!tpu.dma_semaphore, #tpu.memory_space<semaphore_mem>>, %arg22: memref<!tpu.dma_semaphore, #tpu.memory_space<semaphore_mem>>, %arg23: memref<!tpu.dma_semaphore, #tpu.memory_space<semaphore_mem>>, %arg24: memref<!tpu.dma_semaphore, #tpu.memory_space<semaphore_mem>>, %arg25: memref<!tpu.dma_semaphore, #tpu.memory_space<semaphore_mem>>) attributes {dimension_semantics = [#tpu.dimension_semantics<core_parallel>, #tpu.dimension_semantics<subcore_parallel>], iteration_bounds = array<i64: 2, 16>, scalar_prefetch = 0 : i64, scratch_operands = 20 : i64, tpu.core_type = #tpu.core_type<sc_vector_subcore>, window_params = [{transform_indices = #map}, {transform_indices = #map}, {transform_indices = #map}, {transform_indices = #map1}]} {
    %mul3A = arith.constant 2 : i32
    %mul3A_0 = arith.muli %arg1, %mul3A : i32
    %add3A = arith.addi %mul3A_0, %arg0 : i32
    %mul3A_1 = arith.constant 64 : i32
    %mul3A_2 = arith.muli %add3A, %mul3A_1 : i32
    %dma_start3A = arith.constant 0 : i32
    %dma_start3A_3 = arith.constant 0 : i32
    %dma_start3A_4 = arith.constant 0 : i32
    %dma_start3A_5 = tpu.memref_slice %arg6[%dma_start3A_3, %dma_start3A_4] : memref<4x64xi32, #tpu.memory_space<vmem>> -> memref<1x64xi32, #tpu.memory_space<vmem>>
    %dma_start3A_6 = tpu.memref_squeeze %dma_start3A_5 : memref<1x64xi32, #tpu.memory_space<vmem>> -> memref<64xi32, #tpu.memory_space<vmem>>
    %dma_start3A_7 = tpu.memref_slice %arg3[%dma_start3A, %mul3A_2] : memref<4x2048xi32, #tpu.memory_space<hbm>> -> memref<1x64xi32, #tpu.memory_space<hbm>>
    %dma_start3A_8 = tpu.memref_squeeze %dma_start3A_7 : memref<1x64xi32, #tpu.memory_space<hbm>> -> memref<64xi32, #tpu.memory_space<hbm>>
    %dma_start3A_9 = arith.constant 0 : i32
    %dma_start3A_10 = tpu.memref_slice %arg6[%dma_start3A_3, %dma_start3A_9] : memref<4x64xi32, #tpu.memory_space<vmem>> -> memref<1x64xi32, #tpu.memory_space<vmem>>
    %dma_start3A_11 = tpu.memref_squeeze %dma_start3A_10 : memref<1x64xi32, #tpu.memory_space<vmem>> -> memref<64xi32, #tpu.memory_space<vmem>>
    %dma_start3A_12 = tpu.memref_slice %arg3[%dma_start3A, %mul3A_2] : memref<4x2048xi32, #tpu.memory_space<hbm>> -> memref<1x64xi32, #tpu.memory_space<hbm>>
    %dma_start3A_13 = tpu.memref_squeeze %dma_start3A_12 : memref<1x64xi32, #tpu.memory_space<hbm>> -> memref<64xi32, #tpu.memory_space<hbm>>
    tpu.enqueue_dma source(%dma_start3A_13 : memref<64xi32, #tpu.memory_space<hbm>>) target(%dma_start3A_11 : memref<64xi32, #tpu.memory_space<vmem>>) target_semaphore(%arg24 : memref<!tpu.dma_semaphore, #tpu.memory_space<semaphore_mem>>)
    %dma_start3A_14 = arith.constant 1 : i32
    %dma_start3A_15 = arith.constant 1 : i32
    %dma_start3A_16 = arith.constant 0 : i32
    %dma_start3A_17 = tpu.memref_slice %arg6[%dma_start3A_15, %dma_start3A_16] : memref<4x64xi32, #tpu.memory_space<vmem>> -> memref<1x64xi32, #tpu.memory_space<vmem>>
    %dma_start3A_18 = tpu.memref_squeeze %dma_start3A_17 : memref<1x64xi32, #tpu.memory_space<vmem>> -> memref<64xi32, #tpu.memory_space<vmem>>
    %dma_start3A_19 = tpu.memref_slice %arg3[%dma_start3A_14, %mul3A_2] : memref<4x2048xi32, #tpu.memory_space<hbm>> -> memref<1x64xi32, #tpu.memory_space<hbm>>
    %dma_start3A_20 = tpu.memref_squeeze %dma_start3A_19 : memref<1x64xi32, #tpu.memory_space<hbm>> -> memref<64xi32, #tpu.memory_space<hbm>>
    %dma_start3A_21 = arith.constant 0 : i32
    %dma_start3A_22 = tpu.memref_slice %arg6[%dma_start3A_15, %dma_start3A_21] : memref<4x64xi32, #tpu.memory_space<vmem>> -> memref<1x64xi32, #tpu.memory_space<vmem>>
    %dma_start3A_23 = tpu.memref_squeeze %dma_start3A_22 : memref<1x64xi32, #tpu.memory_space<vmem>> -> memref<64xi32, #tpu.memory_space<vmem>>
    %dma_start3A_24 = tpu.memref_slice %arg3[%dma_start3A_14, %mul3A_2] : memref<4x2048xi32, #tpu.memory_space<hbm>> -> memref<1x64xi32, #tpu.memory_space<hbm>>
    %dma_start3A_25 = tpu.memref_squeeze %dma_start3A_24 : memref<1x64xi32, #tpu.memory_space<hbm>> -> memref<64xi32, #tpu.memory_space<hbm>>
    tpu.enqueue_dma source(%dma_start3A_25 : memref<64xi32, #tpu.memory_space<hbm>>) target(%dma_start3A_23 : memref<64xi32, #tpu.memory_space<vmem>>) target_semaphore(%arg24 : memref<!tpu.dma_semaphore, #tpu.memory_space<semaphore_mem>>)
    %dma_start3A_26 = arith.constant 2 : i32
    %dma_start3A_27 = arith.constant 2 : i32
    %dma_start3A_28 = arith.constant 0 : i32
    %dma_start3A_29 = tpu.memref_slice %arg6[%dma_start3A_27, %dma_start3A_28] : memref<4x64xi32, #tpu.memory_space<vmem>> -> memref<1x64xi32, #tpu.memory_space<vmem>>
    %dma_start3A_30 = tpu.memref_squeeze %dma_start3A_29 : memref<1x64xi32, #tpu.memory_space<vmem>> -> memref<64xi32, #tpu.memory_space<vmem>>
    %dma_start3A_31 = tpu.memref_slice %arg3[%dma_start3A_26, %mul3A_2] : memref<4x2048xi32, #tpu.memory_space<hbm>> -> memref<1x64xi32, #tpu.memory_space<hbm>>
    %dma_start3A_32 = tpu.memref_squeeze %dma_start3A_31 : memref<1x64xi32, #tpu.memory_space<hbm>> -> memref<64xi32, #tpu.memory_space<hbm>>
    %dma_start3A_33 = arith.constant 0 : i32
    %dma_start3A_34 = tpu.memref_slice %arg6[%dma_start3A_27, %dma_start3A_33] : memref<4x64xi32, #tpu.memory_space<vmem>> -> memref<1x64xi32, #tpu.memory_space<vmem>>
    %dma_start3A_35 = tpu.memref_squeeze %dma_start3A_34 : memref<1x64xi32, #tpu.memory_space<vmem>> -> memref<64xi32, #tpu.memory_space<vmem>>
    %dma_start3A_36 = tpu.memref_slice %arg3[%dma_start3A_26, %mul3A_2] : memref<4x2048xi32, #tpu.memory_space<hbm>> -> memref<1x64xi32, #tpu.memory_space<hbm>>
    %dma_start3A_37 = tpu.memref_squeeze %dma_start3A_36 : memref<1x64xi32, #tpu.memory_space<hbm>> -> memref<64xi32, #tpu.memory_space<hbm>>
    tpu.enqueue_dma source(%dma_start3A_37 : memref<64xi32, #tpu.memory_space<hbm>>) target(%dma_start3A_35 : memref<64xi32, #tpu.memory_space<vmem>>) target_semaphore(%arg24 : memref<!tpu.dma_semaphore, #tpu.memory_space<semaphore_mem>>)
    %dma_start3A_38 = arith.constant 3 : i32
    %dma_start3A_39 = arith.constant 3 : i32
    %dma_start3A_40 = arith.constant 0 : i32
    %dma_start3A_41 = tpu.memref_slice %arg6[%dma_start3A_39, %dma_start3A_40] : memref<4x64xi32, #tpu.memory_space<vmem>> -> memref<1x64xi32, #tpu.memory_space<vmem>>
    %dma_start3A_42 = tpu.memref_squeeze %dma_start3A_41 : memref<1x64xi32, #tpu.memory_space<vmem>> -> memref<64xi32, #tpu.memory_space<vmem>>
    %dma_start3A_43 = tpu.memref_slice %arg3[%dma_start3A_38, %mul3A_2] : memref<4x2048xi32, #tpu.memory_space<hbm>> -> memref<1x64xi32, #tpu.memory_space<hbm>>
    %dma_start3A_44 = tpu.memref_squeeze %dma_start3A_43 : memref<1x64xi32, #tpu.memory_space<hbm>> -> memref<64xi32, #tpu.memory_space<hbm>>
    %dma_start3A_45 = arith.constant 0 : i32
    %dma_start3A_46 = tpu.memref_slice %arg6[%dma_start3A_39, %dma_start3A_45] : memref<4x64xi32, #tpu.memory_space<vmem>> -> memref<1x64xi32, #tpu.memory_space<vmem>>
    %dma_start3A_47 = tpu.memref_squeeze %dma_start3A_46 : memref<1x64xi32, #tpu.memory_space<vmem>> -> memref<64xi32, #tpu.memory_space<vmem>>
    %dma_start3A_48 = tpu.memref_slice %arg3[%dma_start3A_38, %mul3A_2] : memref<4x2048xi32, #tpu.memory_space<hbm>> -> memref<1x64xi32, #tpu.memory_space<hbm>>
    %dma_start3A_49 = tpu.memref_squeeze %dma_start3A_48 : memref<1x64xi32, #tpu.memory_space<hbm>> -> memref<64xi32, #tpu.memory_space<hbm>>
    tpu.enqueue_dma source(%dma_start3A_49 : memref<64xi32, #tpu.memory_space<hbm>>) target(%dma_start3A_47 : memref<64xi32, #tpu.memory_space<vmem>>) target_semaphore(%arg24 : memref<!tpu.dma_semaphore, #tpu.memory_space<semaphore_mem>>)
    %add3A_50 = arith.constant 0 : i32
    %add3A_51 = arith.addi %mul3A_2, %add3A_50 : i32
    %dma_start3A_52 = arith.constant 0 : i32
    %dma_start3A_53 = tpu.memref_slice %arg4[%add3A_51, %dma_start3A_52] : memref<2048x2048xf32, #tpu.memory_space<hbm>> -> memref<8x2048xf32, #tpu.memory_space<hbm>>
    %dma_start3A_54 = arith.constant 0 : i32
    %dma_start3A_55 = tpu.memref_slice %arg4[%add3A_51, %dma_start3A_54] : memref<2048x2048xf32, #tpu.memory_space<hbm>> -> memref<8x2048xf32, #tpu.memory_space<hbm>>
    tpu.enqueue_dma source(%dma_start3A_55 : memref<8x2048xf32, #tpu.memory_space<hbm>>) target(%arg12 : memref<8x2048xf32, #tpu.memory_space<vmem>>) target_semaphore(%arg24 : memref<!tpu.dma_semaphore, #tpu.memory_space<semaphore_mem>>)
    %dma_wait3A = arith.constant 0 : i32
    %dma_wait3A_56 = arith.constant 0 : i32
    %dma_wait3A_57 = arith.constant 0 : i32
    %dma_wait3A_58 = tpu.memref_slice %arg6[%dma_wait3A_56, %dma_wait3A_57] : memref<4x64xi32, #tpu.memory_space<vmem>> -> memref<1x64xi32, #tpu.memory_space<vmem>>
    %dma_wait3A_59 = tpu.memref_squeeze %dma_wait3A_58 : memref<1x64xi32, #tpu.memory_space<vmem>> -> memref<64xi32, #tpu.memory_space<vmem>>
    %dma_wait3A_60 = tpu.memref_slice %arg3[%dma_wait3A, %mul3A_2] : memref<4x2048xi32, #tpu.memory_space<hbm>> -> memref<1x64xi32, #tpu.memory_space<hbm>>
    %dma_wait3A_61 = tpu.memref_squeeze %dma_wait3A_60 : memref<1x64xi32, #tpu.memory_space<hbm>> -> memref<64xi32, #tpu.memory_space<hbm>>
    %dma_wait3A_62 = arith.constant 0 : i32
    %dma_wait3A_63 = tpu.memref_slice %arg6[%dma_wait3A_56, %dma_wait3A_62] : memref<4x64xi32, #tpu.memory_space<vmem>> -> memref<1x64xi32, #tpu.memory_space<vmem>>
    %dma_wait3A_64 = tpu.memref_squeeze %dma_wait3A_63 : memref<1x64xi32, #tpu.memory_space<vmem>> -> memref<64xi32, #tpu.memory_space<vmem>>
    %dma_wait3A_65 = tpu.memref_slice %arg3[%dma_wait3A, %mul3A_2] : memref<4x2048xi32, #tpu.memory_space<hbm>> -> memref<1x64xi32, #tpu.memory_space<hbm>>
    %dma_wait3A_66 = tpu.memref_squeeze %dma_wait3A_65 : memref<1x64xi32, #tpu.memory_space<hbm>> -> memref<64xi32, #tpu.memory_space<hbm>>
    tpu.wait_dma2 semaphore(%arg24 : memref<!tpu.dma_semaphore, #tpu.memory_space<semaphore_mem>>) src(%dma_wait3A_66 : memref<64xi32, #tpu.memory_space<hbm>>) dst(%dma_wait3A_64 : memref<64xi32, #tpu.memory_space<vmem>>)
    %dma_start3A_67 = arith.constant 0 : i32
    %dma_start3A_68 = arith.constant 0 : i32
    %dma_start3A_69 = tpu.memref_slice %arg6[%dma_start3A_67, %dma_start3A_68] : memref<4x64xi32, #tpu.memory_space<vmem>> -> memref<1x8xi32, #tpu.memory_space<vmem>>
    %dma_start3A_70 = tpu.memref_squeeze %dma_start3A_69 : memref<1x8xi32, #tpu.memory_space<vmem>> -> memref<8xi32, #tpu.memory_space<vmem>>
    %dma_start3A_71 = arith.constant 0 : i32
    %dma_start3A_72 = arith.constant 0 : i32
    %dma_start3A_73 = tpu.memref_slice %arg2[%dma_start3A_71, %dma_start3A_72] : memref<100000x2048xf32, #tpu.memory_space<hbm>> -> memref<100000x2048xf32, #tpu.memory_space<hbm>>
    tpu.enqueue_indirect_dma source(%dma_start3A_73 : memref<100000x2048xf32, #tpu.memory_space<hbm>>) target(%arg7 : memref<8x2048xf32, #tpu.memory_space<vmem>>) offsets(%dma_start3A_70 : memref<8xi32, #tpu.memory_space<vmem>>) semaphore(%arg14 : memref<!tpu.dma_semaphore, #tpu.memory_space<semaphore_mem>>)
    %dma_wait3A_74 = arith.constant 1 : i32
    %dma_wait3A_75 = arith.constant 1 : i32
    %dma_wait3A_76 = arith.constant 0 : i32
    %dma_wait3A_77 = tpu.memref_slice %arg6[%dma_wait3A_75, %dma_wait3A_76] : memref<4x64xi32, #tpu.memory_space<vmem>> -> memref<1x64xi32, #tpu.memory_space<vmem>>
    %dma_wait3A_78 = tpu.memref_squeeze %dma_wait3A_77 : memref<1x64xi32, #tpu.memory_space<vmem>> -> memref<64xi32, #tpu.memory_space<vmem>>
    %dma_wait3A_79 = tpu.memref_slice %arg3[%dma_wait3A_74, %mul3A_2] : memref<4x2048xi32, #tpu.memory_space<hbm>> -> memref<1x64xi32, #tpu.memory_space<hbm>>
    %dma_wait3A_80 = tpu.memref_squeeze %dma_wait3A_79 : memref<1x64xi32, #tpu.memory_space<hbm>> -> memref<64xi32, #tpu.memory_space<hbm>>
    %dma_wait3A_81 = arith.constant 0 : i32
    %dma_wait3A_82 = tpu.memref_slice %arg6[%dma_wait3A_75, %dma_wait3A_81] : memref<4x64xi32, #tpu.memory_space<vmem>> -> memref<1x64xi32, #tpu.memory_space<vmem>>
    %dma_wait3A_83 = tpu.memref_squeeze %dma_wait3A_82 : memref<1x64xi32, #tpu.memory_space<vmem>> -> memref<64xi32, #tpu.memory_space<vmem>>
    %dma_wait3A_84 = tpu.memref_slice %arg3[%dma_wait3A_74, %mul3A_2] : memref<4x2048xi32, #tpu.memory_space<hbm>> -> memref<1x64xi32, #tpu.memory_space<hbm>>
    %dma_wait3A_85 = tpu.memref_squeeze %dma_wait3A_84 : memref<1x64xi32, #tpu.memory_space<hbm>> -> memref<64xi32, #tpu.memory_space<hbm>>
    tpu.wait_dma2 semaphore(%arg24 : memref<!tpu.dma_semaphore, #tpu.memory_space<semaphore_mem>>) src(%dma_wait3A_85 : memref<64xi32, #tpu.memory_space<hbm>>) dst(%dma_wait3A_83 : memref<64xi32, #tpu.memory_space<vmem>>)
    %dma_start3A_86 = arith.constant 1 : i32
    %dma_start3A_87 = arith.constant 0 : i32
    %dma_start3A_88 = tpu.memref_slice %arg6[%dma_start3A_86, %dma_start3A_87] : memref<4x64xi32, #tpu.memory_space<vmem>> -> memref<1x8xi32, #tpu.memory_space<vmem>>
    %dma_start3A_89 = tpu.memref_squeeze %dma_start3A_88 : memref<1x8xi32, #tpu.memory_space<vmem>> -> memref<8xi32, #tpu.memory_space<vmem>>
    %dma_start3A_90 = arith.constant 0 : i32
    %dma_start3A_91 = arith.constant 0 : i32
    %dma_start3A_92 = tpu.memref_slice %arg2[%dma_start3A_90, %dma_start3A_91] : memref<100000x2048xf32, #tpu.memory_space<hbm>> -> memref<100000x2048xf32, #tpu.memory_space<hbm>>
    tpu.enqueue_indirect_dma source(%dma_start3A_92 : memref<100000x2048xf32, #tpu.memory_space<hbm>>) target(%arg8 : memref<8x2048xf32, #tpu.memory_space<vmem>>) offsets(%dma_start3A_89 : memref<8xi32, #tpu.memory_space<vmem>>) semaphore(%arg15 : memref<!tpu.dma_semaphore, #tpu.memory_space<semaphore_mem>>)
    %dma_wait3A_93 = arith.constant 2 : i32
    %dma_wait3A_94 = arith.constant 2 : i32
    %dma_wait3A_95 = arith.constant 0 : i32
    %dma_wait3A_96 = tpu.memref_slice %arg6[%dma_wait3A_94, %dma_wait3A_95] : memref<4x64xi32, #tpu.memory_space<vmem>> -> memref<1x64xi32, #tpu.memory_space<vmem>>
    %dma_wait3A_97 = tpu.memref_squeeze %dma_wait3A_96 : memref<1x64xi32, #tpu.memory_space<vmem>> -> memref<64xi32, #tpu.memory_space<vmem>>
    %dma_wait3A_98 = tpu.memref_slice %arg3[%dma_wait3A_93, %mul3A_2] : memref<4x2048xi32, #tpu.memory_space<hbm>> -> memref<1x64xi32, #tpu.memory_space<hbm>>
    %dma_wait3A_99 = tpu.memref_squeeze %dma_wait3A_98 : memref<1x64xi32, #tpu.memory_space<hbm>> -> memref<64xi32, #tpu.memory_space<hbm>>
    %dma_wait3A_100 = arith.constant 0 : i32
    %dma_wait3A_101 = tpu.memref_slice %arg6[%dma_wait3A_94, %dma_wait3A_100] : memref<4x64xi32, #tpu.memory_space<vmem>> -> memref<1x64xi32, #tpu.memory_space<vmem>>
    %dma_wait3A_102 = tpu.memref_squeeze %dma_wait3A_101 : memref<1x64xi32, #tpu.memory_space<vmem>> -> memref<64xi32, #tpu.memory_space<vmem>>
    %dma_wait3A_103 = tpu.memref_slice %arg3[%dma_wait3A_93, %mul3A_2] : memref<4x2048xi32, #tpu.memory_space<hbm>> -> memref<1x64xi32, #tpu.memory_space<hbm>>
    %dma_wait3A_104 = tpu.memref_squeeze %dma_wait3A_103 : memref<1x64xi32, #tpu.memory_space<hbm>> -> memref<64xi32, #tpu.memory_space<hbm>>
    tpu.wait_dma2 semaphore(%arg24 : memref<!tpu.dma_semaphore, #tpu.memory_space<semaphore_mem>>) src(%dma_wait3A_104 : memref<64xi32, #tpu.memory_space<hbm>>) dst(%dma_wait3A_102 : memref<64xi32, #tpu.memory_space<vmem>>)
    %dma_start3A_105 = arith.constant 2 : i32
    %dma_start3A_106 = arith.constant 0 : i32
    %dma_start3A_107 = tpu.memref_slice %arg6[%dma_start3A_105, %dma_start3A_106] : memref<4x64xi32, #tpu.memory_space<vmem>> -> memref<1x8xi32, #tpu.memory_space<vmem>>
    %dma_start3A_108 = tpu.memref_squeeze %dma_start3A_107 : memref<1x8xi32, #tpu.memory_space<vmem>> -> memref<8xi32, #tpu.memory_space<vmem>>
    %dma_start3A_109 = arith.constant 0 : i32
    %dma_start3A_110 = arith.constant 0 : i32
    %dma_start3A_111 = tpu.memref_slice %arg2[%dma_start3A_109, %dma_start3A_110] : memref<100000x2048xf32, #tpu.memory_space<hbm>> -> memref<100000x2048xf32, #tpu.memory_space<hbm>>
    tpu.enqueue_indirect_dma source(%dma_start3A_111 : memref<100000x2048xf32, #tpu.memory_space<hbm>>) target(%arg9 : memref<8x2048xf32, #tpu.memory_space<vmem>>) offsets(%dma_start3A_108 : memref<8xi32, #tpu.memory_space<vmem>>) semaphore(%arg16 : memref<!tpu.dma_semaphore, #tpu.memory_space<semaphore_mem>>)
    %dma_wait3A_112 = arith.constant 3 : i32
    %dma_wait3A_113 = arith.constant 3 : i32
    %dma_wait3A_114 = arith.constant 0 : i32
    %dma_wait3A_115 = tpu.memref_slice %arg6[%dma_wait3A_113, %dma_wait3A_114] : memref<4x64xi32, #tpu.memory_space<vmem>> -> memref<1x64xi32, #tpu.memory_space<vmem>>
    %dma_wait3A_116 = tpu.memref_squeeze %dma_wait3A_115 : memref<1x64xi32, #tpu.memory_space<vmem>> -> memref<64xi32, #tpu.memory_space<vmem>>
    %dma_wait3A_117 = tpu.memref_slice %arg3[%dma_wait3A_112, %mul3A_2] : memref<4x2048xi32, #tpu.memory_space<hbm>> -> memref<1x64xi32, #tpu.memory_space<hbm>>
    %dma_wait3A_118 = tpu.memref_squeeze %dma_wait3A_117 : memref<1x64xi32, #tpu.memory_space<hbm>> -> memref<64xi32, #tpu.memory_space<hbm>>
    %dma_wait3A_119 = arith.constant 0 : i32
    %dma_wait3A_120 = tpu.memref_slice %arg6[%dma_wait3A_113, %dma_wait3A_119] : memref<4x64xi32, #tpu.memory_space<vmem>> -> memref<1x64xi32, #tpu.memory_space<vmem>>
    %dma_wait3A_121 = tpu.memref_squeeze %dma_wait3A_120 : memref<1x64xi32, #tpu.memory_space<vmem>> -> memref<64xi32, #tpu.memory_space<vmem>>
    %dma_wait3A_122 = tpu.memref_slice %arg3[%dma_wait3A_112, %mul3A_2] : memref<4x2048xi32, #tpu.memory_space<hbm>> -> memref<1x64xi32, #tpu.memory_space<hbm>>
    %dma_wait3A_123 = tpu.memref_squeeze %dma_wait3A_122 : memref<1x64xi32, #tpu.memory_space<hbm>> -> memref<64xi32, #tpu.memory_space<hbm>>
    tpu.wait_dma2 semaphore(%arg24 : memref<!tpu.dma_semaphore, #tpu.memory_space<semaphore_mem>>) src(%dma_wait3A_123 : memref<64xi32, #tpu.memory_space<hbm>>) dst(%dma_wait3A_121 : memref<64xi32, #tpu.memory_space<vmem>>)
    %dma_start3A_124 = arith.constant 3 : i32
    %dma_start3A_125 = arith.constant 0 : i32
    %dma_start3A_126 = tpu.memref_slice %arg6[%dma_start3A_124, %dma_start3A_125] : memref<4x64xi32, #tpu.memory_space<vmem>> -> memref<1x8xi32, #tpu.memory_space<vmem>>
    %dma_start3A_127 = tpu.memref_squeeze %dma_start3A_126 : memref<1x8xi32, #tpu.memory_space<vmem>> -> memref<8xi32, #tpu.memory_space<vmem>>
    %dma_start3A_128 = arith.constant 0 : i32
    %dma_start3A_129 = arith.constant 0 : i32
    %dma_start3A_130 = tpu.memref_slice %arg2[%dma_start3A_128, %dma_start3A_129] : memref<100000x2048xf32, #tpu.memory_space<hbm>> -> memref<100000x2048xf32, #tpu.memory_space<hbm>>
    tpu.enqueue_indirect_dma source(%dma_start3A_130 : memref<100000x2048xf32, #tpu.memory_space<hbm>>) target(%arg10 : memref<8x2048xf32, #tpu.memory_space<vmem>>) offsets(%dma_start3A_127 : memref<8xi32, #tpu.memory_space<vmem>>) semaphore(%arg17 : memref<!tpu.dma_semaphore, #tpu.memory_space<semaphore_mem>>)
    %add3A_131 = arith.constant 8 : i32
    %add3A_132 = arith.addi %mul3A_2, %add3A_131 : i32
    %dma_start3A_133 = arith.constant 0 : i32
    %dma_start3A_134 = tpu.memref_slice %arg4[%add3A_132, %dma_start3A_133] : memref<2048x2048xf32, #tpu.memory_space<hbm>> -> memref<8x2048xf32, #tpu.memory_space<hbm>>
    %dma_start3A_135 = arith.constant 0 : i32
    %dma_start3A_136 = tpu.memref_slice %arg4[%add3A_132, %dma_start3A_135] : memref<2048x2048xf32, #tpu.memory_space<hbm>> -> memref<8x2048xf32, #tpu.memory_space<hbm>>
    tpu.enqueue_dma source(%dma_start3A_136 : memref<8x2048xf32, #tpu.memory_space<hbm>>) target(%arg13 : memref<8x2048xf32, #tpu.memory_space<vmem>>) target_semaphore(%arg25 : memref<!tpu.dma_semaphore, #tpu.memory_space<semaphore_mem>>)
    %dma_wait3A_137 = arith.constant 0 : i32
    %dma_wait3A_138 = arith.constant 0 : i32
    %dma_wait3A_139 = tpu.memref_slice %arg6[%dma_wait3A_137, %dma_wait3A_138] : memref<4x64xi32, #tpu.memory_space<vmem>> -> memref<1x8xi32, #tpu.memory_space<vmem>>
    %dma_wait3A_140 = tpu.memref_squeeze %dma_wait3A_139 : memref<1x8xi32, #tpu.memory_space<vmem>> -> memref<8xi32, #tpu.memory_space<vmem>>
    %dma_wait3A_141 = arith.constant 0 : i32
    %dma_wait3A_142 = arith.constant 0 : i32
    %dma_wait3A_143 = tpu.memref_slice %arg2[%dma_wait3A_141, %dma_wait3A_142] : memref<100000x2048xf32, #tpu.memory_space<hbm>> -> memref<100000x2048xf32, #tpu.memory_space<hbm>>
    tpu.wait_indirect_dma semaphore(%arg14 : memref<!tpu.dma_semaphore, #tpu.memory_space<semaphore_mem>>) src(%dma_wait3A_143 : memref<100000x2048xf32, #tpu.memory_space<hbm>>) dst(%arg7 : memref<8x2048xf32, #tpu.memory_space<vmem>>)
    %dma_wait3A_144 = arith.constant 0 : i32
    %dma_wait3A_145 = tpu.memref_slice %arg4[%add3A_51, %dma_wait3A_144] : memref<2048x2048xf32, #tpu.memory_space<hbm>> -> memref<8x2048xf32, #tpu.memory_space<hbm>>
    %dma_wait3A_146 = arith.constant 0 : i32
    %dma_wait3A_147 = tpu.memref_slice %arg4[%add3A_51, %dma_wait3A_146] : memref<2048x2048xf32, #tpu.memory_space<hbm>> -> memref<8x2048xf32, #tpu.memory_space<hbm>>
    tpu.wait_dma2 semaphore(%arg24 : memref<!tpu.dma_semaphore, #tpu.memory_space<semaphore_mem>>) src(%dma_wait3A_147 : memref<8x2048xf32, #tpu.memory_space<hbm>>) dst(%arg12 : memref<8x2048xf32, #tpu.memory_space<vmem>>)
    %parallel_loop3A = arith.constant 0 : i32
    %parallel_loop3A_148 = arith.constant 1024 : i32
    %parallel_loop3A_149 = arith.constant 1 : i32
    scf.for %parallel_loop3A_1232 = %parallel_loop3A to %parallel_loop3A_148 step %parallel_loop3A_149  : i32 {
      %parallel_loop3A_1233 = arith.constant 7 : i32
      %parallel_loop3A_1234 = arith.shrsi %parallel_loop3A_1232, %parallel_loop3A_1233 : i32
      %parallel_loop3A_1235 = arith.constant 127 : i32
      %parallel_loop3A_1236 = arith.andi %parallel_loop3A_1232, %parallel_loop3A_1235 : i32
      %parallel_loop3A_1237 = arith.constant 16 : i32
      %parallel_loop3A_1238 = arith.muli %parallel_loop3A_1236, %parallel_loop3A_1237 : i32
      %parallel_loop3A_1239 = arith.index_cast %parallel_loop3A_1234 : i32 to index
      %parallel_loop3A_1240 = arith.index_cast %parallel_loop3A_1238 : i32 to index
      %parallel_loop3A_1241 = tpu.vector_load %arg7[%parallel_loop3A_1239, %parallel_loop3A_1240] {strides = array<i32>} : memref<8x2048xf32, #tpu.memory_space<vmem>>, vector<1x16xf32>,
      %parallel_loop3A_1242 = vector.shape_cast %parallel_loop3A_1241 : vector<1x16xf32> to vector<16xf32>
      %parallel_loop3A_1243 = arith.constant 0 : i32
      %parallel_loop3A_1244 = arith.addi %parallel_loop3A_1243, %parallel_loop3A_1234 : i32
      %parallel_loop3A_1245 = arith.index_cast %parallel_loop3A_1244 : i32 to index
      %parallel_loop3A_1246 = arith.index_cast %parallel_loop3A_1238 : i32 to index
      %parallel_loop3A_1247 = tpu.vector_load %arg12[%parallel_loop3A_1245, %parallel_loop3A_1246] {strides = array<i32>} : memref<8x2048xf32, #tpu.memory_space<vmem>>, vector<1x16xf32>,
      %parallel_loop3A_1248 = vector.shape_cast %parallel_loop3A_1247 : vector<1x16xf32> to vector<16xf32>
      %parallel_loop3A_1249 = arith.addf %parallel_loop3A_1242, %parallel_loop3A_1248 : vector<16xf32>
      %parallel_loop3A_1250 = arith.index_cast %parallel_loop3A_1234 : i32 to index
      %parallel_loop3A_1251 = arith.index_cast %parallel_loop3A_1238 : i32 to index
      %parallel_loop3A_1252 = tpu.vector_load %arg7[%parallel_loop3A_1250, %parallel_loop3A_1251] {strides = array<i32>} : memref<8x2048xf32, #tpu.memory_space<vmem>>, vector<1x16xf32>,
      %parallel_loop3A_1253 = vector.shape_cast %parallel_loop3A_1252 : vector<1x16xf32> to vector<16xf32>
      %parallel_loop3A_1254 = vector.shape_cast %parallel_loop3A_1249 : vector<16xf32> to vector<1x16xf32>
      tpu.vector_store %arg7[%parallel_loop3A_1250, %parallel_loop3A_1251], %parallel_loop3A_1254 {strides = array<i32>} : memref<8x2048xf32, #tpu.memory_space<vmem>>, vector<1x16xf32>,
    } {sc.loop_unroll_factor = 8 : i64, sc.parallel_access}
    %add3A_150 = arith.constant 0 : i32
    %add3A_151 = arith.addi %mul3A_2, %add3A_150 : i32
    %dma_start3A_152 = arith.constant 0 : i32
    %dma_start3A_153 = arith.constant 0 : i32
    %dma_start3A_154 = tpu.memref_slice %arg5[%dma_start3A_152, %add3A_151, %dma_start3A_153] : memref<4x2048x2048xf32, #tpu.memory_space<hbm>> -> memref<1x8x2048xf32, #tpu.memory_space<hbm>>
    %dma_start3A_155 = tpu.memref_squeeze %dma_start3A_154 : memref<1x8x2048xf32, #tpu.memory_space<hbm>> -> memref<8x2048xf32, #tpu.memory_space<hbm>>
    %dma_start3A_156 = arith.constant 0 : i32
    %dma_start3A_157 = tpu.memref_slice %arg5[%dma_start3A_152, %add3A_151, %dma_start3A_156] : memref<4x2048x2048xf32, #tpu.memory_space<hbm>> -> memref<1x8x2048xf32, #tpu.memory_space<hbm>>
    %dma_start3A_158 = tpu.memref_squeeze %dma_start3A_157 : memref<1x8x2048xf32, #tpu.memory_space<hbm>> -> memref<8x2048xf32, #tpu.memory_space<hbm>>
    tpu.enqueue_dma source(%arg7 : memref<8x2048xf32, #tpu.memory_space<vmem>>) target(%dma_start3A_158 : memref<8x2048xf32, #tpu.memory_space<hbm>>) target_semaphore(%arg19 : memref<!tpu.dma_semaphore, #tpu.memory_space<semaphore_mem>>)
    %dma_start3A_159 = arith.constant 0 : i32
    %dma_start3A_160 = arith.constant 8 : i32
    %dma_start3A_161 = tpu.memref_slice %arg6[%dma_start3A_159, %dma_start3A_160] : memref<4x64xi32, #tpu.memory_space<vmem>> -> memref<1x8xi32, #tpu.memory_space<vmem>>
    %dma_start3A_162 = tpu.memref_squeeze %dma_start3A_161 : memref<1x8xi32, #tpu.memory_space<vmem>> -> memref<8xi32, #tpu.memory_space<vmem>>
    %dma_start3A_163 = arith.constant 0 : i32
    %dma_start3A_164 = arith.constant 0 : i32
    %dma_start3A_165 = tpu.memref_slice %arg2[%dma_start3A_163, %dma_start3A_164] : memref<100000x2048xf32, #tpu.memory_space<hbm>> -> memref<100000x2048xf32, #tpu.memory_space<hbm>>
    tpu.enqueue_indirect_dma source(%dma_start3A_165 : memref<100000x2048xf32, #tpu.memory_space<hbm>>) target(%arg11 : memref<8x2048xf32, #tpu.memory_space<vmem>>) offsets(%dma_start3A_162 : memref<8xi32, #tpu.memory_space<vmem>>) semaphore(%arg18 : memref<!tpu.dma_semaphore, #tpu.memory_space<semaphore_mem>>)
    %dma_wait3A_166 = arith.constant 1 : i32
    %dma_wait3A_167 = arith.constant 0 : i32
    %dma_wait3A_168 = tpu.memref_slice %arg6[%dma_wait3A_166, %dma_wait3A_167] : memref<4x64xi32, #tpu.memory_space<vmem>> -> memref<1x8xi32, #tpu.memory_space<vmem>>
    %dma_wait3A_169 = tpu.memref_squeeze %dma_wait3A_168 : memref<1x8xi32, #tpu.memory_space<vmem>> -> memref<8xi32, #tpu.memory_space<vmem>>
    %dma_wait3A_170 = arith.constant 0 : i32
    %dma_wait3A_171 = arith.constant 0 : i32
    %dma_wait3A_172 = tpu.memref_slice %arg2[%dma_wait3A_170, %dma_wait3A_171] : memref<100000x2048xf32, #tpu.memory_space<hbm>> -> memref<100000x2048xf32, #tpu.memory_space<hbm>>
    tpu.wait_indirect_dma semaphore(%arg15 : memref<!tpu.dma_semaphore, #tpu.memory_space<semaphore_mem>>) src(%dma_wait3A_172 : memref<100000x2048xf32, #tpu.memory_space<hbm>>) dst(%arg8 : memref<8x2048xf32, #tpu.memory_space<vmem>>)
    %parallel_loop3A_173 = arith.constant 0 : i32
    %parallel_loop3A_174 = arith.constant 1024 : i32
    %parallel_loop3A_175 = arith.constant 1 : i32
    scf.for %parallel_loop3A_1232 = %parallel_loop3A_173 to %parallel_loop3A_174 step %parallel_loop3A_175  : i32 {
      %parallel_loop3A_1233 = arith.constant 7 : i32
      %parallel_loop3A_1234 = arith.shrsi %parallel_loop3A_1232, %parallel_loop3A_1233 : i32
      %parallel_loop3A_1235 = arith.constant 127 : i32
      %parallel_loop3A_1236 = arith.andi %parallel_loop3A_1232, %parallel_loop3A_1235 : i32
      %parallel_loop3A_1237 = arith.constant 16 : i32
      %parallel_loop3A_1238 = arith.muli %parallel_loop3A_1236, %parallel_loop3A_1237 : i32
      %parallel_loop3A_1239 = arith.index_cast %parallel_loop3A_1234 : i32 to index
      %parallel_loop3A_1240 = arith.index_cast %parallel_loop3A_1238 : i32 to index
      %parallel_loop3A_1241 = tpu.vector_load %arg8[%parallel_loop3A_1239, %parallel_loop3A_1240] {strides = array<i32>} : memref<8x2048xf32, #tpu.memory_space<vmem>>, vector<1x16xf32>,
      %parallel_loop3A_1242 = vector.shape_cast %parallel_loop3A_1241 : vector<1x16xf32> to vector<16xf32>
      %parallel_loop3A_1243 = arith.constant 0 : i32
      %parallel_loop3A_1244 = arith.addi %parallel_loop3A_1243, %parallel_loop3A_1234 : i32
      %parallel_loop3A_1245 = arith.index_cast %parallel_loop3A_1244 : i32 to index
      %parallel_loop3A_1246 = arith.index_cast %parallel_loop3A_1238 : i32 to index
      %parallel_loop3A_1247 = tpu.vector_load %arg12[%parallel_loop3A_1245, %parallel_loop3A_1246] {strides = array<i32>} : memref<8x2048xf32, #tpu.memory_space<vmem>>, vector<1x16xf32>,
      %parallel_loop3A_1248 = vector.shape_cast %parallel_loop3A_1247 : vector<1x16xf32> to vector<16xf32>
      %parallel_loop3A_1249 = arith.addf %parallel_loop3A_1242, %parallel_loop3A_1248 : vector<16xf32>
      %parallel_loop3A_1250 = arith.index_cast %parallel_loop3A_1234 : i32 to index
      %parallel_loop3A_1251 = arith.index_cast %parallel_loop3A_1238 : i32 to index
      %parallel_loop3A_1252 = tpu.vector_load %arg8[%parallel_loop3A_1250, %parallel_loop3A_1251] {strides = array<i32>} : memref<8x2048xf32, #tpu.memory_space<vmem>>, vector<1x16xf32>,
      %parallel_loop3A_1253 = vector.shape_cast %parallel_loop3A_1252 : vector<1x16xf32> to vector<16xf32>
      %parallel_loop3A_1254 = vector.shape_cast %parallel_loop3A_1249 : vector<16xf32> to vector<1x16xf32>
      tpu.vector_store %arg8[%parallel_loop3A_1250, %parallel_loop3A_1251], %parallel_loop3A_1254 {strides = array<i32>} : memref<8x2048xf32, #tpu.memory_space<vmem>>, vector<1x16xf32>,
    } {sc.loop_unroll_factor = 8 : i64, sc.parallel_access}
    %add3A_176 = arith.constant 0 : i32
    %add3A_177 = arith.addi %mul3A_2, %add3A_176 : i32
    %dma_start3A_178 = arith.constant 1 : i32
    %dma_start3A_179 = arith.constant 0 : i32
    %dma_start3A_180 = tpu.memref_slice %arg5[%dma_start3A_178, %add3A_177, %dma_start3A_179] : memref<4x2048x2048xf32, #tpu.memory_space<hbm>> -> memref<1x8x2048xf32, #tpu.memory_space<hbm>>
    %dma_start3A_181 = tpu.memref_squeeze %dma_start3A_180 : memref<1x8x2048xf32, #tpu.memory_space<hbm>> -> memref<8x2048xf32, #tpu.memory_space<hbm>>
    %dma_start3A_182 = arith.constant 0 : i32
    %dma_start3A_183 = tpu.memref_slice %arg5[%dma_start3A_178, %add3A_177, %dma_start3A_182] : memref<4x2048x2048xf32, #tpu.memory_space<hbm>> -> memref<1x8x2048xf32, #tpu.memory_space<hbm>>
    %dma_start3A_184 = tpu.memref_squeeze %dma_start3A_183 : memref<1x8x2048xf32, #tpu.memory_space<hbm>> -> memref<8x2048xf32, #tpu.memory_space<hbm>>
    tpu.enqueue_dma source(%arg8 : memref<8x2048xf32, #tpu.memory_space<vmem>>) target(%dma_start3A_184 : memref<8x2048xf32, #tpu.memory_space<hbm>>) target_semaphore(%arg20 : memref<!tpu.dma_semaphore, #tpu.memory_space<semaphore_mem>>)
    %dma_wait3A_185 = arith.constant 0 : i32
    %dma_wait3A_186 = arith.constant 0 : i32
    %dma_wait3A_187 = tpu.memref_slice %arg5[%dma_wait3A_185, %add3A_151, %dma_wait3A_186] : memref<4x2048x2048xf32, #tpu.memory_space<hbm>> -> memref<1x8x2048xf32, #tpu.memory_space<hbm>>
    %dma_wait3A_188 = tpu.memref_squeeze %dma_wait3A_187 : memref<1x8x2048xf32, #tpu.memory_space<hbm>> -> memref<8x2048xf32, #tpu.memory_space<hbm>>
    %dma_wait3A_189 = arith.constant 0 : i32
    %dma_wait3A_190 = tpu.memref_slice %arg5[%dma_wait3A_185, %add3A_151, %dma_wait3A_189] : memref<4x2048x2048xf32, #tpu.memory_space<hbm>> -> memref<1x8x2048xf32, #tpu.memory_space<hbm>>
    %dma_wait3A_191 = tpu.memref_squeeze %dma_wait3A_190 : memref<1x8x2048xf32, #tpu.memory_space<hbm>> -> memref<8x2048xf32, #tpu.memory_space<hbm>>
    tpu.wait_dma2 semaphore(%arg19 : memref<!tpu.dma_semaphore, #tpu.memory_space<semaphore_mem>>) src(%arg7 : memref<8x2048xf32, #tpu.memory_space<vmem>>) dst(%dma_wait3A_191 : memref<8x2048xf32, #tpu.memory_space<hbm>>)
    %dma_start3A_192 = arith.constant 1 : i32
    %dma_start3A_193 = arith.constant 8 : i32
    %dma_start3A_194 = tpu.memref_slice %arg6[%dma_start3A_192, %dma_start3A_193] : memref<4x64xi32, #tpu.memory_space<vmem>> -> memref<1x8xi32, #tpu.memory_space<vmem>>
    %dma_start3A_195 = tpu.memref_squeeze %dma_start3A_194 : memref<1x8xi32, #tpu.memory_space<vmem>> -> memref<8xi32, #tpu.memory_space<vmem>>
    %dma_start3A_196 = arith.constant 0 : i32
    %dma_start3A_197 = arith.constant 0 : i32
    %dma_start3A_198 = tpu.memref_slice %arg2[%dma_start3A_196, %dma_start3A_197] : memref<100000x2048xf32, #tpu.memory_space<hbm>> -> memref<100000x2048xf32, #tpu.memory_space<hbm>>
    tpu.enqueue_indirect_dma source(%dma_start3A_198 : memref<100000x2048xf32, #tpu.memory_space<hbm>>) target(%arg7 : memref<8x2048xf32, #tpu.memory_space<vmem>>) offsets(%dma_start3A_195 : memref<8xi32, #tpu.memory_space<vmem>>) semaphore(%arg14 : memref<!tpu.dma_semaphore, #tpu.memory_space<semaphore_mem>>)
    %dma_wait3A_199 = arith.constant 2 : i32
    %dma_wait3A_200 = arith.constant 0 : i32
    %dma_wait3A_201 = tpu.memref_slice %arg6[%dma_wait3A_199, %dma_wait3A_200] : memref<4x64xi32, #tpu.memory_space<vmem>> -> memref<1x8xi32, #tpu.memory_space<vmem>>
    %dma_wait3A_202 = tpu.memref_squeeze %dma_wait3A_201 : memref<1x8xi32, #tpu.memory_space<vmem>> -> memref<8xi32, #tpu.memory_space<vmem>>
    %dma_wait3A_203 = arith.constant 0 : i32
    %dma_wait3A_204 = arith.constant 0 : i32
    %dma_wait3A_205 = tpu.memref_slice %arg2[%dma_wait3A_203, %dma_wait3A_204] : memref<100000x2048xf32, #tpu.memory_space<hbm>> -> memref<100000x2048xf32, #tpu.memory_space<hbm>>
    tpu.wait_indirect_dma semaphore(%arg16 : memref<!tpu.dma_semaphore, #tpu.memory_space<semaphore_mem>>) src(%dma_wait3A_205 : memref<100000x2048xf32, #tpu.memory_space<hbm>>) dst(%arg9 : memref<8x2048xf32, #tpu.memory_space<vmem>>)
    %parallel_loop3A_206 = arith.constant 0 : i32
    %parallel_loop3A_207 = arith.constant 1024 : i32
    %parallel_loop3A_208 = arith.constant 1 : i32
    scf.for %parallel_loop3A_1232 = %parallel_loop3A_206 to %parallel_loop3A_207 step %parallel_loop3A_208  : i32 {
      %parallel_loop3A_1233 = arith.constant 7 : i32
      %parallel_loop3A_1234 = arith.shrsi %parallel_loop3A_1232, %parallel_loop3A_1233 : i32
      %parallel_loop3A_1235 = arith.constant 127 : i32
      %parallel_loop3A_1236 = arith.andi %parallel_loop3A_1232, %parallel_loop3A_1235 : i32
      %parallel_loop3A_1237 = arith.constant 16 : i32
      %parallel_loop3A_1238 = arith.muli %parallel_loop3A_1236, %parallel_loop3A_1237 : i32
      %parallel_loop3A_1239 = arith.index_cast %parallel_loop3A_1234 : i32 to index
      %parallel_loop3A_1240 = arith.index_cast %parallel_loop3A_1238 : i32 to index
      %parallel_loop3A_1241 = tpu.vector_load %arg9[%parallel_loop3A_1239, %parallel_loop3A_1240] {strides = array<i32>} : memref<8x2048xf32, #tpu.memory_space<vmem>>, vector<1x16xf32>,
      %parallel_loop3A_1242 = vector.shape_cast %parallel_loop3A_1241 : vector<1x16xf32> to vector<16xf32>
      %parallel_loop3A_1243 = arith.constant 0 : i32
      %parallel_loop3A_1244 = arith.addi %parallel_loop3A_1243, %parallel_loop3A_1234 : i32
      %parallel_loop3A_1245 = arith.index_cast %parallel_loop3A_1244 : i32 to index
      %parallel_loop3A_1246 = arith.index_cast %parallel_loop3A_1238 : i32 to index
      %parallel_loop3A_1247 = tpu.vector_load %arg12[%parallel_loop3A_1245, %parallel_loop3A_1246] {strides = array<i32>} : memref<8x2048xf32, #tpu.memory_space<vmem>>, vector<1x16xf32>,
      %parallel_loop3A_1248 = vector.shape_cast %parallel_loop3A_1247 : vector<1x16xf32> to vector<16xf32>
      %parallel_loop3A_1249 = arith.addf %parallel_loop3A_1242, %parallel_loop3A_1248 : vector<16xf32>
      %parallel_loop3A_1250 = arith.index_cast %parallel_loop3A_1234 : i32 to index
      %parallel_loop3A_1251 = arith.index_cast %parallel_loop3A_1238 : i32 to index
      %parallel_loop3A_1252 = tpu.vector_load %arg9[%parallel_loop3A_1250, %parallel_loop3A_1251] {strides = array<i32>} : memref<8x2048xf32, #tpu.memory_space<vmem>>, vector<1x16xf32>,
      %parallel_loop3A_1253 = vector.shape_cast %parallel_loop3A_1252 : vector<1x16xf32> to vector<16xf32>
      %parallel_loop3A_1254 = vector.shape_cast %parallel_loop3A_1249 : vector<16xf32> to vector<1x16xf32>
      tpu.vector_store %arg9[%parallel_loop3A_1250, %parallel_loop3A_1251], %parallel_loop3A_1254 {strides = array<i32>} : memref<8x2048xf32, #tpu.memory_space<vmem>>, vector<1x16xf32>,
    } {sc.loop_unroll_factor = 8 : i64, sc.parallel_access}
    %add3A_209 = arith.constant 0 : i32
    %add3A_210 = arith.addi %mul3A_2, %add3A_209 : i32
    %dma_start3A_211 = arith.constant 2 : i32
    %dma_start3A_212 = arith.constant 0 : i32
    %dma_start3A_213 = tpu.memref_slice %arg5[%dma_start3A_211, %add3A_210, %dma_start3A_212] : memref<4x2048x2048xf32, #tpu.memory_space<hbm>> -> memref<1x8x2048xf32, #tpu.memory_space<hbm>>
    %dma_start3A_214 = tpu.memref_squeeze %dma_start3A_213 : memref<1x8x2048xf32, #tpu.memory_space<hbm>> -> memref<8x2048xf32, #tpu.memory_space<hbm>>
    %dma_start3A_215 = arith.constant 0 : i32
    %dma_start3A_216 = tpu.memref_slice %arg5[%dma_start3A_211, %add3A_210, %dma_start3A_215] : memref<4x2048x2048xf32, #tpu.memory_space<hbm>> -> memref<1x8x2048xf32, #tpu.memory_space<hbm>>
    %dma_start3A_217 = tpu.memref_squeeze %dma_start3A_216 : memref<1x8x2048xf32, #tpu.memory_space<hbm>> -> memref<8x2048xf32, #tpu.memory_space<hbm>>
    tpu.enqueue_dma source(%arg9 : memref<8x2048xf32, #tpu.memory_space<vmem>>) target(%dma_start3A_217 : memref<8x2048xf32, #tpu.memory_space<hbm>>) target_semaphore(%arg21 : memref<!tpu.dma_semaphore, #tpu.memory_space<semaphore_mem>>)
    %dma_wait3A_218 = arith.constant 1 : i32
    %dma_wait3A_219 = arith.constant 0 : i32
    %dma_wait3A_220 = tpu.memref_slice %arg5[%dma_wait3A_218, %add3A_177, %dma_wait3A_219] : memref<4x2048x2048xf32, #tpu.memory_space<hbm>> -> memref<1x8x2048xf32, #tpu.memory_space<hbm>>
    %dma_wait3A_221 = tpu.memref_squeeze %dma_wait3A_220 : memref<1x8x2048xf32, #tpu.memory_space<hbm>> -> memref<8x2048xf32, #tpu.memory_space<hbm>>
    %dma_wait3A_222 = arith.constant 0 : i32
    %dma_wait3A_223 = tpu.memref_slice %arg5[%dma_wait3A_218, %add3A_177, %dma_wait3A_222] : memref<4x2048x2048xf32, #tpu.memory_space<hbm>> -> memref<1x8x2048xf32, #tpu.memory_space<hbm>>
    %dma_wait3A_224 = tpu.memref_squeeze %dma_wait3A_223 : memref<1x8x2048xf32, #tpu.memory_space<hbm>> -> memref<8x2048xf32, #tpu.memory_space<hbm>>
    tpu.wait_dma2 semaphore(%arg20 : memref<!tpu.dma_semaphore, #tpu.memory_space<semaphore_mem>>) src(%arg8 : memref<8x2048xf32, #tpu.memory_space<vmem>>) dst(%dma_wait3A_224 : memref<8x2048xf32, #tpu.memory_space<hbm>>)
    %dma_start3A_225 = arith.constant 2 : i32
    %dma_start3A_226 = arith.constant 8 : i32
    %dma_start3A_227 = tpu.memref_slice %arg6[%dma_start3A_225, %dma_start3A_226] : memref<4x64xi32, #tpu.memory_space<vmem>> -> memref<1x8xi32, #tpu.memory_space<vmem>>
    %dma_start3A_228 = tpu.memref_squeeze %dma_start3A_227 : memref<1x8xi32, #tpu.memory_space<vmem>> -> memref<8xi32, #tpu.memory_space<vmem>>
    %dma_start3A_229 = arith.constant 0 : i32
    %dma_start3A_230 = arith.constant 0 : i32
    %dma_start3A_231 = tpu.memref_slice %arg2[%dma_start3A_229, %dma_start3A_230] : memref<100000x2048xf32, #tpu.memory_space<hbm>> -> memref<100000x2048xf32, #tpu.memory_space<hbm>>
    tpu.enqueue_indirect_dma source(%dma_start3A_231 : memref<100000x2048xf32, #tpu.memory_space<hbm>>) target(%arg8 : memref<8x2048xf32, #tpu.memory_space<vmem>>) offsets(%dma_start3A_228 : memref<8xi32, #tpu.memory_space<vmem>>) semaphore(%arg15 : memref<!tpu.dma_semaphore, #tpu.memory_space<semaphore_mem>>)
    %dma_wait3A_232 = arith.constant 3 : i32
    %dma_wait3A_233 = arith.constant 0 : i32
    %dma_wait3A_234 = tpu.memref_slice %arg6[%dma_wait3A_232, %dma_wait3A_233] : memref<4x64xi32, #tpu.memory_space<vmem>> -> memref<1x8xi32, #tpu.memory_space<vmem>>
    %dma_wait3A_235 = tpu.memref_squeeze %dma_wait3A_234 : memref<1x8xi32, #tpu.memory_space<vmem>> -> memref<8xi32, #tpu.memory_space<vmem>>
    %dma_wait3A_236 = arith.constant 0 : i32
    %dma_wait3A_237 = arith.constant 0 : i32
    %dma_wait3A_238 = tpu.memref_slice %arg2[%dma_wait3A_236, %dma_wait3A_237] : memref<100000x2048xf32, #tpu.memory_space<hbm>> -> memref<100000x2048xf32, #tpu.memory_space<hbm>>
    tpu.wait_indirect_dma semaphore(%arg17 : memref<!tpu.dma_semaphore, #tpu.memory_space<semaphore_mem>>) src(%dma_wait3A_238 : memref<100000x2048xf32, #tpu.memory_space<hbm>>) dst(%arg10 : memref<8x2048xf32, #tpu.memory_space<vmem>>)
    %parallel_loop3A_239 = arith.constant 0 : i32
    %parallel_loop3A_240 = arith.constant 1024 : i32
    %parallel_loop3A_241 = arith.constant 1 : i32
    scf.for %parallel_loop3A_1232 = %parallel_loop3A_239 to %parallel_loop3A_240 step %parallel_loop3A_241  : i32 {
      %parallel_loop3A_1233 = arith.constant 7 : i32
      %parallel_loop3A_1234 = arith.shrsi %parallel_loop3A_1232, %parallel_loop3A_1233 : i32
      %parallel_loop3A_1235 = arith.constant 127 : i32
      %parallel_loop3A_1236 = arith.andi %parallel_loop3A_1232, %parallel_loop3A_1235 : i32
      %parallel_loop3A_1237 = arith.constant 16 : i32
      %parallel_loop3A_1238 = arith.muli %parallel_loop3A_1236, %parallel_loop3A_1237 : i32
      %parallel_loop3A_1239 = arith.index_cast %parallel_loop3A_1234 : i32 to index
      %parallel_loop3A_1240 = arith.index_cast %parallel_loop3A_1238 : i32 to index
      %parallel_loop3A_1241 = tpu.vector_load %arg10[%parallel_loop3A_1239, %parallel_loop3A_1240] {strides = array<i32>} : memref<8x2048xf32, #tpu.memory_space<vmem>>, vector<1x16xf32>,
      %parallel_loop3A_1242 = vector.shape_cast %parallel_loop3A_1241 : vector<1x16xf32> to vector<16xf32>
      %parallel_loop3A_1243 = arith.constant 0 : i32
      %parallel_loop3A_1244 = arith.addi %parallel_loop3A_1243, %parallel_loop3A_1234 : i32
      %parallel_loop3A_1245 = arith.index_cast %parallel_loop3A_1244 : i32 to index
      %parallel_loop3A_1246 = arith.index_cast %parallel_loop3A_1238 : i32 to index
      %parallel_loop3A_1247 = tpu.vector_load %arg12[%parallel_loop3A_1245, %parallel_loop3A_1246] {strides = array<i32>} : memref<8x2048xf32, #tpu.memory_space<vmem>>, vector<1x16xf32>,
      %parallel_loop3A_1248 = vector.shape_cast %parallel_loop3A_1247 : vector<1x16xf32> to vector<16xf32>
      %parallel_loop3A_1249 = arith.addf %parallel_loop3A_1242, %parallel_loop3A_1248 : vector<16xf32>
      %parallel_loop3A_1250 = arith.index_cast %parallel_loop3A_1234 : i32 to index
      %parallel_loop3A_1251 = arith.index_cast %parallel_loop3A_1238 : i32 to index
      %parallel_loop3A_1252 = tpu.vector_load %arg10[%parallel_loop3A_1250, %parallel_loop3A_1251] {strides = array<i32>} : memref<8x2048xf32, #tpu.memory_space<vmem>>, vector<1x16xf32>,
      %parallel_loop3A_1253 = vector.shape_cast %parallel_loop3A_1252 : vector<1x16xf32> to vector<16xf32>
      %parallel_loop3A_1254 = vector.shape_cast %parallel_loop3A_1249 : vector<16xf32> to vector<1x16xf32>
      tpu.vector_store %arg10[%parallel_loop3A_1250, %parallel_loop3A_1251], %parallel_loop3A_1254 {strides = array<i32>} : memref<8x2048xf32, #tpu.memory_space<vmem>>, vector<1x16xf32>,
    } {sc.loop_unroll_factor = 8 : i64, sc.parallel_access}
    %add3A_242 = arith.constant 0 : i32
    %add3A_243 = arith.addi %mul3A_2, %add3A_242 : i32
    %dma_start3A_244 = arith.constant 3 : i32
    %dma_start3A_245 = arith.constant 0 : i32
    %dma_start3A_246 = tpu.memref_slice %arg5[%dma_start3A_244, %add3A_243, %dma_start3A_245] : memref<4x2048x2048xf32, #tpu.memory_space<hbm>> -> memref<1x8x2048xf32, #tpu.memory_space<hbm>>
    %dma_start3A_247 = tpu.memref_squeeze %dma_start3A_246 : memref<1x8x2048xf32, #tpu.memory_space<hbm>> -> memref<8x2048xf32, #tpu.memory_space<hbm>>
    %dma_start3A_248 = arith.constant 0 : i32
    %dma_start3A_249 = tpu.memref_slice %arg5[%dma_start3A_244, %add3A_243, %dma_start3A_248] : memref<4x2048x2048xf32, #tpu.memory_space<hbm>> -> memref<1x8x2048xf32, #tpu.memory_space<hbm>>
    %dma_start3A_250 = tpu.memref_squeeze %dma_start3A_249 : memref<1x8x2048xf32, #tpu.memory_space<hbm>> -> memref<8x2048xf32, #tpu.memory_space<hbm>>
    tpu.enqueue_dma source(%arg10 : memref<8x2048xf32, #tpu.memory_space<vmem>>) target(%dma_start3A_250 : memref<8x2048xf32, #tpu.memory_space<hbm>>) target_semaphore(%arg22 : memref<!tpu.dma_semaphore, #tpu.memory_space<semaphore_mem>>)
    %add3A_251 = arith.constant 16 : i32
    %add3A_252 = arith.addi %mul3A_2, %add3A_251 : i32
    %dma_start3A_253 = arith.constant 0 : i32
    %dma_start3A_254 = tpu.memref_slice %arg4[%add3A_252, %dma_start3A_253] : memref<2048x2048xf32, #tpu.memory_space<hbm>> -> memref<8x2048xf32, #tpu.memory_space<hbm>>
    %dma_start3A_255 = arith.constant 0 : i32
    %dma_start3A_256 = tpu.memref_slice %arg4[%add3A_252, %dma_start3A_255] : memref<2048x2048xf32, #tpu.memory_space<hbm>> -> memref<8x2048xf32, #tpu.memory_space<hbm>>
    tpu.enqueue_dma source(%dma_start3A_256 : memref<8x2048xf32, #tpu.memory_space<hbm>>) target(%arg12 : memref<8x2048xf32, #tpu.memory_space<vmem>>) target_semaphore(%arg24 : memref<!tpu.dma_semaphore, #tpu.memory_space<semaphore_mem>>)
    %dma_wait3A_257 = arith.constant 2 : i32
    %dma_wait3A_258 = arith.constant 0 : i32
    %dma_wait3A_259 = tpu.memref_slice %arg5[%dma_wait3A_257, %add3A_210, %dma_wait3A_258] : memref<4x2048x2048xf32, #tpu.memory_space<hbm>> -> memref<1x8x2048xf32, #tpu.memory_space<hbm>>
    %dma_wait3A_260 = tpu.memref_squeeze %dma_wait3A_259 : memref<1x8x2048xf32, #tpu.memory_space<hbm>> -> memref<8x2048xf32, #tpu.memory_space<hbm>>
    %dma_wait3A_261 = arith.constant 0 : i32
    %dma_wait3A_262 = tpu.memref_slice %arg5[%dma_wait3A_257, %add3A_210, %dma_wait3A_261] : memref<4x2048x2048xf32, #tpu.memory_space<hbm>> -> memref<1x8x2048xf32, #tpu.memory_space<hbm>>
    %dma_wait3A_263 = tpu.memref_squeeze %dma_wait3A_262 : memref<1x8x2048xf32, #tpu.memory_space<hbm>> -> memref<8x2048xf32, #tpu.memory_space<hbm>>
    tpu.wait_dma2 semaphore(%arg21 : memref<!tpu.dma_semaphore, #tpu.memory_space<semaphore_mem>>) src(%arg9 : memref<8x2048xf32, #tpu.memory_space<vmem>>) dst(%dma_wait3A_263 : memref<8x2048xf32, #tpu.memory_space<hbm>>)
    %dma_start3A_264 = arith.constant 3 : i32
    %dma_start3A_265 = arith.constant 8 : i32
    %dma_start3A_266 = tpu.memref_slice %arg6[%dma_start3A_264, %dma_start3A_265] : memref<4x64xi32, #tpu.memory_space<vmem>> -> memref<1x8xi32, #tpu.memory_space<vmem>>
    %dma_start3A_267 = tpu.memref_squeeze %dma_start3A_266 : memref<1x8xi32, #tpu.memory_space<vmem>> -> memref<8xi32, #tpu.memory_space<vmem>>
    %dma_start3A_268 = arith.constant 0 : i32
    %dma_start3A_269 = arith.constant 0 : i32
    %dma_start3A_270 = tpu.memref_slice %arg2[%dma_start3A_268, %dma_start3A_269] : memref<100000x2048xf32, #tpu.memory_space<hbm>> -> memref<100000x2048xf32, #tpu.memory_space<hbm>>
    tpu.enqueue_indirect_dma source(%dma_start3A_270 : memref<100000x2048xf32, #tpu.memory_space<hbm>>) target(%arg9 : memref<8x2048xf32, #tpu.memory_space<vmem>>) offsets(%dma_start3A_267 : memref<8xi32, #tpu.memory_space<vmem>>) semaphore(%arg16 : memref<!tpu.dma_semaphore, #tpu.memory_space<semaphore_mem>>)
    %dma_wait3A_271 = arith.constant 0 : i32
    %dma_wait3A_272 = arith.constant 8 : i32
    %dma_wait3A_273 = tpu.memref_slice %arg6[%dma_wait3A_271, %dma_wait3A_272] : memref<4x64xi32, #tpu.memory_space<vmem>> -> memref<1x8xi32, #tpu.memory_space<vmem>>
    %dma_wait3A_274 = tpu.memref_squeeze %dma_wait3A_273 : memref<1x8xi32, #tpu.memory_space<vmem>> -> memref<8xi32, #tpu.memory_space<vmem>>
    %dma_wait3A_275 = arith.constant 0 : i32
    %dma_wait3A_276 = arith.constant 0 : i32
    %dma_wait3A_277 = tpu.memref_slice %arg2[%dma_wait3A_275, %dma_wait3A_276] : memref<100000x2048xf32, #tpu.memory_space<hbm>> -> memref<100000x2048xf32, #tpu.memory_space<hbm>>
    tpu.wait_indirect_dma semaphore(%arg18 : memref<!tpu.dma_semaphore, #tpu.memory_space<semaphore_mem>>) src(%dma_wait3A_277 : memref<100000x2048xf32, #tpu.memory_space<hbm>>) dst(%arg11 : memref<8x2048xf32, #tpu.memory_space<vmem>>)
    %dma_wait3A_278 = arith.constant 0 : i32
    %dma_wait3A_279 = tpu.memref_slice %arg4[%add3A_132, %dma_wait3A_278] : memref<2048x2048xf32, #tpu.memory_space<hbm>> -> memref<8x2048xf32, #tpu.memory_space<hbm>>
    %dma_wait3A_280 = arith.constant 0 : i32
    %dma_wait3A_281 = tpu.memref_slice %arg4[%add3A_132, %dma_wait3A_280] : memref<2048x2048xf32, #tpu.memory_space<hbm>> -> memref<8x2048xf32, #tpu.memory_space<hbm>>
    tpu.wait_dma2 semaphore(%arg25 : memref<!tpu.dma_semaphore, #tpu.memory_space<semaphore_mem>>) src(%dma_wait3A_281 : memref<8x2048xf32, #tpu.memory_space<hbm>>) dst(%arg13 : memref<8x2048xf32, #tpu.memory_space<vmem>>)
    %parallel_loop3A_282 = arith.constant 0 : i32
    %parallel_loop3A_283 = arith.constant 1024 : i32
    %parallel_loop3A_284 = arith.constant 1 : i32
    scf.for %parallel_loop3A_1232 = %parallel_loop3A_282 to %parallel_loop3A_283 step %parallel_loop3A_284  : i32 {
      %parallel_loop3A_1233 = arith.constant 7 : i32
      %parallel_loop3A_1234 = arith.shrsi %parallel_loop3A_1232, %parallel_loop3A_1233 : i32
      %parallel_loop3A_1235 = arith.constant 127 : i32
      %parallel_loop3A_1236 = arith.andi %parallel_loop3A_1232, %parallel_loop3A_1235 : i32
      %parallel_loop3A_1237 = arith.constant 16 : i32
      %parallel_loop3A_1238 = arith.muli %parallel_loop3A_1236, %parallel_loop3A_1237 : i32
      %parallel_loop3A_1239 = arith.index_cast %parallel_loop3A_1234 : i32 to index
      %parallel_loop3A_1240 = arith.index_cast %parallel_loop3A_1238 : i32 to index
      %parallel_loop3A_1241 = tpu.vector_load %arg11[%parallel_loop3A_1239, %parallel_loop3A_1240] {strides = array<i32>} : memref<8x2048xf32, #tpu.memory_space<vmem>>, vector<1x16xf32>,
      %parallel_loop3A_1242 = vector.shape_cast %parallel_loop3A_1241 : vector<1x16xf32> to vector<16xf32>
      %parallel_loop3A_1243 = arith.constant 0 : i32
      %parallel_loop3A_1244 = arith.addi %parallel_loop3A_1243, %parallel_loop3A_1234 : i32
      %parallel_loop3A_1245 = arith.index_cast %parallel_loop3A_1244 : i32 to index
      %parallel_loop3A_1246 = arith.index_cast %parallel_loop3A_1238 : i32 to index
      %parallel_loop3A_1247 = tpu.vector_load %arg13[%parallel_loop3A_1245, %parallel_loop3A_1246] {strides = array<i32>} : memref<8x2048xf32, #tpu.memory_space<vmem>>, vector<1x16xf32>,
      %parallel_loop3A_1248 = vector.shape_cast %parallel_loop3A_1247 : vector<1x16xf32> to vector<16xf32>
      %parallel_loop3A_1249 = arith.addf %parallel_loop3A_1242, %parallel_loop3A_1248 : vector<16xf32>
      %parallel_loop3A_1250 = arith.index_cast %parallel_loop3A_1234 : i32 to index
      %parallel_loop3A_1251 = arith.index_cast %parallel_loop3A_1238 : i32 to index
      %parallel_loop3A_1252 = tpu.vector_load %arg11[%parallel_loop3A_1250, %parallel_loop3A_1251] {strides = array<i32>} : memref<8x2048xf32, #tpu.memory_space<vmem>>, vector<1x16xf32>,
      %parallel_loop3A_1253 = vector.shape_cast %parallel_loop3A_1252 : vector<1x16xf32> to vector<16xf32>
      %parallel_loop3A_1254 = vector.shape_cast %parallel_loop3A_1249 : vector<16xf32> to vector<1x16xf32>
      tpu.vector_store %arg11[%parallel_loop3A_1250, %parallel_loop3A_1251], %parallel_loop3A_1254 {strides = array<i32>} : memref<8x2048xf32, #tpu.memory_space<vmem>>, vector<1x16xf32>,
    } {sc.loop_unroll_factor = 8 : i64, sc.parallel_access}
    %add3A_285 = arith.constant 8 : i32
    %add3A_286 = arith.addi %mul3A_2, %add3A_285 : i32
    %dma_start3A_287 = arith.constant 0 : i32
    %dma_start3A_288 = arith.constant 0 : i32
    %dma_start3A_289 = tpu.memref_slice %arg5[%dma_start3A_287, %add3A_286, %dma_start3A_288] : memref<4x2048x2048xf32, #tpu.memory_space<hbm>> -> memref<1x8x2048xf32, #tpu.memory_space<hbm>>
    %dma_start3A_290 = tpu.memref_squeeze %dma_start3A_289 : memref<1x8x2048xf32, #tpu.memory_space<hbm>> -> memref<8x2048xf32, #tpu.memory_space<hbm>>
    %dma_start3A_291 = arith.constant 0 : i32
    %dma_start3A_292 = tpu.memref_slice %arg5[%dma_start3A_287, %add3A_286, %dma_start3A_291] : memref<4x2048x2048xf32, #tpu.memory_space<hbm>> -> memref<1x8x2048xf32, #tpu.memory_space<hbm>>
    %dma_start3A_293 = tpu.memref_squeeze %dma_start3A_292 : memref<1x8x2048xf32, #tpu.memory_space<hbm>> -> memref<8x2048xf32, #tpu.memory_space<hbm>>
    tpu.enqueue_dma source(%arg11 : memref<8x2048xf32, #tpu.memory_space<vmem>>) target(%dma_start3A_293 : memref<8x2048xf32, #tpu.memory_space<hbm>>) target_semaphore(%arg23 : memref<!tpu.dma_semaphore, #tpu.memory_space<semaphore_mem>>)
    %dma_wait3A_294 = arith.constant 3 : i32
    %dma_wait3A_295 = arith.constant 0 : i32
    %dma_wait3A_296 = tpu.memref_slice %arg5[%dma_wait3A_294, %add3A_243, %dma_wait3A_295] : memref<4x2048x2048xf32, #tpu.memory_space<hbm>> -> memref<1x8x2048xf32, #tpu.memory_space<hbm>>
    %dma_wait3A_297 = tpu.memref_squeeze %dma_wait3A_296 : memref<1x8x2048xf32, #tpu.memory_space<hbm>> -> memref<8x2048xf32, #tpu.memory_space<hbm>>
    %dma_wait3A_298 = arith.constant 0 : i32
    %dma_wait3A_299 = tpu.memref_slice %arg5[%dma_wait3A_294, %add3A_243, %dma_wait3A_298] : memref<4x2048x2048xf32, #tpu.memory_space<hbm>> -> memref<1x8x2048xf32, #tpu.memory_space<hbm>>
    %dma_wait3A_300 = tpu.memref_squeeze %dma_wait3A_299 : memref<1x8x2048xf32, #tpu.memory_space<hbm>> -> memref<8x2048xf32, #tpu.memory_space<hbm>>
    tpu.wait_dma2 semaphore(%arg22 : memref<!tpu.dma_semaphore, #tpu.memory_space<semaphore_mem>>) src(%arg10 : memref<8x2048xf32, #tpu.memory_space<vmem>>) dst(%dma_wait3A_300 : memref<8x2048xf32, #tpu.memory_space<hbm>>)
    %dma_start3A_301 = arith.constant 0 : i32
    %dma_start3A_302 = arith.constant 16 : i32
    %dma_start3A_303 = tpu.memref_slice %arg6[%dma_start3A_301, %dma_start3A_302] : memref<4x64xi32, #tpu.memory_space<vmem>> -> memref<1x8xi32, #tpu.memory_space<vmem>>
    %dma_start3A_304 = tpu.memref_squeeze %dma_start3A_303 : memref<1x8xi32, #tpu.memory_space<vmem>> -> memref<8xi32, #tpu.memory_space<vmem>>
    %dma_start3A_305 = arith.constant 0 : i32
    %dma_start3A_306 = arith.constant 0 : i32
    %dma_start3A_307 = tpu.memref_slice %arg2[%dma_start3A_305, %dma_start3A_306] : memref<100000x2048xf32, #tpu.memory_space<hbm>> -> memref<100000x2048xf32, #tpu.memory_space<hbm>>
    tpu.enqueue_indirect_dma source(%dma_start3A_307 : memref<100000x2048xf32, #tpu.memory_space<hbm>>) target(%arg10 : memref<8x2048xf32, #tpu.memory_space<vmem>>) offsets(%dma_start3A_304 : memref<8xi32, #tpu.memory_space<vmem>>) semaphore(%arg17 : memref<!tpu.dma_semaphore, #tpu.memory_space<semaphore_mem>>)
    %dma_wait3A_308 = arith.constant 1 : i32
    %dma_wait3A_309 = arith.constant 8 : i32
    %dma_wait3A_310 = tpu.memref_slice %arg6[%dma_wait3A_308, %dma_wait3A_309] : memref<4x64xi32, #tpu.memory_space<vmem>> -> memref<1x8xi32, #tpu.memory_space<vmem>>
    %dma_wait3A_311 = tpu.memref_squeeze %dma_wait3A_310 : memref<1x8xi32, #tpu.memory_space<vmem>> -> memref<8xi32, #tpu.memory_space<vmem>>
    %dma_wait3A_312 = arith.constant 0 : i32
    %dma_wait3A_313 = arith.constant 0 : i32
    %dma_wait3A_314 = tpu.memref_slice %arg2[%dma_wait3A_312, %dma_wait3A_313] : memref<100000x2048xf32, #tpu.memory_space<hbm>> -> memref<100000x2048xf32, #tpu.memory_space<hbm>>
    tpu.wait_indirect_dma semaphore(%arg14 : memref<!tpu.dma_semaphore, #tpu.memory_space<semaphore_mem>>) src(%dma_wait3A_314 : memref<100000x2048xf32, #tpu.memory_space<hbm>>) dst(%arg7 : memref<8x2048xf32, #tpu.memory_space<vmem>>)
    %parallel_loop3A_315 = arith.constant 0 : i32
    %parallel_loop3A_316 = arith.constant 1024 : i32
    %parallel_loop3A_317 = arith.constant 1 : i32
    scf.for %parallel_loop3A_1232 = %parallel_loop3A_315 to %parallel_loop3A_316 step %parallel_loop3A_317  : i32 {
      %parallel_loop3A_1233 = arith.constant 7 : i32
      %parallel_loop3A_1234 = arith.shrsi %parallel_loop3A_1232, %parallel_loop3A_1233 : i32
      %parallel_loop3A_1235 = arith.constant 127 : i32
      %parallel_loop3A_1236 = arith.andi %parallel_loop3A_1232, %parallel_loop3A_1235 : i32
      %parallel_loop3A_1237 = arith.constant 16 : i32
      %parallel_loop3A_1238 = arith.muli %parallel_loop3A_1236, %parallel_loop3A_1237 : i32
      %parallel_loop3A_1239 = arith.index_cast %parallel_loop3A_1234 : i32 to index
      %parallel_loop3A_1240 = arith.index_cast %parallel_loop3A_1238 : i32 to index
      %parallel_loop3A_1241 = tpu.vector_load %arg7[%parallel_loop3A_1239, %parallel_loop3A_1240] {strides = array<i32>} : memref<8x2048xf32, #tpu.memory_space<vmem>>, vector<1x16xf32>,
      %parallel_loop3A_1242 = vector.shape_cast %parallel_loop3A_1241 : vector<1x16xf32> to vector<16xf32>
      %parallel_loop3A_1243 = arith.constant 0 : i32
      %parallel_loop3A_1244 = arith.addi %parallel_loop3A_1243, %parallel_loop3A_1234 : i32
      %parallel_loop3A_1245 = arith.index_cast %parallel_loop3A_1244 : i32 to index
      %parallel_loop3A_1246 = arith.index_cast %parallel_loop3A_1238 : i32 to index
      %parallel_loop3A_1247 = tpu.vector_load %arg13[%parallel_loop3A_1245, %parallel_loop3A_1246] {strides = array<i32>} : memref<8x2048xf32, #tpu.memory_space<vmem>>, vector<1x16xf32>,
      %parallel_loop3A_1248 = vector.shape_cast %parallel_loop3A_1247 : vector<1x16xf32> to vector<16xf32>
      %parallel_loop3A_1249 = arith.addf %parallel_loop3A_1242, %parallel_loop3A_1248 : vector<16xf32>
      %parallel_loop3A_1250 = arith.index_cast %parallel_loop3A_1234 : i32 to index
      %parallel_loop3A_1251 = arith.index_cast %parallel_loop3A_1238 : i32 to index
      %parallel_loop3A_1252 = tpu.vector_load %arg7[%parallel_loop3A_1250, %parallel_loop3A_1251] {strides = array<i32>} : memref<8x2048xf32, #tpu.memory_space<vmem>>, vector<1x16xf32>,
      %parallel_loop3A_1253 = vector.shape_cast %parallel_loop3A_1252 : vector<1x16xf32> to vector<16xf32>
      %parallel_loop3A_1254 = vector.shape_cast %parallel_loop3A_1249 : vector<16xf32> to vector<1x16xf32>
      tpu.vector_store %arg7[%parallel_loop3A_1250, %parallel_loop3A_1251], %parallel_loop3A_1254 {strides = array<i32>} : memref<8x2048xf32, #tpu.memory_space<vmem>>, vector<1x16xf32>,
    } {sc.loop_unroll_factor = 8 : i64, sc.parallel_access}
    %add3A_318 = arith.constant 8 : i32
    %add3A_319 = arith.addi %mul3A_2, %add3A_318 : i32
    %dma_start3A_320 = arith.constant 1 : i32
    %dma_start3A_321 = arith.constant 0 : i32
    %dma_start3A_322 = tpu.memref_slice %arg5[%dma_start3A_320, %add3A_319, %dma_start3A_321] : memref<4x2048x2048xf32, #tpu.memory_space<hbm>> -> memref<1x8x2048xf32, #tpu.memory_space<hbm>>
    %dma_start3A_323 = tpu.memref_squeeze %dma_start3A_322 : memref<1x8x2048xf32, #tpu.memory_space<hbm>> -> memref<8x2048xf32, #tpu.memory_space<hbm>>
    %dma_start3A_324 = arith.constant 0 : i32
    %dma_start3A_325 = tpu.memref_slice %arg5[%dma_start3A_320, %add3A_319, %dma_start3A_324] : memref<4x2048x2048xf32, #tpu.memory_space<hbm>> -> memref<1x8x2048xf32, #tpu.memory_space<hbm>>
    %dma_start3A_326 = tpu.memref_squeeze %dma_start3A_325 : memref<1x8x2048xf32, #tpu.memory_space<hbm>> -> memref<8x2048xf32, #tpu.memory_space<hbm>>
    tpu.enqueue_dma source(%arg7 : memref<8x2048xf32, #tpu.memory_space<vmem>>) target(%dma_start3A_326 : memref<8x2048xf32, #tpu.memory_space<hbm>>) target_semaphore(%arg19 : memref<!tpu.dma_semaphore, #tpu.memory_space<semaphore_mem>>)
    %dma_wait3A_327 = arith.constant 0 : i32
    %dma_wait3A_328 = arith.constant 0 : i32
    %dma_wait3A_329 = tpu.memref_slice %arg5[%dma_wait3A_327, %add3A_286, %dma_wait3A_328] : memref<4x2048x2048xf32, #tpu.memory_space<hbm>> -> memref<1x8x2048xf32, #tpu.memory_space<hbm>>
    %dma_wait3A_330 = tpu.memref_squeeze %dma_wait3A_329 : memref<1x8x2048xf32, #tpu.memory_space<hbm>> -> memref<8x2048xf32, #tpu.memory_space<hbm>>
    %dma_wait3A_331 = arith.constant 0 : i32
    %dma_wait3A_332 = tpu.memref_slice %arg5[%dma_wait3A_327, %add3A_286, %dma_wait3A_331] : memref<4x2048x2048xf32, #tpu.memory_space<hbm>> -> memref<1x8x2048xf32, #tpu.memory_space<hbm>>
    %dma_wait3A_333 = tpu.memref_squeeze %dma_wait3A_332 : memref<1x8x2048xf32, #tpu.memory_space<hbm>> -> memref<8x2048xf32, #tpu.memory_space<hbm>>
    tpu.wait_dma2 semaphore(%arg23 : memref<!tpu.dma_semaphore, #tpu.memory_space<semaphore_mem>>) src(%arg11 : memref<8x2048xf32, #tpu.memory_space<vmem>>) dst(%dma_wait3A_333 : memref<8x2048xf32, #tpu.memory_space<hbm>>)
    %dma_start3A_334 = arith.constant 1 : i32
    %dma_start3A_335 = arith.constant 16 : i32
    %dma_start3A_336 = tpu.memref_slice %arg6[%dma_start3A_334, %dma_start3A_335] : memref<4x64xi32, #tpu.memory_space<vmem>> -> memref<1x8xi32, #tpu.memory_space<vmem>>
    %dma_start3A_337 = tpu.memref_squeeze %dma_start3A_336 : memref<1x8xi32, #tpu.memory_space<vmem>> -> memref<8xi32, #tpu.memory_space<vmem>>
    %dma_start3A_338 = arith.constant 0 : i32
    %dma_start3A_339 = arith.constant 0 : i32
    %dma_start3A_340 = tpu.memref_slice %arg2[%dma_start3A_338, %dma_start3A_339] : memref<100000x2048xf32, #tpu.memory_space<hbm>> -> memref<100000x2048xf32, #tpu.memory_space<hbm>>
    tpu.enqueue_indirect_dma source(%dma_start3A_340 : memref<100000x2048xf32, #tpu.memory_space<hbm>>) target(%arg11 : memref<8x2048xf32, #tpu.memory_space<vmem>>) offsets(%dma_start3A_337 : memref<8xi32, #tpu.memory_space<vmem>>) semaphore(%arg18 : memref<!tpu.dma_semaphore, #tpu.memory_space<semaphore_mem>>)
    %dma_wait3A_341 = arith.constant 2 : i32
    %dma_wait3A_342 = arith.constant 8 : i32
    %dma_wait3A_343 = tpu.memref_slice %arg6[%dma_wait3A_341, %dma_wait3A_342] : memref<4x64xi32, #tpu.memory_space<vmem>> -> memref<1x8xi32, #tpu.memory_space<vmem>>
    %dma_wait3A_344 = tpu.memref_squeeze %dma_wait3A_343 : memref<1x8xi32, #tpu.memory_space<vmem>> -> memref<8xi32, #tpu.memory_space<vmem>>
    %dma_wait3A_345 = arith.constant 0 : i32
    %dma_wait3A_346 = arith.constant 0 : i32
    %dma_wait3A_347 = tpu.memref_slice %arg2[%dma_wait3A_345, %dma_wait3A_346] : memref<100000x2048xf32, #tpu.memory_space<hbm>> -> memref<100000x2048xf32, #tpu.memory_space<hbm>>
    tpu.wait_indirect_dma semaphore(%arg15 : memref<!tpu.dma_semaphore, #tpu.memory_space<semaphore_mem>>) src(%dma_wait3A_347 : memref<100000x2048xf32, #tpu.memory_space<hbm>>) dst(%arg8 : memref<8x2048xf32, #tpu.memory_space<vmem>>)
    %parallel_loop3A_348 = arith.constant 0 : i32
    %parallel_loop3A_349 = arith.constant 1024 : i32
    %parallel_loop3A_350 = arith.constant 1 : i32
    scf.for %parallel_loop3A_1232 = %parallel_loop3A_348 to %parallel_loop3A_349 step %parallel_loop3A_350  : i32 {
      %parallel_loop3A_1233 = arith.constant 7 : i32
      %parallel_loop3A_1234 = arith.shrsi %parallel_loop3A_1232, %parallel_loop3A_1233 : i32
      %parallel_loop3A_1235 = arith.constant 127 : i32
      %parallel_loop3A_1236 = arith.andi %parallel_loop3A_1232, %parallel_loop3A_1235 : i32
      %parallel_loop3A_1237 = arith.constant 16 : i32
      %parallel_loop3A_1238 = arith.muli %parallel_loop3A_1236, %parallel_loop3A_1237 : i32
      %parallel_loop3A_1239 = arith.index_cast %parallel_loop3A_1234 : i32 to index
      %parallel_loop3A_1240 = arith.index_cast %parallel_loop3A_1238 : i32 to index
      %parallel_loop3A_1241 = tpu.vector_load %arg8[%parallel_loop3A_1239, %parallel_loop3A_1240] {strides = array<i32>} : memref<8x2048xf32, #tpu.memory_space<vmem>>, vector<1x16xf32>,
      %parallel_loop3A_1242 = vector.shape_cast %parallel_loop3A_1241 : vector<1x16xf32> to vector<16xf32>
      %parallel_loop3A_1243 = arith.constant 0 : i32
      %parallel_loop3A_1244 = arith.addi %parallel_loop3A_1243, %parallel_loop3A_1234 : i32
      %parallel_loop3A_1245 = arith.index_cast %parallel_loop3A_1244 : i32 to index
      %parallel_loop3A_1246 = arith.index_cast %parallel_loop3A_1238 : i32 to index
      %parallel_loop3A_1247 = tpu.vector_load %arg13[%parallel_loop3A_1245, %parallel_loop3A_1246] {strides = array<i32>} : memref<8x2048xf32, #tpu.memory_space<vmem>>, vector<1x16xf32>,
      %parallel_loop3A_1248 = vector.shape_cast %parallel_loop3A_1247 : vector<1x16xf32> to vector<16xf32>
      %parallel_loop3A_1249 = arith.addf %parallel_loop3A_1242, %parallel_loop3A_1248 : vector<16xf32>
      %parallel_loop3A_1250 = arith.index_cast %parallel_loop3A_1234 : i32 to index
      %parallel_loop3A_1251 = arith.index_cast %parallel_loop3A_1238 : i32 to index
      %parallel_loop3A_1252 = tpu.vector_load %arg8[%parallel_loop3A_1250, %parallel_loop3A_1251] {strides = array<i32>} : memref<8x2048xf32, #tpu.memory_space<vmem>>, vector<1x16xf32>,
      %parallel_loop3A_1253 = vector.shape_cast %parallel_loop3A_1252 : vector<1x16xf32> to vector<16xf32>
      %parallel_loop3A_1254 = vector.shape_cast %parallel_loop3A_1249 : vector<16xf32> to vector<1x16xf32>
      tpu.vector_store %arg8[%parallel_loop3A_1250, %parallel_loop3A_1251], %parallel_loop3A_1254 {strides = array<i32>} : memref<8x2048xf32, #tpu.memory_space<vmem>>, vector<1x16xf32>,
    } {sc.loop_unroll_factor = 8 : i64, sc.parallel_access}
    %add3A_351 = arith.constant 8 : i32
    %add3A_352 = arith.addi %mul3A_2, %add3A_351 : i32
    %dma_start3A_353 = arith.constant 2 : i32
    %dma_start3A_354 = arith.constant 0 : i32
    %dma_start3A_355 = tpu.memref_slice %arg5[%dma_start3A_353, %add3A_352, %dma_start3A_354] : memref<4x2048x2048xf32, #tpu.memory_space<hbm>> -> memref<1x8x2048xf32, #tpu.memory_space<hbm>>
    %dma_start3A_356 = tpu.memref_squeeze %dma_start3A_355 : memref<1x8x2048xf32, #tpu.memory_space<hbm>> -> memref<8x2048xf32, #tpu.memory_space<hbm>>
    %dma_start3A_357 = arith.constant 0 : i32
    %dma_start3A_358 = tpu.memref_slice %arg5[%dma_start3A_353, %add3A_352, %dma_start3A_357] : memref<4x2048x2048xf32, #tpu.memory_space<hbm>> -> memref<1x8x2048xf32, #tpu.memory_space<hbm>>
    %dma_start3A_359 = tpu.memref_squeeze %dma_start3A_358 : memref<1x8x2048xf32, #tpu.memory_space<hbm>> -> memref<8x2048xf32, #tpu.memory_space<hbm>>
    tpu.enqueue_dma source(%arg8 : memref<8x2048xf32, #tpu.memory_space<vmem>>) target(%dma_start3A_359 : memref<8x2048xf32, #tpu.memory_space<hbm>>) target_semaphore(%arg20 : memref<!tpu.dma_semaphore, #tpu.memory_space<semaphore_mem>>)
    %dma_wait3A_360 = arith.constant 1 : i32
    %dma_wait3A_361 = arith.constant 0 : i32
    %dma_wait3A_362 = tpu.memref_slice %arg5[%dma_wait3A_360, %add3A_319, %dma_wait3A_361] : memref<4x2048x2048xf32, #tpu.memory_space<hbm>> -> memref<1x8x2048xf32, #tpu.memory_space<hbm>>
    %dma_wait3A_363 = tpu.memref_squeeze %dma_wait3A_362 : memref<1x8x2048xf32, #tpu.memory_space<hbm>> -> memref<8x2048xf32, #tpu.memory_space<hbm>>
    %dma_wait3A_364 = arith.constant 0 : i32
    %dma_wait3A_365 = tpu.memref_slice %arg5[%dma_wait3A_360, %add3A_319, %dma_wait3A_364] : memref<4x2048x2048xf32, #tpu.memory_space<hbm>> -> memref<1x8x2048xf32, #tpu.memory_space<hbm>>
    %dma_wait3A_366 = tpu.memref_squeeze %dma_wait3A_365 : memref<1x8x2048xf32, #tpu.memory_space<hbm>> -> memref<8x2048xf32, #tpu.memory_space<hbm>>
    tpu.wait_dma2 semaphore(%arg19 : memref<!tpu.dma_semaphore, #tpu.memory_space<semaphore_mem>>) src(%arg7 : memref<8x2048xf32, #tpu.memory_space<vmem>>) dst(%dma_wait3A_366 : memref<8x2048xf32, #tpu.memory_space<hbm>>)
    %dma_start3A_367 = arith.constant 2 : i32
    %dma_start3A_368 = arith.constant 16 : i32
    %dma_start3A_369 = tpu.memref_slice %arg6[%dma_start3A_367, %dma_start3A_368] : memref<4x64xi32, #tpu.memory_space<vmem>> -> memref<1x8xi32, #tpu.memory_space<vmem>>
    %dma_start3A_370 = tpu.memref_squeeze %dma_start3A_369 : memref<1x8xi32, #tpu.memory_space<vmem>> -> memref<8xi32, #tpu.memory_space<vmem>>
    %dma_start3A_371 = arith.constant 0 : i32
    %dma_start3A_372 = arith.constant 0 : i32
    %dma_start3A_373 = tpu.memref_slice %arg2[%dma_start3A_371, %dma_start3A_372] : memref<100000x2048xf32, #tpu.memory_space<hbm>> -> memref<100000x2048xf32, #tpu.memory_space<hbm>>
    tpu.enqueue_indirect_dma source(%dma_start3A_373 : memref<100000x2048xf32, #tpu.memory_space<hbm>>) target(%arg7 : memref<8x2048xf32, #tpu.memory_space<vmem>>) offsets(%dma_start3A_370 : memref<8xi32, #tpu.memory_space<vmem>>) semaphore(%arg14 : memref<!tpu.dma_semaphore, #tpu.memory_space<semaphore_mem>>)
    %dma_wait3A_374 = arith.constant 3 : i32
    %dma_wait3A_375 = arith.constant 8 : i32
    %dma_wait3A_376 = tpu.memref_slice %arg6[%dma_wait3A_374, %dma_wait3A_375] : memref<4x64xi32, #tpu.memory_space<vmem>> -> memref<1x8xi32, #tpu.memory_space<vmem>>
    %dma_wait3A_377 = tpu.memref_squeeze %dma_wait3A_376 : memref<1x8xi32, #tpu.memory_space<vmem>> -> memref<8xi32, #tpu.memory_space<vmem>>
    %dma_wait3A_378 = arith.constant 0 : i32
    %dma_wait3A_379 = arith.constant 0 : i32
    %dma_wait3A_380 = tpu.memref_slice %arg2[%dma_wait3A_378, %dma_wait3A_379] : memref<100000x2048xf32, #tpu.memory_space<hbm>> -> memref<100000x2048xf32, #tpu.memory_space<hbm>>
    tpu.wait_indirect_dma semaphore(%arg16 : memref<!tpu.dma_semaphore, #tpu.memory_space<semaphore_mem>>) src(%dma_wait3A_380 : memref<100000x2048xf32, #tpu.memory_space<hbm>>) dst(%arg9 : memref<8x2048xf32, #tpu.memory_space<vmem>>)
    %parallel_loop3A_381 = arith.constant 0 : i32
    %parallel_loop3A_382 = arith.constant 1024 : i32
    %parallel_loop3A_383 = arith.constant 1 : i32
    scf.for %parallel_loop3A_1232 = %parallel_loop3A_381 to %parallel_loop3A_382 step %parallel_loop3A_383  : i32 {
      %parallel_loop3A_1233 = arith.constant 7 : i32
      %parallel_loop3A_1234 = arith.shrsi %parallel_loop3A_1232, %parallel_loop3A_1233 : i32
      %parallel_loop3A_1235 = arith.constant 127 : i32
      %parallel_loop3A_1236 = arith.andi %parallel_loop3A_1232, %parallel_loop3A_1235 : i32
      %parallel_loop3A_1237 = arith.constant 16 : i32
      %parallel_loop3A_1238 = arith.muli %parallel_loop3A_1236, %parallel_loop3A_1237 : i32
      %parallel_loop3A_1239 = arith.index_cast %parallel_loop3A_1234 : i32 to index
      %parallel_loop3A_1240 = arith.index_cast %parallel_loop3A_1238 : i32 to index
      %parallel_loop3A_1241 = tpu.vector_load %arg9[%parallel_loop3A_1239, %parallel_loop3A_1240] {strides = array<i32>} : memref<8x2048xf32, #tpu.memory_space<vmem>>, vector<1x16xf32>,
      %parallel_loop3A_1242 = vector.shape_cast %parallel_loop3A_1241 : vector<1x16xf32> to vector<16xf32>
      %parallel_loop3A_1243 = arith.constant 0 : i32
      %parallel_loop3A_1244 = arith.addi %parallel_loop3A_1243, %parallel_loop3A_1234 : i32
      %parallel_loop3A_1245 = arith.index_cast %parallel_loop3A_1244 : i32 to index
      %parallel_loop3A_1246 = arith.index_cast %parallel_loop3A_1238 : i32 to index
      %parallel_loop3A_1247 = tpu.vector_load %arg13[%parallel_loop3A_1245, %parallel_loop3A_1246] {strides = array<i32>} : memref<8x2048xf32, #tpu.memory_space<vmem>>, vector<1x16xf32>,
      %parallel_loop3A_1248 = vector.shape_cast %parallel_loop3A_1247 : vector<1x16xf32> to vector<16xf32>
      %parallel_loop3A_1249 = arith.addf %parallel_loop3A_1242, %parallel_loop3A_1248 : vector<16xf32>
      %parallel_loop3A_1250 = arith.index_cast %parallel_loop3A_1234 : i32 to index
      %parallel_loop3A_1251 = arith.index_cast %parallel_loop3A_1238 : i32 to index
      %parallel_loop3A_1252 = tpu.vector_load %arg9[%parallel_loop3A_1250, %parallel_loop3A_1251] {strides = array<i32>} : memref<8x2048xf32, #tpu.memory_space<vmem>>, vector<1x16xf32>,
      %parallel_loop3A_1253 = vector.shape_cast %parallel_loop3A_1252 : vector<1x16xf32> to vector<16xf32>
      %parallel_loop3A_1254 = vector.shape_cast %parallel_loop3A_1249 : vector<16xf32> to vector<1x16xf32>
      tpu.vector_store %arg9[%parallel_loop3A_1250, %parallel_loop3A_1251], %parallel_loop3A_1254 {strides = array<i32>} : memref<8x2048xf32, #tpu.memory_space<vmem>>, vector<1x16xf32>,
    } {sc.loop_unroll_factor = 8 : i64, sc.parallel_access}
    %add3A_384 = arith.constant 8 : i32
    %add3A_385 = arith.addi %mul3A_2, %add3A_384 : i32
    %dma_start3A_386 = arith.constant 3 : i32
    %dma_start3A_387 = arith.constant 0 : i32
    %dma_start3A_388 = tpu.memref_slice %arg5[%dma_start3A_386, %add3A_385, %dma_start3A_387] : memref<4x2048x2048xf32, #tpu.memory_space<hbm>> -> memref<1x8x2048xf32, #tpu.memory_space<hbm>>
    %dma_start3A_389 = tpu.memref_squeeze %dma_start3A_388 : memref<1x8x2048xf32, #tpu.memory_space<hbm>> -> memref<8x2048xf32, #tpu.memory_space<hbm>>
    %dma_start3A_390 = arith.constant 0 : i32
    %dma_start3A_391 = tpu.memref_slice %arg5[%dma_start3A_386, %add3A_385, %dma_start3A_390] : memref<4x2048x2048xf32, #tpu.memory_space<hbm>> -> memref<1x8x2048xf32, #tpu.memory_space<hbm>>
    %dma_start3A_392 = tpu.memref_squeeze %dma_start3A_391 : memref<1x8x2048xf32, #tpu.memory_space<hbm>> -> memref<8x2048xf32, #tpu.memory_space<hbm>>
    tpu.enqueue_dma source(%arg9 : memref<8x2048xf32, #tpu.memory_space<vmem>>) target(%dma_start3A_392 : memref<8x2048xf32, #tpu.memory_space<hbm>>) target_semaphore(%arg21 : memref<!tpu.dma_semaphore, #tpu.memory_space<semaphore_mem>>)
    %add3A_393 = arith.constant 24 : i32
    %add3A_394 = arith.addi %mul3A_2, %add3A_393 : i32
    %dma_start3A_395 = arith.constant 0 : i32
    %dma_start3A_396 = tpu.memref_slice %arg4[%add3A_394, %dma_start3A_395] : memref<2048x2048xf32, #tpu.memory_space<hbm>> -> memref<8x2048xf32, #tpu.memory_space<hbm>>
    %dma_start3A_397 = arith.constant 0 : i32
    %dma_start3A_398 = tpu.memref_slice %arg4[%add3A_394, %dma_start3A_397] : memref<2048x2048xf32, #tpu.memory_space<hbm>> -> memref<8x2048xf32, #tpu.memory_space<hbm>>
    tpu.enqueue_dma source(%dma_start3A_398 : memref<8x2048xf32, #tpu.memory_space<hbm>>) target(%arg13 : memref<8x2048xf32, #tpu.memory_space<vmem>>) target_semaphore(%arg25 : memref<!tpu.dma_semaphore, #tpu.memory_space<semaphore_mem>>)
    %dma_wait3A_399 = arith.constant 2 : i32
    %dma_wait3A_400 = arith.constant 0 : i32
    %dma_wait3A_401 = tpu.memref_slice %arg5[%dma_wait3A_399, %add3A_352, %dma_wait3A_400] : memref<4x2048x2048xf32, #tpu.memory_space<hbm>> -> memref<1x8x2048xf32, #tpu.memory_space<hbm>>
    %dma_wait3A_402 = tpu.memref_squeeze %dma_wait3A_401 : memref<1x8x2048xf32, #tpu.memory_space<hbm>> -> memref<8x2048xf32, #tpu.memory_space<hbm>>
    %dma_wait3A_403 = arith.constant 0 : i32
    %dma_wait3A_404 = tpu.memref_slice %arg5[%dma_wait3A_399, %add3A_352, %dma_wait3A_403] : memref<4x2048x2048xf32, #tpu.memory_space<hbm>> -> memref<1x8x2048xf32, #tpu.memory_space<hbm>>
    %dma_wait3A_405 = tpu.memref_squeeze %dma_wait3A_404 : memref<1x8x2048xf32, #tpu.memory_space<hbm>> -> memref<8x2048xf32, #tpu.memory_space<hbm>>
    tpu.wait_dma2 semaphore(%arg20 : memref<!tpu.dma_semaphore, #tpu.memory_space<semaphore_mem>>) src(%arg8 : memref<8x2048xf32, #tpu.memory_space<vmem>>) dst(%dma_wait3A_405 : memref<8x2048xf32, #tpu.memory_space<hbm>>)
    %dma_start3A_406 = arith.constant 3 : i32
    %dma_start3A_407 = arith.constant 16 : i32
    %dma_start3A_408 = tpu.memref_slice %arg6[%dma_start3A_406, %dma_start3A_407] : memref<4x64xi32, #tpu.memory_space<vmem>> -> memref<1x8xi32, #tpu.memory_space<vmem>>
    %dma_start3A_409 = tpu.memref_squeeze %dma_start3A_408 : memref<1x8xi32, #tpu.memory_space<vmem>> -> memref<8xi32, #tpu.memory_space<vmem>>
    %dma_start3A_410 = arith.constant 0 : i32
    %dma_start3A_411 = arith.constant 0 : i32
    %dma_start3A_412 = tpu.memref_slice %arg2[%dma_start3A_410, %dma_start3A_411] : memref<100000x2048xf32, #tpu.memory_space<hbm>> -> memref<100000x2048xf32, #tpu.memory_space<hbm>>
    tpu.enqueue_indirect_dma source(%dma_start3A_412 : memref<100000x2048xf32, #tpu.memory_space<hbm>>) target(%arg8 : memref<8x2048xf32, #tpu.memory_space<vmem>>) offsets(%dma_start3A_409 : memref<8xi32, #tpu.memory_space<vmem>>) semaphore(%arg15 : memref<!tpu.dma_semaphore, #tpu.memory_space<semaphore_mem>>)
    %dma_wait3A_413 = arith.constant 0 : i32
    %dma_wait3A_414 = arith.constant 16 : i32
    %dma_wait3A_415 = tpu.memref_slice %arg6[%dma_wait3A_413, %dma_wait3A_414] : memref<4x64xi32, #tpu.memory_space<vmem>> -> memref<1x8xi32, #tpu.memory_space<vmem>>
    %dma_wait3A_416 = tpu.memref_squeeze %dma_wait3A_415 : memref<1x8xi32, #tpu.memory_space<vmem>> -> memref<8xi32, #tpu.memory_space<vmem>>
    %dma_wait3A_417 = arith.constant 0 : i32
    %dma_wait3A_418 = arith.constant 0 : i32
    %dma_wait3A_419 = tpu.memref_slice %arg2[%dma_wait3A_417, %dma_wait3A_418] : memref<100000x2048xf32, #tpu.memory_space<hbm>> -> memref<100000x2048xf32, #tpu.memory_space<hbm>>
    tpu.wait_indirect_dma semaphore(%arg17 : memref<!tpu.dma_semaphore, #tpu.memory_space<semaphore_mem>>) src(%dma_wait3A_419 : memref<100000x2048xf32, #tpu.memory_space<hbm>>) dst(%arg10 : memref<8x2048xf32, #tpu.memory_space<vmem>>)
    %dma_wait3A_420 = arith.constant 0 : i32
    %dma_wait3A_421 = tpu.memref_slice %arg4[%add3A_252, %dma_wait3A_420] : memref<2048x2048xf32, #tpu.memory_space<hbm>> -> memref<8x2048xf32, #tpu.memory_space<hbm>>
    %dma_wait3A_422 = arith.constant 0 : i32
    %dma_wait3A_423 = tpu.memref_slice %arg4[%add3A_252, %dma_wait3A_422] : memref<2048x2048xf32, #tpu.memory_space<hbm>> -> memref<8x2048xf32, #tpu.memory_space<hbm>>
    tpu.wait_dma2 semaphore(%arg24 : memref<!tpu.dma_semaphore, #tpu.memory_space<semaphore_mem>>) src(%dma_wait3A_423 : memref<8x2048xf32, #tpu.memory_space<hbm>>) dst(%arg12 : memref<8x2048xf32, #tpu.memory_space<vmem>>)
    %parallel_loop3A_424 = arith.constant 0 : i32
    %parallel_loop3A_425 = arith.constant 1024 : i32
    %parallel_loop3A_426 = arith.constant 1 : i32
    scf.for %parallel_loop3A_1232 = %parallel_loop3A_424 to %parallel_loop3A_425 step %parallel_loop3A_426  : i32 {
      %parallel_loop3A_1233 = arith.constant 7 : i32
      %parallel_loop3A_1234 = arith.shrsi %parallel_loop3A_1232, %parallel_loop3A_1233 : i32
      %parallel_loop3A_1235 = arith.constant 127 : i32
      %parallel_loop3A_1236 = arith.andi %parallel_loop3A_1232, %parallel_loop3A_1235 : i32
      %parallel_loop3A_1237 = arith.constant 16 : i32
      %parallel_loop3A_1238 = arith.muli %parallel_loop3A_1236, %parallel_loop3A_1237 : i32
      %parallel_loop3A_1239 = arith.index_cast %parallel_loop3A_1234 : i32 to index
      %parallel_loop3A_1240 = arith.index_cast %parallel_loop3A_1238 : i32 to index
      %parallel_loop3A_1241 = tpu.vector_load %arg10[%parallel_loop3A_1239, %parallel_loop3A_1240] {strides = array<i32>} : memref<8x2048xf32, #tpu.memory_space<vmem>>, vector<1x16xf32>,
      %parallel_loop3A_1242 = vector.shape_cast %parallel_loop3A_1241 : vector<1x16xf32> to vector<16xf32>
      %parallel_loop3A_1243 = arith.constant 0 : i32
      %parallel_loop3A_1244 = arith.addi %parallel_loop3A_1243, %parallel_loop3A_1234 : i32
      %parallel_loop3A_1245 = arith.index_cast %parallel_loop3A_1244 : i32 to index
      %parallel_loop3A_1246 = arith.index_cast %parallel_loop3A_1238 : i32 to index
      %parallel_loop3A_1247 = tpu.vector_load %arg12[%parallel_loop3A_1245, %parallel_loop3A_1246] {strides = array<i32>} : memref<8x2048xf32, #tpu.memory_space<vmem>>, vector<1x16xf32>,
      %parallel_loop3A_1248 = vector.shape_cast %parallel_loop3A_1247 : vector<1x16xf32> to vector<16xf32>
      %parallel_loop3A_1249 = arith.addf %parallel_loop3A_1242, %parallel_loop3A_1248 : vector<16xf32>
      %parallel_loop3A_1250 = arith.index_cast %parallel_loop3A_1234 : i32 to index
      %parallel_loop3A_1251 = arith.index_cast %parallel_loop3A_1238 : i32 to index
      %parallel_loop3A_1252 = tpu.vector_load %arg10[%parallel_loop3A_1250, %parallel_loop3A_1251] {strides = array<i32>} : memref<8x2048xf32, #tpu.memory_space<vmem>>, vector<1x16xf32>,
      %parallel_loop3A_1253 = vector.shape_cast %parallel_loop3A_1252 : vector<1x16xf32> to vector<16xf32>
      %parallel_loop3A_1254 = vector.shape_cast %parallel_loop3A_1249 : vector<16xf32> to vector<1x16xf32>
      tpu.vector_store %arg10[%parallel_loop3A_1250, %parallel_loop3A_1251], %parallel_loop3A_1254 {strides = array<i32>} : memref<8x2048xf32, #tpu.memory_space<vmem>>, vector<1x16xf32>,
    } {sc.loop_unroll_factor = 8 : i64, sc.parallel_access}
    %add3A_427 = arith.constant 16 : i32
    %add3A_428 = arith.addi %mul3A_2, %add3A_427 : i32
    %dma_start3A_429 = arith.constant 0 : i32
    %dma_start3A_430 = arith.constant 0 : i32
    %dma_start3A_431 = tpu.memref_slice %arg5[%dma_start3A_429, %add3A_428, %dma_start3A_430] : memref<4x2048x2048xf32, #tpu.memory_space<hbm>> -> memref<1x8x2048xf32, #tpu.memory_space<hbm>>
    %dma_start3A_432 = tpu.memref_squeeze %dma_start3A_431 : memref<1x8x2048xf32, #tpu.memory_space<hbm>> -> memref<8x2048xf32, #tpu.memory_space<hbm>>
    %dma_start3A_433 = arith.constant 0 : i32
    %dma_start3A_434 = tpu.memref_slice %arg5[%dma_start3A_429, %add3A_428, %dma_start3A_433] : memref<4x2048x2048xf32, #tpu.memory_space<hbm>> -> memref<1x8x2048xf32, #tpu.memory_space<hbm>>
    %dma_start3A_435 = tpu.memref_squeeze %dma_start3A_434 : memref<1x8x2048xf32, #tpu.memory_space<hbm>> -> memref<8x2048xf32, #tpu.memory_space<hbm>>
    tpu.enqueue_dma source(%arg10 : memref<8x2048xf32, #tpu.memory_space<vmem>>) target(%dma_start3A_435 : memref<8x2048xf32, #tpu.memory_space<hbm>>) target_semaphore(%arg22 : memref<!tpu.dma_semaphore, #tpu.memory_space<semaphore_mem>>)
    %dma_wait3A_436 = arith.constant 3 : i32
    %dma_wait3A_437 = arith.constant 0 : i32
    %dma_wait3A_438 = tpu.memref_slice %arg5[%dma_wait3A_436, %add3A_385, %dma_wait3A_437] : memref<4x2048x2048xf32, #tpu.memory_space<hbm>> -> memref<1x8x2048xf32, #tpu.memory_space<hbm>>
    %dma_wait3A_439 = tpu.memref_squeeze %dma_wait3A_438 : memref<1x8x2048xf32, #tpu.memory_space<hbm>> -> memref<8x2048xf32, #tpu.memory_space<hbm>>
    %dma_wait3A_440 = arith.constant 0 : i32
    %dma_wait3A_441 = tpu.memref_slice %arg5[%dma_wait3A_436, %add3A_385, %dma_wait3A_440] : memref<4x2048x2048xf32, #tpu.memory_space<hbm>> -> memref<1x8x2048xf32, #tpu.memory_space<hbm>>
    %dma_wait3A_442 = tpu.memref_squeeze %dma_wait3A_441 : memref<1x8x2048xf32, #tpu.memory_space<hbm>> -> memref<8x2048xf32, #tpu.memory_space<hbm>>
    tpu.wait_dma2 semaphore(%arg21 : memref<!tpu.dma_semaphore, #tpu.memory_space<semaphore_mem>>) src(%arg9 : memref<8x2048xf32, #tpu.memory_space<vmem>>) dst(%dma_wait3A_442 : memref<8x2048xf32, #tpu.memory_space<hbm>>)
    %dma_start3A_443 = arith.constant 0 : i32
    %dma_start3A_444 = arith.constant 24 : i32
    %dma_start3A_445 = tpu.memref_slice %arg6[%dma_start3A_443, %dma_start3A_444] : memref<4x64xi32, #tpu.memory_space<vmem>> -> memref<1x8xi32, #tpu.memory_space<vmem>>
    %dma_start3A_446 = tpu.memref_squeeze %dma_start3A_445 : memref<1x8xi32, #tpu.memory_space<vmem>> -> memref<8xi32, #tpu.memory_space<vmem>>
    %dma_start3A_447 = arith.constant 0 : i32
    %dma_start3A_448 = arith.constant 0 : i32
    %dma_start3A_449 = tpu.memref_slice %arg2[%dma_start3A_447, %dma_start3A_448] : memref<100000x2048xf32, #tpu.memory_space<hbm>> -> memref<100000x2048xf32, #tpu.memory_space<hbm>>
    tpu.enqueue_indirect_dma source(%dma_start3A_449 : memref<100000x2048xf32, #tpu.memory_space<hbm>>) target(%arg9 : memref<8x2048xf32, #tpu.memory_space<vmem>>) offsets(%dma_start3A_446 : memref<8xi32, #tpu.memory_space<vmem>>) semaphore(%arg16 : memref<!tpu.dma_semaphore, #tpu.memory_space<semaphore_mem>>)
    %dma_wait3A_450 = arith.constant 1 : i32
    %dma_wait3A_451 = arith.constant 16 : i32
    %dma_wait3A_452 = tpu.memref_slice %arg6[%dma_wait3A_450, %dma_wait3A_451] : memref<4x64xi32, #tpu.memory_space<vmem>> -> memref<1x8xi32, #tpu.memory_space<vmem>>
    %dma_wait3A_453 = tpu.memref_squeeze %dma_wait3A_452 : memref<1x8xi32, #tpu.memory_space<vmem>> -> memref<8xi32, #tpu.memory_space<vmem>>
    %dma_wait3A_454 = arith.constant 0 : i32
    %dma_wait3A_455 = arith.constant 0 : i32
    %dma_wait3A_456 = tpu.memref_slice %arg2[%dma_wait3A_454, %dma_wait3A_455] : memref<100000x2048xf32, #tpu.memory_space<hbm>> -> memref<100000x2048xf32, #tpu.memory_space<hbm>>
    tpu.wait_indirect_dma semaphore(%arg18 : memref<!tpu.dma_semaphore, #tpu.memory_space<semaphore_mem>>) src(%dma_wait3A_456 : memref<100000x2048xf32, #tpu.memory_space<hbm>>) dst(%arg11 : memref<8x2048xf32, #tpu.memory_space<vmem>>)
    %parallel_loop3A_457 = arith.constant 0 : i32
    %parallel_loop3A_458 = arith.constant 1024 : i32
    %parallel_loop3A_459 = arith.constant 1 : i32
    scf.for %parallel_loop3A_1232 = %parallel_loop3A_457 to %parallel_loop3A_458 step %parallel_loop3A_459  : i32 {
      %parallel_loop3A_1233 = arith.constant 7 : i32
      %parallel_loop3A_1234 = arith.shrsi %parallel_loop3A_1232, %parallel_loop3A_1233 : i32
      %parallel_loop3A_1235 = arith.constant 127 : i32
      %parallel_loop3A_1236 = arith.andi %parallel_loop3A_1232, %parallel_loop3A_1235 : i32
      %parallel_loop3A_1237 = arith.constant 16 : i32
      %parallel_loop3A_1238 = arith.muli %parallel_loop3A_1236, %parallel_loop3A_1237 : i32
      %parallel_loop3A_1239 = arith.index_cast %parallel_loop3A_1234 : i32 to index
      %parallel_loop3A_1240 = arith.index_cast %parallel_loop3A_1238 : i32 to index
      %parallel_loop3A_1241 = tpu.vector_load %arg11[%parallel_loop3A_1239, %parallel_loop3A_1240] {strides = array<i32>} : memref<8x2048xf32, #tpu.memory_space<vmem>>, vector<1x16xf32>,
      %parallel_loop3A_1242 = vector.shape_cast %parallel_loop3A_1241 : vector<1x16xf32> to vector<16xf32>
      %parallel_loop3A_1243 = arith.constant 0 : i32
      %parallel_loop3A_1244 = arith.addi %parallel_loop3A_1243, %parallel_loop3A_1234 : i32
      %parallel_loop3A_1245 = arith.index_cast %parallel_loop3A_1244 : i32 to index
      %parallel_loop3A_1246 = arith.index_cast %parallel_loop3A_1238 : i32 to index
      %parallel_loop3A_1247 = tpu.vector_load %arg12[%parallel_loop3A_1245, %parallel_loop3A_1246] {strides = array<i32>} : memref<8x2048xf32, #tpu.memory_space<vmem>>, vector<1x16xf32>,
      %parallel_loop3A_1248 = vector.shape_cast %parallel_loop3A_1247 : vector<1x16xf32> to vector<16xf32>
      %parallel_loop3A_1249 = arith.addf %parallel_loop3A_1242, %parallel_loop3A_1248 : vector<16xf32>
      %parallel_loop3A_1250 = arith.index_cast %parallel_loop3A_1234 : i32 to index
      %parallel_loop3A_1251 = arith.index_cast %parallel_loop3A_1238 : i32 to index
      %parallel_loop3A_1252 = tpu.vector_load %arg11[%parallel_loop3A_1250, %parallel_loop3A_1251] {strides = array<i32>} : memref<8x2048xf32, #tpu.memory_space<vmem>>, vector<1x16xf32>,
      %parallel_loop3A_1253 = vector.shape_cast %parallel_loop3A_1252 : vector<1x16xf32> to vector<16xf32>
      %parallel_loop3A_1254 = vector.shape_cast %parallel_loop3A_1249 : vector<16xf32> to vector<1x16xf32>
      tpu.vector_store %arg11[%parallel_loop3A_1250, %parallel_loop3A_1251], %parallel_loop3A_1254 {strides = array<i32>} : memref<8x2048xf32, #tpu.memory_space<vmem>>, vector<1x16xf32>,
    } {sc.loop_unroll_factor = 8 : i64, sc.parallel_access}
    %add3A_460 = arith.constant 16 : i32
    %add3A_461 = arith.addi %mul3A_2, %add3A_460 : i32
    %dma_start3A_462 = arith.constant 1 : i32
    %dma_start3A_463 = arith.constant 0 : i32
    %dma_start3A_464 = tpu.memref_slice %arg5[%dma_start3A_462, %add3A_461, %dma_start3A_463] : memref<4x2048x2048xf32, #tpu.memory_space<hbm>> -> memref<1x8x2048xf32, #tpu.memory_space<hbm>>
    %dma_start3A_465 = tpu.memref_squeeze %dma_start3A_464 : memref<1x8x2048xf32, #tpu.memory_space<hbm>> -> memref<8x2048xf32, #tpu.memory_space<hbm>>
    %dma_start3A_466 = arith.constant 0 : i32
    %dma_start3A_467 = tpu.memref_slice %arg5[%dma_start3A_462, %add3A_461, %dma_start3A_466] : memref<4x2048x2048xf32, #tpu.memory_space<hbm>> -> memref<1x8x2048xf32, #tpu.memory_space<hbm>>
    %dma_start3A_468 = tpu.memref_squeeze %dma_start3A_467 : memref<1x8x2048xf32, #tpu.memory_space<hbm>> -> memref<8x2048xf32, #tpu.memory_space<hbm>>
    tpu.enqueue_dma source(%arg11 : memref<8x2048xf32, #tpu.memory_space<vmem>>) target(%dma_start3A_468 : memref<8x2048xf32, #tpu.memory_space<hbm>>) target_semaphore(%arg23 : memref<!tpu.dma_semaphore, #tpu.memory_space<semaphore_mem>>)
    %dma_wait3A_469 = arith.constant 0 : i32
    %dma_wait3A_470 = arith.constant 0 : i32
    %dma_wait3A_471 = tpu.memref_slice %arg5[%dma_wait3A_469, %add3A_428, %dma_wait3A_470] : memref<4x2048x2048xf32, #tpu.memory_space<hbm>> -> memref<1x8x2048xf32, #tpu.memory_space<hbm>>
    %dma_wait3A_472 = tpu.memref_squeeze %dma_wait3A_471 : memref<1x8x2048xf32, #tpu.memory_space<hbm>> -> memref<8x2048xf32, #tpu.memory_space<hbm>>
    %dma_wait3A_473 = arith.constant 0 : i32
    %dma_wait3A_474 = tpu.memref_slice %arg5[%dma_wait3A_469, %add3A_428, %dma_wait3A_473] : memref<4x2048x2048xf32, #tpu.memory_space<hbm>> -> memref<1x8x2048xf32, #tpu.memory_space<hbm>>
    %dma_wait3A_475 = tpu.memref_squeeze %dma_wait3A_474 : memref<1x8x2048xf32, #tpu.memory_space<hbm>> -> memref<8x2048xf32, #tpu.memory_space<hbm>>
    tpu.wait_dma2 semaphore(%arg22 : memref<!tpu.dma_semaphore, #tpu.memory_space<semaphore_mem>>) src(%arg10 : memref<8x2048xf32, #tpu.memory_space<vmem>>) dst(%dma_wait3A_475 : memref<8x2048xf32, #tpu.memory_space<hbm>>)
    %dma_start3A_476 = arith.constant 1 : i32
    %dma_start3A_477 = arith.constant 24 : i32
    %dma_start3A_478 = tpu.memref_slice %arg6[%dma_start3A_476, %dma_start3A_477] : memref<4x64xi32, #tpu.memory_space<vmem>> -> memref<1x8xi32, #tpu.memory_space<vmem>>
    %dma_start3A_479 = tpu.memref_squeeze %dma_start3A_478 : memref<1x8xi32, #tpu.memory_space<vmem>> -> memref<8xi32, #tpu.memory_space<vmem>>
    %dma_start3A_480 = arith.constant 0 : i32
    %dma_start3A_481 = arith.constant 0 : i32
    %dma_start3A_482 = tpu.memref_slice %arg2[%dma_start3A_480, %dma_start3A_481] : memref<100000x2048xf32, #tpu.memory_space<hbm>> -> memref<100000x2048xf32, #tpu.memory_space<hbm>>
    tpu.enqueue_indirect_dma source(%dma_start3A_482 : memref<100000x2048xf32, #tpu.memory_space<hbm>>) target(%arg10 : memref<8x2048xf32, #tpu.memory_space<vmem>>) offsets(%dma_start3A_479 : memref<8xi32, #tpu.memory_space<vmem>>) semaphore(%arg17 : memref<!tpu.dma_semaphore, #tpu.memory_space<semaphore_mem>>)
    %dma_wait3A_483 = arith.constant 2 : i32
    %dma_wait3A_484 = arith.constant 16 : i32
    %dma_wait3A_485 = tpu.memref_slice %arg6[%dma_wait3A_483, %dma_wait3A_484] : memref<4x64xi32, #tpu.memory_space<vmem>> -> memref<1x8xi32, #tpu.memory_space<vmem>>
    %dma_wait3A_486 = tpu.memref_squeeze %dma_wait3A_485 : memref<1x8xi32, #tpu.memory_space<vmem>> -> memref<8xi32, #tpu.memory_space<vmem>>
    %dma_wait3A_487 = arith.constant 0 : i32
    %dma_wait3A_488 = arith.constant 0 : i32
    %dma_wait3A_489 = tpu.memref_slice %arg2[%dma_wait3A_487, %dma_wait3A_488] : memref<100000x2048xf32, #tpu.memory_space<hbm>> -> memref<100000x2048xf32, #tpu.memory_space<hbm>>
    tpu.wait_indirect_dma semaphore(%arg14 : memref<!tpu.dma_semaphore, #tpu.memory_space<semaphore_mem>>) src(%dma_wait3A_489 : memref<100000x2048xf32, #tpu.memory_space<hbm>>) dst(%arg7 : memref<8x2048xf32, #tpu.memory_space<vmem>>)
    %parallel_loop3A_490 = arith.constant 0 : i32
    %parallel_loop3A_491 = arith.constant 1024 : i32
    %parallel_loop3A_492 = arith.constant 1 : i32
    scf.for %parallel_loop3A_1232 = %parallel_loop3A_490 to %parallel_loop3A_491 step %parallel_loop3A_492  : i32 {
      %parallel_loop3A_1233 = arith.constant 7 : i32
      %parallel_loop3A_1234 = arith.shrsi %parallel_loop3A_1232, %parallel_loop3A_1233 : i32
      %parallel_loop3A_1235 = arith.constant 127 : i32
      %parallel_loop3A_1236 = arith.andi %parallel_loop3A_1232, %parallel_loop3A_1235 : i32
      %parallel_loop3A_1237 = arith.constant 16 : i32
      %parallel_loop3A_1238 = arith.muli %parallel_loop3A_1236, %parallel_loop3A_1237 : i32
      %parallel_loop3A_1239 = arith.index_cast %parallel_loop3A_1234 : i32 to index
      %parallel_loop3A_1240 = arith.index_cast %parallel_loop3A_1238 : i32 to index
      %parallel_loop3A_1241 = tpu.vector_load %arg7[%parallel_loop3A_1239, %parallel_loop3A_1240] {strides = array<i32>} : memref<8x2048xf32, #tpu.memory_space<vmem>>, vector<1x16xf32>,
      %parallel_loop3A_1242 = vector.shape_cast %parallel_loop3A_1241 : vector<1x16xf32> to vector<16xf32>
      %parallel_loop3A_1243 = arith.constant 0 : i32
      %parallel_loop3A_1244 = arith.addi %parallel_loop3A_1243, %parallel_loop3A_1234 : i32
      %parallel_loop3A_1245 = arith.index_cast %parallel_loop3A_1244 : i32 to index
      %parallel_loop3A_1246 = arith.index_cast %parallel_loop3A_1238 : i32 to index
      %parallel_loop3A_1247 = tpu.vector_load %arg12[%parallel_loop3A_1245, %parallel_loop3A_1246] {strides = array<i32>} : memref<8x2048xf32, #tpu.memory_space<vmem>>, vector<1x16xf32>,
      %parallel_loop3A_1248 = vector.shape_cast %parallel_loop3A_1247 : vector<1x16xf32> to vector<16xf32>
      %parallel_loop3A_1249 = arith.addf %parallel_loop3A_1242, %parallel_loop3A_1248 : vector<16xf32>
      %parallel_loop3A_1250 = arith.index_cast %parallel_loop3A_1234 : i32 to index
      %parallel_loop3A_1251 = arith.index_cast %parallel_loop3A_1238 : i32 to index
      %parallel_loop3A_1252 = tpu.vector_load %arg7[%parallel_loop3A_1250, %parallel_loop3A_1251] {strides = array<i32>} : memref<8x2048xf32, #tpu.memory_space<vmem>>, vector<1x16xf32>,
      %parallel_loop3A_1253 = vector.shape_cast %parallel_loop3A_1252 : vector<1x16xf32> to vector<16xf32>
      %parallel_loop3A_1254 = vector.shape_cast %parallel_loop3A_1249 : vector<16xf32> to vector<1x16xf32>
      tpu.vector_store %arg7[%parallel_loop3A_1250, %parallel_loop3A_1251], %parallel_loop3A_1254 {strides = array<i32>} : memref<8x2048xf32, #tpu.memory_space<vmem>>, vector<1x16xf32>,
    } {sc.loop_unroll_factor = 8 : i64, sc.parallel_access}
    %add3A_493 = arith.constant 16 : i32
    %add3A_494 = arith.addi %mul3A_2, %add3A_493 : i32
    %dma_start3A_495 = arith.constant 2 : i32
    %dma_start3A_496 = arith.constant 0 : i32
    %dma_start3A_497 = tpu.memref_slice %arg5[%dma_start3A_495, %add3A_494, %dma_start3A_496] : memref<4x2048x2048xf32, #tpu.memory_space<hbm>> -> memref<1x8x2048xf32, #tpu.memory_space<hbm>>
    %dma_start3A_498 = tpu.memref_squeeze %dma_start3A_497 : memref<1x8x2048xf32, #tpu.memory_space<hbm>> -> memref<8x2048xf32, #tpu.memory_space<hbm>>
    %dma_start3A_499 = arith.constant 0 : i32
    %dma_start3A_500 = tpu.memref_slice %arg5[%dma_start3A_495, %add3A_494, %dma_start3A_499] : memref<4x2048x2048xf32, #tpu.memory_space<hbm>> -> memref<1x8x2048xf32, #tpu.memory_space<hbm>>
    %dma_start3A_501 = tpu.memref_squeeze %dma_start3A_500 : memref<1x8x2048xf32, #tpu.memory_space<hbm>> -> memref<8x2048xf32, #tpu.memory_space<hbm>>
    tpu.enqueue_dma source(%arg7 : memref<8x2048xf32, #tpu.memory_space<vmem>>) target(%dma_start3A_501 : memref<8x2048xf32, #tpu.memory_space<hbm>>) target_semaphore(%arg19 : memref<!tpu.dma_semaphore, #tpu.memory_space<semaphore_mem>>)
    %dma_wait3A_502 = arith.constant 1 : i32
    %dma_wait3A_503 = arith.constant 0 : i32
    %dma_wait3A_504 = tpu.memref_slice %arg5[%dma_wait3A_502, %add3A_461, %dma_wait3A_503] : memref<4x2048x2048xf32, #tpu.memory_space<hbm>> -> memref<1x8x2048xf32, #tpu.memory_space<hbm>>
    %dma_wait3A_505 = tpu.memref_squeeze %dma_wait3A_504 : memref<1x8x2048xf32, #tpu.memory_space<hbm>> -> memref<8x2048xf32, #tpu.memory_space<hbm>>
    %dma_wait3A_506 = arith.constant 0 : i32
    %dma_wait3A_507 = tpu.memref_slice %arg5[%dma_wait3A_502, %add3A_461, %dma_wait3A_506] : memref<4x2048x2048xf32, #tpu.memory_space<hbm>> -> memref<1x8x2048xf32, #tpu.memory_space<hbm>>
    %dma_wait3A_508 = tpu.memref_squeeze %dma_wait3A_507 : memref<1x8x2048xf32, #tpu.memory_space<hbm>> -> memref<8x2048xf32, #tpu.memory_space<hbm>>
    tpu.wait_dma2 semaphore(%arg23 : memref<!tpu.dma_semaphore, #tpu.memory_space<semaphore_mem>>) src(%arg11 : memref<8x2048xf32, #tpu.memory_space<vmem>>) dst(%dma_wait3A_508 : memref<8x2048xf32, #tpu.memory_space<hbm>>)
    %dma_start3A_509 = arith.constant 2 : i32
    %dma_start3A_510 = arith.constant 24 : i32
    %dma_start3A_511 = tpu.memref_slice %arg6[%dma_start3A_509, %dma_start3A_510] : memref<4x64xi32, #tpu.memory_space<vmem>> -> memref<1x8xi32, #tpu.memory_space<vmem>>
    %dma_start3A_512 = tpu.memref_squeeze %dma_start3A_511 : memref<1x8xi32, #tpu.memory_space<vmem>> -> memref<8xi32, #tpu.memory_space<vmem>>
    %dma_start3A_513 = arith.constant 0 : i32
    %dma_start3A_514 = arith.constant 0 : i32
    %dma_start3A_515 = tpu.memref_slice %arg2[%dma_start3A_513, %dma_start3A_514] : memref<100000x2048xf32, #tpu.memory_space<hbm>> -> memref<100000x2048xf32, #tpu.memory_space<hbm>>
    tpu.enqueue_indirect_dma source(%dma_start3A_515 : memref<100000x2048xf32, #tpu.memory_space<hbm>>) target(%arg11 : memref<8x2048xf32, #tpu.memory_space<vmem>>) offsets(%dma_start3A_512 : memref<8xi32, #tpu.memory_space<vmem>>) semaphore(%arg18 : memref<!tpu.dma_semaphore, #tpu.memory_space<semaphore_mem>>)
    %dma_wait3A_516 = arith.constant 3 : i32
    %dma_wait3A_517 = arith.constant 16 : i32
    %dma_wait3A_518 = tpu.memref_slice %arg6[%dma_wait3A_516, %dma_wait3A_517] : memref<4x64xi32, #tpu.memory_space<vmem>> -> memref<1x8xi32, #tpu.memory_space<vmem>>
    %dma_wait3A_519 = tpu.memref_squeeze %dma_wait3A_518 : memref<1x8xi32, #tpu.memory_space<vmem>> -> memref<8xi32, #tpu.memory_space<vmem>>
    %dma_wait3A_520 = arith.constant 0 : i32
    %dma_wait3A_521 = arith.constant 0 : i32
    %dma_wait3A_522 = tpu.memref_slice %arg2[%dma_wait3A_520, %dma_wait3A_521] : memref<100000x2048xf32, #tpu.memory_space<hbm>> -> memref<100000x2048xf32, #tpu.memory_space<hbm>>
    tpu.wait_indirect_dma semaphore(%arg15 : memref<!tpu.dma_semaphore, #tpu.memory_space<semaphore_mem>>) src(%dma_wait3A_522 : memref<100000x2048xf32, #tpu.memory_space<hbm>>) dst(%arg8 : memref<8x2048xf32, #tpu.memory_space<vmem>>)
    %parallel_loop3A_523 = arith.constant 0 : i32
    %parallel_loop3A_524 = arith.constant 1024 : i32
    %parallel_loop3A_525 = arith.constant 1 : i32
    scf.for %parallel_loop3A_1232 = %parallel_loop3A_523 to %parallel_loop3A_524 step %parallel_loop3A_525  : i32 {
      %parallel_loop3A_1233 = arith.constant 7 : i32
      %parallel_loop3A_1234 = arith.shrsi %parallel_loop3A_1232, %parallel_loop3A_1233 : i32
      %parallel_loop3A_1235 = arith.constant 127 : i32
      %parallel_loop3A_1236 = arith.andi %parallel_loop3A_1232, %parallel_loop3A_1235 : i32
      %parallel_loop3A_1237 = arith.constant 16 : i32
      %parallel_loop3A_1238 = arith.muli %parallel_loop3A_1236, %parallel_loop3A_1237 : i32
      %parallel_loop3A_1239 = arith.index_cast %parallel_loop3A_1234 : i32 to index
      %parallel_loop3A_1240 = arith.index_cast %parallel_loop3A_1238 : i32 to index
      %parallel_loop3A_1241 = tpu.vector_load %arg8[%parallel_loop3A_1239, %parallel_loop3A_1240] {strides = array<i32>} : memref<8x2048xf32, #tpu.memory_space<vmem>>, vector<1x16xf32>,
      %parallel_loop3A_1242 = vector.shape_cast %parallel_loop3A_1241 : vector<1x16xf32> to vector<16xf32>
      %parallel_loop3A_1243 = arith.constant 0 : i32
      %parallel_loop3A_1244 = arith.addi %parallel_loop3A_1243, %parallel_loop3A_1234 : i32
      %parallel_loop3A_1245 = arith.index_cast %parallel_loop3A_1244 : i32 to index
      %parallel_loop3A_1246 = arith.index_cast %parallel_loop3A_1238 : i32 to index
      %parallel_loop3A_1247 = tpu.vector_load %arg12[%parallel_loop3A_1245, %parallel_loop3A_1246] {strides = array<i32>} : memref<8x2048xf32, #tpu.memory_space<vmem>>, vector<1x16xf32>,
      %parallel_loop3A_1248 = vector.shape_cast %parallel_loop3A_1247 : vector<1x16xf32> to vector<16xf32>
      %parallel_loop3A_1249 = arith.addf %parallel_loop3A_1242, %parallel_loop3A_1248 : vector<16xf32>
      %parallel_loop3A_1250 = arith.index_cast %parallel_loop3A_1234 : i32 to index
      %parallel_loop3A_1251 = arith.index_cast %parallel_loop3A_1238 : i32 to index
      %parallel_loop3A_1252 = tpu.vector_load %arg8[%parallel_loop3A_1250, %parallel_loop3A_1251] {strides = array<i32>} : memref<8x2048xf32, #tpu.memory_space<vmem>>, vector<1x16xf32>,
      %parallel_loop3A_1253 = vector.shape_cast %parallel_loop3A_1252 : vector<1x16xf32> to vector<16xf32>
      %parallel_loop3A_1254 = vector.shape_cast %parallel_loop3A_1249 : vector<16xf32> to vector<1x16xf32>
      tpu.vector_store %arg8[%parallel_loop3A_1250, %parallel_loop3A_1251], %parallel_loop3A_1254 {strides = array<i32>} : memref<8x2048xf32, #tpu.memory_space<vmem>>, vector<1x16xf32>,
    } {sc.loop_unroll_factor = 8 : i64, sc.parallel_access}
    %add3A_526 = arith.constant 16 : i32
    %add3A_527 = arith.addi %mul3A_2, %add3A_526 : i32
    %dma_start3A_528 = arith.constant 3 : i32
    %dma_start3A_529 = arith.constant 0 : i32
    %dma_start3A_530 = tpu.memref_slice %arg5[%dma_start3A_528, %add3A_527, %dma_start3A_529] : memref<4x2048x2048xf32, #tpu.memory_space<hbm>> -> memref<1x8x2048xf32, #tpu.memory_space<hbm>>
    %dma_start3A_531 = tpu.memref_squeeze %dma_start3A_530 : memref<1x8x2048xf32, #tpu.memory_space<hbm>> -> memref<8x2048xf32, #tpu.memory_space<hbm>>
    %dma_start3A_532 = arith.constant 0 : i32
    %dma_start3A_533 = tpu.memref_slice %arg5[%dma_start3A_528, %add3A_527, %dma_start3A_532] : memref<4x2048x2048xf32, #tpu.memory_space<hbm>> -> memref<1x8x2048xf32, #tpu.memory_space<hbm>>
    %dma_start3A_534 = tpu.memref_squeeze %dma_start3A_533 : memref<1x8x2048xf32, #tpu.memory_space<hbm>> -> memref<8x2048xf32, #tpu.memory_space<hbm>>
    tpu.enqueue_dma source(%arg8 : memref<8x2048xf32, #tpu.memory_space<vmem>>) target(%dma_start3A_534 : memref<8x2048xf32, #tpu.memory_space<hbm>>) target_semaphore(%arg20 : memref<!tpu.dma_semaphore, #tpu.memory_space<semaphore_mem>>)
    %add3A_535 = arith.constant 32 : i32
    %add3A_536 = arith.addi %mul3A_2, %add3A_535 : i32
    %dma_start3A_537 = arith.constant 0 : i32
    %dma_start3A_538 = tpu.memref_slice %arg4[%add3A_536, %dma_start3A_537] : memref<2048x2048xf32, #tpu.memory_space<hbm>> -> memref<8x2048xf32, #tpu.memory_space<hbm>>
    %dma_start3A_539 = arith.constant 0 : i32
    %dma_start3A_540 = tpu.memref_slice %arg4[%add3A_536, %dma_start3A_539] : memref<2048x2048xf32, #tpu.memory_space<hbm>> -> memref<8x2048xf32, #tpu.memory_space<hbm>>
    tpu.enqueue_dma source(%dma_start3A_540 : memref<8x2048xf32, #tpu.memory_space<hbm>>) target(%arg12 : memref<8x2048xf32, #tpu.memory_space<vmem>>) target_semaphore(%arg24 : memref<!tpu.dma_semaphore, #tpu.memory_space<semaphore_mem>>)
    %dma_wait3A_541 = arith.constant 2 : i32
    %dma_wait3A_542 = arith.constant 0 : i32
    %dma_wait3A_543 = tpu.memref_slice %arg5[%dma_wait3A_541, %add3A_494, %dma_wait3A_542] : memref<4x2048x2048xf32, #tpu.memory_space<hbm>> -> memref<1x8x2048xf32, #tpu.memory_space<hbm>>
    %dma_wait3A_544 = tpu.memref_squeeze %dma_wait3A_543 : memref<1x8x2048xf32, #tpu.memory_space<hbm>> -> memref<8x2048xf32, #tpu.memory_space<hbm>>
    %dma_wait3A_545 = arith.constant 0 : i32
    %dma_wait3A_546 = tpu.memref_slice %arg5[%dma_wait3A_541, %add3A_494, %dma_wait3A_545] : memref<4x2048x2048xf32, #tpu.memory_space<hbm>> -> memref<1x8x2048xf32, #tpu.memory_space<hbm>>
    %dma_wait3A_547 = tpu.memref_squeeze %dma_wait3A_546 : memref<1x8x2048xf32, #tpu.memory_space<hbm>> -> memref<8x2048xf32, #tpu.memory_space<hbm>>
    tpu.wait_dma2 semaphore(%arg19 : memref<!tpu.dma_semaphore, #tpu.memory_space<semaphore_mem>>) src(%arg7 : memref<8x2048xf32, #tpu.memory_space<vmem>>) dst(%dma_wait3A_547 : memref<8x2048xf32, #tpu.memory_space<hbm>>)
    %dma_start3A_548 = arith.constant 3 : i32
    %dma_start3A_549 = arith.constant 24 : i32
    %dma_start3A_550 = tpu.memref_slice %arg6[%dma_start3A_548, %dma_start3A_549] : memref<4x64xi32, #tpu.memory_space<vmem>> -> memref<1x8xi32, #tpu.memory_space<vmem>>
    %dma_start3A_551 = tpu.memref_squeeze %dma_start3A_550 : memref<1x8xi32, #tpu.memory_space<vmem>> -> memref<8xi32, #tpu.memory_space<vmem>>
    %dma_start3A_552 = arith.constant 0 : i32
    %dma_start3A_553 = arith.constant 0 : i32
    %dma_start3A_554 = tpu.memref_slice %arg2[%dma_start3A_552, %dma_start3A_553] : memref<100000x2048xf32, #tpu.memory_space<hbm>> -> memref<100000x2048xf32, #tpu.memory_space<hbm>>
    tpu.enqueue_indirect_dma source(%dma_start3A_554 : memref<100000x2048xf32, #tpu.memory_space<hbm>>) target(%arg7 : memref<8x2048xf32, #tpu.memory_space<vmem>>) offsets(%dma_start3A_551 : memref<8xi32, #tpu.memory_space<vmem>>) semaphore(%arg14 : memref<!tpu.dma_semaphore, #tpu.memory_space<semaphore_mem>>)
    %dma_wait3A_555 = arith.constant 0 : i32
    %dma_wait3A_556 = arith.constant 24 : i32
    %dma_wait3A_557 = tpu.memref_slice %arg6[%dma_wait3A_555, %dma_wait3A_556] : memref<4x64xi32, #tpu.memory_space<vmem>> -> memref<1x8xi32, #tpu.memory_space<vmem>>
    %dma_wait3A_558 = tpu.memref_squeeze %dma_wait3A_557 : memref<1x8xi32, #tpu.memory_space<vmem>> -> memref<8xi32, #tpu.memory_space<vmem>>
    %dma_wait3A_559 = arith.constant 0 : i32
    %dma_wait3A_560 = arith.constant 0 : i32
    %dma_wait3A_561 = tpu.memref_slice %arg2[%dma_wait3A_559, %dma_wait3A_560] : memref<100000x2048xf32, #tpu.memory_space<hbm>> -> memref<100000x2048xf32, #tpu.memory_space<hbm>>
    tpu.wait_indirect_dma semaphore(%arg16 : memref<!tpu.dma_semaphore, #tpu.memory_space<semaphore_mem>>) src(%dma_wait3A_561 : memref<100000x2048xf32, #tpu.memory_space<hbm>>) dst(%arg9 : memref<8x2048xf32, #tpu.memory_space<vmem>>)
    %dma_wait3A_562 = arith.constant 0 : i32
    %dma_wait3A_563 = tpu.memref_slice %arg4[%add3A_394, %dma_wait3A_562] : memref<2048x2048xf32, #tpu.memory_space<hbm>> -> memref<8x2048xf32, #tpu.memory_space<hbm>>
    %dma_wait3A_564 = arith.constant 0 : i32
    %dma_wait3A_565 = tpu.memref_slice %arg4[%add3A_394, %dma_wait3A_564] : memref<2048x2048xf32, #tpu.memory_space<hbm>> -> memref<8x2048xf32, #tpu.memory_space<hbm>>
    tpu.wait_dma2 semaphore(%arg25 : memref<!tpu.dma_semaphore, #tpu.memory_space<semaphore_mem>>) src(%dma_wait3A_565 : memref<8x2048xf32, #tpu.memory_space<hbm>>) dst(%arg13 : memref<8x2048xf32, #tpu.memory_space<vmem>>)
    %parallel_loop3A_566 = arith.constant 0 : i32
    %parallel_loop3A_567 = arith.constant 1024 : i32
    %parallel_loop3A_568 = arith.constant 1 : i32
    scf.for %parallel_loop3A_1232 = %parallel_loop3A_566 to %parallel_loop3A_567 step %parallel_loop3A_568  : i32 {
      %parallel_loop3A_1233 = arith.constant 7 : i32
      %parallel_loop3A_1234 = arith.shrsi %parallel_loop3A_1232, %parallel_loop3A_1233 : i32
      %parallel_loop3A_1235 = arith.constant 127 : i32
      %parallel_loop3A_1236 = arith.andi %parallel_loop3A_1232, %parallel_loop3A_1235 : i32
      %parallel_loop3A_1237 = arith.constant 16 : i32
      %parallel_loop3A_1238 = arith.muli %parallel_loop3A_1236, %parallel_loop3A_1237 : i32
      %parallel_loop3A_1239 = arith.index_cast %parallel_loop3A_1234 : i32 to index
      %parallel_loop3A_1240 = arith.index_cast %parallel_loop3A_1238 : i32 to index
      %parallel_loop3A_1241 = tpu.vector_load %arg9[%parallel_loop3A_1239, %parallel_loop3A_1240] {strides = array<i32>} : memref<8x2048xf32, #tpu.memory_space<vmem>>, vector<1x16xf32>,
      %parallel_loop3A_1242 = vector.shape_cast %parallel_loop3A_1241 : vector<1x16xf32> to vector<16xf32>
      %parallel_loop3A_1243 = arith.constant 0 : i32
      %parallel_loop3A_1244 = arith.addi %parallel_loop3A_1243, %parallel_loop3A_1234 : i32
      %parallel_loop3A_1245 = arith.index_cast %parallel_loop3A_1244 : i32 to index
      %parallel_loop3A_1246 = arith.index_cast %parallel_loop3A_1238 : i32 to index
      %parallel_loop3A_1247 = tpu.vector_load %arg13[%parallel_loop3A_1245, %parallel_loop3A_1246] {strides = array<i32>} : memref<8x2048xf32, #tpu.memory_space<vmem>>, vector<1x16xf32>,
      %parallel_loop3A_1248 = vector.shape_cast %parallel_loop3A_1247 : vector<1x16xf32> to vector<16xf32>
      %parallel_loop3A_1249 = arith.addf %parallel_loop3A_1242, %parallel_loop3A_1248 : vector<16xf32>
      %parallel_loop3A_1250 = arith.index_cast %parallel_loop3A_1234 : i32 to index
      %parallel_loop3A_1251 = arith.index_cast %parallel_loop3A_1238 : i32 to index
      %parallel_loop3A_1252 = tpu.vector_load %arg9[%parallel_loop3A_1250, %parallel_loop3A_1251] {strides = array<i32>} : memref<8x2048xf32, #tpu.memory_space<vmem>>, vector<1x16xf32>,
      %parallel_loop3A_1253 = vector.shape_cast %parallel_loop3A_1252 : vector<1x16xf32> to vector<16xf32>
      %parallel_loop3A_1254 = vector.shape_cast %parallel_loop3A_1249 : vector<16xf32> to vector<1x16xf32>
      tpu.vector_store %arg9[%parallel_loop3A_1250, %parallel_loop3A_1251], %parallel_loop3A_1254 {strides = array<i32>} : memref<8x2048xf32, #tpu.memory_space<vmem>>, vector<1x16xf32>,
    } {sc.loop_unroll_factor = 8 : i64, sc.parallel_access}
    %add3A_569 = arith.constant 24 : i32
    %add3A_570 = arith.addi %mul3A_2, %add3A_569 : i32
    %dma_start3A_571 = arith.constant 0 : i32
    %dma_start3A_572 = arith.constant 0 : i32
    %dma_start3A_573 = tpu.memref_slice %arg5[%dma_start3A_571, %add3A_570, %dma_start3A_572] : memref<4x2048x2048xf32, #tpu.memory_space<hbm>> -> memref<1x8x2048xf32, #tpu.memory_space<hbm>>
    %dma_start3A_574 = tpu.memref_squeeze %dma_start3A_573 : memref<1x8x2048xf32, #tpu.memory_space<hbm>> -> memref<8x2048xf32, #tpu.memory_space<hbm>>
    %dma_start3A_575 = arith.constant 0 : i32
    %dma_start3A_576 = tpu.memref_slice %arg5[%dma_start3A_571, %add3A_570, %dma_start3A_575] : memref<4x2048x2048xf32, #tpu.memory_space<hbm>> -> memref<1x8x2048xf32, #tpu.memory_space<hbm>>
    %dma_start3A_577 = tpu.memref_squeeze %dma_start3A_576 : memref<1x8x2048xf32, #tpu.memory_space<hbm>> -> memref<8x2048xf32, #tpu.memory_space<hbm>>
    tpu.enqueue_dma source(%arg9 : memref<8x2048xf32, #tpu.memory_space<vmem>>) target(%dma_start3A_577 : memref<8x2048xf32, #tpu.memory_space<hbm>>) target_semaphore(%arg21 : memref<!tpu.dma_semaphore, #tpu.memory_space<semaphore_mem>>)
    %dma_wait3A_578 = arith.constant 3 : i32
    %dma_wait3A_579 = arith.constant 0 : i32
    %dma_wait3A_580 = tpu.memref_slice %arg5[%dma_wait3A_578, %add3A_527, %dma_wait3A_579] : memref<4x2048x2048xf32, #tpu.memory_space<hbm>> -> memref<1x8x2048xf32, #tpu.memory_space<hbm>>
    %dma_wait3A_581 = tpu.memref_squeeze %dma_wait3A_580 : memref<1x8x2048xf32, #tpu.memory_space<hbm>> -> memref<8x2048xf32, #tpu.memory_space<hbm>>
    %dma_wait3A_582 = arith.constant 0 : i32
    %dma_wait3A_583 = tpu.memref_slice %arg5[%dma_wait3A_578, %add3A_527, %dma_wait3A_582] : memref<4x2048x2048xf32, #tpu.memory_space<hbm>> -> memref<1x8x2048xf32, #tpu.memory_space<hbm>>
    %dma_wait3A_584 = tpu.memref_squeeze %dma_wait3A_583 : memref<1x8x2048xf32, #tpu.memory_space<hbm>> -> memref<8x2048xf32, #tpu.memory_space<hbm>>
    tpu.wait_dma2 semaphore(%arg20 : memref<!tpu.dma_semaphore, #tpu.memory_space<semaphore_mem>>) src(%arg8 : memref<8x2048xf32, #tpu.memory_space<vmem>>) dst(%dma_wait3A_584 : memref<8x2048xf32, #tpu.memory_space<hbm>>)
    %dma_start3A_585 = arith.constant 0 : i32
    %dma_start3A_586 = arith.constant 32 : i32
    %dma_start3A_587 = tpu.memref_slice %arg6[%dma_start3A_585, %dma_start3A_586] : memref<4x64xi32, #tpu.memory_space<vmem>> -> memref<1x8xi32, #tpu.memory_space<vmem>>
    %dma_start3A_588 = tpu.memref_squeeze %dma_start3A_587 : memref<1x8xi32, #tpu.memory_space<vmem>> -> memref<8xi32, #tpu.memory_space<vmem>>
    %dma_start3A_589 = arith.constant 0 : i32
    %dma_start3A_590 = arith.constant 0 : i32
    %dma_start3A_591 = tpu.memref_slice %arg2[%dma_start3A_589, %dma_start3A_590] : memref<100000x2048xf32, #tpu.memory_space<hbm>> -> memref<100000x2048xf32, #tpu.memory_space<hbm>>
    tpu.enqueue_indirect_dma source(%dma_start3A_591 : memref<100000x2048xf32, #tpu.memory_space<hbm>>) target(%arg8 : memref<8x2048xf32, #tpu.memory_space<vmem>>) offsets(%dma_start3A_588 : memref<8xi32, #tpu.memory_space<vmem>>) semaphore(%arg15 : memref<!tpu.dma_semaphore, #tpu.memory_space<semaphore_mem>>)
    %dma_wait3A_592 = arith.constant 1 : i32
    %dma_wait3A_593 = arith.constant 24 : i32
    %dma_wait3A_594 = tpu.memref_slice %arg6[%dma_wait3A_592, %dma_wait3A_593] : memref<4x64xi32, #tpu.memory_space<vmem>> -> memref<1x8xi32, #tpu.memory_space<vmem>>
    %dma_wait3A_595 = tpu.memref_squeeze %dma_wait3A_594 : memref<1x8xi32, #tpu.memory_space<vmem>> -> memref<8xi32, #tpu.memory_space<vmem>>
    %dma_wait3A_596 = arith.constant 0 : i32
    %dma_wait3A_597 = arith.constant 0 : i32
    %dma_wait3A_598 = tpu.memref_slice %arg2[%dma_wait3A_596, %dma_wait3A_597] : memref<100000x2048xf32, #tpu.memory_space<hbm>> -> memref<100000x2048xf32, #tpu.memory_space<hbm>>
    tpu.wait_indirect_dma semaphore(%arg17 : memref<!tpu.dma_semaphore, #tpu.memory_space<semaphore_mem>>) src(%dma_wait3A_598 : memref<100000x2048xf32, #tpu.memory_space<hbm>>) dst(%arg10 : memref<8x2048xf32, #tpu.memory_space<vmem>>)
    %parallel_loop3A_599 = arith.constant 0 : i32
    %parallel_loop3A_600 = arith.constant 1024 : i32
    %parallel_loop3A_601 = arith.constant 1 : i32
    scf.for %parallel_loop3A_1232 = %parallel_loop3A_599 to %parallel_loop3A_600 step %parallel_loop3A_601  : i32 {
      %parallel_loop3A_1233 = arith.constant 7 : i32
      %parallel_loop3A_1234 = arith.shrsi %parallel_loop3A_1232, %parallel_loop3A_1233 : i32
      %parallel_loop3A_1235 = arith.constant 127 : i32
      %parallel_loop3A_1236 = arith.andi %parallel_loop3A_1232, %parallel_loop3A_1235 : i32
      %parallel_loop3A_1237 = arith.constant 16 : i32
      %parallel_loop3A_1238 = arith.muli %parallel_loop3A_1236, %parallel_loop3A_1237 : i32
      %parallel_loop3A_1239 = arith.index_cast %parallel_loop3A_1234 : i32 to index
      %parallel_loop3A_1240 = arith.index_cast %parallel_loop3A_1238 : i32 to index
      %parallel_loop3A_1241 = tpu.vector_load %arg10[%parallel_loop3A_1239, %parallel_loop3A_1240] {strides = array<i32>} : memref<8x2048xf32, #tpu.memory_space<vmem>>, vector<1x16xf32>,
      %parallel_loop3A_1242 = vector.shape_cast %parallel_loop3A_1241 : vector<1x16xf32> to vector<16xf32>
      %parallel_loop3A_1243 = arith.constant 0 : i32
      %parallel_loop3A_1244 = arith.addi %parallel_loop3A_1243, %parallel_loop3A_1234 : i32
      %parallel_loop3A_1245 = arith.index_cast %parallel_loop3A_1244 : i32 to index
      %parallel_loop3A_1246 = arith.index_cast %parallel_loop3A_1238 : i32 to index
      %parallel_loop3A_1247 = tpu.vector_load %arg13[%parallel_loop3A_1245, %parallel_loop3A_1246] {strides = array<i32>} : memref<8x2048xf32, #tpu.memory_space<vmem>>, vector<1x16xf32>,
      %parallel_loop3A_1248 = vector.shape_cast %parallel_loop3A_1247 : vector<1x16xf32> to vector<16xf32>
      %parallel_loop3A_1249 = arith.addf %parallel_loop3A_1242, %parallel_loop3A_1248 : vector<16xf32>
      %parallel_loop3A_1250 = arith.index_cast %parallel_loop3A_1234 : i32 to index
      %parallel_loop3A_1251 = arith.index_cast %parallel_loop3A_1238 : i32 to index
      %parallel_loop3A_1252 = tpu.vector_load %arg10[%parallel_loop3A_1250, %parallel_loop3A_1251] {strides = array<i32>} : memref<8x2048xf32, #tpu.memory_space<vmem>>, vector<1x16xf32>,
      %parallel_loop3A_1253 = vector.shape_cast %parallel_loop3A_1252 : vector<1x16xf32> to vector<16xf32>
      %parallel_loop3A_1254 = vector.shape_cast %parallel_loop3A_1249 : vector<16xf32> to vector<1x16xf32>
      tpu.vector_store %arg10[%parallel_loop3A_1250, %parallel_loop3A_1251], %parallel_loop3A_1254 {strides = array<i32>} : memref<8x2048xf32, #tpu.memory_space<vmem>>, vector<1x16xf32>,
    } {sc.loop_unroll_factor = 8 : i64, sc.parallel_access}
    %add3A_602 = arith.constant 24 : i32
    %add3A_603 = arith.addi %mul3A_2, %add3A_602 : i32
    %dma_start3A_604 = arith.constant 1 : i32
    %dma_start3A_605 = arith.constant 0 : i32
    %dma_start3A_606 = tpu.memref_slice %arg5[%dma_start3A_604, %add3A_603, %dma_start3A_605] : memref<4x2048x2048xf32, #tpu.memory_space<hbm>> -> memref<1x8x2048xf32, #tpu.memory_space<hbm>>
    %dma_start3A_607 = tpu.memref_squeeze %dma_start3A_606 : memref<1x8x2048xf32, #tpu.memory_space<hbm>> -> memref<8x2048xf32, #tpu.memory_space<hbm>>
    %dma_start3A_608 = arith.constant 0 : i32
    %dma_start3A_609 = tpu.memref_slice %arg5[%dma_start3A_604, %add3A_603, %dma_start3A_608] : memref<4x2048x2048xf32, #tpu.memory_space<hbm>> -> memref<1x8x2048xf32, #tpu.memory_space<hbm>>
    %dma_start3A_610 = tpu.memref_squeeze %dma_start3A_609 : memref<1x8x2048xf32, #tpu.memory_space<hbm>> -> memref<8x2048xf32, #tpu.memory_space<hbm>>
    tpu.enqueue_dma source(%arg10 : memref<8x2048xf32, #tpu.memory_space<vmem>>) target(%dma_start3A_610 : memref<8x2048xf32, #tpu.memory_space<hbm>>) target_semaphore(%arg22 : memref<!tpu.dma_semaphore, #tpu.memory_space<semaphore_mem>>)
    %dma_wait3A_611 = arith.constant 0 : i32
    %dma_wait3A_612 = arith.constant 0 : i32
    %dma_wait3A_613 = tpu.memref_slice %arg5[%dma_wait3A_611, %add3A_570, %dma_wait3A_612] : memref<4x2048x2048xf32, #tpu.memory_space<hbm>> -> memref<1x8x2048xf32, #tpu.memory_space<hbm>>
    %dma_wait3A_614 = tpu.memref_squeeze %dma_wait3A_613 : memref<1x8x2048xf32, #tpu.memory_space<hbm>> -> memref<8x2048xf32, #tpu.memory_space<hbm>>
    %dma_wait3A_615 = arith.constant 0 : i32
    %dma_wait3A_616 = tpu.memref_slice %arg5[%dma_wait3A_611, %add3A_570, %dma_wait3A_615] : memref<4x2048x2048xf32, #tpu.memory_space<hbm>> -> memref<1x8x2048xf32, #tpu.memory_space<hbm>>
    %dma_wait3A_617 = tpu.memref_squeeze %dma_wait3A_616 : memref<1x8x2048xf32, #tpu.memory_space<hbm>> -> memref<8x2048xf32, #tpu.memory_space<hbm>>
    tpu.wait_dma2 semaphore(%arg21 : memref<!tpu.dma_semaphore, #tpu.memory_space<semaphore_mem>>) src(%arg9 : memref<8x2048xf32, #tpu.memory_space<vmem>>) dst(%dma_wait3A_617 : memref<8x2048xf32, #tpu.memory_space<hbm>>)
    %dma_start3A_618 = arith.constant 1 : i32
    %dma_start3A_619 = arith.constant 32 : i32
    %dma_start3A_620 = tpu.memref_slice %arg6[%dma_start3A_618, %dma_start3A_619] : memref<4x64xi32, #tpu.memory_space<vmem>> -> memref<1x8xi32, #tpu.memory_space<vmem>>
    %dma_start3A_621 = tpu.memref_squeeze %dma_start3A_620 : memref<1x8xi32, #tpu.memory_space<vmem>> -> memref<8xi32, #tpu.memory_space<vmem>>
    %dma_start3A_622 = arith.constant 0 : i32
    %dma_start3A_623 = arith.constant 0 : i32
    %dma_start3A_624 = tpu.memref_slice %arg2[%dma_start3A_622, %dma_start3A_623] : memref<100000x2048xf32, #tpu.memory_space<hbm>> -> memref<100000x2048xf32, #tpu.memory_space<hbm>>
    tpu.enqueue_indirect_dma source(%dma_start3A_624 : memref<100000x2048xf32, #tpu.memory_space<hbm>>) target(%arg9 : memref<8x2048xf32, #tpu.memory_space<vmem>>) offsets(%dma_start3A_621 : memref<8xi32, #tpu.memory_space<vmem>>) semaphore(%arg16 : memref<!tpu.dma_semaphore, #tpu.memory_space<semaphore_mem>>)
    %dma_wait3A_625 = arith.constant 2 : i32
    %dma_wait3A_626 = arith.constant 24 : i32
    %dma_wait3A_627 = tpu.memref_slice %arg6[%dma_wait3A_625, %dma_wait3A_626] : memref<4x64xi32, #tpu.memory_space<vmem>> -> memref<1x8xi32, #tpu.memory_space<vmem>>
    %dma_wait3A_628 = tpu.memref_squeeze %dma_wait3A_627 : memref<1x8xi32, #tpu.memory_space<vmem>> -> memref<8xi32, #tpu.memory_space<vmem>>
    %dma_wait3A_629 = arith.constant 0 : i32
    %dma_wait3A_630 = arith.constant 0 : i32
    %dma_wait3A_631 = tpu.memref_slice %arg2[%dma_wait3A_629, %dma_wait3A_630] : memref<100000x2048xf32, #tpu.memory_space<hbm>> -> memref<100000x2048xf32, #tpu.memory_space<hbm>>
    tpu.wait_indirect_dma semaphore(%arg18 : memref<!tpu.dma_semaphore, #tpu.memory_space<semaphore_mem>>) src(%dma_wait3A_631 : memref<100000x2048xf32, #tpu.memory_space<hbm>>) dst(%arg11 : memref<8x2048xf32, #tpu.memory_space<vmem>>)
    %parallel_loop3A_632 = arith.constant 0 : i32
    %parallel_loop3A_633 = arith.constant 1024 : i32
    %parallel_loop3A_634 = arith.constant 1 : i32
    scf.for %parallel_loop3A_1232 = %parallel_loop3A_632 to %parallel_loop3A_633 step %parallel_loop3A_634  : i32 {
      %parallel_loop3A_1233 = arith.constant 7 : i32
      %parallel_loop3A_1234 = arith.shrsi %parallel_loop3A_1232, %parallel_loop3A_1233 : i32
      %parallel_loop3A_1235 = arith.constant 127 : i32
      %parallel_loop3A_1236 = arith.andi %parallel_loop3A_1232, %parallel_loop3A_1235 : i32
      %parallel_loop3A_1237 = arith.constant 16 : i32
      %parallel_loop3A_1238 = arith.muli %parallel_loop3A_1236, %parallel_loop3A_1237 : i32
      %parallel_loop3A_1239 = arith.index_cast %parallel_loop3A_1234 : i32 to index
      %parallel_loop3A_1240 = arith.index_cast %parallel_loop3A_1238 : i32 to index
      %parallel_loop3A_1241 = tpu.vector_load %arg11[%parallel_loop3A_1239, %parallel_loop3A_1240] {strides = array<i32>} : memref<8x2048xf32, #tpu.memory_space<vmem>>, vector<1x16xf32>,
      %parallel_loop3A_1242 = vector.shape_cast %parallel_loop3A_1241 : vector<1x16xf32> to vector<16xf32>
      %parallel_loop3A_1243 = arith.constant 0 : i32
      %parallel_loop3A_1244 = arith.addi %parallel_loop3A_1243, %parallel_loop3A_1234 : i32
      %parallel_loop3A_1245 = arith.index_cast %parallel_loop3A_1244 : i32 to index
      %parallel_loop3A_1246 = arith.index_cast %parallel_loop3A_1238 : i32 to index
      %parallel_loop3A_1247 = tpu.vector_load %arg13[%parallel_loop3A_1245, %parallel_loop3A_1246] {strides = array<i32>} : memref<8x2048xf32, #tpu.memory_space<vmem>>, vector<1x16xf32>,
      %parallel_loop3A_1248 = vector.shape_cast %parallel_loop3A_1247 : vector<1x16xf32> to vector<16xf32>
      %parallel_loop3A_1249 = arith.addf %parallel_loop3A_1242, %parallel_loop3A_1248 : vector<16xf32>
      %parallel_loop3A_1250 = arith.index_cast %parallel_loop3A_1234 : i32 to index
      %parallel_loop3A_1251 = arith.index_cast %parallel_loop3A_1238 : i32 to index
      %parallel_loop3A_1252 = tpu.vector_load %arg11[%parallel_loop3A_1250, %parallel_loop3A_1251] {strides = array<i32>} : memref<8x2048xf32, #tpu.memory_space<vmem>>, vector<1x16xf32>,
      %parallel_loop3A_1253 = vector.shape_cast %parallel_loop3A_1252 : vector<1x16xf32> to vector<16xf32>
      %parallel_loop3A_1254 = vector.shape_cast %parallel_loop3A_1249 : vector<16xf32> to vector<1x16xf32>
      tpu.vector_store %arg11[%parallel_loop3A_1250, %parallel_loop3A_1251], %parallel_loop3A_1254 {strides = array<i32>} : memref<8x2048xf32, #tpu.memory_space<vmem>>, vector<1x16xf32>,
    } {sc.loop_unroll_factor = 8 : i64, sc.parallel_access}
    %add3A_635 = arith.constant 24 : i32
    %add3A_636 = arith.addi %mul3A_2, %add3A_635 : i32
    %dma_start3A_637 = arith.constant 2 : i32
    %dma_start3A_638 = arith.constant 0 : i32
    %dma_start3A_639 = tpu.memref_slice %arg5[%dma_start3A_637, %add3A_636, %dma_start3A_638] : memref<4x2048x2048xf32, #tpu.memory_space<hbm>> -> memref<1x8x2048xf32, #tpu.memory_space<hbm>>
    %dma_start3A_640 = tpu.memref_squeeze %dma_start3A_639 : memref<1x8x2048xf32, #tpu.memory_space<hbm>> -> memref<8x2048xf32, #tpu.memory_space<hbm>>
    %dma_start3A_641 = arith.constant 0 : i32
    %dma_start3A_642 = tpu.memref_slice %arg5[%dma_start3A_637, %add3A_636, %dma_start3A_641] : memref<4x2048x2048xf32, #tpu.memory_space<hbm>> -> memref<1x8x2048xf32, #tpu.memory_space<hbm>>
    %dma_start3A_643 = tpu.memref_squeeze %dma_start3A_642 : memref<1x8x2048xf32, #tpu.memory_space<hbm>> -> memref<8x2048xf32, #tpu.memory_space<hbm>>
    tpu.enqueue_dma source(%arg11 : memref<8x2048xf32, #tpu.memory_space<vmem>>) target(%dma_start3A_643 : memref<8x2048xf32, #tpu.memory_space<hbm>>) target_semaphore(%arg23 : memref<!tpu.dma_semaphore, #tpu.memory_space<semaphore_mem>>)
    %dma_wait3A_644 = arith.constant 1 : i32
    %dma_wait3A_645 = arith.constant 0 : i32
    %dma_wait3A_646 = tpu.memref_slice %arg5[%dma_wait3A_644, %add3A_603, %dma_wait3A_645] : memref<4x2048x2048xf32, #tpu.memory_space<hbm>> -> memref<1x8x2048xf32, #tpu.memory_space<hbm>>
    %dma_wait3A_647 = tpu.memref_squeeze %dma_wait3A_646 : memref<1x8x2048xf32, #tpu.memory_space<hbm>> -> memref<8x2048xf32, #tpu.memory_space<hbm>>
    %dma_wait3A_648 = arith.constant 0 : i32
    %dma_wait3A_649 = tpu.memref_slice %arg5[%dma_wait3A_644, %add3A_603, %dma_wait3A_648] : memref<4x2048x2048xf32, #tpu.memory_space<hbm>> -> memref<1x8x2048xf32, #tpu.memory_space<hbm>>
    %dma_wait3A_650 = tpu.memref_squeeze %dma_wait3A_649 : memref<1x8x2048xf32, #tpu.memory_space<hbm>> -> memref<8x2048xf32, #tpu.memory_space<hbm>>
    tpu.wait_dma2 semaphore(%arg22 : memref<!tpu.dma_semaphore, #tpu.memory_space<semaphore_mem>>) src(%arg10 : memref<8x2048xf32, #tpu.memory_space<vmem>>) dst(%dma_wait3A_650 : memref<8x2048xf32, #tpu.memory_space<hbm>>)
    %dma_start3A_651 = arith.constant 2 : i32
    %dma_start3A_652 = arith.constant 32 : i32
    %dma_start3A_653 = tpu.memref_slice %arg6[%dma_start3A_651, %dma_start3A_652] : memref<4x64xi32, #tpu.memory_space<vmem>> -> memref<1x8xi32, #tpu.memory_space<vmem>>
    %dma_start3A_654 = tpu.memref_squeeze %dma_start3A_653 : memref<1x8xi32, #tpu.memory_space<vmem>> -> memref<8xi32, #tpu.memory_space<vmem>>
    %dma_start3A_655 = arith.constant 0 : i32
    %dma_start3A_656 = arith.constant 0 : i32
    %dma_start3A_657 = tpu.memref_slice %arg2[%dma_start3A_655, %dma_start3A_656] : memref<100000x2048xf32, #tpu.memory_space<hbm>> -> memref<100000x2048xf32, #tpu.memory_space<hbm>>
    tpu.enqueue_indirect_dma source(%dma_start3A_657 : memref<100000x2048xf32, #tpu.memory_space<hbm>>) target(%arg10 : memref<8x2048xf32, #tpu.memory_space<vmem>>) offsets(%dma_start3A_654 : memref<8xi32, #tpu.memory_space<vmem>>) semaphore(%arg17 : memref<!tpu.dma_semaphore, #tpu.memory_space<semaphore_mem>>)
    %dma_wait3A_658 = arith.constant 3 : i32
    %dma_wait3A_659 = arith.constant 24 : i32
    %dma_wait3A_660 = tpu.memref_slice %arg6[%dma_wait3A_658, %dma_wait3A_659] : memref<4x64xi32, #tpu.memory_space<vmem>> -> memref<1x8xi32, #tpu.memory_space<vmem>>
    %dma_wait3A_661 = tpu.memref_squeeze %dma_wait3A_660 : memref<1x8xi32, #tpu.memory_space<vmem>> -> memref<8xi32, #tpu.memory_space<vmem>>
    %dma_wait3A_662 = arith.constant 0 : i32
    %dma_wait3A_663 = arith.constant 0 : i32
    %dma_wait3A_664 = tpu.memref_slice %arg2[%dma_wait3A_662, %dma_wait3A_663] : memref<100000x2048xf32, #tpu.memory_space<hbm>> -> memref<100000x2048xf32, #tpu.memory_space<hbm>>
    tpu.wait_indirect_dma semaphore(%arg14 : memref<!tpu.dma_semaphore, #tpu.memory_space<semaphore_mem>>) src(%dma_wait3A_664 : memref<100000x2048xf32, #tpu.memory_space<hbm>>) dst(%arg7 : memref<8x2048xf32, #tpu.memory_space<vmem>>)
    %parallel_loop3A_665 = arith.constant 0 : i32
    %parallel_loop3A_666 = arith.constant 1024 : i32
    %parallel_loop3A_667 = arith.constant 1 : i32
    scf.for %parallel_loop3A_1232 = %parallel_loop3A_665 to %parallel_loop3A_666 step %parallel_loop3A_667  : i32 {
      %parallel_loop3A_1233 = arith.constant 7 : i32
      %parallel_loop3A_1234 = arith.shrsi %parallel_loop3A_1232, %parallel_loop3A_1233 : i32
      %parallel_loop3A_1235 = arith.constant 127 : i32
      %parallel_loop3A_1236 = arith.andi %parallel_loop3A_1232, %parallel_loop3A_1235 : i32
      %parallel_loop3A_1237 = arith.constant 16 : i32
      %parallel_loop3A_1238 = arith.muli %parallel_loop3A_1236, %parallel_loop3A_1237 : i32
      %parallel_loop3A_1239 = arith.index_cast %parallel_loop3A_1234 : i32 to index
      %parallel_loop3A_1240 = arith.index_cast %parallel_loop3A_1238 : i32 to index
      %parallel_loop3A_1241 = tpu.vector_load %arg7[%parallel_loop3A_1239, %parallel_loop3A_1240] {strides = array<i32>} : memref<8x2048xf32, #tpu.memory_space<vmem>>, vector<1x16xf32>,
      %parallel_loop3A_1242 = vector.shape_cast %parallel_loop3A_1241 : vector<1x16xf32> to vector<16xf32>
      %parallel_loop3A_1243 = arith.constant 0 : i32
      %parallel_loop3A_1244 = arith.addi %parallel_loop3A_1243, %parallel_loop3A_1234 : i32
      %parallel_loop3A_1245 = arith.index_cast %parallel_loop3A_1244 : i32 to index
      %parallel_loop3A_1246 = arith.index_cast %parallel_loop3A_1238 : i32 to index
      %parallel_loop3A_1247 = tpu.vector_load %arg13[%parallel_loop3A_1245, %parallel_loop3A_1246] {strides = array<i32>} : memref<8x2048xf32, #tpu.memory_space<vmem>>, vector<1x16xf32>,
      %parallel_loop3A_1248 = vector.shape_cast %parallel_loop3A_1247 : vector<1x16xf32> to vector<16xf32>
      %parallel_loop3A_1249 = arith.addf %parallel_loop3A_1242, %parallel_loop3A_1248 : vector<16xf32>
      %parallel_loop3A_1250 = arith.index_cast %parallel_loop3A_1234 : i32 to index
      %parallel_loop3A_1251 = arith.index_cast %parallel_loop3A_1238 : i32 to index
      %parallel_loop3A_1252 = tpu.vector_load %arg7[%parallel_loop3A_1250, %parallel_loop3A_1251] {strides = array<i32>} : memref<8x2048xf32, #tpu.memory_space<vmem>>, vector<1x16xf32>,
      %parallel_loop3A_1253 = vector.shape_cast %parallel_loop3A_1252 : vector<1x16xf32> to vector<16xf32>
      %parallel_loop3A_1254 = vector.shape_cast %parallel_loop3A_1249 : vector<16xf32> to vector<1x16xf32>
      tpu.vector_store %arg7[%parallel_loop3A_1250, %parallel_loop3A_1251], %parallel_loop3A_1254 {strides = array<i32>} : memref<8x2048xf32, #tpu.memory_space<vmem>>, vector<1x16xf32>,
    } {sc.loop_unroll_factor = 8 : i64, sc.parallel_access}
    %add3A_668 = arith.constant 24 : i32
    %add3A_669 = arith.addi %mul3A_2, %add3A_668 : i32
    %dma_start3A_670 = arith.constant 3 : i32
    %dma_start3A_671 = arith.constant 0 : i32
    %dma_start3A_672 = tpu.memref_slice %arg5[%dma_start3A_670, %add3A_669, %dma_start3A_671] : memref<4x2048x2048xf32, #tpu.memory_space<hbm>> -> memref<1x8x2048xf32, #tpu.memory_space<hbm>>
    %dma_start3A_673 = tpu.memref_squeeze %dma_start3A_672 : memref<1x8x2048xf32, #tpu.memory_space<hbm>> -> memref<8x2048xf32, #tpu.memory_space<hbm>>
    %dma_start3A_674 = arith.constant 0 : i32
    %dma_start3A_675 = tpu.memref_slice %arg5[%dma_start3A_670, %add3A_669, %dma_start3A_674] : memref<4x2048x2048xf32, #tpu.memory_space<hbm>> -> memref<1x8x2048xf32, #tpu.memory_space<hbm>>
    %dma_start3A_676 = tpu.memref_squeeze %dma_start3A_675 : memref<1x8x2048xf32, #tpu.memory_space<hbm>> -> memref<8x2048xf32, #tpu.memory_space<hbm>>
    tpu.enqueue_dma source(%arg7 : memref<8x2048xf32, #tpu.memory_space<vmem>>) target(%dma_start3A_676 : memref<8x2048xf32, #tpu.memory_space<hbm>>) target_semaphore(%arg19 : memref<!tpu.dma_semaphore, #tpu.memory_space<semaphore_mem>>)
    %add3A_677 = arith.constant 40 : i32
    %add3A_678 = arith.addi %mul3A_2, %add3A_677 : i32
    %dma_start3A_679 = arith.constant 0 : i32
    %dma_start3A_680 = tpu.memref_slice %arg4[%add3A_678, %dma_start3A_679] : memref<2048x2048xf32, #tpu.memory_space<hbm>> -> memref<8x2048xf32, #tpu.memory_space<hbm>>
    %dma_start3A_681 = arith.constant 0 : i32
    %dma_start3A_682 = tpu.memref_slice %arg4[%add3A_678, %dma_start3A_681] : memref<2048x2048xf32, #tpu.memory_space<hbm>> -> memref<8x2048xf32, #tpu.memory_space<hbm>>
    tpu.enqueue_dma source(%dma_start3A_682 : memref<8x2048xf32, #tpu.memory_space<hbm>>) target(%arg13 : memref<8x2048xf32, #tpu.memory_space<vmem>>) target_semaphore(%arg25 : memref<!tpu.dma_semaphore, #tpu.memory_space<semaphore_mem>>)
    %dma_wait3A_683 = arith.constant 2 : i32
    %dma_wait3A_684 = arith.constant 0 : i32
    %dma_wait3A_685 = tpu.memref_slice %arg5[%dma_wait3A_683, %add3A_636, %dma_wait3A_684] : memref<4x2048x2048xf32, #tpu.memory_space<hbm>> -> memref<1x8x2048xf32, #tpu.memory_space<hbm>>
    %dma_wait3A_686 = tpu.memref_squeeze %dma_wait3A_685 : memref<1x8x2048xf32, #tpu.memory_space<hbm>> -> memref<8x2048xf32, #tpu.memory_space<hbm>>
    %dma_wait3A_687 = arith.constant 0 : i32
    %dma_wait3A_688 = tpu.memref_slice %arg5[%dma_wait3A_683, %add3A_636, %dma_wait3A_687] : memref<4x2048x2048xf32, #tpu.memory_space<hbm>> -> memref<1x8x2048xf32, #tpu.memory_space<hbm>>
    %dma_wait3A_689 = tpu.memref_squeeze %dma_wait3A_688 : memref<1x8x2048xf32, #tpu.memory_space<hbm>> -> memref<8x2048xf32, #tpu.memory_space<hbm>>
    tpu.wait_dma2 semaphore(%arg23 : memref<!tpu.dma_semaphore, #tpu.memory_space<semaphore_mem>>) src(%arg11 : memref<8x2048xf32, #tpu.memory_space<vmem>>) dst(%dma_wait3A_689 : memref<8x2048xf32, #tpu.memory_space<hbm>>)
    %dma_start3A_690 = arith.constant 3 : i32
    %dma_start3A_691 = arith.constant 32 : i32
    %dma_start3A_692 = tpu.memref_slice %arg6[%dma_start3A_690, %dma_start3A_691] : memref<4x64xi32, #tpu.memory_space<vmem>> -> memref<1x8xi32, #tpu.memory_space<vmem>>
    %dma_start3A_693 = tpu.memref_squeeze %dma_start3A_692 : memref<1x8xi32, #tpu.memory_space<vmem>> -> memref<8xi32, #tpu.memory_space<vmem>>
    %dma_start3A_694 = arith.constant 0 : i32
    %dma_start3A_695 = arith.constant 0 : i32
    %dma_start3A_696 = tpu.memref_slice %arg2[%dma_start3A_694, %dma_start3A_695] : memref<100000x2048xf32, #tpu.memory_space<hbm>> -> memref<100000x2048xf32, #tpu.memory_space<hbm>>
    tpu.enqueue_indirect_dma source(%dma_start3A_696 : memref<100000x2048xf32, #tpu.memory_space<hbm>>) target(%arg11 : memref<8x2048xf32, #tpu.memory_space<vmem>>) offsets(%dma_start3A_693 : memref<8xi32, #tpu.memory_space<vmem>>) semaphore(%arg18 : memref<!tpu.dma_semaphore, #tpu.memory_space<semaphore_mem>>)
    %dma_wait3A_697 = arith.constant 0 : i32
    %dma_wait3A_698 = arith.constant 32 : i32
    %dma_wait3A_699 = tpu.memref_slice %arg6[%dma_wait3A_697, %dma_wait3A_698] : memref<4x64xi32, #tpu.memory_space<vmem>> -> memref<1x8xi32, #tpu.memory_space<vmem>>
    %dma_wait3A_700 = tpu.memref_squeeze %dma_wait3A_699 : memref<1x8xi32, #tpu.memory_space<vmem>> -> memref<8xi32, #tpu.memory_space<vmem>>
    %dma_wait3A_701 = arith.constant 0 : i32
    %dma_wait3A_702 = arith.constant 0 : i32
    %dma_wait3A_703 = tpu.memref_slice %arg2[%dma_wait3A_701, %dma_wait3A_702] : memref<100000x2048xf32, #tpu.memory_space<hbm>> -> memref<100000x2048xf32, #tpu.memory_space<hbm>>
    tpu.wait_indirect_dma semaphore(%arg15 : memref<!tpu.dma_semaphore, #tpu.memory_space<semaphore_mem>>) src(%dma_wait3A_703 : memref<100000x2048xf32, #tpu.memory_space<hbm>>) dst(%arg8 : memref<8x2048xf32, #tpu.memory_space<vmem>>)
    %dma_wait3A_704 = arith.constant 0 : i32
    %dma_wait3A_705 = tpu.memref_slice %arg4[%add3A_536, %dma_wait3A_704] : memref<2048x2048xf32, #tpu.memory_space<hbm>> -> memref<8x2048xf32, #tpu.memory_space<hbm>>
    %dma_wait3A_706 = arith.constant 0 : i32
    %dma_wait3A_707 = tpu.memref_slice %arg4[%add3A_536, %dma_wait3A_706] : memref<2048x2048xf32, #tpu.memory_space<hbm>> -> memref<8x2048xf32, #tpu.memory_space<hbm>>
    tpu.wait_dma2 semaphore(%arg24 : memref<!tpu.dma_semaphore, #tpu.memory_space<semaphore_mem>>) src(%dma_wait3A_707 : memref<8x2048xf32, #tpu.memory_space<hbm>>) dst(%arg12 : memref<8x2048xf32, #tpu.memory_space<vmem>>)
    %parallel_loop3A_708 = arith.constant 0 : i32
    %parallel_loop3A_709 = arith.constant 1024 : i32
    %parallel_loop3A_710 = arith.constant 1 : i32
    scf.for %parallel_loop3A_1232 = %parallel_loop3A_708 to %parallel_loop3A_709 step %parallel_loop3A_710  : i32 {
      %parallel_loop3A_1233 = arith.constant 7 : i32
      %parallel_loop3A_1234 = arith.shrsi %parallel_loop3A_1232, %parallel_loop3A_1233 : i32
      %parallel_loop3A_1235 = arith.constant 127 : i32
      %parallel_loop3A_1236 = arith.andi %parallel_loop3A_1232, %parallel_loop3A_1235 : i32
      %parallel_loop3A_1237 = arith.constant 16 : i32
      %parallel_loop3A_1238 = arith.muli %parallel_loop3A_1236, %parallel_loop3A_1237 : i32
      %parallel_loop3A_1239 = arith.index_cast %parallel_loop3A_1234 : i32 to index
      %parallel_loop3A_1240 = arith.index_cast %parallel_loop3A_1238 : i32 to index
      %parallel_loop3A_1241 = tpu.vector_load %arg8[%parallel_loop3A_1239, %parallel_loop3A_1240] {strides = array<i32>} : memref<8x2048xf32, #tpu.memory_space<vmem>>, vector<1x16xf32>,
      %parallel_loop3A_1242 = vector.shape_cast %parallel_loop3A_1241 : vector<1x16xf32> to vector<16xf32>
      %parallel_loop3A_1243 = arith.constant 0 : i32
      %parallel_loop3A_1244 = arith.addi %parallel_loop3A_1243, %parallel_loop3A_1234 : i32
      %parallel_loop3A_1245 = arith.index_cast %parallel_loop3A_1244 : i32 to index
      %parallel_loop3A_1246 = arith.index_cast %parallel_loop3A_1238 : i32 to index
      %parallel_loop3A_1247 = tpu.vector_load %arg12[%parallel_loop3A_1245, %parallel_loop3A_1246] {strides = array<i32>} : memref<8x2048xf32, #tpu.memory_space<vmem>>, vector<1x16xf32>,
      %parallel_loop3A_1248 = vector.shape_cast %parallel_loop3A_1247 : vector<1x16xf32> to vector<16xf32>
      %parallel_loop3A_1249 = arith.addf %parallel_loop3A_1242, %parallel_loop3A_1248 : vector<16xf32>
      %parallel_loop3A_1250 = arith.index_cast %parallel_loop3A_1234 : i32 to index
      %parallel_loop3A_1251 = arith.index_cast %parallel_loop3A_1238 : i32 to index
      %parallel_loop3A_1252 = tpu.vector_load %arg8[%parallel_loop3A_1250, %parallel_loop3A_1251] {strides = array<i32>} : memref<8x2048xf32, #tpu.memory_space<vmem>>, vector<1x16xf32>,
      %parallel_loop3A_1253 = vector.shape_cast %parallel_loop3A_1252 : vector<1x16xf32> to vector<16xf32>
      %parallel_loop3A_1254 = vector.shape_cast %parallel_loop3A_1249 : vector<16xf32> to vector<1x16xf32>
      tpu.vector_store %arg8[%parallel_loop3A_1250, %parallel_loop3A_1251], %parallel_loop3A_1254 {strides = array<i32>} : memref<8x2048xf32, #tpu.memory_space<vmem>>, vector<1x16xf32>,
    } {sc.loop_unroll_factor = 8 : i64, sc.parallel_access}
    %add3A_711 = arith.constant 32 : i32
    %add3A_712 = arith.addi %mul3A_2, %add3A_711 : i32
    %dma_start3A_713 = arith.constant 0 : i32
    %dma_start3A_714 = arith.constant 0 : i32
    %dma_start3A_715 = tpu.memref_slice %arg5[%dma_start3A_713, %add3A_712, %dma_start3A_714] : memref<4x2048x2048xf32, #tpu.memory_space<hbm>> -> memref<1x8x2048xf32, #tpu.memory_space<hbm>>
    %dma_start3A_716 = tpu.memref_squeeze %dma_start3A_715 : memref<1x8x2048xf32, #tpu.memory_space<hbm>> -> memref<8x2048xf32, #tpu.memory_space<hbm>>
    %dma_start3A_717 = arith.constant 0 : i32
    %dma_start3A_718 = tpu.memref_slice %arg5[%dma_start3A_713, %add3A_712, %dma_start3A_717] : memref<4x2048x2048xf32, #tpu.memory_space<hbm>> -> memref<1x8x2048xf32, #tpu.memory_space<hbm>>
    %dma_start3A_719 = tpu.memref_squeeze %dma_start3A_718 : memref<1x8x2048xf32, #tpu.memory_space<hbm>> -> memref<8x2048xf32, #tpu.memory_space<hbm>>
    tpu.enqueue_dma source(%arg8 : memref<8x2048xf32, #tpu.memory_space<vmem>>) target(%dma_start3A_719 : memref<8x2048xf32, #tpu.memory_space<hbm>>) target_semaphore(%arg20 : memref<!tpu.dma_semaphore, #tpu.memory_space<semaphore_mem>>)
    %dma_wait3A_720 = arith.constant 3 : i32
    %dma_wait3A_721 = arith.constant 0 : i32
    %dma_wait3A_722 = tpu.memref_slice %arg5[%dma_wait3A_720, %add3A_669, %dma_wait3A_721] : memref<4x2048x2048xf32, #tpu.memory_space<hbm>> -> memref<1x8x2048xf32, #tpu.memory_space<hbm>>
    %dma_wait3A_723 = tpu.memref_squeeze %dma_wait3A_722 : memref<1x8x2048xf32, #tpu.memory_space<hbm>> -> memref<8x2048xf32, #tpu.memory_space<hbm>>
    %dma_wait3A_724 = arith.constant 0 : i32
    %dma_wait3A_725 = tpu.memref_slice %arg5[%dma_wait3A_720, %add3A_669, %dma_wait3A_724] : memref<4x2048x2048xf32, #tpu.memory_space<hbm>> -> memref<1x8x2048xf32, #tpu.memory_space<hbm>>
    %dma_wait3A_726 = tpu.memref_squeeze %dma_wait3A_725 : memref<1x8x2048xf32, #tpu.memory_space<hbm>> -> memref<8x2048xf32, #tpu.memory_space<hbm>>
    tpu.wait_dma2 semaphore(%arg19 : memref<!tpu.dma_semaphore, #tpu.memory_space<semaphore_mem>>) src(%arg7 : memref<8x2048xf32, #tpu.memory_space<vmem>>) dst(%dma_wait3A_726 : memref<8x2048xf32, #tpu.memory_space<hbm>>)
    %dma_start3A_727 = arith.constant 0 : i32
    %dma_start3A_728 = arith.constant 40 : i32
    %dma_start3A_729 = tpu.memref_slice %arg6[%dma_start3A_727, %dma_start3A_728] : memref<4x64xi32, #tpu.memory_space<vmem>> -> memref<1x8xi32, #tpu.memory_space<vmem>>
    %dma_start3A_730 = tpu.memref_squeeze %dma_start3A_729 : memref<1x8xi32, #tpu.memory_space<vmem>> -> memref<8xi32, #tpu.memory_space<vmem>>
    %dma_start3A_731 = arith.constant 0 : i32
    %dma_start3A_732 = arith.constant 0 : i32
    %dma_start3A_733 = tpu.memref_slice %arg2[%dma_start3A_731, %dma_start3A_732] : memref<100000x2048xf32, #tpu.memory_space<hbm>> -> memref<100000x2048xf32, #tpu.memory_space<hbm>>
    tpu.enqueue_indirect_dma source(%dma_start3A_733 : memref<100000x2048xf32, #tpu.memory_space<hbm>>) target(%arg7 : memref<8x2048xf32, #tpu.memory_space<vmem>>) offsets(%dma_start3A_730 : memref<8xi32, #tpu.memory_space<vmem>>) semaphore(%arg14 : memref<!tpu.dma_semaphore, #tpu.memory_space<semaphore_mem>>)
    %dma_wait3A_734 = arith.constant 1 : i32
    %dma_wait3A_735 = arith.constant 32 : i32
    %dma_wait3A_736 = tpu.memref_slice %arg6[%dma_wait3A_734, %dma_wait3A_735] : memref<4x64xi32, #tpu.memory_space<vmem>> -> memref<1x8xi32, #tpu.memory_space<vmem>>
    %dma_wait3A_737 = tpu.memref_squeeze %dma_wait3A_736 : memref<1x8xi32, #tpu.memory_space<vmem>> -> memref<8xi32, #tpu.memory_space<vmem>>
    %dma_wait3A_738 = arith.constant 0 : i32
    %dma_wait3A_739 = arith.constant 0 : i32
    %dma_wait3A_740 = tpu.memref_slice %arg2[%dma_wait3A_738, %dma_wait3A_739] : memref<100000x2048xf32, #tpu.memory_space<hbm>> -> memref<100000x2048xf32, #tpu.memory_space<hbm>>
    tpu.wait_indirect_dma semaphore(%arg16 : memref<!tpu.dma_semaphore, #tpu.memory_space<semaphore_mem>>) src(%dma_wait3A_740 : memref<100000x2048xf32, #tpu.memory_space<hbm>>) dst(%arg9 : memref<8x2048xf32, #tpu.memory_space<vmem>>)
    %parallel_loop3A_741 = arith.constant 0 : i32
    %parallel_loop3A_742 = arith.constant 1024 : i32
    %parallel_loop3A_743 = arith.constant 1 : i32
    scf.for %parallel_loop3A_1232 = %parallel_loop3A_741 to %parallel_loop3A_742 step %parallel_loop3A_743  : i32 {
      %parallel_loop3A_1233 = arith.constant 7 : i32
      %parallel_loop3A_1234 = arith.shrsi %parallel_loop3A_1232, %parallel_loop3A_1233 : i32
      %parallel_loop3A_1235 = arith.constant 127 : i32
      %parallel_loop3A_1236 = arith.andi %parallel_loop3A_1232, %parallel_loop3A_1235 : i32
      %parallel_loop3A_1237 = arith.constant 16 : i32
      %parallel_loop3A_1238 = arith.muli %parallel_loop3A_1236, %parallel_loop3A_1237 : i32
      %parallel_loop3A_1239 = arith.index_cast %parallel_loop3A_1234 : i32 to index
      %parallel_loop3A_1240 = arith.index_cast %parallel_loop3A_1238 : i32 to index
      %parallel_loop3A_1241 = tpu.vector_load %arg9[%parallel_loop3A_1239, %parallel_loop3A_1240] {strides = array<i32>} : memref<8x2048xf32, #tpu.memory_space<vmem>>, vector<1x16xf32>,
      %parallel_loop3A_1242 = vector.shape_cast %parallel_loop3A_1241 : vector<1x16xf32> to vector<16xf32>
      %parallel_loop3A_1243 = arith.constant 0 : i32
      %parallel_loop3A_1244 = arith.addi %parallel_loop3A_1243, %parallel_loop3A_1234 : i32
      %parallel_loop3A_1245 = arith.index_cast %parallel_loop3A_1244 : i32 to index
      %parallel_loop3A_1246 = arith.index_cast %parallel_loop3A_1238 : i32 to index
      %parallel_loop3A_1247 = tpu.vector_load %arg12[%parallel_loop3A_1245, %parallel_loop3A_1246] {strides = array<i32>} : memref<8x2048xf32, #tpu.memory_space<vmem>>, vector<1x16xf32>,
      %parallel_loop3A_1248 = vector.shape_cast %parallel_loop3A_1247 : vector<1x16xf32> to vector<16xf32>
      %parallel_loop3A_1249 = arith.addf %parallel_loop3A_1242, %parallel_loop3A_1248 : vector<16xf32>
      %parallel_loop3A_1250 = arith.index_cast %parallel_loop3A_1234 : i32 to index
      %parallel_loop3A_1251 = arith.index_cast %parallel_loop3A_1238 : i32 to index
      %parallel_loop3A_1252 = tpu.vector_load %arg9[%parallel_loop3A_1250, %parallel_loop3A_1251] {strides = array<i32>} : memref<8x2048xf32, #tpu.memory_space<vmem>>, vector<1x16xf32>,
      %parallel_loop3A_1253 = vector.shape_cast %parallel_loop3A_1252 : vector<1x16xf32> to vector<16xf32>
      %parallel_loop3A_1254 = vector.shape_cast %parallel_loop3A_1249 : vector<16xf32> to vector<1x16xf32>
      tpu.vector_store %arg9[%parallel_loop3A_1250, %parallel_loop3A_1251], %parallel_loop3A_1254 {strides = array<i32>} : memref<8x2048xf32, #tpu.memory_space<vmem>>, vector<1x16xf32>,
    } {sc.loop_unroll_factor = 8 : i64, sc.parallel_access}
    %add3A_744 = arith.constant 32 : i32
    %add3A_745 = arith.addi %mul3A_2, %add3A_744 : i32
    %dma_start3A_746 = arith.constant 1 : i32
    %dma_start3A_747 = arith.constant 0 : i32
    %dma_start3A_748 = tpu.memref_slice %arg5[%dma_start3A_746, %add3A_745, %dma_start3A_747] : memref<4x2048x2048xf32, #tpu.memory_space<hbm>> -> memref<1x8x2048xf32, #tpu.memory_space<hbm>>
    %dma_start3A_749 = tpu.memref_squeeze %dma_start3A_748 : memref<1x8x2048xf32, #tpu.memory_space<hbm>> -> memref<8x2048xf32, #tpu.memory_space<hbm>>
    %dma_start3A_750 = arith.constant 0 : i32
    %dma_start3A_751 = tpu.memref_slice %arg5[%dma_start3A_746, %add3A_745, %dma_start3A_750] : memref<4x2048x2048xf32, #tpu.memory_space<hbm>> -> memref<1x8x2048xf32, #tpu.memory_space<hbm>>
    %dma_start3A_752 = tpu.memref_squeeze %dma_start3A_751 : memref<1x8x2048xf32, #tpu.memory_space<hbm>> -> memref<8x2048xf32, #tpu.memory_space<hbm>>
    tpu.enqueue_dma source(%arg9 : memref<8x2048xf32, #tpu.memory_space<vmem>>) target(%dma_start3A_752 : memref<8x2048xf32, #tpu.memory_space<hbm>>) target_semaphore(%arg21 : memref<!tpu.dma_semaphore, #tpu.memory_space<semaphore_mem>>)
    %dma_wait3A_753 = arith.constant 0 : i32
    %dma_wait3A_754 = arith.constant 0 : i32
    %dma_wait3A_755 = tpu.memref_slice %arg5[%dma_wait3A_753, %add3A_712, %dma_wait3A_754] : memref<4x2048x2048xf32, #tpu.memory_space<hbm>> -> memref<1x8x2048xf32, #tpu.memory_space<hbm>>
    %dma_wait3A_756 = tpu.memref_squeeze %dma_wait3A_755 : memref<1x8x2048xf32, #tpu.memory_space<hbm>> -> memref<8x2048xf32, #tpu.memory_space<hbm>>
    %dma_wait3A_757 = arith.constant 0 : i32
    %dma_wait3A_758 = tpu.memref_slice %arg5[%dma_wait3A_753, %add3A_712, %dma_wait3A_757] : memref<4x2048x2048xf32, #tpu.memory_space<hbm>> -> memref<1x8x2048xf32, #tpu.memory_space<hbm>>
    %dma_wait3A_759 = tpu.memref_squeeze %dma_wait3A_758 : memref<1x8x2048xf32, #tpu.memory_space<hbm>> -> memref<8x2048xf32, #tpu.memory_space<hbm>>
    tpu.wait_dma2 semaphore(%arg20 : memref<!tpu.dma_semaphore, #tpu.memory_space<semaphore_mem>>) src(%arg8 : memref<8x2048xf32, #tpu.memory_space<vmem>>) dst(%dma_wait3A_759 : memref<8x2048xf32, #tpu.memory_space<hbm>>)
    %dma_start3A_760 = arith.constant 1 : i32
    %dma_start3A_761 = arith.constant 40 : i32
    %dma_start3A_762 = tpu.memref_slice %arg6[%dma_start3A_760, %dma_start3A_761] : memref<4x64xi32, #tpu.memory_space<vmem>> -> memref<1x8xi32, #tpu.memory_space<vmem>>
    %dma_start3A_763 = tpu.memref_squeeze %dma_start3A_762 : memref<1x8xi32, #tpu.memory_space<vmem>> -> memref<8xi32, #tpu.memory_space<vmem>>
    %dma_start3A_764 = arith.constant 0 : i32
    %dma_start3A_765 = arith.constant 0 : i32
    %dma_start3A_766 = tpu.memref_slice %arg2[%dma_start3A_764, %dma_start3A_765] : memref<100000x2048xf32, #tpu.memory_space<hbm>> -> memref<100000x2048xf32, #tpu.memory_space<hbm>>
    tpu.enqueue_indirect_dma source(%dma_start3A_766 : memref<100000x2048xf32, #tpu.memory_space<hbm>>) target(%arg8 : memref<8x2048xf32, #tpu.memory_space<vmem>>) offsets(%dma_start3A_763 : memref<8xi32, #tpu.memory_space<vmem>>) semaphore(%arg15 : memref<!tpu.dma_semaphore, #tpu.memory_space<semaphore_mem>>)
    %dma_wait3A_767 = arith.constant 2 : i32
    %dma_wait3A_768 = arith.constant 32 : i32
    %dma_wait3A_769 = tpu.memref_slice %arg6[%dma_wait3A_767, %dma_wait3A_768] : memref<4x64xi32, #tpu.memory_space<vmem>> -> memref<1x8xi32, #tpu.memory_space<vmem>>
    %dma_wait3A_770 = tpu.memref_squeeze %dma_wait3A_769 : memref<1x8xi32, #tpu.memory_space<vmem>> -> memref<8xi32, #tpu.memory_space<vmem>>
    %dma_wait3A_771 = arith.constant 0 : i32
    %dma_wait3A_772 = arith.constant 0 : i32
    %dma_wait3A_773 = tpu.memref_slice %arg2[%dma_wait3A_771, %dma_wait3A_772] : memref<100000x2048xf32, #tpu.memory_space<hbm>> -> memref<100000x2048xf32, #tpu.memory_space<hbm>>
    tpu.wait_indirect_dma semaphore(%arg17 : memref<!tpu.dma_semaphore, #tpu.memory_space<semaphore_mem>>) src(%dma_wait3A_773 : memref<100000x2048xf32, #tpu.memory_space<hbm>>) dst(%arg10 : memref<8x2048xf32, #tpu.memory_space<vmem>>)
    %parallel_loop3A_774 = arith.constant 0 : i32
    %parallel_loop3A_775 = arith.constant 1024 : i32
    %parallel_loop3A_776 = arith.constant 1 : i32
    scf.for %parallel_loop3A_1232 = %parallel_loop3A_774 to %parallel_loop3A_775 step %parallel_loop3A_776  : i32 {
      %parallel_loop3A_1233 = arith.constant 7 : i32
      %parallel_loop3A_1234 = arith.shrsi %parallel_loop3A_1232, %parallel_loop3A_1233 : i32
      %parallel_loop3A_1235 = arith.constant 127 : i32
      %parallel_loop3A_1236 = arith.andi %parallel_loop3A_1232, %parallel_loop3A_1235 : i32
      %parallel_loop3A_1237 = arith.constant 16 : i32
      %parallel_loop3A_1238 = arith.muli %parallel_loop3A_1236, %parallel_loop3A_1237 : i32
      %parallel_loop3A_1239 = arith.index_cast %parallel_loop3A_1234 : i32 to index
      %parallel_loop3A_1240 = arith.index_cast %parallel_loop3A_1238 : i32 to index
      %parallel_loop3A_1241 = tpu.vector_load %arg10[%parallel_loop3A_1239, %parallel_loop3A_1240] {strides = array<i32>} : memref<8x2048xf32, #tpu.memory_space<vmem>>, vector<1x16xf32>,
      %parallel_loop3A_1242 = vector.shape_cast %parallel_loop3A_1241 : vector<1x16xf32> to vector<16xf32>
      %parallel_loop3A_1243 = arith.constant 0 : i32
      %parallel_loop3A_1244 = arith.addi %parallel_loop3A_1243, %parallel_loop3A_1234 : i32
      %parallel_loop3A_1245 = arith.index_cast %parallel_loop3A_1244 : i32 to index
      %parallel_loop3A_1246 = arith.index_cast %parallel_loop3A_1238 : i32 to index
      %parallel_loop3A_1247 = tpu.vector_load %arg12[%parallel_loop3A_1245, %parallel_loop3A_1246] {strides = array<i32>} : memref<8x2048xf32, #tpu.memory_space<vmem>>, vector<1x16xf32>,
      %parallel_loop3A_1248 = vector.shape_cast %parallel_loop3A_1247 : vector<1x16xf32> to vector<16xf32>
      %parallel_loop3A_1249 = arith.addf %parallel_loop3A_1242, %parallel_loop3A_1248 : vector<16xf32>
      %parallel_loop3A_1250 = arith.index_cast %parallel_loop3A_1234 : i32 to index
      %parallel_loop3A_1251 = arith.index_cast %parallel_loop3A_1238 : i32 to index
      %parallel_loop3A_1252 = tpu.vector_load %arg10[%parallel_loop3A_1250, %parallel_loop3A_1251] {strides = array<i32>} : memref<8x2048xf32, #tpu.memory_space<vmem>>, vector<1x16xf32>,
      %parallel_loop3A_1253 = vector.shape_cast %parallel_loop3A_1252 : vector<1x16xf32> to vector<16xf32>
      %parallel_loop3A_1254 = vector.shape_cast %parallel_loop3A_1249 : vector<16xf32> to vector<1x16xf32>
      tpu.vector_store %arg10[%parallel_loop3A_1250, %parallel_loop3A_1251], %parallel_loop3A_1254 {strides = array<i32>} : memref<8x2048xf32, #tpu.memory_space<vmem>>, vector<1x16xf32>,
    } {sc.loop_unroll_factor = 8 : i64, sc.parallel_access}
    %add3A_777 = arith.constant 32 : i32
    %add3A_778 = arith.addi %mul3A_2, %add3A_777 : i32
    %dma_start3A_779 = arith.constant 2 : i32
    %dma_start3A_780 = arith.constant 0 : i32
    %dma_start3A_781 = tpu.memref_slice %arg5[%dma_start3A_779, %add3A_778, %dma_start3A_780] : memref<4x2048x2048xf32, #tpu.memory_space<hbm>> -> memref<1x8x2048xf32, #tpu.memory_space<hbm>>
    %dma_start3A_782 = tpu.memref_squeeze %dma_start3A_781 : memref<1x8x2048xf32, #tpu.memory_space<hbm>> -> memref<8x2048xf32, #tpu.memory_space<hbm>>
    %dma_start3A_783 = arith.constant 0 : i32
    %dma_start3A_784 = tpu.memref_slice %arg5[%dma_start3A_779, %add3A_778, %dma_start3A_783] : memref<4x2048x2048xf32, #tpu.memory_space<hbm>> -> memref<1x8x2048xf32, #tpu.memory_space<hbm>>
    %dma_start3A_785 = tpu.memref_squeeze %dma_start3A_784 : memref<1x8x2048xf32, #tpu.memory_space<hbm>> -> memref<8x2048xf32, #tpu.memory_space<hbm>>
    tpu.enqueue_dma source(%arg10 : memref<8x2048xf32, #tpu.memory_space<vmem>>) target(%dma_start3A_785 : memref<8x2048xf32, #tpu.memory_space<hbm>>) target_semaphore(%arg22 : memref<!tpu.dma_semaphore, #tpu.memory_space<semaphore_mem>>)
    %dma_wait3A_786 = arith.constant 1 : i32
    %dma_wait3A_787 = arith.constant 0 : i32
    %dma_wait3A_788 = tpu.memref_slice %arg5[%dma_wait3A_786, %add3A_745, %dma_wait3A_787] : memref<4x2048x2048xf32, #tpu.memory_space<hbm>> -> memref<1x8x2048xf32, #tpu.memory_space<hbm>>
    %dma_wait3A_789 = tpu.memref_squeeze %dma_wait3A_788 : memref<1x8x2048xf32, #tpu.memory_space<hbm>> -> memref<8x2048xf32, #tpu.memory_space<hbm>>
    %dma_wait3A_790 = arith.constant 0 : i32
    %dma_wait3A_791 = tpu.memref_slice %arg5[%dma_wait3A_786, %add3A_745, %dma_wait3A_790] : memref<4x2048x2048xf32, #tpu.memory_space<hbm>> -> memref<1x8x2048xf32, #tpu.memory_space<hbm>>
    %dma_wait3A_792 = tpu.memref_squeeze %dma_wait3A_791 : memref<1x8x2048xf32, #tpu.memory_space<hbm>> -> memref<8x2048xf32, #tpu.memory_space<hbm>>
    tpu.wait_dma2 semaphore(%arg21 : memref<!tpu.dma_semaphore, #tpu.memory_space<semaphore_mem>>) src(%arg9 : memref<8x2048xf32, #tpu.memory_space<vmem>>) dst(%dma_wait3A_792 : memref<8x2048xf32, #tpu.memory_space<hbm>>)
    %dma_start3A_793 = arith.constant 2 : i32
    %dma_start3A_794 = arith.constant 40 : i32
    %dma_start3A_795 = tpu.memref_slice %arg6[%dma_start3A_793, %dma_start3A_794] : memref<4x64xi32, #tpu.memory_space<vmem>> -> memref<1x8xi32, #tpu.memory_space<vmem>>
    %dma_start3A_796 = tpu.memref_squeeze %dma_start3A_795 : memref<1x8xi32, #tpu.memory_space<vmem>> -> memref<8xi32, #tpu.memory_space<vmem>>
    %dma_start3A_797 = arith.constant 0 : i32
    %dma_start3A_798 = arith.constant 0 : i32
    %dma_start3A_799 = tpu.memref_slice %arg2[%dma_start3A_797, %dma_start3A_798] : memref<100000x2048xf32, #tpu.memory_space<hbm>> -> memref<100000x2048xf32, #tpu.memory_space<hbm>>
    tpu.enqueue_indirect_dma source(%dma_start3A_799 : memref<100000x2048xf32, #tpu.memory_space<hbm>>) target(%arg9 : memref<8x2048xf32, #tpu.memory_space<vmem>>) offsets(%dma_start3A_796 : memref<8xi32, #tpu.memory_space<vmem>>) semaphore(%arg16 : memref<!tpu.dma_semaphore, #tpu.memory_space<semaphore_mem>>)
    %dma_wait3A_800 = arith.constant 3 : i32
    %dma_wait3A_801 = arith.constant 32 : i32
    %dma_wait3A_802 = tpu.memref_slice %arg6[%dma_wait3A_800, %dma_wait3A_801] : memref<4x64xi32, #tpu.memory_space<vmem>> -> memref<1x8xi32, #tpu.memory_space<vmem>>
    %dma_wait3A_803 = tpu.memref_squeeze %dma_wait3A_802 : memref<1x8xi32, #tpu.memory_space<vmem>> -> memref<8xi32, #tpu.memory_space<vmem>>
    %dma_wait3A_804 = arith.constant 0 : i32
    %dma_wait3A_805 = arith.constant 0 : i32
    %dma_wait3A_806 = tpu.memref_slice %arg2[%dma_wait3A_804, %dma_wait3A_805] : memref<100000x2048xf32, #tpu.memory_space<hbm>> -> memref<100000x2048xf32, #tpu.memory_space<hbm>>
    tpu.wait_indirect_dma semaphore(%arg18 : memref<!tpu.dma_semaphore, #tpu.memory_space<semaphore_mem>>) src(%dma_wait3A_806 : memref<100000x2048xf32, #tpu.memory_space<hbm>>) dst(%arg11 : memref<8x2048xf32, #tpu.memory_space<vmem>>)
    %parallel_loop3A_807 = arith.constant 0 : i32
    %parallel_loop3A_808 = arith.constant 1024 : i32
    %parallel_loop3A_809 = arith.constant 1 : i32
    scf.for %parallel_loop3A_1232 = %parallel_loop3A_807 to %parallel_loop3A_808 step %parallel_loop3A_809  : i32 {
      %parallel_loop3A_1233 = arith.constant 7 : i32
      %parallel_loop3A_1234 = arith.shrsi %parallel_loop3A_1232, %parallel_loop3A_1233 : i32
      %parallel_loop3A_1235 = arith.constant 127 : i32
      %parallel_loop3A_1236 = arith.andi %parallel_loop3A_1232, %parallel_loop3A_1235 : i32
      %parallel_loop3A_1237 = arith.constant 16 : i32
      %parallel_loop3A_1238 = arith.muli %parallel_loop3A_1236, %parallel_loop3A_1237 : i32
      %parallel_loop3A_1239 = arith.index_cast %parallel_loop3A_1234 : i32 to index
      %parallel_loop3A_1240 = arith.index_cast %parallel_loop3A_1238 : i32 to index
      %parallel_loop3A_1241 = tpu.vector_load %arg11[%parallel_loop3A_1239, %parallel_loop3A_1240] {strides = array<i32>} : memref<8x2048xf32, #tpu.memory_space<vmem>>, vector<1x16xf32>,
      %parallel_loop3A_1242 = vector.shape_cast %parallel_loop3A_1241 : vector<1x16xf32> to vector<16xf32>
      %parallel_loop3A_1243 = arith.constant 0 : i32
      %parallel_loop3A_1244 = arith.addi %parallel_loop3A_1243, %parallel_loop3A_1234 : i32
      %parallel_loop3A_1245 = arith.index_cast %parallel_loop3A_1244 : i32 to index
      %parallel_loop3A_1246 = arith.index_cast %parallel_loop3A_1238 : i32 to index
      %parallel_loop3A_1247 = tpu.vector_load %arg12[%parallel_loop3A_1245, %parallel_loop3A_1246] {strides = array<i32>} : memref<8x2048xf32, #tpu.memory_space<vmem>>, vector<1x16xf32>,
      %parallel_loop3A_1248 = vector.shape_cast %parallel_loop3A_1247 : vector<1x16xf32> to vector<16xf32>
      %parallel_loop3A_1249 = arith.addf %parallel_loop3A_1242, %parallel_loop3A_1248 : vector<16xf32>
      %parallel_loop3A_1250 = arith.index_cast %parallel_loop3A_1234 : i32 to index
      %parallel_loop3A_1251 = arith.index_cast %parallel_loop3A_1238 : i32 to index
      %parallel_loop3A_1252 = tpu.vector_load %arg11[%parallel_loop3A_1250, %parallel_loop3A_1251] {strides = array<i32>} : memref<8x2048xf32, #tpu.memory_space<vmem>>, vector<1x16xf32>,
      %parallel_loop3A_1253 = vector.shape_cast %parallel_loop3A_1252 : vector<1x16xf32> to vector<16xf32>
      %parallel_loop3A_1254 = vector.shape_cast %parallel_loop3A_1249 : vector<16xf32> to vector<1x16xf32>
      tpu.vector_store %arg11[%parallel_loop3A_1250, %parallel_loop3A_1251], %parallel_loop3A_1254 {strides = array<i32>} : memref<8x2048xf32, #tpu.memory_space<vmem>>, vector<1x16xf32>,
    } {sc.loop_unroll_factor = 8 : i64, sc.parallel_access}
    %add3A_810 = arith.constant 32 : i32
    %add3A_811 = arith.addi %mul3A_2, %add3A_810 : i32
    %dma_start3A_812 = arith.constant 3 : i32
    %dma_start3A_813 = arith.constant 0 : i32
    %dma_start3A_814 = tpu.memref_slice %arg5[%dma_start3A_812, %add3A_811, %dma_start3A_813] : memref<4x2048x2048xf32, #tpu.memory_space<hbm>> -> memref<1x8x2048xf32, #tpu.memory_space<hbm>>
    %dma_start3A_815 = tpu.memref_squeeze %dma_start3A_814 : memref<1x8x2048xf32, #tpu.memory_space<hbm>> -> memref<8x2048xf32, #tpu.memory_space<hbm>>
    %dma_start3A_816 = arith.constant 0 : i32
    %dma_start3A_817 = tpu.memref_slice %arg5[%dma_start3A_812, %add3A_811, %dma_start3A_816] : memref<4x2048x2048xf32, #tpu.memory_space<hbm>> -> memref<1x8x2048xf32, #tpu.memory_space<hbm>>
    %dma_start3A_818 = tpu.memref_squeeze %dma_start3A_817 : memref<1x8x2048xf32, #tpu.memory_space<hbm>> -> memref<8x2048xf32, #tpu.memory_space<hbm>>
    tpu.enqueue_dma source(%arg11 : memref<8x2048xf32, #tpu.memory_space<vmem>>) target(%dma_start3A_818 : memref<8x2048xf32, #tpu.memory_space<hbm>>) target_semaphore(%arg23 : memref<!tpu.dma_semaphore, #tpu.memory_space<semaphore_mem>>)
    %add3A_819 = arith.constant 48 : i32
    %add3A_820 = arith.addi %mul3A_2, %add3A_819 : i32
    %dma_start3A_821 = arith.constant 0 : i32
    %dma_start3A_822 = tpu.memref_slice %arg4[%add3A_820, %dma_start3A_821] : memref<2048x2048xf32, #tpu.memory_space<hbm>> -> memref<8x2048xf32, #tpu.memory_space<hbm>>
    %dma_start3A_823 = arith.constant 0 : i32
    %dma_start3A_824 = tpu.memref_slice %arg4[%add3A_820, %dma_start3A_823] : memref<2048x2048xf32, #tpu.memory_space<hbm>> -> memref<8x2048xf32, #tpu.memory_space<hbm>>
    tpu.enqueue_dma source(%dma_start3A_824 : memref<8x2048xf32, #tpu.memory_space<hbm>>) target(%arg12 : memref<8x2048xf32, #tpu.memory_space<vmem>>) target_semaphore(%arg24 : memref<!tpu.dma_semaphore, #tpu.memory_space<semaphore_mem>>)
    %dma_wait3A_825 = arith.constant 2 : i32
    %dma_wait3A_826 = arith.constant 0 : i32
    %dma_wait3A_827 = tpu.memref_slice %arg5[%dma_wait3A_825, %add3A_778, %dma_wait3A_826] : memref<4x2048x2048xf32, #tpu.memory_space<hbm>> -> memref<1x8x2048xf32, #tpu.memory_space<hbm>>
    %dma_wait3A_828 = tpu.memref_squeeze %dma_wait3A_827 : memref<1x8x2048xf32, #tpu.memory_space<hbm>> -> memref<8x2048xf32, #tpu.memory_space<hbm>>
    %dma_wait3A_829 = arith.constant 0 : i32
    %dma_wait3A_830 = tpu.memref_slice %arg5[%dma_wait3A_825, %add3A_778, %dma_wait3A_829] : memref<4x2048x2048xf32, #tpu.memory_space<hbm>> -> memref<1x8x2048xf32, #tpu.memory_space<hbm>>
    %dma_wait3A_831 = tpu.memref_squeeze %dma_wait3A_830 : memref<1x8x2048xf32, #tpu.memory_space<hbm>> -> memref<8x2048xf32, #tpu.memory_space<hbm>>
    tpu.wait_dma2 semaphore(%arg22 : memref<!tpu.dma_semaphore, #tpu.memory_space<semaphore_mem>>) src(%arg10 : memref<8x2048xf32, #tpu.memory_space<vmem>>) dst(%dma_wait3A_831 : memref<8x2048xf32, #tpu.memory_space<hbm>>)
    %dma_start3A_832 = arith.constant 3 : i32
    %dma_start3A_833 = arith.constant 40 : i32
    %dma_start3A_834 = tpu.memref_slice %arg6[%dma_start3A_832, %dma_start3A_833] : memref<4x64xi32, #tpu.memory_space<vmem>> -> memref<1x8xi32, #tpu.memory_space<vmem>>
    %dma_start3A_835 = tpu.memref_squeeze %dma_start3A_834 : memref<1x8xi32, #tpu.memory_space<vmem>> -> memref<8xi32, #tpu.memory_space<vmem>>
    %dma_start3A_836 = arith.constant 0 : i32
    %dma_start3A_837 = arith.constant 0 : i32
    %dma_start3A_838 = tpu.memref_slice %arg2[%dma_start3A_836, %dma_start3A_837] : memref<100000x2048xf32, #tpu.memory_space<hbm>> -> memref<100000x2048xf32, #tpu.memory_space<hbm>>
    tpu.enqueue_indirect_dma source(%dma_start3A_838 : memref<100000x2048xf32, #tpu.memory_space<hbm>>) target(%arg10 : memref<8x2048xf32, #tpu.memory_space<vmem>>) offsets(%dma_start3A_835 : memref<8xi32, #tpu.memory_space<vmem>>) semaphore(%arg17 : memref<!tpu.dma_semaphore, #tpu.memory_space<semaphore_mem>>)
    %dma_wait3A_839 = arith.constant 0 : i32
    %dma_wait3A_840 = arith.constant 40 : i32
    %dma_wait3A_841 = tpu.memref_slice %arg6[%dma_wait3A_839, %dma_wait3A_840] : memref<4x64xi32, #tpu.memory_space<vmem>> -> memref<1x8xi32, #tpu.memory_space<vmem>>
    %dma_wait3A_842 = tpu.memref_squeeze %dma_wait3A_841 : memref<1x8xi32, #tpu.memory_space<vmem>> -> memref<8xi32, #tpu.memory_space<vmem>>
    %dma_wait3A_843 = arith.constant 0 : i32
    %dma_wait3A_844 = arith.constant 0 : i32
    %dma_wait3A_845 = tpu.memref_slice %arg2[%dma_wait3A_843, %dma_wait3A_844] : memref<100000x2048xf32, #tpu.memory_space<hbm>> -> memref<100000x2048xf32, #tpu.memory_space<hbm>>
    tpu.wait_indirect_dma semaphore(%arg14 : memref<!tpu.dma_semaphore, #tpu.memory_space<semaphore_mem>>) src(%dma_wait3A_845 : memref<100000x2048xf32, #tpu.memory_space<hbm>>) dst(%arg7 : memref<8x2048xf32, #tpu.memory_space<vmem>>)
    %dma_wait3A_846 = arith.constant 0 : i32
    %dma_wait3A_847 = tpu.memref_slice %arg4[%add3A_678, %dma_wait3A_846] : memref<2048x2048xf32, #tpu.memory_space<hbm>> -> memref<8x2048xf32, #tpu.memory_space<hbm>>
    %dma_wait3A_848 = arith.constant 0 : i32
    %dma_wait3A_849 = tpu.memref_slice %arg4[%add3A_678, %dma_wait3A_848] : memref<2048x2048xf32, #tpu.memory_space<hbm>> -> memref<8x2048xf32, #tpu.memory_space<hbm>>
    tpu.wait_dma2 semaphore(%arg25 : memref<!tpu.dma_semaphore, #tpu.memory_space<semaphore_mem>>) src(%dma_wait3A_849 : memref<8x2048xf32, #tpu.memory_space<hbm>>) dst(%arg13 : memref<8x2048xf32, #tpu.memory_space<vmem>>)
    %parallel_loop3A_850 = arith.constant 0 : i32
    %parallel_loop3A_851 = arith.constant 1024 : i32
    %parallel_loop3A_852 = arith.constant 1 : i32
    scf.for %parallel_loop3A_1232 = %parallel_loop3A_850 to %parallel_loop3A_851 step %parallel_loop3A_852  : i32 {
      %parallel_loop3A_1233 = arith.constant 7 : i32
      %parallel_loop3A_1234 = arith.shrsi %parallel_loop3A_1232, %parallel_loop3A_1233 : i32
      %parallel_loop3A_1235 = arith.constant 127 : i32
      %parallel_loop3A_1236 = arith.andi %parallel_loop3A_1232, %parallel_loop3A_1235 : i32
      %parallel_loop3A_1237 = arith.constant 16 : i32
      %parallel_loop3A_1238 = arith.muli %parallel_loop3A_1236, %parallel_loop3A_1237 : i32
      %parallel_loop3A_1239 = arith.index_cast %parallel_loop3A_1234 : i32 to index
      %parallel_loop3A_1240 = arith.index_cast %parallel_loop3A_1238 : i32 to index
      %parallel_loop3A_1241 = tpu.vector_load %arg7[%parallel_loop3A_1239, %parallel_loop3A_1240] {strides = array<i32>} : memref<8x2048xf32, #tpu.memory_space<vmem>>, vector<1x16xf32>,
      %parallel_loop3A_1242 = vector.shape_cast %parallel_loop3A_1241 : vector<1x16xf32> to vector<16xf32>
      %parallel_loop3A_1243 = arith.constant 0 : i32
      %parallel_loop3A_1244 = arith.addi %parallel_loop3A_1243, %parallel_loop3A_1234 : i32
      %parallel_loop3A_1245 = arith.index_cast %parallel_loop3A_1244 : i32 to index
      %parallel_loop3A_1246 = arith.index_cast %parallel_loop3A_1238 : i32 to index
      %parallel_loop3A_1247 = tpu.vector_load %arg13[%parallel_loop3A_1245, %parallel_loop3A_1246] {strides = array<i32>} : memref<8x2048xf32, #tpu.memory_space<vmem>>, vector<1x16xf32>,
      %parallel_loop3A_1248 = vector.shape_cast %parallel_loop3A_1247 : vector<1x16xf32> to vector<16xf32>
      %parallel_loop3A_1249 = arith.addf %parallel_loop3A_1242, %parallel_loop3A_1248 : vector<16xf32>
      %parallel_loop3A_1250 = arith.index_cast %parallel_loop3A_1234 : i32 to index
      %parallel_loop3A_1251 = arith.index_cast %parallel_loop3A_1238 : i32 to index
      %parallel_loop3A_1252 = tpu.vector_load %arg7[%parallel_loop3A_1250, %parallel_loop3A_1251] {strides = array<i32>} : memref<8x2048xf32, #tpu.memory_space<vmem>>, vector<1x16xf32>,
      %parallel_loop3A_1253 = vector.shape_cast %parallel_loop3A_1252 : vector<1x16xf32> to vector<16xf32>
      %parallel_loop3A_1254 = vector.shape_cast %parallel_loop3A_1249 : vector<16xf32> to vector<1x16xf32>
      tpu.vector_store %arg7[%parallel_loop3A_1250, %parallel_loop3A_1251], %parallel_loop3A_1254 {strides = array<i32>} : memref<8x2048xf32, #tpu.memory_space<vmem>>, vector<1x16xf32>,
    } {sc.loop_unroll_factor = 8 : i64, sc.parallel_access}
    %add3A_853 = arith.constant 40 : i32
    %add3A_854 = arith.addi %mul3A_2, %add3A_853 : i32
    %dma_start3A_855 = arith.constant 0 : i32
    %dma_start3A_856 = arith.constant 0 : i32
    %dma_start3A_857 = tpu.memref_slice %arg5[%dma_start3A_855, %add3A_854, %dma_start3A_856] : memref<4x2048x2048xf32, #tpu.memory_space<hbm>> -> memref<1x8x2048xf32, #tpu.memory_space<hbm>>
    %dma_start3A_858 = tpu.memref_squeeze %dma_start3A_857 : memref<1x8x2048xf32, #tpu.memory_space<hbm>> -> memref<8x2048xf32, #tpu.memory_space<hbm>>
    %dma_start3A_859 = arith.constant 0 : i32
    %dma_start3A_860 = tpu.memref_slice %arg5[%dma_start3A_855, %add3A_854, %dma_start3A_859] : memref<4x2048x2048xf32, #tpu.memory_space<hbm>> -> memref<1x8x2048xf32, #tpu.memory_space<hbm>>
    %dma_start3A_861 = tpu.memref_squeeze %dma_start3A_860 : memref<1x8x2048xf32, #tpu.memory_space<hbm>> -> memref<8x2048xf32, #tpu.memory_space<hbm>>
    tpu.enqueue_dma source(%arg7 : memref<8x2048xf32, #tpu.memory_space<vmem>>) target(%dma_start3A_861 : memref<8x2048xf32, #tpu.memory_space<hbm>>) target_semaphore(%arg19 : memref<!tpu.dma_semaphore, #tpu.memory_space<semaphore_mem>>)
    %dma_wait3A_862 = arith.constant 3 : i32
    %dma_wait3A_863 = arith.constant 0 : i32
    %dma_wait3A_864 = tpu.memref_slice %arg5[%dma_wait3A_862, %add3A_811, %dma_wait3A_863] : memref<4x2048x2048xf32, #tpu.memory_space<hbm>> -> memref<1x8x2048xf32, #tpu.memory_space<hbm>>
    %dma_wait3A_865 = tpu.memref_squeeze %dma_wait3A_864 : memref<1x8x2048xf32, #tpu.memory_space<hbm>> -> memref<8x2048xf32, #tpu.memory_space<hbm>>
    %dma_wait3A_866 = arith.constant 0 : i32
    %dma_wait3A_867 = tpu.memref_slice %arg5[%dma_wait3A_862, %add3A_811, %dma_wait3A_866] : memref<4x2048x2048xf32, #tpu.memory_space<hbm>> -> memref<1x8x2048xf32, #tpu.memory_space<hbm>>
    %dma_wait3A_868 = tpu.memref_squeeze %dma_wait3A_867 : memref<1x8x2048xf32, #tpu.memory_space<hbm>> -> memref<8x2048xf32, #tpu.memory_space<hbm>>
    tpu.wait_dma2 semaphore(%arg23 : memref<!tpu.dma_semaphore, #tpu.memory_space<semaphore_mem>>) src(%arg11 : memref<8x2048xf32, #tpu.memory_space<vmem>>) dst(%dma_wait3A_868 : memref<8x2048xf32, #tpu.memory_space<hbm>>)
    %dma_start3A_869 = arith.constant 0 : i32
    %dma_start3A_870 = arith.constant 48 : i32
    %dma_start3A_871 = tpu.memref_slice %arg6[%dma_start3A_869, %dma_start3A_870] : memref<4x64xi32, #tpu.memory_space<vmem>> -> memref<1x8xi32, #tpu.memory_space<vmem>>
    %dma_start3A_872 = tpu.memref_squeeze %dma_start3A_871 : memref<1x8xi32, #tpu.memory_space<vmem>> -> memref<8xi32, #tpu.memory_space<vmem>>
    %dma_start3A_873 = arith.constant 0 : i32
    %dma_start3A_874 = arith.constant 0 : i32
    %dma_start3A_875 = tpu.memref_slice %arg2[%dma_start3A_873, %dma_start3A_874] : memref<100000x2048xf32, #tpu.memory_space<hbm>> -> memref<100000x2048xf32, #tpu.memory_space<hbm>>
    tpu.enqueue_indirect_dma source(%dma_start3A_875 : memref<100000x2048xf32, #tpu.memory_space<hbm>>) target(%arg11 : memref<8x2048xf32, #tpu.memory_space<vmem>>) offsets(%dma_start3A_872 : memref<8xi32, #tpu.memory_space<vmem>>) semaphore(%arg18 : memref<!tpu.dma_semaphore, #tpu.memory_space<semaphore_mem>>)
    %dma_wait3A_876 = arith.constant 1 : i32
    %dma_wait3A_877 = arith.constant 40 : i32
    %dma_wait3A_878 = tpu.memref_slice %arg6[%dma_wait3A_876, %dma_wait3A_877] : memref<4x64xi32, #tpu.memory_space<vmem>> -> memref<1x8xi32, #tpu.memory_space<vmem>>
    %dma_wait3A_879 = tpu.memref_squeeze %dma_wait3A_878 : memref<1x8xi32, #tpu.memory_space<vmem>> -> memref<8xi32, #tpu.memory_space<vmem>>
    %dma_wait3A_880 = arith.constant 0 : i32
    %dma_wait3A_881 = arith.constant 0 : i32
    %dma_wait3A_882 = tpu.memref_slice %arg2[%dma_wait3A_880, %dma_wait3A_881] : memref<100000x2048xf32, #tpu.memory_space<hbm>> -> memref<100000x2048xf32, #tpu.memory_space<hbm>>
    tpu.wait_indirect_dma semaphore(%arg15 : memref<!tpu.dma_semaphore, #tpu.memory_space<semaphore_mem>>) src(%dma_wait3A_882 : memref<100000x2048xf32, #tpu.memory_space<hbm>>) dst(%arg8 : memref<8x2048xf32, #tpu.memory_space<vmem>>)
    %parallel_loop3A_883 = arith.constant 0 : i32
    %parallel_loop3A_884 = arith.constant 1024 : i32
    %parallel_loop3A_885 = arith.constant 1 : i32
    scf.for %parallel_loop3A_1232 = %parallel_loop3A_883 to %parallel_loop3A_884 step %parallel_loop3A_885  : i32 {
      %parallel_loop3A_1233 = arith.constant 7 : i32
      %parallel_loop3A_1234 = arith.shrsi %parallel_loop3A_1232, %parallel_loop3A_1233 : i32
      %parallel_loop3A_1235 = arith.constant 127 : i32
      %parallel_loop3A_1236 = arith.andi %parallel_loop3A_1232, %parallel_loop3A_1235 : i32
      %parallel_loop3A_1237 = arith.constant 16 : i32
      %parallel_loop3A_1238 = arith.muli %parallel_loop3A_1236, %parallel_loop3A_1237 : i32
      %parallel_loop3A_1239 = arith.index_cast %parallel_loop3A_1234 : i32 to index
      %parallel_loop3A_1240 = arith.index_cast %parallel_loop3A_1238 : i32 to index
      %parallel_loop3A_1241 = tpu.vector_load %arg8[%parallel_loop3A_1239, %parallel_loop3A_1240] {strides = array<i32>} : memref<8x2048xf32, #tpu.memory_space<vmem>>, vector<1x16xf32>,
      %parallel_loop3A_1242 = vector.shape_cast %parallel_loop3A_1241 : vector<1x16xf32> to vector<16xf32>
      %parallel_loop3A_1243 = arith.constant 0 : i32
      %parallel_loop3A_1244 = arith.addi %parallel_loop3A_1243, %parallel_loop3A_1234 : i32
      %parallel_loop3A_1245 = arith.index_cast %parallel_loop3A_1244 : i32 to index
      %parallel_loop3A_1246 = arith.index_cast %parallel_loop3A_1238 : i32 to index
      %parallel_loop3A_1247 = tpu.vector_load %arg13[%parallel_loop3A_1245, %parallel_loop3A_1246] {strides = array<i32>} : memref<8x2048xf32, #tpu.memory_space<vmem>>, vector<1x16xf32>,
      %parallel_loop3A_1248 = vector.shape_cast %parallel_loop3A_1247 : vector<1x16xf32> to vector<16xf32>
      %parallel_loop3A_1249 = arith.addf %parallel_loop3A_1242, %parallel_loop3A_1248 : vector<16xf32>
      %parallel_loop3A_1250 = arith.index_cast %parallel_loop3A_1234 : i32 to index
      %parallel_loop3A_1251 = arith.index_cast %parallel_loop3A_1238 : i32 to index
      %parallel_loop3A_1252 = tpu.vector_load %arg8[%parallel_loop3A_1250, %parallel_loop3A_1251] {strides = array<i32>} : memref<8x2048xf32, #tpu.memory_space<vmem>>, vector<1x16xf32>,
      %parallel_loop3A_1253 = vector.shape_cast %parallel_loop3A_1252 : vector<1x16xf32> to vector<16xf32>
      %parallel_loop3A_1254 = vector.shape_cast %parallel_loop3A_1249 : vector<16xf32> to vector<1x16xf32>
      tpu.vector_store %arg8[%parallel_loop3A_1250, %parallel_loop3A_1251], %parallel_loop3A_1254 {strides = array<i32>} : memref<8x2048xf32, #tpu.memory_space<vmem>>, vector<1x16xf32>,
    } {sc.loop_unroll_factor = 8 : i64, sc.parallel_access}
    %add3A_886 = arith.constant 40 : i32
    %add3A_887 = arith.addi %mul3A_2, %add3A_886 : i32
    %dma_start3A_888 = arith.constant 1 : i32
    %dma_start3A_889 = arith.constant 0 : i32
    %dma_start3A_890 = tpu.memref_slice %arg5[%dma_start3A_888, %add3A_887, %dma_start3A_889] : memref<4x2048x2048xf32, #tpu.memory_space<hbm>> -> memref<1x8x2048xf32, #tpu.memory_space<hbm>>
    %dma_start3A_891 = tpu.memref_squeeze %dma_start3A_890 : memref<1x8x2048xf32, #tpu.memory_space<hbm>> -> memref<8x2048xf32, #tpu.memory_space<hbm>>
    %dma_start3A_892 = arith.constant 0 : i32
    %dma_start3A_893 = tpu.memref_slice %arg5[%dma_start3A_888, %add3A_887, %dma_start3A_892] : memref<4x2048x2048xf32, #tpu.memory_space<hbm>> -> memref<1x8x2048xf32, #tpu.memory_space<hbm>>
    %dma_start3A_894 = tpu.memref_squeeze %dma_start3A_893 : memref<1x8x2048xf32, #tpu.memory_space<hbm>> -> memref<8x2048xf32, #tpu.memory_space<hbm>>
    tpu.enqueue_dma source(%arg8 : memref<8x2048xf32, #tpu.memory_space<vmem>>) target(%dma_start3A_894 : memref<8x2048xf32, #tpu.memory_space<hbm>>) target_semaphore(%arg20 : memref<!tpu.dma_semaphore, #tpu.memory_space<semaphore_mem>>)
    %dma_wait3A_895 = arith.constant 0 : i32
    %dma_wait3A_896 = arith.constant 0 : i32
    %dma_wait3A_897 = tpu.memref_slice %arg5[%dma_wait3A_895, %add3A_854, %dma_wait3A_896] : memref<4x2048x2048xf32, #tpu.memory_space<hbm>> -> memref<1x8x2048xf32, #tpu.memory_space<hbm>>
    %dma_wait3A_898 = tpu.memref_squeeze %dma_wait3A_897 : memref<1x8x2048xf32, #tpu.memory_space<hbm>> -> memref<8x2048xf32, #tpu.memory_space<hbm>>
    %dma_wait3A_899 = arith.constant 0 : i32
    %dma_wait3A_900 = tpu.memref_slice %arg5[%dma_wait3A_895, %add3A_854, %dma_wait3A_899] : memref<4x2048x2048xf32, #tpu.memory_space<hbm>> -> memref<1x8x2048xf32, #tpu.memory_space<hbm>>
    %dma_wait3A_901 = tpu.memref_squeeze %dma_wait3A_900 : memref<1x8x2048xf32, #tpu.memory_space<hbm>> -> memref<8x2048xf32, #tpu.memory_space<hbm>>
    tpu.wait_dma2 semaphore(%arg19 : memref<!tpu.dma_semaphore, #tpu.memory_space<semaphore_mem>>) src(%arg7 : memref<8x2048xf32, #tpu.memory_space<vmem>>) dst(%dma_wait3A_901 : memref<8x2048xf32, #tpu.memory_space<hbm>>)
    %dma_start3A_902 = arith.constant 1 : i32
    %dma_start3A_903 = arith.constant 48 : i32
    %dma_start3A_904 = tpu.memref_slice %arg6[%dma_start3A_902, %dma_start3A_903] : memref<4x64xi32, #tpu.memory_space<vmem>> -> memref<1x8xi32, #tpu.memory_space<vmem>>
    %dma_start3A_905 = tpu.memref_squeeze %dma_start3A_904 : memref<1x8xi32, #tpu.memory_space<vmem>> -> memref<8xi32, #tpu.memory_space<vmem>>
    %dma_start3A_906 = arith.constant 0 : i32
    %dma_start3A_907 = arith.constant 0 : i32
    %dma_start3A_908 = tpu.memref_slice %arg2[%dma_start3A_906, %dma_start3A_907] : memref<100000x2048xf32, #tpu.memory_space<hbm>> -> memref<100000x2048xf32, #tpu.memory_space<hbm>>
    tpu.enqueue_indirect_dma source(%dma_start3A_908 : memref<100000x2048xf32, #tpu.memory_space<hbm>>) target(%arg7 : memref<8x2048xf32, #tpu.memory_space<vmem>>) offsets(%dma_start3A_905 : memref<8xi32, #tpu.memory_space<vmem>>) semaphore(%arg14 : memref<!tpu.dma_semaphore, #tpu.memory_space<semaphore_mem>>)
    %dma_wait3A_909 = arith.constant 2 : i32
    %dma_wait3A_910 = arith.constant 40 : i32
    %dma_wait3A_911 = tpu.memref_slice %arg6[%dma_wait3A_909, %dma_wait3A_910] : memref<4x64xi32, #tpu.memory_space<vmem>> -> memref<1x8xi32, #tpu.memory_space<vmem>>
    %dma_wait3A_912 = tpu.memref_squeeze %dma_wait3A_911 : memref<1x8xi32, #tpu.memory_space<vmem>> -> memref<8xi32, #tpu.memory_space<vmem>>
    %dma_wait3A_913 = arith.constant 0 : i32
    %dma_wait3A_914 = arith.constant 0 : i32
    %dma_wait3A_915 = tpu.memref_slice %arg2[%dma_wait3A_913, %dma_wait3A_914] : memref<100000x2048xf32, #tpu.memory_space<hbm>> -> memref<100000x2048xf32, #tpu.memory_space<hbm>>
    tpu.wait_indirect_dma semaphore(%arg16 : memref<!tpu.dma_semaphore, #tpu.memory_space<semaphore_mem>>) src(%dma_wait3A_915 : memref<100000x2048xf32, #tpu.memory_space<hbm>>) dst(%arg9 : memref<8x2048xf32, #tpu.memory_space<vmem>>)
    %parallel_loop3A_916 = arith.constant 0 : i32
    %parallel_loop3A_917 = arith.constant 1024 : i32
    %parallel_loop3A_918 = arith.constant 1 : i32
    scf.for %parallel_loop3A_1232 = %parallel_loop3A_916 to %parallel_loop3A_917 step %parallel_loop3A_918  : i32 {
      %parallel_loop3A_1233 = arith.constant 7 : i32
      %parallel_loop3A_1234 = arith.shrsi %parallel_loop3A_1232, %parallel_loop3A_1233 : i32
      %parallel_loop3A_1235 = arith.constant 127 : i32
      %parallel_loop3A_1236 = arith.andi %parallel_loop3A_1232, %parallel_loop3A_1235 : i32
      %parallel_loop3A_1237 = arith.constant 16 : i32
      %parallel_loop3A_1238 = arith.muli %parallel_loop3A_1236, %parallel_loop3A_1237 : i32
      %parallel_loop3A_1239 = arith.index_cast %parallel_loop3A_1234 : i32 to index
      %parallel_loop3A_1240 = arith.index_cast %parallel_loop3A_1238 : i32 to index
      %parallel_loop3A_1241 = tpu.vector_load %arg9[%parallel_loop3A_1239, %parallel_loop3A_1240] {strides = array<i32>} : memref<8x2048xf32, #tpu.memory_space<vmem>>, vector<1x16xf32>,
      %parallel_loop3A_1242 = vector.shape_cast %parallel_loop3A_1241 : vector<1x16xf32> to vector<16xf32>
      %parallel_loop3A_1243 = arith.constant 0 : i32
      %parallel_loop3A_1244 = arith.addi %parallel_loop3A_1243, %parallel_loop3A_1234 : i32
      %parallel_loop3A_1245 = arith.index_cast %parallel_loop3A_1244 : i32 to index
      %parallel_loop3A_1246 = arith.index_cast %parallel_loop3A_1238 : i32 to index
      %parallel_loop3A_1247 = tpu.vector_load %arg13[%parallel_loop3A_1245, %parallel_loop3A_1246] {strides = array<i32>} : memref<8x2048xf32, #tpu.memory_space<vmem>>, vector<1x16xf32>,
      %parallel_loop3A_1248 = vector.shape_cast %parallel_loop3A_1247 : vector<1x16xf32> to vector<16xf32>
      %parallel_loop3A_1249 = arith.addf %parallel_loop3A_1242, %parallel_loop3A_1248 : vector<16xf32>
      %parallel_loop3A_1250 = arith.index_cast %parallel_loop3A_1234 : i32 to index
      %parallel_loop3A_1251 = arith.index_cast %parallel_loop3A_1238 : i32 to index
      %parallel_loop3A_1252 = tpu.vector_load %arg9[%parallel_loop3A_1250, %parallel_loop3A_1251] {strides = array<i32>} : memref<8x2048xf32, #tpu.memory_space<vmem>>, vector<1x16xf32>,
      %parallel_loop3A_1253 = vector.shape_cast %parallel_loop3A_1252 : vector<1x16xf32> to vector<16xf32>
      %parallel_loop3A_1254 = vector.shape_cast %parallel_loop3A_1249 : vector<16xf32> to vector<1x16xf32>
      tpu.vector_store %arg9[%parallel_loop3A_1250, %parallel_loop3A_1251], %parallel_loop3A_1254 {strides = array<i32>} : memref<8x2048xf32, #tpu.memory_space<vmem>>, vector<1x16xf32>,
    } {sc.loop_unroll_factor = 8 : i64, sc.parallel_access}
    %add3A_919 = arith.constant 40 : i32
    %add3A_920 = arith.addi %mul3A_2, %add3A_919 : i32
    %dma_start3A_921 = arith.constant 2 : i32
    %dma_start3A_922 = arith.constant 0 : i32
    %dma_start3A_923 = tpu.memref_slice %arg5[%dma_start3A_921, %add3A_920, %dma_start3A_922] : memref<4x2048x2048xf32, #tpu.memory_space<hbm>> -> memref<1x8x2048xf32, #tpu.memory_space<hbm>>
    %dma_start3A_924 = tpu.memref_squeeze %dma_start3A_923 : memref<1x8x2048xf32, #tpu.memory_space<hbm>> -> memref<8x2048xf32, #tpu.memory_space<hbm>>
    %dma_start3A_925 = arith.constant 0 : i32
    %dma_start3A_926 = tpu.memref_slice %arg5[%dma_start3A_921, %add3A_920, %dma_start3A_925] : memref<4x2048x2048xf32, #tpu.memory_space<hbm>> -> memref<1x8x2048xf32, #tpu.memory_space<hbm>>
    %dma_start3A_927 = tpu.memref_squeeze %dma_start3A_926 : memref<1x8x2048xf32, #tpu.memory_space<hbm>> -> memref<8x2048xf32, #tpu.memory_space<hbm>>
    tpu.enqueue_dma source(%arg9 : memref<8x2048xf32, #tpu.memory_space<vmem>>) target(%dma_start3A_927 : memref<8x2048xf32, #tpu.memory_space<hbm>>) target_semaphore(%arg21 : memref<!tpu.dma_semaphore, #tpu.memory_space<semaphore_mem>>)
    %dma_wait3A_928 = arith.constant 1 : i32
    %dma_wait3A_929 = arith.constant 0 : i32
    %dma_wait3A_930 = tpu.memref_slice %arg5[%dma_wait3A_928, %add3A_887, %dma_wait3A_929] : memref<4x2048x2048xf32, #tpu.memory_space<hbm>> -> memref<1x8x2048xf32, #tpu.memory_space<hbm>>
    %dma_wait3A_931 = tpu.memref_squeeze %dma_wait3A_930 : memref<1x8x2048xf32, #tpu.memory_space<hbm>> -> memref<8x2048xf32, #tpu.memory_space<hbm>>
    %dma_wait3A_932 = arith.constant 0 : i32
    %dma_wait3A_933 = tpu.memref_slice %arg5[%dma_wait3A_928, %add3A_887, %dma_wait3A_932] : memref<4x2048x2048xf32, #tpu.memory_space<hbm>> -> memref<1x8x2048xf32, #tpu.memory_space<hbm>>
    %dma_wait3A_934 = tpu.memref_squeeze %dma_wait3A_933 : memref<1x8x2048xf32, #tpu.memory_space<hbm>> -> memref<8x2048xf32, #tpu.memory_space<hbm>>
    tpu.wait_dma2 semaphore(%arg20 : memref<!tpu.dma_semaphore, #tpu.memory_space<semaphore_mem>>) src(%arg8 : memref<8x2048xf32, #tpu.memory_space<vmem>>) dst(%dma_wait3A_934 : memref<8x2048xf32, #tpu.memory_space<hbm>>)
    %dma_start3A_935 = arith.constant 2 : i32
    %dma_start3A_936 = arith.constant 48 : i32
    %dma_start3A_937 = tpu.memref_slice %arg6[%dma_start3A_935, %dma_start3A_936] : memref<4x64xi32, #tpu.memory_space<vmem>> -> memref<1x8xi32, #tpu.memory_space<vmem>>
    %dma_start3A_938 = tpu.memref_squeeze %dma_start3A_937 : memref<1x8xi32, #tpu.memory_space<vmem>> -> memref<8xi32, #tpu.memory_space<vmem>>
    %dma_start3A_939 = arith.constant 0 : i32
    %dma_start3A_940 = arith.constant 0 : i32
    %dma_start3A_941 = tpu.memref_slice %arg2[%dma_start3A_939, %dma_start3A_940] : memref<100000x2048xf32, #tpu.memory_space<hbm>> -> memref<100000x2048xf32, #tpu.memory_space<hbm>>
    tpu.enqueue_indirect_dma source(%dma_start3A_941 : memref<100000x2048xf32, #tpu.memory_space<hbm>>) target(%arg8 : memref<8x2048xf32, #tpu.memory_space<vmem>>) offsets(%dma_start3A_938 : memref<8xi32, #tpu.memory_space<vmem>>) semaphore(%arg15 : memref<!tpu.dma_semaphore, #tpu.memory_space<semaphore_mem>>)
    %dma_wait3A_942 = arith.constant 3 : i32
    %dma_wait3A_943 = arith.constant 40 : i32
    %dma_wait3A_944 = tpu.memref_slice %arg6[%dma_wait3A_942, %dma_wait3A_943] : memref<4x64xi32, #tpu.memory_space<vmem>> -> memref<1x8xi32, #tpu.memory_space<vmem>>
    %dma_wait3A_945 = tpu.memref_squeeze %dma_wait3A_944 : memref<1x8xi32, #tpu.memory_space<vmem>> -> memref<8xi32, #tpu.memory_space<vmem>>
    %dma_wait3A_946 = arith.constant 0 : i32
    %dma_wait3A_947 = arith.constant 0 : i32
    %dma_wait3A_948 = tpu.memref_slice %arg2[%dma_wait3A_946, %dma_wait3A_947] : memref<100000x2048xf32, #tpu.memory_space<hbm>> -> memref<100000x2048xf32, #tpu.memory_space<hbm>>
    tpu.wait_indirect_dma semaphore(%arg17 : memref<!tpu.dma_semaphore, #tpu.memory_space<semaphore_mem>>) src(%dma_wait3A_948 : memref<100000x2048xf32, #tpu.memory_space<hbm>>) dst(%arg10 : memref<8x2048xf32, #tpu.memory_space<vmem>>)
    %parallel_loop3A_949 = arith.constant 0 : i32
    %parallel_loop3A_950 = arith.constant 1024 : i32
    %parallel_loop3A_951 = arith.constant 1 : i32
    scf.for %parallel_loop3A_1232 = %parallel_loop3A_949 to %parallel_loop3A_950 step %parallel_loop3A_951  : i32 {
      %parallel_loop3A_1233 = arith.constant 7 : i32
      %parallel_loop3A_1234 = arith.shrsi %parallel_loop3A_1232, %parallel_loop3A_1233 : i32
      %parallel_loop3A_1235 = arith.constant 127 : i32
      %parallel_loop3A_1236 = arith.andi %parallel_loop3A_1232, %parallel_loop3A_1235 : i32
      %parallel_loop3A_1237 = arith.constant 16 : i32
      %parallel_loop3A_1238 = arith.muli %parallel_loop3A_1236, %parallel_loop3A_1237 : i32
      %parallel_loop3A_1239 = arith.index_cast %parallel_loop3A_1234 : i32 to index
      %parallel_loop3A_1240 = arith.index_cast %parallel_loop3A_1238 : i32 to index
      %parallel_loop3A_1241 = tpu.vector_load %arg10[%parallel_loop3A_1239, %parallel_loop3A_1240] {strides = array<i32>} : memref<8x2048xf32, #tpu.memory_space<vmem>>, vector<1x16xf32>,
      %parallel_loop3A_1242 = vector.shape_cast %parallel_loop3A_1241 : vector<1x16xf32> to vector<16xf32>
      %parallel_loop3A_1243 = arith.constant 0 : i32
      %parallel_loop3A_1244 = arith.addi %parallel_loop3A_1243, %parallel_loop3A_1234 : i32
      %parallel_loop3A_1245 = arith.index_cast %parallel_loop3A_1244 : i32 to index
      %parallel_loop3A_1246 = arith.index_cast %parallel_loop3A_1238 : i32 to index
      %parallel_loop3A_1247 = tpu.vector_load %arg13[%parallel_loop3A_1245, %parallel_loop3A_1246] {strides = array<i32>} : memref<8x2048xf32, #tpu.memory_space<vmem>>, vector<1x16xf32>,
      %parallel_loop3A_1248 = vector.shape_cast %parallel_loop3A_1247 : vector<1x16xf32> to vector<16xf32>
      %parallel_loop3A_1249 = arith.addf %parallel_loop3A_1242, %parallel_loop3A_1248 : vector<16xf32>
      %parallel_loop3A_1250 = arith.index_cast %parallel_loop3A_1234 : i32 to index
      %parallel_loop3A_1251 = arith.index_cast %parallel_loop3A_1238 : i32 to index
      %parallel_loop3A_1252 = tpu.vector_load %arg10[%parallel_loop3A_1250, %parallel_loop3A_1251] {strides = array<i32>} : memref<8x2048xf32, #tpu.memory_space<vmem>>, vector<1x16xf32>,
      %parallel_loop3A_1253 = vector.shape_cast %parallel_loop3A_1252 : vector<1x16xf32> to vector<16xf32>
      %parallel_loop3A_1254 = vector.shape_cast %parallel_loop3A_1249 : vector<16xf32> to vector<1x16xf32>
      tpu.vector_store %arg10[%parallel_loop3A_1250, %parallel_loop3A_1251], %parallel_loop3A_1254 {strides = array<i32>} : memref<8x2048xf32, #tpu.memory_space<vmem>>, vector<1x16xf32>,
    } {sc.loop_unroll_factor = 8 : i64, sc.parallel_access}
    %add3A_952 = arith.constant 40 : i32
    %add3A_953 = arith.addi %mul3A_2, %add3A_952 : i32
    %dma_start3A_954 = arith.constant 3 : i32
    %dma_start3A_955 = arith.constant 0 : i32
    %dma_start3A_956 = tpu.memref_slice %arg5[%dma_start3A_954, %add3A_953, %dma_start3A_955] : memref<4x2048x2048xf32, #tpu.memory_space<hbm>> -> memref<1x8x2048xf32, #tpu.memory_space<hbm>>
    %dma_start3A_957 = tpu.memref_squeeze %dma_start3A_956 : memref<1x8x2048xf32, #tpu.memory_space<hbm>> -> memref<8x2048xf32, #tpu.memory_space<hbm>>
    %dma_start3A_958 = arith.constant 0 : i32
    %dma_start3A_959 = tpu.memref_slice %arg5[%dma_start3A_954, %add3A_953, %dma_start3A_958] : memref<4x2048x2048xf32, #tpu.memory_space<hbm>> -> memref<1x8x2048xf32, #tpu.memory_space<hbm>>
    %dma_start3A_960 = tpu.memref_squeeze %dma_start3A_959 : memref<1x8x2048xf32, #tpu.memory_space<hbm>> -> memref<8x2048xf32, #tpu.memory_space<hbm>>
    tpu.enqueue_dma source(%arg10 : memref<8x2048xf32, #tpu.memory_space<vmem>>) target(%dma_start3A_960 : memref<8x2048xf32, #tpu.memory_space<hbm>>) target_semaphore(%arg22 : memref<!tpu.dma_semaphore, #tpu.memory_space<semaphore_mem>>)
    %add3A_961 = arith.constant 56 : i32
    %add3A_962 = arith.addi %mul3A_2, %add3A_961 : i32
    %dma_start3A_963 = arith.constant 0 : i32
    %dma_start3A_964 = tpu.memref_slice %arg4[%add3A_962, %dma_start3A_963] : memref<2048x2048xf32, #tpu.memory_space<hbm>> -> memref<8x2048xf32, #tpu.memory_space<hbm>>
    %dma_start3A_965 = arith.constant 0 : i32
    %dma_start3A_966 = tpu.memref_slice %arg4[%add3A_962, %dma_start3A_965] : memref<2048x2048xf32, #tpu.memory_space<hbm>> -> memref<8x2048xf32, #tpu.memory_space<hbm>>
    tpu.enqueue_dma source(%dma_start3A_966 : memref<8x2048xf32, #tpu.memory_space<hbm>>) target(%arg13 : memref<8x2048xf32, #tpu.memory_space<vmem>>) target_semaphore(%arg25 : memref<!tpu.dma_semaphore, #tpu.memory_space<semaphore_mem>>)
    %dma_wait3A_967 = arith.constant 2 : i32
    %dma_wait3A_968 = arith.constant 0 : i32
    %dma_wait3A_969 = tpu.memref_slice %arg5[%dma_wait3A_967, %add3A_920, %dma_wait3A_968] : memref<4x2048x2048xf32, #tpu.memory_space<hbm>> -> memref<1x8x2048xf32, #tpu.memory_space<hbm>>
    %dma_wait3A_970 = tpu.memref_squeeze %dma_wait3A_969 : memref<1x8x2048xf32, #tpu.memory_space<hbm>> -> memref<8x2048xf32, #tpu.memory_space<hbm>>
    %dma_wait3A_971 = arith.constant 0 : i32
    %dma_wait3A_972 = tpu.memref_slice %arg5[%dma_wait3A_967, %add3A_920, %dma_wait3A_971] : memref<4x2048x2048xf32, #tpu.memory_space<hbm>> -> memref<1x8x2048xf32, #tpu.memory_space<hbm>>
    %dma_wait3A_973 = tpu.memref_squeeze %dma_wait3A_972 : memref<1x8x2048xf32, #tpu.memory_space<hbm>> -> memref<8x2048xf32, #tpu.memory_space<hbm>>
    tpu.wait_dma2 semaphore(%arg21 : memref<!tpu.dma_semaphore, #tpu.memory_space<semaphore_mem>>) src(%arg9 : memref<8x2048xf32, #tpu.memory_space<vmem>>) dst(%dma_wait3A_973 : memref<8x2048xf32, #tpu.memory_space<hbm>>)
    %dma_start3A_974 = arith.constant 3 : i32
    %dma_start3A_975 = arith.constant 48 : i32
    %dma_start3A_976 = tpu.memref_slice %arg6[%dma_start3A_974, %dma_start3A_975] : memref<4x64xi32, #tpu.memory_space<vmem>> -> memref<1x8xi32, #tpu.memory_space<vmem>>
    %dma_start3A_977 = tpu.memref_squeeze %dma_start3A_976 : memref<1x8xi32, #tpu.memory_space<vmem>> -> memref<8xi32, #tpu.memory_space<vmem>>
    %dma_start3A_978 = arith.constant 0 : i32
    %dma_start3A_979 = arith.constant 0 : i32
    %dma_start3A_980 = tpu.memref_slice %arg2[%dma_start3A_978, %dma_start3A_979] : memref<100000x2048xf32, #tpu.memory_space<hbm>> -> memref<100000x2048xf32, #tpu.memory_space<hbm>>
    tpu.enqueue_indirect_dma source(%dma_start3A_980 : memref<100000x2048xf32, #tpu.memory_space<hbm>>) target(%arg9 : memref<8x2048xf32, #tpu.memory_space<vmem>>) offsets(%dma_start3A_977 : memref<8xi32, #tpu.memory_space<vmem>>) semaphore(%arg16 : memref<!tpu.dma_semaphore, #tpu.memory_space<semaphore_mem>>)
    %dma_wait3A_981 = arith.constant 0 : i32
    %dma_wait3A_982 = arith.constant 48 : i32
    %dma_wait3A_983 = tpu.memref_slice %arg6[%dma_wait3A_981, %dma_wait3A_982] : memref<4x64xi32, #tpu.memory_space<vmem>> -> memref<1x8xi32, #tpu.memory_space<vmem>>
    %dma_wait3A_984 = tpu.memref_squeeze %dma_wait3A_983 : memref<1x8xi32, #tpu.memory_space<vmem>> -> memref<8xi32, #tpu.memory_space<vmem>>
    %dma_wait3A_985 = arith.constant 0 : i32
    %dma_wait3A_986 = arith.constant 0 : i32
    %dma_wait3A_987 = tpu.memref_slice %arg2[%dma_wait3A_985, %dma_wait3A_986] : memref<100000x2048xf32, #tpu.memory_space<hbm>> -> memref<100000x2048xf32, #tpu.memory_space<hbm>>
    tpu.wait_indirect_dma semaphore(%arg18 : memref<!tpu.dma_semaphore, #tpu.memory_space<semaphore_mem>>) src(%dma_wait3A_987 : memref<100000x2048xf32, #tpu.memory_space<hbm>>) dst(%arg11 : memref<8x2048xf32, #tpu.memory_space<vmem>>)
    %dma_wait3A_988 = arith.constant 0 : i32
    %dma_wait3A_989 = tpu.memref_slice %arg4[%add3A_820, %dma_wait3A_988] : memref<2048x2048xf32, #tpu.memory_space<hbm>> -> memref<8x2048xf32, #tpu.memory_space<hbm>>
    %dma_wait3A_990 = arith.constant 0 : i32
    %dma_wait3A_991 = tpu.memref_slice %arg4[%add3A_820, %dma_wait3A_990] : memref<2048x2048xf32, #tpu.memory_space<hbm>> -> memref<8x2048xf32, #tpu.memory_space<hbm>>
    tpu.wait_dma2 semaphore(%arg24 : memref<!tpu.dma_semaphore, #tpu.memory_space<semaphore_mem>>) src(%dma_wait3A_991 : memref<8x2048xf32, #tpu.memory_space<hbm>>) dst(%arg12 : memref<8x2048xf32, #tpu.memory_space<vmem>>)
    %parallel_loop3A_992 = arith.constant 0 : i32
    %parallel_loop3A_993 = arith.constant 1024 : i32
    %parallel_loop3A_994 = arith.constant 1 : i32
    scf.for %parallel_loop3A_1232 = %parallel_loop3A_992 to %parallel_loop3A_993 step %parallel_loop3A_994  : i32 {
      %parallel_loop3A_1233 = arith.constant 7 : i32
      %parallel_loop3A_1234 = arith.shrsi %parallel_loop3A_1232, %parallel_loop3A_1233 : i32
      %parallel_loop3A_1235 = arith.constant 127 : i32
      %parallel_loop3A_1236 = arith.andi %parallel_loop3A_1232, %parallel_loop3A_1235 : i32
      %parallel_loop3A_1237 = arith.constant 16 : i32
      %parallel_loop3A_1238 = arith.muli %parallel_loop3A_1236, %parallel_loop3A_1237 : i32
      %parallel_loop3A_1239 = arith.index_cast %parallel_loop3A_1234 : i32 to index
      %parallel_loop3A_1240 = arith.index_cast %parallel_loop3A_1238 : i32 to index
      %parallel_loop3A_1241 = tpu.vector_load %arg11[%parallel_loop3A_1239, %parallel_loop3A_1240] {strides = array<i32>} : memref<8x2048xf32, #tpu.memory_space<vmem>>, vector<1x16xf32>,
      %parallel_loop3A_1242 = vector.shape_cast %parallel_loop3A_1241 : vector<1x16xf32> to vector<16xf32>
      %parallel_loop3A_1243 = arith.constant 0 : i32
      %parallel_loop3A_1244 = arith.addi %parallel_loop3A_1243, %parallel_loop3A_1234 : i32
      %parallel_loop3A_1245 = arith.index_cast %parallel_loop3A_1244 : i32 to index
      %parallel_loop3A_1246 = arith.index_cast %parallel_loop3A_1238 : i32 to index
      %parallel_loop3A_1247 = tpu.vector_load %arg12[%parallel_loop3A_1245, %parallel_loop3A_1246] {strides = array<i32>} : memref<8x2048xf32, #tpu.memory_space<vmem>>, vector<1x16xf32>,
      %parallel_loop3A_1248 = vector.shape_cast %parallel_loop3A_1247 : vector<1x16xf32> to vector<16xf32>
      %parallel_loop3A_1249 = arith.addf %parallel_loop3A_1242, %parallel_loop3A_1248 : vector<16xf32>
      %parallel_loop3A_1250 = arith.index_cast %parallel_loop3A_1234 : i32 to index
      %parallel_loop3A_1251 = arith.index_cast %parallel_loop3A_1238 : i32 to index
      %parallel_loop3A_1252 = tpu.vector_load %arg11[%parallel_loop3A_1250, %parallel_loop3A_1251] {strides = array<i32>} : memref<8x2048xf32, #tpu.memory_space<vmem>>, vector<1x16xf32>,
      %parallel_loop3A_1253 = vector.shape_cast %parallel_loop3A_1252 : vector<1x16xf32> to vector<16xf32>
      %parallel_loop3A_1254 = vector.shape_cast %parallel_loop3A_1249 : vector<16xf32> to vector<1x16xf32>
      tpu.vector_store %arg11[%parallel_loop3A_1250, %parallel_loop3A_1251], %parallel_loop3A_1254 {strides = array<i32>} : memref<8x2048xf32, #tpu.memory_space<vmem>>, vector<1x16xf32>,
    } {sc.loop_unroll_factor = 8 : i64, sc.parallel_access}
    %add3A_995 = arith.constant 48 : i32
    %add3A_996 = arith.addi %mul3A_2, %add3A_995 : i32
    %dma_start3A_997 = arith.constant 0 : i32
    %dma_start3A_998 = arith.constant 0 : i32
    %dma_start3A_999 = tpu.memref_slice %arg5[%dma_start3A_997, %add3A_996, %dma_start3A_998] : memref<4x2048x2048xf32, #tpu.memory_space<hbm>> -> memref<1x8x2048xf32, #tpu.memory_space<hbm>>
    %dma_start3A_1000 = tpu.memref_squeeze %dma_start3A_999 : memref<1x8x2048xf32, #tpu.memory_space<hbm>> -> memref<8x2048xf32, #tpu.memory_space<hbm>>
    %dma_start3A_1001 = arith.constant 0 : i32
    %dma_start3A_1002 = tpu.memref_slice %arg5[%dma_start3A_997, %add3A_996, %dma_start3A_1001] : memref<4x2048x2048xf32, #tpu.memory_space<hbm>> -> memref<1x8x2048xf32, #tpu.memory_space<hbm>>
    %dma_start3A_1003 = tpu.memref_squeeze %dma_start3A_1002 : memref<1x8x2048xf32, #tpu.memory_space<hbm>> -> memref<8x2048xf32, #tpu.memory_space<hbm>>
    tpu.enqueue_dma source(%arg11 : memref<8x2048xf32, #tpu.memory_space<vmem>>) target(%dma_start3A_1003 : memref<8x2048xf32, #tpu.memory_space<hbm>>) target_semaphore(%arg23 : memref<!tpu.dma_semaphore, #tpu.memory_space<semaphore_mem>>)
    %dma_wait3A_1004 = arith.constant 3 : i32
    %dma_wait3A_1005 = arith.constant 0 : i32
    %dma_wait3A_1006 = tpu.memref_slice %arg5[%dma_wait3A_1004, %add3A_953, %dma_wait3A_1005] : memref<4x2048x2048xf32, #tpu.memory_space<hbm>> -> memref<1x8x2048xf32, #tpu.memory_space<hbm>>
    %dma_wait3A_1007 = tpu.memref_squeeze %dma_wait3A_1006 : memref<1x8x2048xf32, #tpu.memory_space<hbm>> -> memref<8x2048xf32, #tpu.memory_space<hbm>>
    %dma_wait3A_1008 = arith.constant 0 : i32
    %dma_wait3A_1009 = tpu.memref_slice %arg5[%dma_wait3A_1004, %add3A_953, %dma_wait3A_1008] : memref<4x2048x2048xf32, #tpu.memory_space<hbm>> -> memref<1x8x2048xf32, #tpu.memory_space<hbm>>
    %dma_wait3A_1010 = tpu.memref_squeeze %dma_wait3A_1009 : memref<1x8x2048xf32, #tpu.memory_space<hbm>> -> memref<8x2048xf32, #tpu.memory_space<hbm>>
    tpu.wait_dma2 semaphore(%arg22 : memref<!tpu.dma_semaphore, #tpu.memory_space<semaphore_mem>>) src(%arg10 : memref<8x2048xf32, #tpu.memory_space<vmem>>) dst(%dma_wait3A_1010 : memref<8x2048xf32, #tpu.memory_space<hbm>>)
    %dma_start3A_1011 = arith.constant 0 : i32
    %dma_start3A_1012 = arith.constant 56 : i32
    %dma_start3A_1013 = tpu.memref_slice %arg6[%dma_start3A_1011, %dma_start3A_1012] : memref<4x64xi32, #tpu.memory_space<vmem>> -> memref<1x8xi32, #tpu.memory_space<vmem>>
    %dma_start3A_1014 = tpu.memref_squeeze %dma_start3A_1013 : memref<1x8xi32, #tpu.memory_space<vmem>> -> memref<8xi32, #tpu.memory_space<vmem>>
    %dma_start3A_1015 = arith.constant 0 : i32
    %dma_start3A_1016 = arith.constant 0 : i32
    %dma_start3A_1017 = tpu.memref_slice %arg2[%dma_start3A_1015, %dma_start3A_1016] : memref<100000x2048xf32, #tpu.memory_space<hbm>> -> memref<100000x2048xf32, #tpu.memory_space<hbm>>
    tpu.enqueue_indirect_dma source(%dma_start3A_1017 : memref<100000x2048xf32, #tpu.memory_space<hbm>>) target(%arg10 : memref<8x2048xf32, #tpu.memory_space<vmem>>) offsets(%dma_start3A_1014 : memref<8xi32, #tpu.memory_space<vmem>>) semaphore(%arg17 : memref<!tpu.dma_semaphore, #tpu.memory_space<semaphore_mem>>)
    %dma_wait3A_1018 = arith.constant 1 : i32
    %dma_wait3A_1019 = arith.constant 48 : i32
    %dma_wait3A_1020 = tpu.memref_slice %arg6[%dma_wait3A_1018, %dma_wait3A_1019] : memref<4x64xi32, #tpu.memory_space<vmem>> -> memref<1x8xi32, #tpu.memory_space<vmem>>
    %dma_wait3A_1021 = tpu.memref_squeeze %dma_wait3A_1020 : memref<1x8xi32, #tpu.memory_space<vmem>> -> memref<8xi32, #tpu.memory_space<vmem>>
    %dma_wait3A_1022 = arith.constant 0 : i32
    %dma_wait3A_1023 = arith.constant 0 : i32
    %dma_wait3A_1024 = tpu.memref_slice %arg2[%dma_wait3A_1022, %dma_wait3A_1023] : memref<100000x2048xf32, #tpu.memory_space<hbm>> -> memref<100000x2048xf32, #tpu.memory_space<hbm>>
    tpu.wait_indirect_dma semaphore(%arg14 : memref<!tpu.dma_semaphore, #tpu.memory_space<semaphore_mem>>) src(%dma_wait3A_1024 : memref<100000x2048xf32, #tpu.memory_space<hbm>>) dst(%arg7 : memref<8x2048xf32, #tpu.memory_space<vmem>>)
    %parallel_loop3A_1025 = arith.constant 0 : i32
    %parallel_loop3A_1026 = arith.constant 1024 : i32
    %parallel_loop3A_1027 = arith.constant 1 : i32
    scf.for %parallel_loop3A_1232 = %parallel_loop3A_1025 to %parallel_loop3A_1026 step %parallel_loop3A_1027  : i32 {
      %parallel_loop3A_1233 = arith.constant 7 : i32
      %parallel_loop3A_1234 = arith.shrsi %parallel_loop3A_1232, %parallel_loop3A_1233 : i32
      %parallel_loop3A_1235 = arith.constant 127 : i32
      %parallel_loop3A_1236 = arith.andi %parallel_loop3A_1232, %parallel_loop3A_1235 : i32
      %parallel_loop3A_1237 = arith.constant 16 : i32
      %parallel_loop3A_1238 = arith.muli %parallel_loop3A_1236, %parallel_loop3A_1237 : i32
      %parallel_loop3A_1239 = arith.index_cast %parallel_loop3A_1234 : i32 to index
      %parallel_loop3A_1240 = arith.index_cast %parallel_loop3A_1238 : i32 to index
      %parallel_loop3A_1241 = tpu.vector_load %arg7[%parallel_loop3A_1239, %parallel_loop3A_1240] {strides = array<i32>} : memref<8x2048xf32, #tpu.memory_space<vmem>>, vector<1x16xf32>,
      %parallel_loop3A_1242 = vector.shape_cast %parallel_loop3A_1241 : vector<1x16xf32> to vector<16xf32>
      %parallel_loop3A_1243 = arith.constant 0 : i32
      %parallel_loop3A_1244 = arith.addi %parallel_loop3A_1243, %parallel_loop3A_1234 : i32
      %parallel_loop3A_1245 = arith.index_cast %parallel_loop3A_1244 : i32 to index
      %parallel_loop3A_1246 = arith.index_cast %parallel_loop3A_1238 : i32 to index
      %parallel_loop3A_1247 = tpu.vector_load %arg12[%parallel_loop3A_1245, %parallel_loop3A_1246] {strides = array<i32>} : memref<8x2048xf32, #tpu.memory_space<vmem>>, vector<1x16xf32>,
      %parallel_loop3A_1248 = vector.shape_cast %parallel_loop3A_1247 : vector<1x16xf32> to vector<16xf32>
      %parallel_loop3A_1249 = arith.addf %parallel_loop3A_1242, %parallel_loop3A_1248 : vector<16xf32>
      %parallel_loop3A_1250 = arith.index_cast %parallel_loop3A_1234 : i32 to index
      %parallel_loop3A_1251 = arith.index_cast %parallel_loop3A_1238 : i32 to index
      %parallel_loop3A_1252 = tpu.vector_load %arg7[%parallel_loop3A_1250, %parallel_loop3A_1251] {strides = array<i32>} : memref<8x2048xf32, #tpu.memory_space<vmem>>, vector<1x16xf32>,
      %parallel_loop3A_1253 = vector.shape_cast %parallel_loop3A_1252 : vector<1x16xf32> to vector<16xf32>
      %parallel_loop3A_1254 = vector.shape_cast %parallel_loop3A_1249 : vector<16xf32> to vector<1x16xf32>
      tpu.vector_store %arg7[%parallel_loop3A_1250, %parallel_loop3A_1251], %parallel_loop3A_1254 {strides = array<i32>} : memref<8x2048xf32, #tpu.memory_space<vmem>>, vector<1x16xf32>,
    } {sc.loop_unroll_factor = 8 : i64, sc.parallel_access}
    %add3A_1028 = arith.constant 48 : i32
    %add3A_1029 = arith.addi %mul3A_2, %add3A_1028 : i32
    %dma_start3A_1030 = arith.constant 1 : i32
    %dma_start3A_1031 = arith.constant 0 : i32
    %dma_start3A_1032 = tpu.memref_slice %arg5[%dma_start3A_1030, %add3A_1029, %dma_start3A_1031] : memref<4x2048x2048xf32, #tpu.memory_space<hbm>> -> memref<1x8x2048xf32, #tpu.memory_space<hbm>>
    %dma_start3A_1033 = tpu.memref_squeeze %dma_start3A_1032 : memref<1x8x2048xf32, #tpu.memory_space<hbm>> -> memref<8x2048xf32, #tpu.memory_space<hbm>>
    %dma_start3A_1034 = arith.constant 0 : i32
    %dma_start3A_1035 = tpu.memref_slice %arg5[%dma_start3A_1030, %add3A_1029, %dma_start3A_1034] : memref<4x2048x2048xf32, #tpu.memory_space<hbm>> -> memref<1x8x2048xf32, #tpu.memory_space<hbm>>
    %dma_start3A_1036 = tpu.memref_squeeze %dma_start3A_1035 : memref<1x8x2048xf32, #tpu.memory_space<hbm>> -> memref<8x2048xf32, #tpu.memory_space<hbm>>
    tpu.enqueue_dma source(%arg7 : memref<8x2048xf32, #tpu.memory_space<vmem>>) target(%dma_start3A_1036 : memref<8x2048xf32, #tpu.memory_space<hbm>>) target_semaphore(%arg19 : memref<!tpu.dma_semaphore, #tpu.memory_space<semaphore_mem>>)
    %dma_wait3A_1037 = arith.constant 0 : i32
    %dma_wait3A_1038 = arith.constant 0 : i32
    %dma_wait3A_1039 = tpu.memref_slice %arg5[%dma_wait3A_1037, %add3A_996, %dma_wait3A_1038] : memref<4x2048x2048xf32, #tpu.memory_space<hbm>> -> memref<1x8x2048xf32, #tpu.memory_space<hbm>>
    %dma_wait3A_1040 = tpu.memref_squeeze %dma_wait3A_1039 : memref<1x8x2048xf32, #tpu.memory_space<hbm>> -> memref<8x2048xf32, #tpu.memory_space<hbm>>
    %dma_wait3A_1041 = arith.constant 0 : i32
    %dma_wait3A_1042 = tpu.memref_slice %arg5[%dma_wait3A_1037, %add3A_996, %dma_wait3A_1041] : memref<4x2048x2048xf32, #tpu.memory_space<hbm>> -> memref<1x8x2048xf32, #tpu.memory_space<hbm>>
    %dma_wait3A_1043 = tpu.memref_squeeze %dma_wait3A_1042 : memref<1x8x2048xf32, #tpu.memory_space<hbm>> -> memref<8x2048xf32, #tpu.memory_space<hbm>>
    tpu.wait_dma2 semaphore(%arg23 : memref<!tpu.dma_semaphore, #tpu.memory_space<semaphore_mem>>) src(%arg11 : memref<8x2048xf32, #tpu.memory_space<vmem>>) dst(%dma_wait3A_1043 : memref<8x2048xf32, #tpu.memory_space<hbm>>)
    %dma_start3A_1044 = arith.constant 1 : i32
    %dma_start3A_1045 = arith.constant 56 : i32
    %dma_start3A_1046 = tpu.memref_slice %arg6[%dma_start3A_1044, %dma_start3A_1045] : memref<4x64xi32, #tpu.memory_space<vmem>> -> memref<1x8xi32, #tpu.memory_space<vmem>>
    %dma_start3A_1047 = tpu.memref_squeeze %dma_start3A_1046 : memref<1x8xi32, #tpu.memory_space<vmem>> -> memref<8xi32, #tpu.memory_space<vmem>>
    %dma_start3A_1048 = arith.constant 0 : i32
    %dma_start3A_1049 = arith.constant 0 : i32
    %dma_start3A_1050 = tpu.memref_slice %arg2[%dma_start3A_1048, %dma_start3A_1049] : memref<100000x2048xf32, #tpu.memory_space<hbm>> -> memref<100000x2048xf32, #tpu.memory_space<hbm>>
    tpu.enqueue_indirect_dma source(%dma_start3A_1050 : memref<100000x2048xf32, #tpu.memory_space<hbm>>) target(%arg11 : memref<8x2048xf32, #tpu.memory_space<vmem>>) offsets(%dma_start3A_1047 : memref<8xi32, #tpu.memory_space<vmem>>) semaphore(%arg18 : memref<!tpu.dma_semaphore, #tpu.memory_space<semaphore_mem>>)
    %dma_wait3A_1051 = arith.constant 2 : i32
    %dma_wait3A_1052 = arith.constant 48 : i32
    %dma_wait3A_1053 = tpu.memref_slice %arg6[%dma_wait3A_1051, %dma_wait3A_1052] : memref<4x64xi32, #tpu.memory_space<vmem>> -> memref<1x8xi32, #tpu.memory_space<vmem>>
    %dma_wait3A_1054 = tpu.memref_squeeze %dma_wait3A_1053 : memref<1x8xi32, #tpu.memory_space<vmem>> -> memref<8xi32, #tpu.memory_space<vmem>>
    %dma_wait3A_1055 = arith.constant 0 : i32
    %dma_wait3A_1056 = arith.constant 0 : i32
    %dma_wait3A_1057 = tpu.memref_slice %arg2[%dma_wait3A_1055, %dma_wait3A_1056] : memref<100000x2048xf32, #tpu.memory_space<hbm>> -> memref<100000x2048xf32, #tpu.memory_space<hbm>>
    tpu.wait_indirect_dma semaphore(%arg15 : memref<!tpu.dma_semaphore, #tpu.memory_space<semaphore_mem>>) src(%dma_wait3A_1057 : memref<100000x2048xf32, #tpu.memory_space<hbm>>) dst(%arg8 : memref<8x2048xf32, #tpu.memory_space<vmem>>)
    %parallel_loop3A_1058 = arith.constant 0 : i32
    %parallel_loop3A_1059 = arith.constant 1024 : i32
    %parallel_loop3A_1060 = arith.constant 1 : i32
    scf.for %parallel_loop3A_1232 = %parallel_loop3A_1058 to %parallel_loop3A_1059 step %parallel_loop3A_1060  : i32 {
      %parallel_loop3A_1233 = arith.constant 7 : i32
      %parallel_loop3A_1234 = arith.shrsi %parallel_loop3A_1232, %parallel_loop3A_1233 : i32
      %parallel_loop3A_1235 = arith.constant 127 : i32
      %parallel_loop3A_1236 = arith.andi %parallel_loop3A_1232, %parallel_loop3A_1235 : i32
      %parallel_loop3A_1237 = arith.constant 16 : i32
      %parallel_loop3A_1238 = arith.muli %parallel_loop3A_1236, %parallel_loop3A_1237 : i32
      %parallel_loop3A_1239 = arith.index_cast %parallel_loop3A_1234 : i32 to index
      %parallel_loop3A_1240 = arith.index_cast %parallel_loop3A_1238 : i32 to index
      %parallel_loop3A_1241 = tpu.vector_load %arg8[%parallel_loop3A_1239, %parallel_loop3A_1240] {strides = array<i32>} : memref<8x2048xf32, #tpu.memory_space<vmem>>, vector<1x16xf32>,
      %parallel_loop3A_1242 = vector.shape_cast %parallel_loop3A_1241 : vector<1x16xf32> to vector<16xf32>
      %parallel_loop3A_1243 = arith.constant 0 : i32
      %parallel_loop3A_1244 = arith.addi %parallel_loop3A_1243, %parallel_loop3A_1234 : i32
      %parallel_loop3A_1245 = arith.index_cast %parallel_loop3A_1244 : i32 to index
      %parallel_loop3A_1246 = arith.index_cast %parallel_loop3A_1238 : i32 to index
      %parallel_loop3A_1247 = tpu.vector_load %arg12[%parallel_loop3A_1245, %parallel_loop3A_1246] {strides = array<i32>} : memref<8x2048xf32, #tpu.memory_space<vmem>>, vector<1x16xf32>,
      %parallel_loop3A_1248 = vector.shape_cast %parallel_loop3A_1247 : vector<1x16xf32> to vector<16xf32>
      %parallel_loop3A_1249 = arith.addf %parallel_loop3A_1242, %parallel_loop3A_1248 : vector<16xf32>
      %parallel_loop3A_1250 = arith.index_cast %parallel_loop3A_1234 : i32 to index
      %parallel_loop3A_1251 = arith.index_cast %parallel_loop3A_1238 : i32 to index
      %parallel_loop3A_1252 = tpu.vector_load %arg8[%parallel_loop3A_1250, %parallel_loop3A_1251] {strides = array<i32>} : memref<8x2048xf32, #tpu.memory_space<vmem>>, vector<1x16xf32>,
      %parallel_loop3A_1253 = vector.shape_cast %parallel_loop3A_1252 : vector<1x16xf32> to vector<16xf32>
      %parallel_loop3A_1254 = vector.shape_cast %parallel_loop3A_1249 : vector<16xf32> to vector<1x16xf32>
      tpu.vector_store %arg8[%parallel_loop3A_1250, %parallel_loop3A_1251], %parallel_loop3A_1254 {strides = array<i32>} : memref<8x2048xf32, #tpu.memory_space<vmem>>, vector<1x16xf32>,
    } {sc.loop_unroll_factor = 8 : i64, sc.parallel_access}
    %add3A_1061 = arith.constant 48 : i32
    %add3A_1062 = arith.addi %mul3A_2, %add3A_1061 : i32
    %dma_start3A_1063 = arith.constant 2 : i32
    %dma_start3A_1064 = arith.constant 0 : i32
    %dma_start3A_1065 = tpu.memref_slice %arg5[%dma_start3A_1063, %add3A_1062, %dma_start3A_1064] : memref<4x2048x2048xf32, #tpu.memory_space<hbm>> -> memref<1x8x2048xf32, #tpu.memory_space<hbm>>
    %dma_start3A_1066 = tpu.memref_squeeze %dma_start3A_1065 : memref<1x8x2048xf32, #tpu.memory_space<hbm>> -> memref<8x2048xf32, #tpu.memory_space<hbm>>
    %dma_start3A_1067 = arith.constant 0 : i32
    %dma_start3A_1068 = tpu.memref_slice %arg5[%dma_start3A_1063, %add3A_1062, %dma_start3A_1067] : memref<4x2048x2048xf32, #tpu.memory_space<hbm>> -> memref<1x8x2048xf32, #tpu.memory_space<hbm>>
    %dma_start3A_1069 = tpu.memref_squeeze %dma_start3A_1068 : memref<1x8x2048xf32, #tpu.memory_space<hbm>> -> memref<8x2048xf32, #tpu.memory_space<hbm>>
    tpu.enqueue_dma source(%arg8 : memref<8x2048xf32, #tpu.memory_space<vmem>>) target(%dma_start3A_1069 : memref<8x2048xf32, #tpu.memory_space<hbm>>) target_semaphore(%arg20 : memref<!tpu.dma_semaphore, #tpu.memory_space<semaphore_mem>>)
    %dma_wait3A_1070 = arith.constant 1 : i32
    %dma_wait3A_1071 = arith.constant 0 : i32
    %dma_wait3A_1072 = tpu.memref_slice %arg5[%dma_wait3A_1070, %add3A_1029, %dma_wait3A_1071] : memref<4x2048x2048xf32, #tpu.memory_space<hbm>> -> memref<1x8x2048xf32, #tpu.memory_space<hbm>>
    %dma_wait3A_1073 = tpu.memref_squeeze %dma_wait3A_1072 : memref<1x8x2048xf32, #tpu.memory_space<hbm>> -> memref<8x2048xf32, #tpu.memory_space<hbm>>
    %dma_wait3A_1074 = arith.constant 0 : i32
    %dma_wait3A_1075 = tpu.memref_slice %arg5[%dma_wait3A_1070, %add3A_1029, %dma_wait3A_1074] : memref<4x2048x2048xf32, #tpu.memory_space<hbm>> -> memref<1x8x2048xf32, #tpu.memory_space<hbm>>
    %dma_wait3A_1076 = tpu.memref_squeeze %dma_wait3A_1075 : memref<1x8x2048xf32, #tpu.memory_space<hbm>> -> memref<8x2048xf32, #tpu.memory_space<hbm>>
    tpu.wait_dma2 semaphore(%arg19 : memref<!tpu.dma_semaphore, #tpu.memory_space<semaphore_mem>>) src(%arg7 : memref<8x2048xf32, #tpu.memory_space<vmem>>) dst(%dma_wait3A_1076 : memref<8x2048xf32, #tpu.memory_space<hbm>>)
    %dma_start3A_1077 = arith.constant 2 : i32
    %dma_start3A_1078 = arith.constant 56 : i32
    %dma_start3A_1079 = tpu.memref_slice %arg6[%dma_start3A_1077, %dma_start3A_1078] : memref<4x64xi32, #tpu.memory_space<vmem>> -> memref<1x8xi32, #tpu.memory_space<vmem>>
    %dma_start3A_1080 = tpu.memref_squeeze %dma_start3A_1079 : memref<1x8xi32, #tpu.memory_space<vmem>> -> memref<8xi32, #tpu.memory_space<vmem>>
    %dma_start3A_1081 = arith.constant 0 : i32
    %dma_start3A_1082 = arith.constant 0 : i32
    %dma_start3A_1083 = tpu.memref_slice %arg2[%dma_start3A_1081, %dma_start3A_1082] : memref<100000x2048xf32, #tpu.memory_space<hbm>> -> memref<100000x2048xf32, #tpu.memory_space<hbm>>
    tpu.enqueue_indirect_dma source(%dma_start3A_1083 : memref<100000x2048xf32, #tpu.memory_space<hbm>>) target(%arg7 : memref<8x2048xf32, #tpu.memory_space<vmem>>) offsets(%dma_start3A_1080 : memref<8xi32, #tpu.memory_space<vmem>>) semaphore(%arg14 : memref<!tpu.dma_semaphore, #tpu.memory_space<semaphore_mem>>)
    %dma_wait3A_1084 = arith.constant 3 : i32
    %dma_wait3A_1085 = arith.constant 48 : i32
    %dma_wait3A_1086 = tpu.memref_slice %arg6[%dma_wait3A_1084, %dma_wait3A_1085] : memref<4x64xi32, #tpu.memory_space<vmem>> -> memref<1x8xi32, #tpu.memory_space<vmem>>
    %dma_wait3A_1087 = tpu.memref_squeeze %dma_wait3A_1086 : memref<1x8xi32, #tpu.memory_space<vmem>> -> memref<8xi32, #tpu.memory_space<vmem>>
    %dma_wait3A_1088 = arith.constant 0 : i32
    %dma_wait3A_1089 = arith.constant 0 : i32
    %dma_wait3A_1090 = tpu.memref_slice %arg2[%dma_wait3A_1088, %dma_wait3A_1089] : memref<100000x2048xf32, #tpu.memory_space<hbm>> -> memref<100000x2048xf32, #tpu.memory_space<hbm>>
    tpu.wait_indirect_dma semaphore(%arg16 : memref<!tpu.dma_semaphore, #tpu.memory_space<semaphore_mem>>) src(%dma_wait3A_1090 : memref<100000x2048xf32, #tpu.memory_space<hbm>>) dst(%arg9 : memref<8x2048xf32, #tpu.memory_space<vmem>>)
    %parallel_loop3A_1091 = arith.constant 0 : i32
    %parallel_loop3A_1092 = arith.constant 1024 : i32
    %parallel_loop3A_1093 = arith.constant 1 : i32
    scf.for %parallel_loop3A_1232 = %parallel_loop3A_1091 to %parallel_loop3A_1092 step %parallel_loop3A_1093  : i32 {
      %parallel_loop3A_1233 = arith.constant 7 : i32
      %parallel_loop3A_1234 = arith.shrsi %parallel_loop3A_1232, %parallel_loop3A_1233 : i32
      %parallel_loop3A_1235 = arith.constant 127 : i32
      %parallel_loop3A_1236 = arith.andi %parallel_loop3A_1232, %parallel_loop3A_1235 : i32
      %parallel_loop3A_1237 = arith.constant 16 : i32
      %parallel_loop3A_1238 = arith.muli %parallel_loop3A_1236, %parallel_loop3A_1237 : i32
      %parallel_loop3A_1239 = arith.index_cast %parallel_loop3A_1234 : i32 to index
      %parallel_loop3A_1240 = arith.index_cast %parallel_loop3A_1238 : i32 to index
      %parallel_loop3A_1241 = tpu.vector_load %arg9[%parallel_loop3A_1239, %parallel_loop3A_1240] {strides = array<i32>} : memref<8x2048xf32, #tpu.memory_space<vmem>>, vector<1x16xf32>,
      %parallel_loop3A_1242 = vector.shape_cast %parallel_loop3A_1241 : vector<1x16xf32> to vector<16xf32>
      %parallel_loop3A_1243 = arith.constant 0 : i32
      %parallel_loop3A_1244 = arith.addi %parallel_loop3A_1243, %parallel_loop3A_1234 : i32
      %parallel_loop3A_1245 = arith.index_cast %parallel_loop3A_1244 : i32 to index
      %parallel_loop3A_1246 = arith.index_cast %parallel_loop3A_1238 : i32 to index
      %parallel_loop3A_1247 = tpu.vector_load %arg12[%parallel_loop3A_1245, %parallel_loop3A_1246] {strides = array<i32>} : memref<8x2048xf32, #tpu.memory_space<vmem>>, vector<1x16xf32>,
      %parallel_loop3A_1248 = vector.shape_cast %parallel_loop3A_1247 : vector<1x16xf32> to vector<16xf32>
      %parallel_loop3A_1249 = arith.addf %parallel_loop3A_1242, %parallel_loop3A_1248 : vector<16xf32>
      %parallel_loop3A_1250 = arith.index_cast %parallel_loop3A_1234 : i32 to index
      %parallel_loop3A_1251 = arith.index_cast %parallel_loop3A_1238 : i32 to index
      %parallel_loop3A_1252 = tpu.vector_load %arg9[%parallel_loop3A_1250, %parallel_loop3A_1251] {strides = array<i32>} : memref<8x2048xf32, #tpu.memory_space<vmem>>, vector<1x16xf32>,
      %parallel_loop3A_1253 = vector.shape_cast %parallel_loop3A_1252 : vector<1x16xf32> to vector<16xf32>
      %parallel_loop3A_1254 = vector.shape_cast %parallel_loop3A_1249 : vector<16xf32> to vector<1x16xf32>
      tpu.vector_store %arg9[%parallel_loop3A_1250, %parallel_loop3A_1251], %parallel_loop3A_1254 {strides = array<i32>} : memref<8x2048xf32, #tpu.memory_space<vmem>>, vector<1x16xf32>,
    } {sc.loop_unroll_factor = 8 : i64, sc.parallel_access}
    %add3A_1094 = arith.constant 48 : i32
    %add3A_1095 = arith.addi %mul3A_2, %add3A_1094 : i32
    %dma_start3A_1096 = arith.constant 3 : i32
    %dma_start3A_1097 = arith.constant 0 : i32
    %dma_start3A_1098 = tpu.memref_slice %arg5[%dma_start3A_1096, %add3A_1095, %dma_start3A_1097] : memref<4x2048x2048xf32, #tpu.memory_space<hbm>> -> memref<1x8x2048xf32, #tpu.memory_space<hbm>>
    %dma_start3A_1099 = tpu.memref_squeeze %dma_start3A_1098 : memref<1x8x2048xf32, #tpu.memory_space<hbm>> -> memref<8x2048xf32, #tpu.memory_space<hbm>>
    %dma_start3A_1100 = arith.constant 0 : i32
    %dma_start3A_1101 = tpu.memref_slice %arg5[%dma_start3A_1096, %add3A_1095, %dma_start3A_1100] : memref<4x2048x2048xf32, #tpu.memory_space<hbm>> -> memref<1x8x2048xf32, #tpu.memory_space<hbm>>
    %dma_start3A_1102 = tpu.memref_squeeze %dma_start3A_1101 : memref<1x8x2048xf32, #tpu.memory_space<hbm>> -> memref<8x2048xf32, #tpu.memory_space<hbm>>
    tpu.enqueue_dma source(%arg9 : memref<8x2048xf32, #tpu.memory_space<vmem>>) target(%dma_start3A_1102 : memref<8x2048xf32, #tpu.memory_space<hbm>>) target_semaphore(%arg21 : memref<!tpu.dma_semaphore, #tpu.memory_space<semaphore_mem>>)
    %dma_wait3A_1103 = arith.constant 2 : i32
    %dma_wait3A_1104 = arith.constant 0 : i32
    %dma_wait3A_1105 = tpu.memref_slice %arg5[%dma_wait3A_1103, %add3A_1062, %dma_wait3A_1104] : memref<4x2048x2048xf32, #tpu.memory_space<hbm>> -> memref<1x8x2048xf32, #tpu.memory_space<hbm>>
    %dma_wait3A_1106 = tpu.memref_squeeze %dma_wait3A_1105 : memref<1x8x2048xf32, #tpu.memory_space<hbm>> -> memref<8x2048xf32, #tpu.memory_space<hbm>>
    %dma_wait3A_1107 = arith.constant 0 : i32
    %dma_wait3A_1108 = tpu.memref_slice %arg5[%dma_wait3A_1103, %add3A_1062, %dma_wait3A_1107] : memref<4x2048x2048xf32, #tpu.memory_space<hbm>> -> memref<1x8x2048xf32, #tpu.memory_space<hbm>>
    %dma_wait3A_1109 = tpu.memref_squeeze %dma_wait3A_1108 : memref<1x8x2048xf32, #tpu.memory_space<hbm>> -> memref<8x2048xf32, #tpu.memory_space<hbm>>
    tpu.wait_dma2 semaphore(%arg20 : memref<!tpu.dma_semaphore, #tpu.memory_space<semaphore_mem>>) src(%arg8 : memref<8x2048xf32, #tpu.memory_space<vmem>>) dst(%dma_wait3A_1109 : memref<8x2048xf32, #tpu.memory_space<hbm>>)
    %dma_start3A_1110 = arith.constant 3 : i32
    %dma_start3A_1111 = arith.constant 56 : i32
    %dma_start3A_1112 = tpu.memref_slice %arg6[%dma_start3A_1110, %dma_start3A_1111] : memref<4x64xi32, #tpu.memory_space<vmem>> -> memref<1x8xi32, #tpu.memory_space<vmem>>
    %dma_start3A_1113 = tpu.memref_squeeze %dma_start3A_1112 : memref<1x8xi32, #tpu.memory_space<vmem>> -> memref<8xi32, #tpu.memory_space<vmem>>
    %dma_start3A_1114 = arith.constant 0 : i32
    %dma_start3A_1115 = arith.constant 0 : i32
    %dma_start3A_1116 = tpu.memref_slice %arg2[%dma_start3A_1114, %dma_start3A_1115] : memref<100000x2048xf32, #tpu.memory_space<hbm>> -> memref<100000x2048xf32, #tpu.memory_space<hbm>>
    tpu.enqueue_indirect_dma source(%dma_start3A_1116 : memref<100000x2048xf32, #tpu.memory_space<hbm>>) target(%arg8 : memref<8x2048xf32, #tpu.memory_space<vmem>>) offsets(%dma_start3A_1113 : memref<8xi32, #tpu.memory_space<vmem>>) semaphore(%arg15 : memref<!tpu.dma_semaphore, #tpu.memory_space<semaphore_mem>>)
    %dma_wait3A_1117 = arith.constant 0 : i32
    %dma_wait3A_1118 = arith.constant 56 : i32
    %dma_wait3A_1119 = tpu.memref_slice %arg6[%dma_wait3A_1117, %dma_wait3A_1118] : memref<4x64xi32, #tpu.memory_space<vmem>> -> memref<1x8xi32, #tpu.memory_space<vmem>>
    %dma_wait3A_1120 = tpu.memref_squeeze %dma_wait3A_1119 : memref<1x8xi32, #tpu.memory_space<vmem>> -> memref<8xi32, #tpu.memory_space<vmem>>
    %dma_wait3A_1121 = arith.constant 0 : i32
    %dma_wait3A_1122 = arith.constant 0 : i32
    %dma_wait3A_1123 = tpu.memref_slice %arg2[%dma_wait3A_1121, %dma_wait3A_1122] : memref<100000x2048xf32, #tpu.memory_space<hbm>> -> memref<100000x2048xf32, #tpu.memory_space<hbm>>
    tpu.wait_indirect_dma semaphore(%arg17 : memref<!tpu.dma_semaphore, #tpu.memory_space<semaphore_mem>>) src(%dma_wait3A_1123 : memref<100000x2048xf32, #tpu.memory_space<hbm>>) dst(%arg10 : memref<8x2048xf32, #tpu.memory_space<vmem>>)
    %dma_wait3A_1124 = arith.constant 0 : i32
    %dma_wait3A_1125 = tpu.memref_slice %arg4[%add3A_962, %dma_wait3A_1124] : memref<2048x2048xf32, #tpu.memory_space<hbm>> -> memref<8x2048xf32, #tpu.memory_space<hbm>>
    %dma_wait3A_1126 = arith.constant 0 : i32
    %dma_wait3A_1127 = tpu.memref_slice %arg4[%add3A_962, %dma_wait3A_1126] : memref<2048x2048xf32, #tpu.memory_space<hbm>> -> memref<8x2048xf32, #tpu.memory_space<hbm>>
    tpu.wait_dma2 semaphore(%arg25 : memref<!tpu.dma_semaphore, #tpu.memory_space<semaphore_mem>>) src(%dma_wait3A_1127 : memref<8x2048xf32, #tpu.memory_space<hbm>>) dst(%arg13 : memref<8x2048xf32, #tpu.memory_space<vmem>>)
    %parallel_loop3A_1128 = arith.constant 0 : i32
    %parallel_loop3A_1129 = arith.constant 1024 : i32
    %parallel_loop3A_1130 = arith.constant 1 : i32
    scf.for %parallel_loop3A_1232 = %parallel_loop3A_1128 to %parallel_loop3A_1129 step %parallel_loop3A_1130  : i32 {
      %parallel_loop3A_1233 = arith.constant 7 : i32
      %parallel_loop3A_1234 = arith.shrsi %parallel_loop3A_1232, %parallel_loop3A_1233 : i32
      %parallel_loop3A_1235 = arith.constant 127 : i32
      %parallel_loop3A_1236 = arith.andi %parallel_loop3A_1232, %parallel_loop3A_1235 : i32
      %parallel_loop3A_1237 = arith.constant 16 : i32
      %parallel_loop3A_1238 = arith.muli %parallel_loop3A_1236, %parallel_loop3A_1237 : i32
      %parallel_loop3A_1239 = arith.index_cast %parallel_loop3A_1234 : i32 to index
      %parallel_loop3A_1240 = arith.index_cast %parallel_loop3A_1238 : i32 to index
      %parallel_loop3A_1241 = tpu.vector_load %arg10[%parallel_loop3A_1239, %parallel_loop3A_1240] {strides = array<i32>} : memref<8x2048xf32, #tpu.memory_space<vmem>>, vector<1x16xf32>,
      %parallel_loop3A_1242 = vector.shape_cast %parallel_loop3A_1241 : vector<1x16xf32> to vector<16xf32>
      %parallel_loop3A_1243 = arith.constant 0 : i32
      %parallel_loop3A_1244 = arith.addi %parallel_loop3A_1243, %parallel_loop3A_1234 : i32
      %parallel_loop3A_1245 = arith.index_cast %parallel_loop3A_1244 : i32 to index
      %parallel_loop3A_1246 = arith.index_cast %parallel_loop3A_1238 : i32 to index
      %parallel_loop3A_1247 = tpu.vector_load %arg13[%parallel_loop3A_1245, %parallel_loop3A_1246] {strides = array<i32>} : memref<8x2048xf32, #tpu.memory_space<vmem>>, vector<1x16xf32>,
      %parallel_loop3A_1248 = vector.shape_cast %parallel_loop3A_1247 : vector<1x16xf32> to vector<16xf32>
      %parallel_loop3A_1249 = arith.addf %parallel_loop3A_1242, %parallel_loop3A_1248 : vector<16xf32>
      %parallel_loop3A_1250 = arith.index_cast %parallel_loop3A_1234 : i32 to index
      %parallel_loop3A_1251 = arith.index_cast %parallel_loop3A_1238 : i32 to index
      %parallel_loop3A_1252 = tpu.vector_load %arg10[%parallel_loop3A_1250, %parallel_loop3A_1251] {strides = array<i32>} : memref<8x2048xf32, #tpu.memory_space<vmem>>, vector<1x16xf32>,
      %parallel_loop3A_1253 = vector.shape_cast %parallel_loop3A_1252 : vector<1x16xf32> to vector<16xf32>
      %parallel_loop3A_1254 = vector.shape_cast %parallel_loop3A_1249 : vector<16xf32> to vector<1x16xf32>
      tpu.vector_store %arg10[%parallel_loop3A_1250, %parallel_loop3A_1251], %parallel_loop3A_1254 {strides = array<i32>} : memref<8x2048xf32, #tpu.memory_space<vmem>>, vector<1x16xf32>,
    } {sc.loop_unroll_factor = 8 : i64, sc.parallel_access}
    %add3A_1131 = arith.constant 56 : i32
    %add3A_1132 = arith.addi %mul3A_2, %add3A_1131 : i32
    %dma_start3A_1133 = arith.constant 0 : i32
    %dma_start3A_1134 = arith.constant 0 : i32
    %dma_start3A_1135 = tpu.memref_slice %arg5[%dma_start3A_1133, %add3A_1132, %dma_start3A_1134] : memref<4x2048x2048xf32, #tpu.memory_space<hbm>> -> memref<1x8x2048xf32, #tpu.memory_space<hbm>>
    %dma_start3A_1136 = tpu.memref_squeeze %dma_start3A_1135 : memref<1x8x2048xf32, #tpu.memory_space<hbm>> -> memref<8x2048xf32, #tpu.memory_space<hbm>>
    %dma_start3A_1137 = arith.constant 0 : i32
    %dma_start3A_1138 = tpu.memref_slice %arg5[%dma_start3A_1133, %add3A_1132, %dma_start3A_1137] : memref<4x2048x2048xf32, #tpu.memory_space<hbm>> -> memref<1x8x2048xf32, #tpu.memory_space<hbm>>
    %dma_start3A_1139 = tpu.memref_squeeze %dma_start3A_1138 : memref<1x8x2048xf32, #tpu.memory_space<hbm>> -> memref<8x2048xf32, #tpu.memory_space<hbm>>
    tpu.enqueue_dma source(%arg10 : memref<8x2048xf32, #tpu.memory_space<vmem>>) target(%dma_start3A_1139 : memref<8x2048xf32, #tpu.memory_space<hbm>>) target_semaphore(%arg22 : memref<!tpu.dma_semaphore, #tpu.memory_space<semaphore_mem>>)
    %dma_wait3A_1140 = arith.constant 1 : i32
    %dma_wait3A_1141 = arith.constant 56 : i32
    %dma_wait3A_1142 = tpu.memref_slice %arg6[%dma_wait3A_1140, %dma_wait3A_1141] : memref<4x64xi32, #tpu.memory_space<vmem>> -> memref<1x8xi32, #tpu.memory_space<vmem>>
    %dma_wait3A_1143 = tpu.memref_squeeze %dma_wait3A_1142 : memref<1x8xi32, #tpu.memory_space<vmem>> -> memref<8xi32, #tpu.memory_space<vmem>>
    %dma_wait3A_1144 = arith.constant 0 : i32
    %dma_wait3A_1145 = arith.constant 0 : i32
    %dma_wait3A_1146 = tpu.memref_slice %arg2[%dma_wait3A_1144, %dma_wait3A_1145] : memref<100000x2048xf32, #tpu.memory_space<hbm>> -> memref<100000x2048xf32, #tpu.memory_space<hbm>>
    tpu.wait_indirect_dma semaphore(%arg18 : memref<!tpu.dma_semaphore, #tpu.memory_space<semaphore_mem>>) src(%dma_wait3A_1146 : memref<100000x2048xf32, #tpu.memory_space<hbm>>) dst(%arg11 : memref<8x2048xf32, #tpu.memory_space<vmem>>)
    %parallel_loop3A_1147 = arith.constant 0 : i32
    %parallel_loop3A_1148 = arith.constant 1024 : i32
    %parallel_loop3A_1149 = arith.constant 1 : i32
    scf.for %parallel_loop3A_1232 = %parallel_loop3A_1147 to %parallel_loop3A_1148 step %parallel_loop3A_1149  : i32 {
      %parallel_loop3A_1233 = arith.constant 7 : i32
      %parallel_loop3A_1234 = arith.shrsi %parallel_loop3A_1232, %parallel_loop3A_1233 : i32
      %parallel_loop3A_1235 = arith.constant 127 : i32
      %parallel_loop3A_1236 = arith.andi %parallel_loop3A_1232, %parallel_loop3A_1235 : i32
      %parallel_loop3A_1237 = arith.constant 16 : i32
      %parallel_loop3A_1238 = arith.muli %parallel_loop3A_1236, %parallel_loop3A_1237 : i32
      %parallel_loop3A_1239 = arith.index_cast %parallel_loop3A_1234 : i32 to index
      %parallel_loop3A_1240 = arith.index_cast %parallel_loop3A_1238 : i32 to index
      %parallel_loop3A_1241 = tpu.vector_load %arg11[%parallel_loop3A_1239, %parallel_loop3A_1240] {strides = array<i32>} : memref<8x2048xf32, #tpu.memory_space<vmem>>, vector<1x16xf32>,
      %parallel_loop3A_1242 = vector.shape_cast %parallel_loop3A_1241 : vector<1x16xf32> to vector<16xf32>
      %parallel_loop3A_1243 = arith.constant 0 : i32
      %parallel_loop3A_1244 = arith.addi %parallel_loop3A_1243, %parallel_loop3A_1234 : i32
      %parallel_loop3A_1245 = arith.index_cast %parallel_loop3A_1244 : i32 to index
      %parallel_loop3A_1246 = arith.index_cast %parallel_loop3A_1238 : i32 to index
      %parallel_loop3A_1247 = tpu.vector_load %arg13[%parallel_loop3A_1245, %parallel_loop3A_1246] {strides = array<i32>} : memref<8x2048xf32, #tpu.memory_space<vmem>>, vector<1x16xf32>,
      %parallel_loop3A_1248 = vector.shape_cast %parallel_loop3A_1247 : vector<1x16xf32> to vector<16xf32>
      %parallel_loop3A_1249 = arith.addf %parallel_loop3A_1242, %parallel_loop3A_1248 : vector<16xf32>
      %parallel_loop3A_1250 = arith.index_cast %parallel_loop3A_1234 : i32 to index
      %parallel_loop3A_1251 = arith.index_cast %parallel_loop3A_1238 : i32 to index
      %parallel_loop3A_1252 = tpu.vector_load %arg11[%parallel_loop3A_1250, %parallel_loop3A_1251] {strides = array<i32>} : memref<8x2048xf32, #tpu.memory_space<vmem>>, vector<1x16xf32>,
      %parallel_loop3A_1253 = vector.shape_cast %parallel_loop3A_1252 : vector<1x16xf32> to vector<16xf32>
      %parallel_loop3A_1254 = vector.shape_cast %parallel_loop3A_1249 : vector<16xf32> to vector<1x16xf32>
      tpu.vector_store %arg11[%parallel_loop3A_1250, %parallel_loop3A_1251], %parallel_loop3A_1254 {strides = array<i32>} : memref<8x2048xf32, #tpu.memory_space<vmem>>, vector<1x16xf32>,
    } {sc.loop_unroll_factor = 8 : i64, sc.parallel_access}
    %add3A_1150 = arith.constant 56 : i32
    %add3A_1151 = arith.addi %mul3A_2, %add3A_1150 : i32
    %dma_start3A_1152 = arith.constant 1 : i32
    %dma_start3A_1153 = arith.constant 0 : i32
    %dma_start3A_1154 = tpu.memref_slice %arg5[%dma_start3A_1152, %add3A_1151, %dma_start3A_1153] : memref<4x2048x2048xf32, #tpu.memory_space<hbm>> -> memref<1x8x2048xf32, #tpu.memory_space<hbm>>
    %dma_start3A_1155 = tpu.memref_squeeze %dma_start3A_1154 : memref<1x8x2048xf32, #tpu.memory_space<hbm>> -> memref<8x2048xf32, #tpu.memory_space<hbm>>
    %dma_start3A_1156 = arith.constant 0 : i32
    %dma_start3A_1157 = tpu.memref_slice %arg5[%dma_start3A_1152, %add3A_1151, %dma_start3A_1156] : memref<4x2048x2048xf32, #tpu.memory_space<hbm>> -> memref<1x8x2048xf32, #tpu.memory_space<hbm>>
    %dma_start3A_1158 = tpu.memref_squeeze %dma_start3A_1157 : memref<1x8x2048xf32, #tpu.memory_space<hbm>> -> memref<8x2048xf32, #tpu.memory_space<hbm>>
    tpu.enqueue_dma source(%arg11 : memref<8x2048xf32, #tpu.memory_space<vmem>>) target(%dma_start3A_1158 : memref<8x2048xf32, #tpu.memory_space<hbm>>) target_semaphore(%arg23 : memref<!tpu.dma_semaphore, #tpu.memory_space<semaphore_mem>>)
    %dma_wait3A_1159 = arith.constant 2 : i32
    %dma_wait3A_1160 = arith.constant 56 : i32
    %dma_wait3A_1161 = tpu.memref_slice %arg6[%dma_wait3A_1159, %dma_wait3A_1160] : memref<4x64xi32, #tpu.memory_space<vmem>> -> memref<1x8xi32, #tpu.memory_space<vmem>>
    %dma_wait3A_1162 = tpu.memref_squeeze %dma_wait3A_1161 : memref<1x8xi32, #tpu.memory_space<vmem>> -> memref<8xi32, #tpu.memory_space<vmem>>
    %dma_wait3A_1163 = arith.constant 0 : i32
    %dma_wait3A_1164 = arith.constant 0 : i32
    %dma_wait3A_1165 = tpu.memref_slice %arg2[%dma_wait3A_1163, %dma_wait3A_1164] : memref<100000x2048xf32, #tpu.memory_space<hbm>> -> memref<100000x2048xf32, #tpu.memory_space<hbm>>
    tpu.wait_indirect_dma semaphore(%arg14 : memref<!tpu.dma_semaphore, #tpu.memory_space<semaphore_mem>>) src(%dma_wait3A_1165 : memref<100000x2048xf32, #tpu.memory_space<hbm>>) dst(%arg7 : memref<8x2048xf32, #tpu.memory_space<vmem>>)
    %parallel_loop3A_1166 = arith.constant 0 : i32
    %parallel_loop3A_1167 = arith.constant 1024 : i32
    %parallel_loop3A_1168 = arith.constant 1 : i32
    scf.for %parallel_loop3A_1232 = %parallel_loop3A_1166 to %parallel_loop3A_1167 step %parallel_loop3A_1168  : i32 {
      %parallel_loop3A_1233 = arith.constant 7 : i32
      %parallel_loop3A_1234 = arith.shrsi %parallel_loop3A_1232, %parallel_loop3A_1233 : i32
      %parallel_loop3A_1235 = arith.constant 127 : i32
      %parallel_loop3A_1236 = arith.andi %parallel_loop3A_1232, %parallel_loop3A_1235 : i32
      %parallel_loop3A_1237 = arith.constant 16 : i32
      %parallel_loop3A_1238 = arith.muli %parallel_loop3A_1236, %parallel_loop3A_1237 : i32
      %parallel_loop3A_1239 = arith.index_cast %parallel_loop3A_1234 : i32 to index
      %parallel_loop3A_1240 = arith.index_cast %parallel_loop3A_1238 : i32 to index
      %parallel_loop3A_1241 = tpu.vector_load %arg7[%parallel_loop3A_1239, %parallel_loop3A_1240] {strides = array<i32>} : memref<8x2048xf32, #tpu.memory_space<vmem>>, vector<1x16xf32>,
      %parallel_loop3A_1242 = vector.shape_cast %parallel_loop3A_1241 : vector<1x16xf32> to vector<16xf32>
      %parallel_loop3A_1243 = arith.constant 0 : i32
      %parallel_loop3A_1244 = arith.addi %parallel_loop3A_1243, %parallel_loop3A_1234 : i32
      %parallel_loop3A_1245 = arith.index_cast %parallel_loop3A_1244 : i32 to index
      %parallel_loop3A_1246 = arith.index_cast %parallel_loop3A_1238 : i32 to index
      %parallel_loop3A_1247 = tpu.vector_load %arg13[%parallel_loop3A_1245, %parallel_loop3A_1246] {strides = array<i32>} : memref<8x2048xf32, #tpu.memory_space<vmem>>, vector<1x16xf32>,
      %parallel_loop3A_1248 = vector.shape_cast %parallel_loop3A_1247 : vector<1x16xf32> to vector<16xf32>
      %parallel_loop3A_1249 = arith.addf %parallel_loop3A_1242, %parallel_loop3A_1248 : vector<16xf32>
      %parallel_loop3A_1250 = arith.index_cast %parallel_loop3A_1234 : i32 to index
      %parallel_loop3A_1251 = arith.index_cast %parallel_loop3A_1238 : i32 to index
      %parallel_loop3A_1252 = tpu.vector_load %arg7[%parallel_loop3A_1250, %parallel_loop3A_1251] {strides = array<i32>} : memref<8x2048xf32, #tpu.memory_space<vmem>>, vector<1x16xf32>,
      %parallel_loop3A_1253 = vector.shape_cast %parallel_loop3A_1252 : vector<1x16xf32> to vector<16xf32>
      %parallel_loop3A_1254 = vector.shape_cast %parallel_loop3A_1249 : vector<16xf32> to vector<1x16xf32>
      tpu.vector_store %arg7[%parallel_loop3A_1250, %parallel_loop3A_1251], %parallel_loop3A_1254 {strides = array<i32>} : memref<8x2048xf32, #tpu.memory_space<vmem>>, vector<1x16xf32>,
    } {sc.loop_unroll_factor = 8 : i64, sc.parallel_access}
    %add3A_1169 = arith.constant 56 : i32
    %add3A_1170 = arith.addi %mul3A_2, %add3A_1169 : i32
    %dma_start3A_1171 = arith.constant 2 : i32
    %dma_start3A_1172 = arith.constant 0 : i32
    %dma_start3A_1173 = tpu.memref_slice %arg5[%dma_start3A_1171, %add3A_1170, %dma_start3A_1172] : memref<4x2048x2048xf32, #tpu.memory_space<hbm>> -> memref<1x8x2048xf32, #tpu.memory_space<hbm>>
    %dma_start3A_1174 = tpu.memref_squeeze %dma_start3A_1173 : memref<1x8x2048xf32, #tpu.memory_space<hbm>> -> memref<8x2048xf32, #tpu.memory_space<hbm>>
    %dma_start3A_1175 = arith.constant 0 : i32
    %dma_start3A_1176 = tpu.memref_slice %arg5[%dma_start3A_1171, %add3A_1170, %dma_start3A_1175] : memref<4x2048x2048xf32, #tpu.memory_space<hbm>> -> memref<1x8x2048xf32, #tpu.memory_space<hbm>>
    %dma_start3A_1177 = tpu.memref_squeeze %dma_start3A_1176 : memref<1x8x2048xf32, #tpu.memory_space<hbm>> -> memref<8x2048xf32, #tpu.memory_space<hbm>>
    tpu.enqueue_dma source(%arg7 : memref<8x2048xf32, #tpu.memory_space<vmem>>) target(%dma_start3A_1177 : memref<8x2048xf32, #tpu.memory_space<hbm>>) target_semaphore(%arg19 : memref<!tpu.dma_semaphore, #tpu.memory_space<semaphore_mem>>)
    %dma_wait3A_1178 = arith.constant 3 : i32
    %dma_wait3A_1179 = arith.constant 56 : i32
    %dma_wait3A_1180 = tpu.memref_slice %arg6[%dma_wait3A_1178, %dma_wait3A_1179] : memref<4x64xi32, #tpu.memory_space<vmem>> -> memref<1x8xi32, #tpu.memory_space<vmem>>
    %dma_wait3A_1181 = tpu.memref_squeeze %dma_wait3A_1180 : memref<1x8xi32, #tpu.memory_space<vmem>> -> memref<8xi32, #tpu.memory_space<vmem>>
    %dma_wait3A_1182 = arith.constant 0 : i32
    %dma_wait3A_1183 = arith.constant 0 : i32
    %dma_wait3A_1184 = tpu.memref_slice %arg2[%dma_wait3A_1182, %dma_wait3A_1183] : memref<100000x2048xf32, #tpu.memory_space<hbm>> -> memref<100000x2048xf32, #tpu.memory_space<hbm>>
    tpu.wait_indirect_dma semaphore(%arg15 : memref<!tpu.dma_semaphore, #tpu.memory_space<semaphore_mem>>) src(%dma_wait3A_1184 : memref<100000x2048xf32, #tpu.memory_space<hbm>>) dst(%arg8 : memref<8x2048xf32, #tpu.memory_space<vmem>>)
    %parallel_loop3A_1185 = arith.constant 0 : i32
    %parallel_loop3A_1186 = arith.constant 1024 : i32
    %parallel_loop3A_1187 = arith.constant 1 : i32
    scf.for %parallel_loop3A_1232 = %parallel_loop3A_1185 to %parallel_loop3A_1186 step %parallel_loop3A_1187  : i32 {
      %parallel_loop3A_1233 = arith.constant 7 : i32
      %parallel_loop3A_1234 = arith.shrsi %parallel_loop3A_1232, %parallel_loop3A_1233 : i32
      %parallel_loop3A_1235 = arith.constant 127 : i32
      %parallel_loop3A_1236 = arith.andi %parallel_loop3A_1232, %parallel_loop3A_1235 : i32
      %parallel_loop3A_1237 = arith.constant 16 : i32
      %parallel_loop3A_1238 = arith.muli %parallel_loop3A_1236, %parallel_loop3A_1237 : i32
      %parallel_loop3A_1239 = arith.index_cast %parallel_loop3A_1234 : i32 to index
      %parallel_loop3A_1240 = arith.index_cast %parallel_loop3A_1238 : i32 to index
      %parallel_loop3A_1241 = tpu.vector_load %arg8[%parallel_loop3A_1239, %parallel_loop3A_1240] {strides = array<i32>} : memref<8x2048xf32, #tpu.memory_space<vmem>>, vector<1x16xf32>,
      %parallel_loop3A_1242 = vector.shape_cast %parallel_loop3A_1241 : vector<1x16xf32> to vector<16xf32>
      %parallel_loop3A_1243 = arith.constant 0 : i32
      %parallel_loop3A_1244 = arith.addi %parallel_loop3A_1243, %parallel_loop3A_1234 : i32
      %parallel_loop3A_1245 = arith.index_cast %parallel_loop3A_1244 : i32 to index
      %parallel_loop3A_1246 = arith.index_cast %parallel_loop3A_1238 : i32 to index
      %parallel_loop3A_1247 = tpu.vector_load %arg13[%parallel_loop3A_1245, %parallel_loop3A_1246] {strides = array<i32>} : memref<8x2048xf32, #tpu.memory_space<vmem>>, vector<1x16xf32>,
      %parallel_loop3A_1248 = vector.shape_cast %parallel_loop3A_1247 : vector<1x16xf32> to vector<16xf32>
      %parallel_loop3A_1249 = arith.addf %parallel_loop3A_1242, %parallel_loop3A_1248 : vector<16xf32>
      %parallel_loop3A_1250 = arith.index_cast %parallel_loop3A_1234 : i32 to index
      %parallel_loop3A_1251 = arith.index_cast %parallel_loop3A_1238 : i32 to index
      %parallel_loop3A_1252 = tpu.vector_load %arg8[%parallel_loop3A_1250, %parallel_loop3A_1251] {strides = array<i32>} : memref<8x2048xf32, #tpu.memory_space<vmem>>, vector<1x16xf32>,
      %parallel_loop3A_1253 = vector.shape_cast %parallel_loop3A_1252 : vector<1x16xf32> to vector<16xf32>
      %parallel_loop3A_1254 = vector.shape_cast %parallel_loop3A_1249 : vector<16xf32> to vector<1x16xf32>
      tpu.vector_store %arg8[%parallel_loop3A_1250, %parallel_loop3A_1251], %parallel_loop3A_1254 {strides = array<i32>} : memref<8x2048xf32, #tpu.memory_space<vmem>>, vector<1x16xf32>,
    } {sc.loop_unroll_factor = 8 : i64, sc.parallel_access}
    %add3A_1188 = arith.constant 56 : i32
    %add3A_1189 = arith.addi %mul3A_2, %add3A_1188 : i32
    %dma_start3A_1190 = arith.constant 3 : i32
    %dma_start3A_1191 = arith.constant 0 : i32
    %dma_start3A_1192 = tpu.memref_slice %arg5[%dma_start3A_1190, %add3A_1189, %dma_start3A_1191] : memref<4x2048x2048xf32, #tpu.memory_space<hbm>> -> memref<1x8x2048xf32, #tpu.memory_space<hbm>>
    %dma_start3A_1193 = tpu.memref_squeeze %dma_start3A_1192 : memref<1x8x2048xf32, #tpu.memory_space<hbm>> -> memref<8x2048xf32, #tpu.memory_space<hbm>>
    %dma_start3A_1194 = arith.constant 0 : i32
    %dma_start3A_1195 = tpu.memref_slice %arg5[%dma_start3A_1190, %add3A_1189, %dma_start3A_1194] : memref<4x2048x2048xf32, #tpu.memory_space<hbm>> -> memref<1x8x2048xf32, #tpu.memory_space<hbm>>
    %dma_start3A_1196 = tpu.memref_squeeze %dma_start3A_1195 : memref<1x8x2048xf32, #tpu.memory_space<hbm>> -> memref<8x2048xf32, #tpu.memory_space<hbm>>
    tpu.enqueue_dma source(%arg8 : memref<8x2048xf32, #tpu.memory_space<vmem>>) target(%dma_start3A_1196 : memref<8x2048xf32, #tpu.memory_space<hbm>>) target_semaphore(%arg20 : memref<!tpu.dma_semaphore, #tpu.memory_space<semaphore_mem>>)
    %dma_wait3A_1197 = arith.constant 2 : i32
    %dma_wait3A_1198 = arith.constant 0 : i32
    %dma_wait3A_1199 = tpu.memref_slice %arg5[%dma_wait3A_1197, %add3A_1170, %dma_wait3A_1198] : memref<4x2048x2048xf32, #tpu.memory_space<hbm>> -> memref<1x8x2048xf32, #tpu.memory_space<hbm>>
    %dma_wait3A_1200 = tpu.memref_squeeze %dma_wait3A_1199 : memref<1x8x2048xf32, #tpu.memory_space<hbm>> -> memref<8x2048xf32, #tpu.memory_space<hbm>>
    %dma_wait3A_1201 = arith.constant 0 : i32
    %dma_wait3A_1202 = tpu.memref_slice %arg5[%dma_wait3A_1197, %add3A_1170, %dma_wait3A_1201] : memref<4x2048x2048xf32, #tpu.memory_space<hbm>> -> memref<1x8x2048xf32, #tpu.memory_space<hbm>>
    %dma_wait3A_1203 = tpu.memref_squeeze %dma_wait3A_1202 : memref<1x8x2048xf32, #tpu.memory_space<hbm>> -> memref<8x2048xf32, #tpu.memory_space<hbm>>
    tpu.wait_dma2 semaphore(%arg19 : memref<!tpu.dma_semaphore, #tpu.memory_space<semaphore_mem>>) src(%arg7 : memref<8x2048xf32, #tpu.memory_space<vmem>>) dst(%dma_wait3A_1203 : memref<8x2048xf32, #tpu.memory_space<hbm>>)
    %dma_wait3A_1204 = arith.constant 3 : i32
    %dma_wait3A_1205 = arith.constant 0 : i32
    %dma_wait3A_1206 = tpu.memref_slice %arg5[%dma_wait3A_1204, %add3A_1189, %dma_wait3A_1205] : memref<4x2048x2048xf32, #tpu.memory_space<hbm>> -> memref<1x8x2048xf32, #tpu.memory_space<hbm>>
    %dma_wait3A_1207 = tpu.memref_squeeze %dma_wait3A_1206 : memref<1x8x2048xf32, #tpu.memory_space<hbm>> -> memref<8x2048xf32, #tpu.memory_space<hbm>>
    %dma_wait3A_1208 = arith.constant 0 : i32
    %dma_wait3A_1209 = tpu.memref_slice %arg5[%dma_wait3A_1204, %add3A_1189, %dma_wait3A_1208] : memref<4x2048x2048xf32, #tpu.memory_space<hbm>> -> memref<1x8x2048xf32, #tpu.memory_space<hbm>>
    %dma_wait3A_1210 = tpu.memref_squeeze %dma_wait3A_1209 : memref<1x8x2048xf32, #tpu.memory_space<hbm>> -> memref<8x2048xf32, #tpu.memory_space<hbm>>
    tpu.wait_dma2 semaphore(%arg20 : memref<!tpu.dma_semaphore, #tpu.memory_space<semaphore_mem>>) src(%arg8 : memref<8x2048xf32, #tpu.memory_space<vmem>>) dst(%dma_wait3A_1210 : memref<8x2048xf32, #tpu.memory_space<hbm>>)
    %dma_wait3A_1211 = arith.constant 3 : i32
    %dma_wait3A_1212 = arith.constant 0 : i32
    %dma_wait3A_1213 = tpu.memref_slice %arg5[%dma_wait3A_1211, %add3A_1095, %dma_wait3A_1212] : memref<4x2048x2048xf32, #tpu.memory_space<hbm>> -> memref<1x8x2048xf32, #tpu.memory_space<hbm>>
    %dma_wait3A_1214 = tpu.memref_squeeze %dma_wait3A_1213 : memref<1x8x2048xf32, #tpu.memory_space<hbm>> -> memref<8x2048xf32, #tpu.memory_space<hbm>>
    %dma_wait3A_1215 = arith.constant 0 : i32
    %dma_wait3A_1216 = tpu.memref_slice %arg5[%dma_wait3A_1211, %add3A_1095, %dma_wait3A_1215] : memref<4x2048x2048xf32, #tpu.memory_space<hbm>> -> memref<1x8x2048xf32, #tpu.memory_space<hbm>>
    %dma_wait3A_1217 = tpu.memref_squeeze %dma_wait3A_1216 : memref<1x8x2048xf32, #tpu.memory_space<hbm>> -> memref<8x2048xf32, #tpu.memory_space<hbm>>
    tpu.wait_dma2 semaphore(%arg21 : memref<!tpu.dma_semaphore, #tpu.memory_space<semaphore_mem>>) src(%arg9 : memref<8x2048xf32, #tpu.memory_space<vmem>>) dst(%dma_wait3A_1217 : memref<8x2048xf32, #tpu.memory_space<hbm>>)
    %dma_wait3A_1218 = arith.constant 0 : i32
    %dma_wait3A_1219 = arith.constant 0 : i32
    %dma_wait3A_1220 = tpu.memref_slice %arg5[%dma_wait3A_1218, %add3A_1132, %dma_wait3A_1219] : memref<4x2048x2048xf32, #tpu.memory_space<hbm>> -> memref<1x8x2048xf32, #tpu.memory_space<hbm>>
    %dma_wait3A_1221 = tpu.memref_squeeze %dma_wait3A_1220 : memref<1x8x2048xf32, #tpu.memory_space<hbm>> -> memref<8x2048xf32, #tpu.memory_space<hbm>>
    %dma_wait3A_1222 = arith.constant 0 : i32
    %dma_wait3A_1223 = tpu.memref_slice %arg5[%dma_wait3A_1218, %add3A_1132, %dma_wait3A_1222] : memref<4x2048x2048xf32, #tpu.memory_space<hbm>> -> memref<1x8x2048xf32, #tpu.memory_space<hbm>>
    %dma_wait3A_1224 = tpu.memref_squeeze %dma_wait3A_1223 : memref<1x8x2048xf32, #tpu.memory_space<hbm>> -> memref<8x2048xf32, #tpu.memory_space<hbm>>
    tpu.wait_dma2 semaphore(%arg22 : memref<!tpu.dma_semaphore, #tpu.memory_space<semaphore_mem>>) src(%arg10 : memref<8x2048xf32, #tpu.memory_space<vmem>>) dst(%dma_wait3A_1224 : memref<8x2048xf32, #tpu.memory_space<hbm>>)
    %dma_wait3A_1225 = arith.constant 1 : i32
    %dma_wait3A_1226 = arith.constant 0 : i32
    %dma_wait3A_1227 = tpu.memref_slice %arg5[%dma_wait3A_1225, %add3A_1151, %dma_wait3A_1226] : memref<4x2048x2048xf32, #tpu.memory_space<hbm>> -> memref<1x8x2048xf32, #tpu.memory_space<hbm>>
    %dma_wait3A_1228 = tpu.memref_squeeze %dma_wait3A_1227 : memref<1x8x2048xf32, #tpu.memory_space<hbm>> -> memref<8x2048xf32, #tpu.memory_space<hbm>>
    %dma_wait3A_1229 = arith.constant 0 : i32
    %dma_wait3A_1230 = tpu.memref_slice %arg5[%dma_wait3A_1225, %add3A_1151, %dma_wait3A_1229] : memref<4x2048x2048xf32, #tpu.memory_space<hbm>> -> memref<1x8x2048xf32, #tpu.memory_space<hbm>>
    %dma_wait3A_1231 = tpu.memref_squeeze %dma_wait3A_1230 : memref<1x8x2048xf32, #tpu.memory_space<hbm>> -> memref<8x2048xf32, #tpu.memory_space<hbm>>
    tpu.wait_dma2 semaphore(%arg23 : memref<!tpu.dma_semaphore, #tpu.memory_space<semaphore_mem>>) src(%arg11 : memref<8x2048xf32, #tpu.memory_space<vmem>>) dst(%dma_wait3A_1231 : memref<8x2048xf32, #tpu.memory_space<hbm>>)
    return
  }
}

</mosaic_0001>

<sc_bundles>
// kernel: kernel.3.cloned.1.call-start
scs
__scs_entry_jumppad:
0x0: {  	(pc) =	sbr.rel $0x88, $3  }
0x1: {  	(tag) =	ssettag $0x0;
	lr =	simm.s32 $0x1  }
0x2: {  	[smem:$0x3F9E] =	sst lr;
	_ =	strace $0xD0000000  }
0x3: {  	_ = 	snop  }
0x4: {  	_ = 	snop  }
0x5: {  	_ = 	snop  }
0x6: {  	_ = 	snop  }
0x7: {  	_ = 	snop  }
__scs_overlays_trampoline_lowered:
0x8: {  	[smem:$0x3FAD] =	sst s0  }
0x9: {  	[smem:$0x3FAE] =	sst s1  }
0xa: {  	[smem:$0x3FAF] =	sst s2  }
0xb: {  	[smem:$0x3FB0] =	sst s3  }
0xc: {  	[smem:$0x3FB1] =	sst s4  }
0xd: {  	[smem:$0x3FB2] =	sst s5  }
0xe: {  	[smem:$0x3FB3] =	sst s6  }
0xf: {  	[smem:$0x3FB4] =	sst s7  }
0x10: {  	[smem:$0x3FB5] =	sst s8  }
0x11: {  	[smem:$0x3FB6] =	sst s9;
	s0 =	simm.s32 @!p0 $0x0  }
0x12: {  	s1 =	sld [smem:$0x3F9C];
	s0 =	simm.s32 @p0 $0x1  }
0x13: {  	[smem:$0x3FB7] =	sst s0;
	s0 =	simm.s32 @!p1 $0x0  }
0x14: {  	s2 =	sld [smem:$0x3F9B];
	s0 =	simm.s32 @p1 $0x1  }
0x15: {  	[smem:$0x3FB8] =	sst s0;
	s0 =	simm.s32 @!p2 $0x0  }
0x16: {  	s3 =	sld [smem:$0x3FDB];
	s0 =	simm.s32 @p2 $0x1  }
0x17: {  	s4 =	simm.s32 $0x1BF5;
	[smem:$0x3FBA] =	sst s0  }
0x18: {  	s0 =	sld [smem:$0x3F9D];
	_ =	swait.ge [sflag:s4], $0x0  }
0x19: {  	s7 =	sld [smem:$0x3F9E]  }
0x1a: {  	s8 =	sadd.s32 $0xFFFFE003, lr  }
0x1b: {  	s9 =	sadd.s32 $0xFFFFFEF7, lr;
	s5 =	simm.s32 $0xFFFFFFFF;
	p2 =	slt.u32 s8, $0xFFFFF086  }
0x1c: {  	p1 =	slt.u32 s9, $0xF7A;
	s5 =	simm.s32 @!p2 $0x0  }
0x1d: {  	s5 =	simm.s32 @p1 $0x1;
	p0 =	seq.s32 s7, s2  }
0x1e: {  	s7 =	smul.u32 @!p0 $0xF7A, s2;
	p2 =	seq.s32 @!p0 s5, $0x0  }
0x1f: {  	s9 =	smul.u32 $0xF7A, s1;
	s8 =	simm.s32 @!p0 $0x1BF5;
	p2 =	por !p2, p0  }
0x20: {  	[sflag:s8] =	ssyncset.s32 @!p0 $0xFFFFF086;
	s6 =	sadd.s32 @!p0 s3, s7;
	s7 =	simm.s32 @!p0 $0x108  }
0x21: {  	s3 =	sadd.s32 s3, s9;
	s6 =	sadd.s32 @!p0 $0x88, s6;
	s7 =	simm.s32 @p2 $0x1082  }
0x22: {  	[simem:s7], [sflag:s8] =	dma.local @!p0 [hbm:s6], $0xF7A  }
0x23: {  	s9 =	sor.u32 $0xD0000000, s2;
	s6 =	simm.s32 $0x108;
	_ =	swait.ge @!p0 [sflag:s8], $0x0  }
0x24: {  	s3 =	sadd.s32 $0x88, s3;
	s6 =	simm.s32 @!p1 $0x1082;
	[sflag:s4] =	ssyncset.s32 $0xFFFFF086  }
0x25: {  	[simem:s6], [sflag:s4] =	dma.local [hbm:s3], $0xF7A  }
0x26: {  	[smem:$0x3F9E] =	sst s1;
	(tag) =	ssettag s2;
	_ =	strace s9  }
0x27: {  	s1 =	sld [smem:$0x3FAE]  }
0x28: {  	s2 =	sld [smem:$0x3FAF]  }
0x29: {  	s4 =	sld [smem:$0x3FB1]  }
0x2a: {  	p0 =	seq.s32 s5, $0x0;
	s5 =	sld [smem:$0x3FB2]  }
0x2b: {  	s6 =	sld [smem:$0x3FB3]  }
0x2c: {  	s7 =	sld [smem:$0x3FB4]  }
0x2d: {  	s3 =	simm.s32 $0x108;
	s8 =	sld [smem:$0x3FB5]  }
0x2e: {  	s3 =	simm.s32 @!p0 $0x1082;
	s9 =	sld [smem:$0x3FB6]  }
0x2f: {  	lr =	sadd.s32 s0, s3;
	s0 =	sld [smem:$0x3FAD]  }
0x30: {  	s3 =	sld [smem:$0x3FB0]  }
0x31: {  	[smem:$0x3FB9] =	sst s10  }
0x32: {  	s10 =	sld [smem:$0x3FB7];
	_ =	sdelay $0x3  }
0x33: {  	p0 =	seq.s32 s10, $0x1;
	s10 =	sld [smem:$0x3FB9];
	_ =	sdelay $0x3  }
0x34: {  	[smem:$0x3FB9] =	sst s10  }
0x35: {  	s10 =	sld [smem:$0x3FB8];
	_ =	sdelay $0x3  }
0x36: {  	p1 =	seq.s32 s10, $0x1;
	s10 =	sld [smem:$0x3FB9];
	_ =	sdelay $0x3  }
0x37: {  	[smem:$0x3FB9] =	sst s10  }
0x38: {  	s10 =	sld [smem:$0x3FBA]  }
0x39: {  	_ = 	snop;
	(pc) =	sbr.ind lr, $3  }
0x3a: {  	_ = 	snop  }
0x3b: {  	_ = 	snop  }
0x3c: {  	p2 =	seq.s32 s10, $0x1;
	s10 =	sld [smem:$0x3FB9]  }
0x3d: {  	_ =	shalt  }
0x3e: {  	_ =	shalt  }
0x3f: {  	_ =	shalt  }
0x40: {  	_ =	shalt  }
0x41: {  	_ =	shalt  }
0x42: {  	_ =	shalt  }
0x43: {  	_ =	shalt  }
0x44: {  	_ =	shalt  }
0x45: {  	_ =	shalt  }
0x46: {  	_ =	shalt  }
0x47: {  	_ =	shalt  }
0x48: {  	_ =	shalt  }
0x49: {  	_ =	shalt  }
0x4a: {  	_ =	shalt  }
0x4b: {  	_ =	shalt  }
0x4c: {  	_ =	shalt  }
0x4d: {  	_ =	shalt  }
0x4e: {  	_ =	shalt  }
0x4f: {  	_ =	shalt  }
0x50: {  	_ =	shalt  }
0x51: {  	_ =	shalt  }
0x52: {  	_ =	shalt  }
0x53: {  	_ =	shalt  }
0x54: {  	_ =	shalt  }
0x55: {  	_ =	shalt  }
0x56: {  	_ =	shalt  }
0x57: {  	_ =	shalt  }
0x58: {  	_ =	shalt  }
0x59: {  	_ =	shalt  }
0x5a: {  	_ =	shalt  }
0x5b: {  	_ =	shalt  }
0x5c: {  	_ =	shalt  }
0x5d: {  	_ =	shalt  }
0x5e: {  	_ =	shalt  }
0x5f: {  	_ =	shalt  }
0x60: {  	_ =	shalt  }
0x61: {  	_ =	shalt  }
0x62: {  	_ =	shalt  }
0x63: {  	_ =	shalt  }
0x64: {  	_ =	shalt  }
0x65: {  	_ =	shalt  }
0x66: {  	_ =	shalt  }
0x67: {  	_ =	shalt  }
0x68: {  	_ =	shalt  }
0x69: {  	_ =	shalt  }
0x6a: {  	_ =	shalt  }
0x6b: {  	_ =	shalt  }
0x6c: {  	_ =	shalt  }
0x6d: {  	_ =	shalt  }
0x6e: {  	_ =	shalt  }
0x6f: {  	_ =	shalt  }
0x70: {  	_ =	shalt  }
0x71: {  	_ =	shalt  }
0x72: {  	_ =	shalt  }
0x73: {  	_ =	shalt  }
0x74: {  	_ =	shalt  }
0x75: {  	_ =	shalt  }
0x76: {  	_ =	shalt  }
0x77: {  	_ =	shalt  }
0x78: {  	_ =	shalt  }
0x79: {  	_ =	shalt  }
0x7a: {  	_ =	shalt  }
0x7b: {  	_ =	shalt  }
0x7c: {  	_ =	shalt  }
0x7d: {  	_ =	shalt  }
0x7e: {  	_ =	shalt  }
0x7f: {  	_ =	shalt  }
0x80: {  	_ =	shalt  }
0x81: {  	_ =	shalt  }
0x82: {  	_ =	shalt  }
0x83: {  	_ =	shalt  }
0x84: {  	_ =	shalt  }
0x85: {  	_ =	shalt  }
0x86: {  	_ =	shalt  }
0x87: {  	_ =	shalt  }
.Lfunc_end0:
.L_simem_size_0:
called_computation_lowered:
.L_overlay_start_0:
0x88: {  	s2 =	sld [smem:$0x3FD9]  }
0x89: {  	s3 =	sld [smem:$0x3FFE];
	_ =	sdelay $0x1  }
0x8a: {  	s1 =	srdreg.scid  }
0x8b: {  	s0 =	sand.u32 $0x1, s1  }
0x8c: {  	s18 =	sshll.u32 s0, $0xA;
	s2 =	sadd.s32 s3, s2  }
0x8d: {  	s2 =	sadd.s32 s2, s18  }
0x8e: {  	[smem:$0x3FC5] =	sst s2  }
0x8f: {  	_ = 	snop  }
0x90: {  	s2 =	sld [smem:$0x3FC9]  }
0x91: {  	s19 =	sld [smem:$0x3FC8]  }
0x92: {  	s4 =	sld [smem:$0x3FC7]  }
0x93: {  	s5 =	sld [smem:$0x3FD0];
	(tm) =	ssettm $0x1  }
0x94: {  	s6 =	sld [smem:$0x3FFB];
	_ =	sdelay $0x3  }
0x95: {  	_ =	strace s6  }
0x96: {  	s6 =	sld [smem:$0x3FFC];
	_ =	sdelay $0x3  }
0x97: {  	_ =	strace s6  }
0x98: {  	s6 =	sld [smem:$0x3FFD];
	_ =	sdelay $0x3  }
0x99: {  	_ =	strace s6  }
0x9a: {  	_ =	strace $0x8FFFFFFF  }
0x9b: {  	s20 =	sld [smem:$0x3FDB];
	_ =	sdelay $0x1  }
0x9c: {  	s7 =	simm.s32 $_scs_section_size  }
0x9d: {  	s8 =	simm.s32 $_size__tile_overlayer_lowered;
	s9 =	simm.s32 $_tile_overlayer_lowered  }
0x9e: {  	s23 =	simm.s32 $0x1BFF;
	s22 =	sshll.u32 s9, $0x1;
	s6 =	sadd.s32 s7, s20  }
0x9f: {  	s10 =	simm.s32 $0x0;
	s21 =	sshll.u32 s8, $0x1;
	s8 =	sadd.s32 s22, s6  }
0xa0: {  	[timem:s10], [sflag:s23] =	dma.local [hbm:s8], s21  }
0xa1: {  	_ =	swait.ge [sflag:s23], s21  }
0xa2: {  	s7 =	ssub.s32 $0x0, s21;
	[sflag:s23] =	ssyncset.done $0x0  }
0xa3: {  	[sflag:s23] =	ssyncadd.s32 s7;
	_ =	sdelay $0x1  }
0xa4: {  	s24 =	simm.s32 $0x1B8B  }
0xa5: {  	_ =	swait.ge [sflag:s24], $0x1  }
0xa6: {  	[sflag:s24] =	ssyncset.done $0x0  }
0xa7: {  	s25 =	simm.s32 $0x1B8E;
	[sflag:s24] =	ssyncadd.s32 $0xFFFFFFFF  }
0xa8: {  	s26 =	simm.s32 $execute0_lowered;
	[smem:$0x3FD2] =	sst s25  }
0xa9: {  	s7 =	sshll.u32 s26, $0x1;
	_ =	strace $0x80000046;
	[dreg:$0x1] =	wrdreg $0xFFFFFFFF  }
0xaa: {  	s28 =	simm.s32 $_size_execute0_lowered;
	s6 =	sadd.s32 s6, s7;
	[dreg:$0x0] =	wrdreg $0x0  }
0xab: {  	s7 =	sshll.u32 s28, $0x1;
	[dreg:$0x2] =	wrdreg s6  }
0xac: {  	[dreg:$0x3] =	wrdreg s7  }
0xad: {  	[dreg:$0x4] =	wrdreg $0xC0  }
0xae: {  	_ =	task [dreg:s10], $0x5FFFF  }
0xaf: {  	[dreg:$0x1] =	wrdreg $0xFFFFFFFF  }
0xb0: {  	[dreg:$0x0] =	wrdreg $0x60  }
0xb1: {  	[dreg:$0x2] =	wrdreg s19  }
0xb2: {  	[dreg:$0x3] =	wrdreg s2  }
0xb3: {  	[dreg:$0x4] =	wrdreg s4  }
0xb4: {  	[dreg:$0x5] =	wrdreg s5  }
0xb5: {  	[dreg:$0x6] =	wrdreg $0x9  }
0xb6: {  	_ =	task.clear_ibuf [dreg:s10], $0x7FFFF;
	_ =	strace $0x90000046  }
0xb7: {  	s29 =	simm.s32 $0x9;
	_ =	strace $0x80000048  }
0xb8: {  	_ =	swait.ge [sflag:s29], $0x1  }
0xb9: {  	[sflag:s29] =	ssyncadd.s32 $0xFFFFFFFF  }
0xba: {  	_ =	strace $0x90000048  }
0xbb: {  	_ =	sfence  }
0xbc: {  	s30 =	sld [smem:$0x0];
	_ =	sdelay $0x2  }
0xbd: {  	s31 =	sshll.u32 s1, $0xD;
	s1 =	sshrl.u32 s1, $0x2  }
0xbe: {  	s3 =	sand.u32 $0x4000, s31;
	s1 =	sadd.s32 s1, s30  }
0xbf: {  	s0 =	sor.u32 s3, s0;
	s1 =	sshll.u32 s1, $0x11  }
0xc0: {  	s0 =	sor.u32 s1, s0  }
0xc1: {  	s0 =	sadd.s32 $0x8F2B, s0  }
0xc2: {  	[sflag:s0] =	ssyncadd.remote.s32 $0x1  }
0xc3: {  	_ =	sfence.sel $0xFFFF  }
0xc4: {  	[dreg:$0x0] =	wrdreg $0xFFFFFFFF;
	(pc) =	sbr.abs _section_cstart, $3  }
0xc5: {  	[dreg:$0x1] =	wrdreg $0xFFFFFFFF  }
0xc6: {  	_ =	task.clear_ibuf [dreg:s10], $0x2FFFF;
	_ =	strace $0x9FFFFFFF  }
0xc7: {  	(tm) =	ssettm $0x7FFFFFFF  }
tec
execute0_lowered:
.L_overlay_start_1:
0x0: {  	(tag) =	ssettag $0x1  }
0x1: {  	s1 =	rddreg [dreg:$0x0]  }
0x2: {  	s0 =	srdreg.scid;
	s2 =	rddreg [dreg:$0x1]  }
0x3: {  	s3 =	stileid.u32;
	s4 =	rddreg [dreg:$0x2];
	s0 =	sand.u32 $0x1, s0  }
0x4: {  	s6 =	rddreg [dreg:$0x3];
	s3 =	sshll.u32 s3, $0x7;
	s5 =	sshll.u32 s0, $0x6  }
0x5: {  	s0 =	ssub.s32 $0x2, s0;
	s7 =	sor.u32 s5, s3;
	s3 =	simm.s32 $0x0  }
0x6: {  	s20 =	sshrl.u32 s0, $0x1;
	s8 =	sshll.u32 s7, $0x2;
	[smem:$0x7FF] =	sst s3  }
0x7: {  	s0 =	ssub.s32 s0, s20;
	s7 =	sshll.u32 s7, $0x8;
	s9 =	sand.u32 $0x1E00, s8  }
0x8: {  	_ =	strace $0x80000047;
	s23 =	sadd.s32 s4, s7;
	s24 =	sor.u32 $0x800, s7  }
0x9: {  	s26 =	sor.u32 $0x1000, s7;
	s0 =	smax.u32 s0, $0x1;
	[dreg:$0x9] =	wrdreg s23  }
0xa: {  	s11 =	sor.u32 $0x1800, s7;
	s25 =	sadd.s32 s4, s24;
	[dreg:$0x19] =	wrdreg s0  }
0xb: {  	s13 =	sor.u32 $0x2000, s7;
	s10 =	sadd.s32 s4, s26;
	[dreg:$0xa] =	wrdreg s25  }
0xc: {  	s15 =	sor.u32 $0x2800, s7;
	s12 =	sadd.s32 s4, s11;
	[dreg:$0xc] =	wrdreg s10  }
0xd: {  	s17 =	sor.u32 $0x3000, s7;
	s14 =	sadd.s32 s4, s13;
	[dreg:$0xe] =	wrdreg s12  }
0xe: {  	s19 =	sor.u32 $0x3800, s7;
	s16 =	sadd.s32 s4, s15;
	[dreg:$0x10] =	wrdreg s14  }
0xf: {  	s9 =	sor.u32 s5, s9;
	s18 =	sadd.s32 s4, s17;
	[dreg:$0x12] =	wrdreg s16  }
0x10: {  	s5 =	sor.u32 s5, s8;
	s4 =	sadd.s32 s4, s19;
	[dreg:$0x14] =	wrdreg s18  }
0x11: {  	s20 =	sadd.s32 s6, s17;
	s9 =	sshrl.u32 s9, $0x3;
	[dreg:$0x16] =	wrdreg s4  }
0x12: {  	s5 =	sshrl.u32 s5, $0x3;
	[dreg:$0x17] =	wrdreg s20;
	s9 =	sadd.s32 s2, s9  }
0x13: {  	s22 =	sor.u32 $0x20, s5;
	[dreg:$0x5] =	wrdreg s9;
	s21 =	sadd.s32 $0x10, s9  }
0x14: {  	s5 =	sor.u32 $0x30, s5;
	s8 =	sadd.s32 s2, s22;
	[dreg:$0x6] =	wrdreg s21  }
0x15: {  	s2 =	sadd.s32 s2, s5;
	[dreg:$0x7] =	wrdreg s8  }
0x16: {  	s5 =	sadd.s32 s6, s26;
	[dreg:$0x8] =	wrdreg s2  }
0x17: {  	s2 =	sadd.s32 s6, s24;
	[dreg:$0xf] =	wrdreg s5  }
0x18: {  	s5 =	sadd.s32 s6, s13;
	[dreg:$0xd] =	wrdreg s2  }
0x19: {  	s8 =	sadd.s32 s6, s7;
	[dreg:$0x13] =	wrdreg s5  }
0x1a: {  	s2 =	sadd.s32 s6, s11;
	[dreg:$0xb] =	wrdreg s8  }
0x1b: {  	s21 =	sadd.s32 $0x80000, s8;
	[dreg:$0x11] =	wrdreg s2  }
0x1c: {  	s22 =	sadd.s32 $0x100000, s8;
	[dreg:$0x1a] =	wrdreg s21  }
0x1d: {  	s23 =	sadd.s32 $0x180000, s8;
	[dreg:$0x1b] =	wrdreg s22  }
0x1e: {  	s25 =	sadd.s32 $0x100800, s8;
	[dreg:$0x1c] =	wrdreg s23  }
0x1f: {  	s4 =	sadd.s32 $0x80800, s8;
	[dreg:$0x1d] =	wrdreg s25  }
0x20: {  	s7 =	sadd.s32 $0x101000, s8;
	[dreg:$0x1e] =	wrdreg s4  }
0x21: {  	s9 =	sadd.s32 $0x181000, s8;
	[smem:$0x7ED] =	sst s7  }
0x22: {  	s28 =	sadd.s32 $0x300, s1;
	s10 =	sadd.s32 $0x101800, s8;
	[smem:$0x7EE] =	sst s9  }
0x23: {  	s29 =	sadd.s32 $0x400, s1;
	s11 =	sadd.s32 $0x81800, s8;
	[smem:$0x7EF] =	sst s10  }
0x24: {  	s30 =	sadd.s32 $0x500, s1;
	s12 =	sadd.s32 $0x181800, s8;
	[smem:$0x7F0] =	sst s11  }
0x25: {  	s31 =	sadd.s32 $0x600, s1;
	s13 =	sadd.s32 $0x82000, s8;
	[smem:$0x7F1] =	sst s12  }
0x26: {  	s26 =	sadd.s32 $0x200, s1;
	s14 =	sadd.s32 $0x102000, s8;
	[smem:$0x7F2] =	sst s13  }
0x27: {  	s24 =	sadd.s32 $0x100, s1;
	s16 =	sadd.s32 $0x102800, s8;
	[smem:$0x7F3] =	sst s14  }
0x28: {  	s5 =	sadd.s32 $0x180800, s8;
	s17 =	sadd.s32 $0x82800, s8;
	[smem:$0x7F5] =	sst s16  }
0x29: {  	s18 =	sadd.s32 $0x182800, s8;
	s20 =	sadd.s32 $0x103000, s8;
	[smem:$0x7F6] =	sst s17  }
0x2a: {  	s2 =	sadd.s32 s6, s15;
	s15 =	sadd.s32 $0x182000, s8;
	[smem:$0x7F7] =	sst s18  }
0x2b: {  	[smem:$0x7F9] =	sst s20;
	s21 =	sadd.s32 $0x183000, s8;
	s22 =	sadd.s32 $0x83800, s8  }
0x2c: {  	[dreg:$0x1f] =	wrdreg s5;
	s23 =	sadd.s32 $0x103800, s8;
	s25 =	sadd.s32 $0x183800, s8  }
0x2d: {  	s9 =	simm.s32 $0xB;
	s11 =	simm.s32 $0x200;
	s4 =	simm.s32 $0x1  }
0x2e: {  	s10 =	simm.s32 $0x10200;
	s7 =	simm.s32 $0x2;
	[dreg:$0x15] =	wrdreg s2  }
0x2f: {  	s12 =	simm.s32 $0x6;
	s13 =	simm.s32 $0x3;
	[smem:$0x7F4] =	sst s15  }
0x30: {  	s14 =	simm.s32 $0x7;
	s16 =	simm.s32 $0x8;
	[smem:$0x7FA] =	sst s21  }
0x31: {  	s17 =	simm.s32 $0x5;
	s18 =	simm.s32 $0xC;
	[smem:$0x7FB] =	sst s22  }
0x32: {  	s20 =	simm.s32 $0x9;
	s2 =	sadd.s32 s6, s19;
	[smem:$0x7FC] =	sst s23  }
0x33: {  	s6 =	sadd.s32 $0x81000, s8;
	s19 =	sadd.s32 $0x83000, s8;
	[smem:$0x7FD] =	sst s25  }
0x34: {  	v0 =	vlaneseq.u32;
	s8 =	simm.s32 $0xC200;
	s15 =	simm.s32 $0x4;
	[dreg:$0x18] =	wrdreg s2  }
0x35: {  	v1 =	vshrl.u32 v0, $0x3;
	s21 =	simm.s32 $0xA;
	s22 =	simm.s32 $0x0;
	[smem:$0x7EC] =	sst s6  }
0x36: {  	vm0 =	vmmov $0xffff;
	v0 =	vand.u32 $0x7, v0;
	v1 =	vmul.u32 $0x8, v1;
	s2 =	sadd.s32 $0x700, s1;
	[smem:$0x7F8] =	sst s19;
	s19 =	simm.s32 $0x4200  }
.LBB2_1:
0x37: {  	s0 =	rddreg [dreg:$0x5]  }
0x38: {  	[tilespmem:s3], [sflag:$0xB] =	stream.linear.gather [hbm4b:s0+s3], $0x40, $0x38;
	[tilespmem:$0x1C200] =	vst v63  }
0x39: {  	s6 =	rddreg [dreg:$0x6];
	s5 =	simm.s32 $0x80  }
0x3a: {  	[tilespmem:s5], [sflag:$0xB] =	stream.linear.gather [hbm4b:s6+s3], $0x40, $0x38;
	[tilespmem:$0x1C200] =	vst v63  }
0x3b: {  	s23 =	rddreg [dreg:$0x7];
	s25 =	simm.s32 $0x100  }
0x3c: {  	[tilespmem:s25], [sflag:$0xB] =	stream.linear.gather [hbm4b:s23+s3], $0x40, $0x38;
	[tilespmem:$0x1C200] =	vst v63  }
0x3d: {  	s5 =	rddreg [dreg:$0x8];
	s6 =	simm.s32 $0x180  }
0x3e: {  	[tilespmem:s6], [sflag:$0xB] =	stream.linear.gather [hbm4b:s5+s3], $0x40, $0x38;
	[tilespmem:$0x1C200] =	vst v63  }
0x3f: {  	s23 =	rddreg [dreg:$0x9];
	s25 =	simm.s32 $0x14200  }
0x40: {  	[tilespmem:s25], [sflag:$0xB] =	stream.linear.gather [hbm4b:s23+s3], $0x4000, $0x38;
	[tilespmem:$0x1C200] =	vst v63  }
0x41: {  	_ =	swait.ge [sflag:s9], $0x40  }
0x42: {  	[sflag:s9] =	ssyncset.done $0x0  }
0x43: {  	[sflag:s9] =	ssyncadd.s32 $0xFFFFFFC0  }
0x44: {  	v2 =	vld.msk [tilespmem:$0x0], $0xff;
	_ =	sdelay $0x4  }
0x45: {  	v3 =	vshll.u32 v2, $0x4  }
0x46: {  	v2 =	vand.u32 $0x7, v2;
	v3 =	vand.u32 $0xFFFFFF80, v3  }
0x47: {  	v2 =	vor.u32 v2, v3  }
0x48: {  	v2 =	vperm.xlane v2, v0;
	_ =	sdelay $0x1  }
0x49: {  	v2 =	vadd.s32 v1, v2;
	_ =	sdelay $0x4  }
0x4a: {  	[tilespmem:s11], [sflag:$0x1] =	stream.indirect_vreg.gather [hbm4b:s1+s3], $0x80, v2, vm0, $0xb8;
	[tilespmem:$0x1C200] =	vst v63  }
0x4b: {  	s6 =	simm.s32 $0xA00  }
0x4c: {  	[tilespmem:s6], [sflag:$0x1] =	stream.indirect_vreg.gather [hbm4b:s24+s3], $0x80, v2, vm0, $0xb8;
	[tilespmem:$0x1C200] =	vst v63  }
0x4d: {  	s23 =	simm.s32 $0x1200  }
0x4e: {  	[tilespmem:s23], [sflag:$0x1] =	stream.indirect_vreg.gather [hbm4b:s26+s3], $0x80, v2, vm0, $0xb8;
	[tilespmem:$0x1C200] =	vst v63  }
0x4f: {  	s25 =	simm.s32 $0x1A00  }
0x50: {  	[tilespmem:s25], [sflag:$0x1] =	stream.indirect_vreg.gather [hbm4b:s28+s3], $0x80, v2, vm0, $0xb8;
	[tilespmem:$0x1C200] =	vst v63  }
0x51: {  	s5 =	simm.s32 $0x2200  }
0x52: {  	[tilespmem:s5], [sflag:$0x1] =	stream.indirect_vreg.gather [hbm4b:s29+s3], $0x80, v2, vm0, $0xb8;
	[tilespmem:$0x1C200] =	vst v63  }
0x53: {  	s6 =	simm.s32 $0x2A00  }
0x54: {  	[tilespmem:s6], [sflag:$0x1] =	stream.indirect_vreg.gather [hbm4b:s30+s3], $0x80, v2, vm0, $0xb8;
	[tilespmem:$0x1C200] =	vst v63  }
0x55: {  	s23 =	simm.s32 $0x3200  }
0x56: {  	[tilespmem:s23], [sflag:$0x1] =	stream.indirect_vreg.gather [hbm4b:s31+s3], $0x80, v2, vm0, $0xb8;
	[tilespmem:$0x1C200] =	vst v63  }
0x57: {  	s25 =	simm.s32 $0x3A00  }
0x58: {  	[tilespmem:s25], [sflag:$0x1] =	stream.indirect_vreg.gather [hbm4b:s2+s3], $0x80, v2, vm0, $0xb8;
	[tilespmem:$0x1C200] =	vst v63  }
0x59: {  	_ =	swait.ge [sflag:s9], $0x40  }
0x5a: {  	[sflag:s9] =	ssyncset.done $0x0  }
0x5b: {  	[sflag:s9] =	ssyncadd.s32 $0xFFFFFFC0  }
0x5c: {  	v2 =	vld.msk [tilespmem:$0x80], $0xff;
	_ =	sdelay $0x4  }
0x5d: {  	v3 =	vshll.u32 v2, $0x4  }
0x5e: {  	v2 =	vand.u32 $0x7, v2;
	v3 =	vand.u32 $0xFFFFFF80, v3  }
0x5f: {  	v2 =	vor.u32 v2, v3  }
0x60: {  	v2 =	vperm.xlane v2, v0;
	_ =	sdelay $0x1  }
0x61: {  	v2 =	vadd.s32 v1, v2;
	_ =	sdelay $0x4  }
0x62: {  	[tilespmem:s19], [sflag:$0x2] =	stream.indirect_vreg.gather [hbm4b:s1+s3], $0x80, v2, vm0, $0xb8;
	[tilespmem:$0x1C200] =	vst v63  }
0x63: {  	s5 =	simm.s32 $0x4A00  }
0x64: {  	[tilespmem:s5], [sflag:$0x2] =	stream.indirect_vreg.gather [hbm4b:s24+s3], $0x80, v2, vm0, $0xb8;
	[tilespmem:$0x1C200] =	vst v63  }
0x65: {  	s6 =	simm.s32 $0x5200  }
0x66: {  	[tilespmem:s6], [sflag:$0x2] =	stream.indirect_vreg.gather [hbm4b:s26+s3], $0x80, v2, vm0, $0xb8;
	[tilespmem:$0x1C200] =	vst v63  }
0x67: {  	s23 =	simm.s32 $0x5A00  }
0x68: {  	[tilespmem:s23], [sflag:$0x2] =	stream.indirect_vreg.gather [hbm4b:s28+s3], $0x80, v2, vm0, $0xb8;
	[tilespmem:$0x1C200] =	vst v63  }
0x69: {  	s25 =	simm.s32 $0x6200  }
0x6a: {  	[tilespmem:s25], [sflag:$0x2] =	stream.indirect_vreg.gather [hbm4b:s29+s3], $0x80, v2, vm0, $0xb8;
	[tilespmem:$0x1C200] =	vst v63  }
0x6b: {  	s5 =	simm.s32 $0x6A00  }
0x6c: {  	[tilespmem:s5], [sflag:$0x2] =	stream.indirect_vreg.gather [hbm4b:s30+s3], $0x80, v2, vm0, $0xb8;
	[tilespmem:$0x1C200] =	vst v63  }
0x6d: {  	s6 =	simm.s32 $0x7200  }
0x6e: {  	[tilespmem:s6], [sflag:$0x2] =	stream.indirect_vreg.gather [hbm4b:s31+s3], $0x80, v2, vm0, $0xb8;
	[tilespmem:$0x1C200] =	vst v63  }
0x6f: {  	s23 =	simm.s32 $0x7A00  }
0x70: {  	[tilespmem:s23], [sflag:$0x2] =	stream.indirect_vreg.gather [hbm4b:s2+s3], $0x80, v2, vm0, $0xb8;
	[tilespmem:$0x1C200] =	vst v63  }
0x71: {  	_ =	swait.ge [sflag:s9], $0x40  }
0x72: {  	[sflag:s9] =	ssyncset.done $0x0  }
0x73: {  	[sflag:s9] =	ssyncadd.s32 $0xFFFFFFC0  }
0x74: {  	v2 =	vld.msk [tilespmem:$0x100], $0xff;
	_ =	sdelay $0x4  }
0x75: {  	v3 =	vshll.u32 v2, $0x4  }
0x76: {  	v2 =	vand.u32 $0x7, v2;
	v3 =	vand.u32 $0xFFFFFF80, v3  }
0x77: {  	v2 =	vor.u32 v2, v3  }
0x78: {  	v2 =	vperm.xlane v2, v0;
	_ =	sdelay $0x1  }
0x79: {  	v2 =	vadd.s32 v1, v2;
	_ =	sdelay $0x3  }
0x7a: {  	s25 =	simm.s32 $0x8200  }
0x7b: {  	[tilespmem:s25], [sflag:$0x3] =	stream.indirect_vreg.gather [hbm4b:s1+s3], $0x80, v2, vm0, $0xb8;
	[tilespmem:$0x1C200] =	vst v63  }
0x7c: {  	s5 =	simm.s32 $0x8A00  }
0x7d: {  	[tilespmem:s5], [sflag:$0x3] =	stream.indirect_vreg.gather [hbm4b:s24+s3], $0x80, v2, vm0, $0xb8;
	[tilespmem:$0x1C200] =	vst v63  }
0x7e: {  	s6 =	simm.s32 $0x9200  }
0x7f: {  	[tilespmem:s6], [sflag:$0x3] =	stream.indirect_vreg.gather [hbm4b:s26+s3], $0x80, v2, vm0, $0xb8;
	[tilespmem:$0x1C200] =	vst v63  }
0x80: {  	s23 =	simm.s32 $0x9A00  }
0x81: {  	[tilespmem:s23], [sflag:$0x3] =	stream.indirect_vreg.gather [hbm4b:s28+s3], $0x80, v2, vm0, $0xb8;
	[tilespmem:$0x1C200] =	vst v63  }
0x82: {  	s25 =	simm.s32 $0xA200  }
0x83: {  	[tilespmem:s25], [sflag:$0x3] =	stream.indirect_vreg.gather [hbm4b:s29+s3], $0x80, v2, vm0, $0xb8;
	[tilespmem:$0x1C200] =	vst v63  }
0x84: {  	s5 =	simm.s32 $0xAA00  }
0x85: {  	[tilespmem:s5], [sflag:$0x3] =	stream.indirect_vreg.gather [hbm4b:s30+s3], $0x80, v2, vm0, $0xb8;
	[tilespmem:$0x1C200] =	vst v63  }
0x86: {  	s6 =	simm.s32 $0xB200  }
0x87: {  	[tilespmem:s6], [sflag:$0x3] =	stream.indirect_vreg.gather [hbm4b:s31+s3], $0x80, v2, vm0, $0xb8;
	[tilespmem:$0x1C200] =	vst v63  }
0x88: {  	s23 =	simm.s32 $0xBA00  }
0x89: {  	[tilespmem:s23], [sflag:$0x3] =	stream.indirect_vreg.gather [hbm4b:s2+s3], $0x80, v2, vm0, $0xb8;
	[tilespmem:$0x1C200] =	vst v63  }
0x8a: {  	_ =	swait.ge [sflag:s9], $0x40  }
0x8b: {  	[sflag:s9] =	ssyncset.done $0x0  }
0x8c: {  	[sflag:s9] =	ssyncadd.s32 $0xFFFFFFC0  }
0x8d: {  	v2 =	vld.msk [tilespmem:$0x180], $0xff;
	_ =	sdelay $0x4  }
0x8e: {  	v3 =	vshll.u32 v2, $0x4  }
0x8f: {  	v2 =	vand.u32 $0x7, v2;
	v3 =	vand.u32 $0xFFFFFF80, v3  }
0x90: {  	v2 =	vor.u32 v2, v3  }
0x91: {  	v2 =	vperm.xlane v2, v0;
	_ =	sdelay $0x1  }
0x92: {  	v2 =	vadd.s32 v1, v2;
	_ =	sdelay $0x4  }
0x93: {  	[tilespmem:s8], [sflag:$0x4] =	stream.indirect_vreg.gather [hbm4b:s1+s3], $0x80, v2, vm0, $0xb8;
	[tilespmem:$0x1C200] =	vst v63  }
0x94: {  	s25 =	simm.s32 $0xCA00  }
0x95: {  	[tilespmem:s25], [sflag:$0x4] =	stream.indirect_vreg.gather [hbm4b:s24+s3], $0x80, v2, vm0, $0xb8;
	[tilespmem:$0x1C200] =	vst v63  }
0x96: {  	s5 =	simm.s32 $0xD200  }
0x97: {  	[tilespmem:s5], [sflag:$0x4] =	stream.indirect_vreg.gather [hbm4b:s26+s3], $0x80, v2, vm0, $0xb8;
	[tilespmem:$0x1C200] =	vst v63  }
0x98: {  	s6 =	simm.s32 $0xDA00  }
0x99: {  	[tilespmem:s6], [sflag:$0x4] =	stream.indirect_vreg.gather [hbm4b:s28+s3], $0x80, v2, vm0, $0xb8;
	[tilespmem:$0x1C200] =	vst v63  }
0x9a: {  	s23 =	simm.s32 $0xE200  }
0x9b: {  	[tilespmem:s23], [sflag:$0x4] =	stream.indirect_vreg.gather [hbm4b:s29+s3], $0x80, v2, vm0, $0xb8;
	[tilespmem:$0x1C200] =	vst v63  }
0x9c: {  	s25 =	simm.s32 $0xEA00  }
0x9d: {  	[tilespmem:s25], [sflag:$0x4] =	stream.indirect_vreg.gather [hbm4b:s30+s3], $0x80, v2, vm0, $0xb8;
	[tilespmem:$0x1C200] =	vst v63  }
0x9e: {  	s5 =	simm.s32 $0xF200  }
0x9f: {  	[tilespmem:s5], [sflag:$0x4] =	stream.indirect_vreg.gather [hbm4b:s31+s3], $0x80, v2, vm0, $0xb8;
	[tilespmem:$0x1C200] =	vst v63  }
0xa0: {  	s6 =	simm.s32 $0xFA00  }
0xa1: {  	[tilespmem:s6], [sflag:$0x4] =	stream.indirect_vreg.gather [hbm4b:s2+s3], $0x80, v2, vm0, $0xb8;
	[tilespmem:$0x1C200] =	vst v63  }
0xa2: {  	s23 =	rddreg [dreg:$0xa];
	s25 =	simm.s32 $0x18200  }
0xa3: {  	[tilespmem:s25], [sflag:$0xC] =	stream.linear.gather [hbm4b:s23+s3], $0x4000, $0x38;
	[tilespmem:$0x1C200] =	vst v63  }
0xa4: {  	_ =	swait.ge [sflag:s4], $0x4000  }
0xa5: {  	[sflag:s4] =	ssyncset.done $0x0  }
0xa6: {  	[sflag:s4] =	ssyncadd.s32 $0xFFFFC000  }
0xa7: {  	s25 =	simm.s32 $0x0;
	_ =	swait.ge [sflag:s9], $0x4000  }
0xa8: {  	s6 =	sand.u32 $0x3C00, s3;
	s23 =	sand.u32 $0x380, s25;
	[sflag:s9] =	ssyncset.done $0x0  }
0xa9: {  	s23 =	sor.u32 s23, s6;
	[sflag:s9] =	ssyncadd.s32 $0xFFFFC000  }
0xaa: {  	v2 =	vld [tilespmem:s23+$0x270]  }
0xab: {  	v3 =	vld [tilespmem:s23+$0x14270]  }
0xac: {  	v4 =	vld [tilespmem:s23+$0x200]  }
0xad: {  	v5 =	vld [tilespmem:s23+$0x14200]  }
0xae: {  	v6 =	vld [tilespmem:s23+$0x210]  }
0xaf: {  	v7 =	vld [tilespmem:s23+$0x14210]  }
0xb0: {  	v8 =	vld [tilespmem:s23+$0x220]  }
0xb1: {  	v9 =	vld [tilespmem:s23+$0x14220]  }
0xb2: {  	v3 =	vadd.f32 v3, v2;
	v2 =	vld [tilespmem:s23+$0x230]  }
0xb3: {  	v5 =	vadd.f32 v5, v4;
	v4 =	vld [tilespmem:s23+$0x14230]  }
0xb4: {  	v7 =	vadd.f32 v7, v6;
	v6 =	vld [tilespmem:s23+$0x14240];
	[tilespmem:s23+$0x270] =	vst v3  }
0xb5: {  	v3 =	vld [tilespmem:s23+$0x240];
	[tilespmem:s23+$0x200] =	vst v5  }
0xb6: {  	s0 =	simm.s32 $0x0;
	[tilespmem:s23+$0x210] =	vst v7;
	v7 =	vadd.f32 v9, v8;
	v5 =	vld [tilespmem:s23+$0x250]  }
.LBB2_2:
0xb7: {  	s25 =	sadd.s32 $0x8, s25;
	v8 =	vld [tilespmem:s23+$0x14250];
	s0 =	sadd.s32 $0x400, s0  }
0xb8: {  	s5 =	sand.u32 $0x3C00, s0;
	s6 =	sand.u32 $0x380, s25;
	p0 =	slt.u32 s25, $0x3F8;
	[tilespmem:s23+$0x220] =	vst v7;
	v2 =	vadd.f32 v4, v2;
	v4 =	vld [tilespmem:s23+$0x260]  }
0xb9: {  	s5 =	sor.u32 s6, s5;
	v7 =	vld [tilespmem:s23+$0x14260]  }
0xba: {  	v9 =	vld [tilespmem:s5+$0x270];
	[tilespmem:s23+$0x230] =	vst v2;
	v2 =	vadd.f32 v6, v3  }
0xbb: {  	v3 =	vld [tilespmem:s5+$0x14270]  }
0xbc: {  	v6 =	vld [tilespmem:s5+$0x200];
	[tilespmem:s23+$0x240] =	vst v2;
	v2 =	vadd.f32 v8, v5  }
0xbd: {  	v5 =	vld [tilespmem:s5+$0x14200]  }
0xbe: {  	v8 =	vld [tilespmem:s5+$0x210];
	[tilespmem:s23+$0x250] =	vst v2;
	v2 =	vadd.f32 v7, v4  }
0xbf: {  	v7 =	vld [tilespmem:s5+$0x14210]  }
0xc0: {  	v10 =	vld [tilespmem:s5+$0x220];
	v3 =	vadd.f32 v3, v9;
	[tilespmem:s23+$0x260] =	vst v2;
	s23 =	smov.u32 s5  }
0xc1: {  	v9 =	vld [tilespmem:s23+$0x14220]  }
.Ltmp0:
0xc2: {  	v5 =	vadd.f32 v5, v6;
	v2 =	vld [tilespmem:s23+$0x230];
	[tilespmem:s23+$0x270] =	vst v3;
	(pc) =	sbr.rel @p0 .LBB2_2-.Ltmp0, $4  }
0xc3: {  	v4 =	vld [tilespmem:s23+$0x14230]  }
0xc4: {  	[tilespmem:s23+$0x200] =	vst v5;
	v5 =	vadd.f32 v7, v8;
	v3 =	vld [tilespmem:s23+$0x240]  }
0xc5: {  	v6 =	vld [tilespmem:s23+$0x14240]  }
0xc6: {  	[tilespmem:s23+$0x210] =	vst v5;
	v7 =	vadd.f32 v9, v10;
	v5 =	vld [tilespmem:s23+$0x250]  }
0xc7: {  	v8 =	vld [tilespmem:s23+$0x14250]  }
0xc8: {  	v9 =	vld [tilespmem:s23+$0x260]  }
0xc9: {  	v10 =	vld [tilespmem:s23+$0x14260];
	_ =	sdelay $0x1  }
0xca: {  	v2 =	vadd.f32 v4, v2  }
0xcb: {  	[tilespmem:s23+$0x220] =	vst v7;
	v3 =	vadd.f32 v6, v3  }
0xcc: {  	[tilespmem:s23+$0x230] =	vst v2;
	v2 =	vadd.f32 v8, v5  }
0xcd: {  	[tilespmem:s23+$0x240] =	vst v3;
	v3 =	vadd.f32 v10, v9  }
0xce: {  	[tilespmem:s23+$0x250] =	vst v2  }
0xcf: {  	[tilespmem:s23+$0x260] =	vst v3  }
0xd0: {  	s23 =	simm.s32 $0x0;
	s0 =	rddreg [dreg:$0xb]  }
0xd1: {  	[hbm4b:s0+s23] =	stream.linear.scatter [tilespmem:s11], [sflag:$0x6], $0x4000, $0x38;
	[tilespmem:$0x1C200] =	vst v63  }
0xd2: {  	v2 =	vld.msk [tilespmem:$0x8], $0xff;
	_ =	sdelay $0x4  }
0xd3: {  	v3 =	vshll.u32 v2, $0x4  }
0xd4: {  	v2 =	vand.u32 $0x7, v2;
	v3 =	vand.u32 $0xFFFFFF80, v3  }
0xd5: {  	v2 =	vor.u32 v2, v3  }
0xd6: {  	v2 =	vperm.xlane v2, v0;
	_ =	sdelay $0x1  }
0xd7: {  	v2 =	vadd.s32 v1, v2;
	_ =	sdelay $0x4  }
0xd8: {  	[tilespmem:s10], [sflag:$0x5] =	stream.indirect_vreg.gather [hbm4b:s1+s23], $0x80, v2, vm0, $0xb8;
	[tilespmem:$0x1C200] =	vst v63  }
0xd9: {  	s25 =	simm.s32 $0x10A00  }
0xda: {  	[tilespmem:s25], [sflag:$0x5] =	stream.indirect_vreg.gather [hbm4b:s24+s23], $0x80, v2, vm0, $0xb8;
	[tilespmem:$0x1C200] =	vst v63  }
0xdb: {  	s5 =	simm.s32 $0x11200  }
0xdc: {  	[tilespmem:s5], [sflag:$0x5] =	stream.indirect_vreg.gather [hbm4b:s26+s23], $0x80, v2, vm0, $0xb8;
	[tilespmem:$0x1C200] =	vst v63  }
0xdd: {  	s6 =	simm.s32 $0x11A00  }
0xde: {  	[tilespmem:s6], [sflag:$0x5] =	stream.indirect_vreg.gather [hbm4b:s28+s23], $0x80, v2, vm0, $0xb8;
	[tilespmem:$0x1C200] =	vst v63  }
0xdf: {  	s25 =	simm.s32 $0x12200  }
0xe0: {  	[tilespmem:s25], [sflag:$0x5] =	stream.indirect_vreg.gather [hbm4b:s29+s23], $0x80, v2, vm0, $0xb8;
	[tilespmem:$0x1C200] =	vst v63  }
0xe1: {  	s5 =	simm.s32 $0x12A00  }
0xe2: {  	[tilespmem:s5], [sflag:$0x5] =	stream.indirect_vreg.gather [hbm4b:s30+s23], $0x80, v2, vm0, $0xb8;
	[tilespmem:$0x1C200] =	vst v63  }
0xe3: {  	s6 =	simm.s32 $0x13200  }
0xe4: {  	[tilespmem:s6], [sflag:$0x5] =	stream.indirect_vreg.gather [hbm4b:s31+s23], $0x80, v2, vm0, $0xb8;
	[tilespmem:$0x1C200] =	vst v63  }
0xe5: {  	s25 =	simm.s32 $0x13A00  }
0xe6: {  	[tilespmem:s25], [sflag:$0x5] =	stream.indirect_vreg.gather [hbm4b:s2+s23], $0x80, v2, vm0, $0xb8;
	[tilespmem:$0x1C200] =	vst v63  }
0xe7: {  	s0 =	simm.s32 $0x0;
	_ =	swait.ge [sflag:s7], $0x4000  }
0xe8: {  	s5 =	sand.u32 $0x3C00, s23;
	s6 =	sand.u32 $0x380, s0;
	[sflag:s7] =	ssyncset.done $0x0  }
0xe9: {  	s25 =	sor.u32 s6, s5;
	[sflag:s7] =	ssyncadd.s32 $0xFFFFC000  }
0xea: {  	v2 =	vld [tilespmem:s25+$0x4270]  }
0xeb: {  	v3 =	vld [tilespmem:s25+$0x14270]  }
0xec: {  	v4 =	vld [tilespmem:s25+$0x4200]  }
0xed: {  	v5 =	vld [tilespmem:s25+$0x14200]  }
0xee: {  	v6 =	vld [tilespmem:s25+$0x4210]  }
0xef: {  	v7 =	vld [tilespmem:s25+$0x14210]  }
0xf0: {  	v8 =	vld [tilespmem:s25+$0x4220]  }
0xf1: {  	v63 =	vld [tilespmem:s25+$0x14220]  }
0xf2: {  	v3 =	vadd.f32 v3, v2;
	v2 =	vld [tilespmem:s25+$0x4230]  }
0xf3: {  	v5 =	vadd.f32 v5, v4;
	v4 =	vld [tilespmem:s25+$0x14230]  }
0xf4: {  	v7 =	vadd.f32 v7, v6;
	v6 =	vld [tilespmem:s25+$0x14240];
	[tilespmem:s25+$0x4270] =	vst v3  }
0xf5: {  	v3 =	vld [tilespmem:s25+$0x4240];
	[tilespmem:s25+$0x4200] =	vst v5  }
0xf6: {  	[tilespmem:s25+$0x4210] =	vst v7;
	v7 =	vadd.f32 v63, v8;
	v5 =	vld [tilespmem:s25+$0x4250]  }
.LBB2_4:
0xf7: {  	s0 =	sadd.s32 $0x8, s0;
	v8 =	vld [tilespmem:s25+$0x14250];
	s23 =	sadd.s32 $0x400, s23  }
0xf8: {  	s5 =	sand.u32 $0x3C00, s23;
	s6 =	sand.u32 $0x380, s0;
	p0 =	slt.u32 s0, $0x3F8;
	[tilespmem:s25+$0x4220] =	vst v7;
	v2 =	vadd.f32 v4, v2;
	v4 =	vld [tilespmem:s25+$0x4260]  }
0xf9: {  	s5 =	sor.u32 s6, s5;
	v7 =	vld [tilespmem:s25+$0x14260]  }
0xfa: {  	v9 =	vld [tilespmem:s5+$0x4270];
	[tilespmem:s25+$0x4230] =	vst v2;
	v2 =	vadd.f32 v6, v3  }
0xfb: {  	v3 =	vld [tilespmem:s5+$0x14270]  }
0xfc: {  	v6 =	vld [tilespmem:s5+$0x4200];
	[tilespmem:s25+$0x4240] =	vst v2;
	v2 =	vadd.f32 v8, v5  }
0xfd: {  	v5 =	vld [tilespmem:s5+$0x14200]  }
0xfe: {  	v8 =	vld [tilespmem:s5+$0x4210];
	[tilespmem:s25+$0x4250] =	vst v2;
	v2 =	vadd.f32 v7, v4  }
0xff: {  	v7 =	vld [tilespmem:s5+$0x14210]  }
0x100: {  	v10 =	vld [tilespmem:s5+$0x4220];
	v3 =	vadd.f32 v3, v9;
	[tilespmem:s25+$0x4260] =	vst v2;
	s25 =	smov.u32 s5  }
0x101: {  	v9 =	vld [tilespmem:s25+$0x14220]  }
.Ltmp1:
0x102: {  	v5 =	vadd.f32 v5, v6;
	v2 =	vld [tilespmem:s25+$0x4230];
	[tilespmem:s25+$0x4270] =	vst v3;
	(pc) =	sbr.rel @p0 .LBB2_4-.Ltmp1, $4  }
0x103: {  	v4 =	vld [tilespmem:s25+$0x14230]  }
0x104: {  	[tilespmem:s25+$0x4200] =	vst v5;
	v5 =	vadd.f32 v7, v8;
	v3 =	vld [tilespmem:s25+$0x4240]  }
0x105: {  	v6 =	vld [tilespmem:s25+$0x14240]  }
0x106: {  	[tilespmem:s25+$0x4210] =	vst v5;
	v7 =	vadd.f32 v9, v10;
	v5 =	vld [tilespmem:s25+$0x4250]  }
0x107: {  	v8 =	vld [tilespmem:s25+$0x14250]  }
0x108: {  	v9 =	vld [tilespmem:s25+$0x4260]  }
0x109: {  	v10 =	vld [tilespmem:s25+$0x14260];
	_ =	sdelay $0x1  }
0x10a: {  	v2 =	vadd.f32 v4, v2  }
0x10b: {  	[tilespmem:s25+$0x4220] =	vst v7;
	v3 =	vadd.f32 v6, v3  }
0x10c: {  	[tilespmem:s25+$0x4230] =	vst v2;
	v2 =	vadd.f32 v8, v5  }
0x10d: {  	[tilespmem:s25+$0x4240] =	vst v3;
	v3 =	vadd.f32 v10, v9  }
0x10e: {  	[tilespmem:s25+$0x4250] =	vst v2  }
0x10f: {  	[tilespmem:s25+$0x4260] =	vst v3  }
0x110: {  	s23 =	simm.s32 $0x0;
	s0 =	rddreg [dreg:$0x1a]  }
0x111: {  	[hbm4b:s0+s23] =	stream.linear.scatter [tilespmem:s19], [sflag:$0x7], $0x4000, $0x38;
	[tilespmem:$0x1C200] =	vst v63  }
0x112: {  	_ =	swait.ge [sflag:s12], $0x4000  }
0x113: {  	[sflag:s12] =	ssyncset.done $0x0  }
0x114: {  	[sflag:s12] =	ssyncadd.s32 $0xFFFFC000  }
0x115: {  	v2 =	vld.msk [tilespmem:$0x88], $0xff;
	_ =	sdelay $0x4  }
0x116: {  	v3 =	vshll.u32 v2, $0x4  }
0x117: {  	v2 =	vand.u32 $0x7, v2;
	v3 =	vand.u32 $0xFFFFFF80, v3  }
0x118: {  	v2 =	vor.u32 v2, v3  }
0x119: {  	v2 =	vperm.xlane v2, v0;
	_ =	sdelay $0x1  }
0x11a: {  	v2 =	vadd.s32 v1, v2;
	_ =	sdelay $0x4  }
0x11b: {  	[tilespmem:s11], [sflag:$0x1] =	stream.indirect_vreg.gather [hbm4b:s1+s23], $0x80, v2, vm0, $0xb8;
	[tilespmem:$0x1C200] =	vst v63  }
0x11c: {  	s25 =	simm.s32 $0xA00  }
0x11d: {  	[tilespmem:s25], [sflag:$0x1] =	stream.indirect_vreg.gather [hbm4b:s24+s23], $0x80, v2, vm0, $0xb8;
	[tilespmem:$0x1C200] =	vst v63  }
0x11e: {  	s5 =	simm.s32 $0x1200  }
0x11f: {  	[tilespmem:s5], [sflag:$0x1] =	stream.indirect_vreg.gather [hbm4b:s26+s23], $0x80, v2, vm0, $0xb8;
	[tilespmem:$0x1C200] =	vst v63  }
0x120: {  	s6 =	simm.s32 $0x1A00  }
0x121: {  	[tilespmem:s6], [sflag:$0x1] =	stream.indirect_vreg.gather [hbm4b:s28+s23], $0x80, v2, vm0, $0xb8;
	[tilespmem:$0x1C200] =	vst v63  }
0x122: {  	s25 =	simm.s32 $0x2200  }
0x123: {  	[tilespmem:s25], [sflag:$0x1] =	stream.indirect_vreg.gather [hbm4b:s29+s23], $0x80, v2, vm0, $0xb8;
	[tilespmem:$0x1C200] =	vst v63  }
0x124: {  	s5 =	simm.s32 $0x2A00  }
0x125: {  	[tilespmem:s5], [sflag:$0x1] =	stream.indirect_vreg.gather [hbm4b:s30+s23], $0x80, v2, vm0, $0xb8;
	[tilespmem:$0x1C200] =	vst v63  }
0x126: {  	s6 =	simm.s32 $0x3200  }
0x127: {  	[tilespmem:s6], [sflag:$0x1] =	stream.indirect_vreg.gather [hbm4b:s31+s23], $0x80, v2, vm0, $0xb8;
	[tilespmem:$0x1C200] =	vst v63  }
0x128: {  	s25 =	simm.s32 $0x3A00  }
0x129: {  	[tilespmem:s25], [sflag:$0x1] =	stream.indirect_vreg.gather [hbm4b:s2+s23], $0x80, v2, vm0, $0xb8;
	[tilespmem:$0x1C200] =	vst v63  }
0x12a: {  	s0 =	simm.s32 $0x0;
	_ =	swait.ge [sflag:s13], $0x4000  }
0x12b: {  	s5 =	sand.u32 $0x3C00, s23;
	s6 =	sand.u32 $0x380, s0;
	[sflag:s13] =	ssyncset.done $0x0  }
0x12c: {  	s25 =	sor.u32 s6, s5;
	[sflag:s13] =	ssyncadd.s32 $0xFFFFC000  }
0x12d: {  	v2 =	vld [tilespmem:s25+$0x8270]  }
0x12e: {  	v3 =	vld [tilespmem:s25+$0x14270]  }
0x12f: {  	v4 =	vld [tilespmem:s25+$0x8200]  }
0x130: {  	v5 =	vld [tilespmem:s25+$0x14200]  }
0x131: {  	v6 =	vld [tilespmem:s25+$0x8210]  }
0x132: {  	v7 =	vld [tilespmem:s25+$0x14210]  }
0x133: {  	v8 =	vld [tilespmem:s25+$0x8220]  }
0x134: {  	v63 =	vld [tilespmem:s25+$0x14220]  }
0x135: {  	v3 =	vadd.f32 v3, v2;
	v2 =	vld [tilespmem:s25+$0x8230]  }
0x136: {  	v5 =	vadd.f32 v5, v4;
	v4 =	vld [tilespmem:s25+$0x14230]  }
0x137: {  	v7 =	vadd.f32 v7, v6;
	v6 =	vld [tilespmem:s25+$0x14240];
	[tilespmem:s25+$0x8270] =	vst v3  }
0x138: {  	v3 =	vld [tilespmem:s25+$0x8240];
	[tilespmem:s25+$0x8200] =	vst v5  }
0x139: {  	[tilespmem:s25+$0x8210] =	vst v7;
	v7 =	vadd.f32 v63, v8;
	v5 =	vld [tilespmem:s25+$0x8250]  }
.LBB2_6:
0x13a: {  	s0 =	sadd.s32 $0x8, s0;
	v8 =	vld [tilespmem:s25+$0x14250];
	s23 =	sadd.s32 $0x400, s23  }
0x13b: {  	s5 =	sand.u32 $0x3C00, s23;
	s6 =	sand.u32 $0x380, s0;
	p0 =	slt.u32 s0, $0x3F8;
	[tilespmem:s25+$0x8220] =	vst v7;
	v2 =	vadd.f32 v4, v2;
	v4 =	vld [tilespmem:s25+$0x8260]  }
0x13c: {  	s5 =	sor.u32 s6, s5;
	v7 =	vld [tilespmem:s25+$0x14260]  }
0x13d: {  	v9 =	vld [tilespmem:s5+$0x8270];
	[tilespmem:s25+$0x8230] =	vst v2;
	v2 =	vadd.f32 v6, v3  }
0x13e: {  	v3 =	vld [tilespmem:s5+$0x14270]  }
0x13f: {  	v6 =	vld [tilespmem:s5+$0x8200];
	[tilespmem:s25+$0x8240] =	vst v2;
	v2 =	vadd.f32 v8, v5  }
0x140: {  	v5 =	vld [tilespmem:s5+$0x14200]  }
0x141: {  	v8 =	vld [tilespmem:s5+$0x8210];
	[tilespmem:s25+$0x8250] =	vst v2;
	v2 =	vadd.f32 v7, v4  }
0x142: {  	v7 =	vld [tilespmem:s5+$0x14210]  }
0x143: {  	v10 =	vld [tilespmem:s5+$0x8220];
	v3 =	vadd.f32 v3, v9;
	[tilespmem:s25+$0x8260] =	vst v2;
	s25 =	smov.u32 s5  }
0x144: {  	v9 =	vld [tilespmem:s25+$0x14220]  }
.Ltmp2:
0x145: {  	v5 =	vadd.f32 v5, v6;
	v2 =	vld [tilespmem:s25+$0x8230];
	[tilespmem:s25+$0x8270] =	vst v3;
	(pc) =	sbr.rel @p0 .LBB2_6-.Ltmp2, $4  }
0x146: {  	v4 =	vld [tilespmem:s25+$0x14230]  }
0x147: {  	[tilespmem:s25+$0x8200] =	vst v5;
	v5 =	vadd.f32 v7, v8;
	v3 =	vld [tilespmem:s25+$0x8240]  }
0x148: {  	v6 =	vld [tilespmem:s25+$0x14240]  }
0x149: {  	[tilespmem:s25+$0x8210] =	vst v5;
	v7 =	vadd.f32 v9, v10;
	v5 =	vld [tilespmem:s25+$0x8250]  }
0x14a: {  	v8 =	vld [tilespmem:s25+$0x14250]  }
0x14b: {  	v9 =	vld [tilespmem:s25+$0x8260]  }
0x14c: {  	v10 =	vld [tilespmem:s25+$0x14260];
	_ =	sdelay $0x1  }
0x14d: {  	v2 =	vadd.f32 v4, v2  }
0x14e: {  	[tilespmem:s25+$0x8220] =	vst v7;
	v3 =	vadd.f32 v6, v3  }
0x14f: {  	[tilespmem:s25+$0x8230] =	vst v2;
	v2 =	vadd.f32 v8, v5  }
0x150: {  	[tilespmem:s25+$0x8240] =	vst v3;
	v3 =	vadd.f32 v10, v9  }
0x151: {  	[tilespmem:s25+$0x8250] =	vst v2  }
0x152: {  	[tilespmem:s25+$0x8260] =	vst v3  }
0x153: {  	s23 =	simm.s32 $0x0;
	s5 =	simm.s32 $0x8200;
	s0 =	rddreg [dreg:$0x1b]  }
0x154: {  	[hbm4b:s0+s23] =	stream.linear.scatter [tilespmem:s5], [sflag:$0x8], $0x4000, $0x38;
	[tilespmem:$0x1C200] =	vst v63  }
0x155: {  	_ =	swait.ge [sflag:s14], $0x4000  }
0x156: {  	[sflag:s14] =	ssyncset.done $0x0  }
0x157: {  	[sflag:s14] =	ssyncadd.s32 $0xFFFFC000  }
0x158: {  	v2 =	vld.msk [tilespmem:$0x108], $0xff;
	_ =	sdelay $0x4  }
0x159: {  	v3 =	vshll.u32 v2, $0x4  }
0x15a: {  	v2 =	vand.u32 $0x7, v2;
	v3 =	vand.u32 $0xFFFFFF80, v3  }
0x15b: {  	v2 =	vor.u32 v2, v3  }
0x15c: {  	v2 =	vperm.xlane v2, v0;
	_ =	sdelay $0x1  }
0x15d: {  	v2 =	vadd.s32 v1, v2;
	_ =	sdelay $0x4  }
0x15e: {  	[tilespmem:s19], [sflag:$0x2] =	stream.indirect_vreg.gather [hbm4b:s1+s23], $0x80, v2, vm0, $0xb8;
	[tilespmem:$0x1C200] =	vst v63  }
0x15f: {  	s6 =	simm.s32 $0x4A00  }
0x160: {  	[tilespmem:s6], [sflag:$0x2] =	stream.indirect_vreg.gather [hbm4b:s24+s23], $0x80, v2, vm0, $0xb8;
	[tilespmem:$0x1C200] =	vst v63  }
0x161: {  	s25 =	simm.s32 $0x5200  }
0x162: {  	[tilespmem:s25], [sflag:$0x2] =	stream.indirect_vreg.gather [hbm4b:s26+s23], $0x80, v2, vm0, $0xb8;
	[tilespmem:$0x1C200] =	vst v63  }
0x163: {  	s5 =	simm.s32 $0x5A00  }
0x164: {  	[tilespmem:s5], [sflag:$0x2] =	stream.indirect_vreg.gather [hbm4b:s28+s23], $0x80, v2, vm0, $0xb8;
	[tilespmem:$0x1C200] =	vst v63  }
0x165: {  	s6 =	simm.s32 $0x6200  }
0x166: {  	[tilespmem:s6], [sflag:$0x2] =	stream.indirect_vreg.gather [hbm4b:s29+s23], $0x80, v2, vm0, $0xb8;
	[tilespmem:$0x1C200] =	vst v63  }
0x167: {  	s25 =	simm.s32 $0x6A00  }
0x168: {  	[tilespmem:s25], [sflag:$0x2] =	stream.indirect_vreg.gather [hbm4b:s30+s23], $0x80, v2, vm0, $0xb8;
	[tilespmem:$0x1C200] =	vst v63  }
0x169: {  	s5 =	simm.s32 $0x7200  }
0x16a: {  	[tilespmem:s5], [sflag:$0x2] =	stream.indirect_vreg.gather [hbm4b:s31+s23], $0x80, v2, vm0, $0xb8;
	[tilespmem:$0x1C200] =	vst v63  }
0x16b: {  	s6 =	simm.s32 $0x7A00  }
0x16c: {  	[tilespmem:s6], [sflag:$0x2] =	stream.indirect_vreg.gather [hbm4b:s2+s23], $0x80, v2, vm0, $0xb8;
	[tilespmem:$0x1C200] =	vst v63  }
0x16d: {  	s0 =	simm.s32 $0x0;
	_ =	swait.ge [sflag:s15], $0x4000  }
0x16e: {  	s25 =	sand.u32 $0x3C00, s23;
	s6 =	sand.u32 $0x380, s0;
	[sflag:s15] =	ssyncset.done $0x0  }
0x16f: {  	s25 =	sor.u32 s6, s25;
	[sflag:s15] =	ssyncadd.s32 $0xFFFFC000  }
0x170: {  	v2 =	vld [tilespmem:s25+$0xC270]  }
0x171: {  	v3 =	vld [tilespmem:s25+$0x14270]  }
0x172: {  	v4 =	vld [tilespmem:s25+$0xC200]  }
0x173: {  	v5 =	vld [tilespmem:s25+$0x14200]  }
0x174: {  	v6 =	vld [tilespmem:s25+$0xC210]  }
0x175: {  	v7 =	vld [tilespmem:s25+$0x14210]  }
0x176: {  	v8 =	vld [tilespmem:s25+$0xC220]  }
0x177: {  	v63 =	vld [tilespmem:s25+$0x14220]  }
0x178: {  	v3 =	vadd.f32 v3, v2;
	v2 =	vld [tilespmem:s25+$0xC230]  }
0x179: {  	v5 =	vadd.f32 v5, v4;
	v4 =	vld [tilespmem:s25+$0x14230]  }
0x17a: {  	v7 =	vadd.f32 v7, v6;
	v6 =	vld [tilespmem:s25+$0x14240];
	[tilespmem:s25+$0xC270] =	vst v3  }
0x17b: {  	v3 =	vld [tilespmem:s25+$0xC240];
	[tilespmem:s25+$0xC200] =	vst v5  }
0x17c: {  	[tilespmem:s25+$0xC210] =	vst v7;
	v7 =	vadd.f32 v63, v8;
	v5 =	vld [tilespmem:s25+$0xC250]  }
.LBB2_8:
0x17d: {  	s0 =	sadd.s32 $0x8, s0;
	v8 =	vld [tilespmem:s25+$0x14250];
	s23 =	sadd.s32 $0x400, s23  }
0x17e: {  	s5 =	sand.u32 $0x3C00, s23;
	s6 =	sand.u32 $0x380, s0;
	p0 =	slt.u32 s0, $0x3F8;
	[tilespmem:s25+$0xC220] =	vst v7;
	v2 =	vadd.f32 v4, v2;
	v4 =	vld [tilespmem:s25+$0xC260]  }
0x17f: {  	s5 =	sor.u32 s6, s5;
	v7 =	vld [tilespmem:s25+$0x14260]  }
0x180: {  	v9 =	vld [tilespmem:s5+$0xC270];
	[tilespmem:s25+$0xC230] =	vst v2;
	v2 =	vadd.f32 v6, v3  }
0x181: {  	v3 =	vld [tilespmem:s5+$0x14270]  }
0x182: {  	v6 =	vld [tilespmem:s5+$0xC200];
	[tilespmem:s25+$0xC240] =	vst v2;
	v2 =	vadd.f32 v8, v5  }
0x183: {  	v5 =	vld [tilespmem:s5+$0x14200]  }
0x184: {  	v8 =	vld [tilespmem:s5+$0xC210];
	[tilespmem:s25+$0xC250] =	vst v2;
	v2 =	vadd.f32 v7, v4  }
0x185: {  	v7 =	vld [tilespmem:s5+$0x14210]  }
0x186: {  	v10 =	vld [tilespmem:s5+$0xC220];
	v3 =	vadd.f32 v3, v9;
	[tilespmem:s25+$0xC260] =	vst v2;
	s25 =	smov.u32 s5  }
0x187: {  	v9 =	vld [tilespmem:s25+$0x14220]  }
.Ltmp3:
0x188: {  	v5 =	vadd.f32 v5, v6;
	v2 =	vld [tilespmem:s25+$0xC230];
	[tilespmem:s25+$0xC270] =	vst v3;
	(pc) =	sbr.rel @p0 .LBB2_8-.Ltmp3, $4  }
0x189: {  	v4 =	vld [tilespmem:s25+$0x14230]  }
0x18a: {  	[tilespmem:s25+$0xC200] =	vst v5;
	v5 =	vadd.f32 v7, v8;
	v3 =	vld [tilespmem:s25+$0xC240]  }
0x18b: {  	v6 =	vld [tilespmem:s25+$0x14240]  }
0x18c: {  	[tilespmem:s25+$0xC210] =	vst v5;
	v7 =	vadd.f32 v9, v10;
	v5 =	vld [tilespmem:s25+$0xC250]  }
0x18d: {  	v8 =	vld [tilespmem:s25+$0x14250]  }
0x18e: {  	v9 =	vld [tilespmem:s25+$0xC260]  }
0x18f: {  	v10 =	vld [tilespmem:s25+$0x14260];
	_ =	sdelay $0x1  }
0x190: {  	v2 =	vadd.f32 v4, v2  }
0x191: {  	[tilespmem:s25+$0xC220] =	vst v7;
	v3 =	vadd.f32 v6, v3  }
0x192: {  	[tilespmem:s25+$0xC230] =	vst v2;
	v2 =	vadd.f32 v8, v5  }
0x193: {  	[tilespmem:s25+$0xC240] =	vst v3;
	v3 =	vadd.f32 v10, v9  }
0x194: {  	[tilespmem:s25+$0xC250] =	vst v2  }
0x195: {  	[tilespmem:s25+$0xC260] =	vst v3  }
0x196: {  	s23 =	simm.s32 $0x0;
	s0 =	rddreg [dreg:$0x1c]  }
0x197: {  	[hbm4b:s0+s23] =	stream.linear.scatter [tilespmem:s8], [sflag:$0x9], $0x4000, $0x38;
	[tilespmem:$0x1C200] =	vst v63  }
0x198: {  	s5 =	simm.s32 $0x14200;
	s25 =	rddreg [dreg:$0xc]  }
0x199: {  	[tilespmem:s5], [sflag:$0xB] =	stream.linear.gather [hbm4b:s25+s23], $0x4000, $0x38;
	[tilespmem:$0x1C200] =	vst v63  }
0x19a: {  	_ =	swait.ge [sflag:s16], $0x4000  }
0x19b: {  	[sflag:s16] =	ssyncset.done $0x0  }
0x19c: {  	[sflag:s16] =	ssyncadd.s32 $0xFFFFC000  }
0x19d: {  	v2 =	vld.msk [tilespmem:$0x188], $0xff;
	_ =	sdelay $0x4  }
0x19e: {  	v3 =	vshll.u32 v2, $0x4  }
0x19f: {  	v2 =	vand.u32 $0x7, v2;
	v3 =	vand.u32 $0xFFFFFF80, v3  }
0x1a0: {  	v2 =	vor.u32 v2, v3  }
0x1a1: {  	v2 =	vperm.xlane v2, v0;
	_ =	sdelay $0x1  }
0x1a2: {  	v2 =	vadd.s32 v1, v2;
	_ =	sdelay $0x3  }
0x1a3: {  	s5 =	simm.s32 $0x8200  }
0x1a4: {  	[tilespmem:s5], [sflag:$0x3] =	stream.indirect_vreg.gather [hbm4b:s1+s23], $0x80, v2, vm0, $0xb8;
	[tilespmem:$0x1C200] =	vst v63  }
0x1a5: {  	s6 =	simm.s32 $0x8A00  }
0x1a6: {  	[tilespmem:s6], [sflag:$0x3] =	stream.indirect_vreg.gather [hbm4b:s24+s23], $0x80, v2, vm0, $0xb8;
	[tilespmem:$0x1C200] =	vst v63  }
0x1a7: {  	s25 =	simm.s32 $0x9200  }
0x1a8: {  	[tilespmem:s25], [sflag:$0x3] =	stream.indirect_vreg.gather [hbm4b:s26+s23], $0x80, v2, vm0, $0xb8;
	[tilespmem:$0x1C200] =	vst v63  }
0x1a9: {  	s5 =	simm.s32 $0x9A00  }
0x1aa: {  	[tilespmem:s5], [sflag:$0x3] =	stream.indirect_vreg.gather [hbm4b:s28+s23], $0x80, v2, vm0, $0xb8;
	[tilespmem:$0x1C200] =	vst v63  }
0x1ab: {  	s6 =	simm.s32 $0xA200  }
0x1ac: {  	[tilespmem:s6], [sflag:$0x3] =	stream.indirect_vreg.gather [hbm4b:s29+s23], $0x80, v2, vm0, $0xb8;
	[tilespmem:$0x1C200] =	vst v63  }
0x1ad: {  	s25 =	simm.s32 $0xAA00  }
0x1ae: {  	[tilespmem:s25], [sflag:$0x3] =	stream.indirect_vreg.gather [hbm4b:s30+s23], $0x80, v2, vm0, $0xb8;
	[tilespmem:$0x1C200] =	vst v63  }
0x1af: {  	s5 =	simm.s32 $0xB200  }
0x1b0: {  	[tilespmem:s5], [sflag:$0x3] =	stream.indirect_vreg.gather [hbm4b:s31+s23], $0x80, v2, vm0, $0xb8;
	[tilespmem:$0x1C200] =	vst v63  }
0x1b1: {  	s6 =	simm.s32 $0xBA00  }
0x1b2: {  	[tilespmem:s6], [sflag:$0x3] =	stream.indirect_vreg.gather [hbm4b:s2+s23], $0x80, v2, vm0, $0xb8;
	[tilespmem:$0x1C200] =	vst v63  }
0x1b3: {  	_ =	swait.ge [sflag:s17], $0x4000  }
0x1b4: {  	[sflag:s17] =	ssyncset.done $0x0  }
0x1b5: {  	[sflag:s17] =	ssyncadd.s32 $0xFFFFC000  }
0x1b6: {  	s0 =	simm.s32 $0x0;
	_ =	swait.ge [sflag:s18], $0x4000  }
0x1b7: {  	s25 =	sand.u32 $0x3C00, s23;
	s6 =	sand.u32 $0x380, s0;
	[sflag:s18] =	ssyncset.done $0x0  }
0x1b8: {  	s25 =	sor.u32 s6, s25;
	[sflag:s18] =	ssyncadd.s32 $0xFFFFC000  }
0x1b9: {  	v2 =	vld [tilespmem:s25+$0x10270]  }
0x1ba: {  	v3 =	vld [tilespmem:s25+$0x18270]  }
0x1bb: {  	v4 =	vld [tilespmem:s25+$0x10200]  }
0x1bc: {  	v5 =	vld [tilespmem:s25+$0x18200]  }
0x1bd: {  	v6 =	vld [tilespmem:s25+$0x10210]  }
0x1be: {  	v7 =	vld [tilespmem:s25+$0x18210]  }
0x1bf: {  	v8 =	vld [tilespmem:s25+$0x10220]  }
0x1c0: {  	v63 =	vld [tilespmem:s25+$0x18220]  }
0x1c1: {  	v3 =	vadd.f32 v3, v2;
	v2 =	vld [tilespmem:s25+$0x10230]  }
0x1c2: {  	v5 =	vadd.f32 v5, v4;
	v4 =	vld [tilespmem:s25+$0x18230]  }
0x1c3: {  	v7 =	vadd.f32 v7, v6;
	v6 =	vld [tilespmem:s25+$0x18240];
	[tilespmem:s25+$0x10270] =	vst v3  }
0x1c4: {  	v3 =	vld [tilespmem:s25+$0x10240];
	[tilespmem:s25+$0x10200] =	vst v5  }
0x1c5: {  	[tilespmem:s25+$0x10210] =	vst v7;
	v7 =	vadd.f32 v63, v8;
	v5 =	vld [tilespmem:s25+$0x10250]  }
.LBB2_10:
0x1c6: {  	s0 =	sadd.s32 $0x8, s0;
	v8 =	vld [tilespmem:s25+$0x18250];
	s23 =	sadd.s32 $0x400, s23  }
0x1c7: {  	s5 =	sand.u32 $0x3C00, s23;
	s6 =	sand.u32 $0x380, s0;
	p0 =	slt.u32 s0, $0x3F8;
	[tilespmem:s25+$0x10220] =	vst v7;
	v2 =	vadd.f32 v4, v2;
	v4 =	vld [tilespmem:s25+$0x10260]  }
0x1c8: {  	s5 =	sor.u32 s6, s5;
	v7 =	vld [tilespmem:s25+$0x18260]  }
0x1c9: {  	v9 =	vld [tilespmem:s5+$0x10270];
	[tilespmem:s25+$0x10230] =	vst v2;
	v2 =	vadd.f32 v6, v3  }
0x1ca: {  	v3 =	vld [tilespmem:s5+$0x18270]  }
0x1cb: {  	v6 =	vld [tilespmem:s5+$0x10200];
	[tilespmem:s25+$0x10240] =	vst v2;
	v2 =	vadd.f32 v8, v5  }
0x1cc: {  	v5 =	vld [tilespmem:s5+$0x18200]  }
0x1cd: {  	v8 =	vld [tilespmem:s5+$0x10210];
	[tilespmem:s25+$0x10250] =	vst v2;
	v2 =	vadd.f32 v7, v4  }
0x1ce: {  	v7 =	vld [tilespmem:s5+$0x18210]  }
0x1cf: {  	v10 =	vld [tilespmem:s5+$0x10220];
	v3 =	vadd.f32 v3, v9;
	[tilespmem:s25+$0x10260] =	vst v2;
	s25 =	smov.u32 s5  }
0x1d0: {  	v9 =	vld [tilespmem:s25+$0x18220]  }
.Ltmp4:
0x1d1: {  	v5 =	vadd.f32 v5, v6;
	v2 =	vld [tilespmem:s25+$0x10230];
	[tilespmem:s25+$0x10270] =	vst v3;
	(pc) =	sbr.rel @p0 .LBB2_10-.Ltmp4, $4  }
0x1d2: {  	v4 =	vld [tilespmem:s25+$0x18230]  }
0x1d3: {  	[tilespmem:s25+$0x10200] =	vst v5;
	v5 =	vadd.f32 v7, v8;
	v3 =	vld [tilespmem:s25+$0x10240]  }
0x1d4: {  	v6 =	vld [tilespmem:s25+$0x18240]  }
0x1d5: {  	[tilespmem:s25+$0x10210] =	vst v5;
	v7 =	vadd.f32 v9, v10;
	v5 =	vld [tilespmem:s25+$0x10250]  }
0x1d6: {  	v8 =	vld [tilespmem:s25+$0x18250]  }
0x1d7: {  	v9 =	vld [tilespmem:s25+$0x10260]  }
0x1d8: {  	v10 =	vld [tilespmem:s25+$0x18260];
	_ =	sdelay $0x1  }
0x1d9: {  	v2 =	vadd.f32 v4, v2  }
0x1da: {  	[tilespmem:s25+$0x10220] =	vst v7;
	v3 =	vadd.f32 v6, v3  }
0x1db: {  	[tilespmem:s25+$0x10230] =	vst v2;
	v2 =	vadd.f32 v8, v5  }
0x1dc: {  	[tilespmem:s25+$0x10240] =	vst v3;
	v3 =	vadd.f32 v10, v9  }
0x1dd: {  	[tilespmem:s25+$0x10250] =	vst v2  }
0x1de: {  	[tilespmem:s25+$0x10260] =	vst v3  }
0x1df: {  	s23 =	simm.s32 $0x0;
	s0 =	rddreg [dreg:$0xd]  }
0x1e0: {  	[hbm4b:s0+s23] =	stream.linear.scatter [tilespmem:s10], [sflag:$0xA], $0x4000, $0x38;
	[tilespmem:$0x1C200] =	vst v63  }
0x1e1: {  	_ =	swait.ge [sflag:s20], $0x4000  }
0x1e2: {  	[sflag:s20] =	ssyncset.done $0x0  }
0x1e3: {  	[sflag:s20] =	ssyncadd.s32 $0xFFFFC000  }
0x1e4: {  	v2 =	vld.msk [tilespmem:$0x10], $0xff;
	_ =	sdelay $0x4  }
0x1e5: {  	v3 =	vshll.u32 v2, $0x4  }
0x1e6: {  	v2 =	vand.u32 $0x7, v2;
	v3 =	vand.u32 $0xFFFFFF80, v3  }
0x1e7: {  	v2 =	vor.u32 v2, v3  }
0x1e8: {  	v2 =	vperm.xlane v2, v0;
	_ =	sdelay $0x1  }
0x1e9: {  	v2 =	vadd.s32 v1, v2;
	_ =	sdelay $0x4  }
0x1ea: {  	[tilespmem:s8], [sflag:$0x4] =	stream.indirect_vreg.gather [hbm4b:s1+s23], $0x80, v2, vm0, $0xb8;
	[tilespmem:$0x1C200] =	vst v63  }
0x1eb: {  	s25 =	simm.s32 $0xCA00  }
0x1ec: {  	[tilespmem:s25], [sflag:$0x4] =	stream.indirect_vreg.gather [hbm4b:s24+s23], $0x80, v2, vm0, $0xb8;
	[tilespmem:$0x1C200] =	vst v63  }
0x1ed: {  	s5 =	simm.s32 $0xD200  }
0x1ee: {  	[tilespmem:s5], [sflag:$0x4] =	stream.indirect_vreg.gather [hbm4b:s26+s23], $0x80, v2, vm0, $0xb8;
	[tilespmem:$0x1C200] =	vst v63  }
0x1ef: {  	s6 =	simm.s32 $0xDA00  }
0x1f0: {  	[tilespmem:s6], [sflag:$0x4] =	stream.indirect_vreg.gather [hbm4b:s28+s23], $0x80, v2, vm0, $0xb8;
	[tilespmem:$0x1C200] =	vst v63  }
0x1f1: {  	s25 =	simm.s32 $0xE200  }
0x1f2: {  	[tilespmem:s25], [sflag:$0x4] =	stream.indirect_vreg.gather [hbm4b:s29+s23], $0x80, v2, vm0, $0xb8;
	[tilespmem:$0x1C200] =	vst v63  }
0x1f3: {  	s5 =	simm.s32 $0xEA00  }
0x1f4: {  	[tilespmem:s5], [sflag:$0x4] =	stream.indirect_vreg.gather [hbm4b:s30+s23], $0x80, v2, vm0, $0xb8;
	[tilespmem:$0x1C200] =	vst v63  }
0x1f5: {  	s6 =	simm.s32 $0xF200  }
0x1f6: {  	[tilespmem:s6], [sflag:$0x4] =	stream.indirect_vreg.gather [hbm4b:s31+s23], $0x80, v2, vm0, $0xb8;
	[tilespmem:$0x1C200] =	vst v63  }
0x1f7: {  	s25 =	simm.s32 $0xFA00  }
0x1f8: {  	[tilespmem:s25], [sflag:$0x4] =	stream.indirect_vreg.gather [hbm4b:s2+s23], $0x80, v2, vm0, $0xb8;
	[tilespmem:$0x1C200] =	vst v63  }
0x1f9: {  	s0 =	simm.s32 $0x0;
	_ =	swait.ge [sflag:s4], $0x4000  }
0x1fa: {  	s5 =	sand.u32 $0x3C00, s23;
	s6 =	sand.u32 $0x380, s0;
	[sflag:s4] =	ssyncset.done $0x0  }
0x1fb: {  	s25 =	sor.u32 s6, s5;
	[sflag:s4] =	ssyncadd.s32 $0xFFFFC000  }
0x1fc: {  	v2 =	vld [tilespmem:s25+$0x270]  }
0x1fd: {  	v3 =	vld [tilespmem:s25+$0x18270]  }
0x1fe: {  	v4 =	vld [tilespmem:s25+$0x200]  }
0x1ff: {  	v5 =	vld [tilespmem:s25+$0x18200]  }
0x200: {  	v6 =	vld [tilespmem:s25+$0x210]  }
0x201: {  	v7 =	vld [tilespmem:s25+$0x18210]  }
0x202: {  	v8 =	vld [tilespmem:s25+$0x220]  }
0x203: {  	v63 =	vld [tilespmem:s25+$0x18220]  }
0x204: {  	v3 =	vadd.f32 v3, v2;
	v2 =	vld [tilespmem:s25+$0x230]  }
0x205: {  	v5 =	vadd.f32 v5, v4;
	v4 =	vld [tilespmem:s25+$0x18230]  }
0x206: {  	v7 =	vadd.f32 v7, v6;
	v6 =	vld [tilespmem:s25+$0x18240];
	[tilespmem:s25+$0x270] =	vst v3  }
0x207: {  	v3 =	vld [tilespmem:s25+$0x240];
	[tilespmem:s25+$0x200] =	vst v5  }
0x208: {  	[tilespmem:s25+$0x210] =	vst v7;
	v7 =	vadd.f32 v63, v8;
	v5 =	vld [tilespmem:s25+$0x250]  }
.LBB2_12:
0x209: {  	s0 =	sadd.s32 $0x8, s0;
	v8 =	vld [tilespmem:s25+$0x18250];
	s23 =	sadd.s32 $0x400, s23  }
0x20a: {  	s5 =	sand.u32 $0x3C00, s23;
	s6 =	sand.u32 $0x380, s0;
	p0 =	slt.u32 s0, $0x3F8;
	[tilespmem:s25+$0x220] =	vst v7;
	v2 =	vadd.f32 v4, v2;
	v4 =	vld [tilespmem:s25+$0x260]  }
0x20b: {  	s5 =	sor.u32 s6, s5;
	v7 =	vld [tilespmem:s25+$0x18260]  }
0x20c: {  	v9 =	vld [tilespmem:s5+$0x270];
	[tilespmem:s25+$0x230] =	vst v2;
	v2 =	vadd.f32 v6, v3  }
0x20d: {  	v3 =	vld [tilespmem:s5+$0x18270]  }
0x20e: {  	v6 =	vld [tilespmem:s5+$0x200];
	[tilespmem:s25+$0x240] =	vst v2;
	v2 =	vadd.f32 v8, v5  }
0x20f: {  	v5 =	vld [tilespmem:s5+$0x18200]  }
0x210: {  	v8 =	vld [tilespmem:s5+$0x210];
	[tilespmem:s25+$0x250] =	vst v2;
	v2 =	vadd.f32 v7, v4  }
0x211: {  	v7 =	vld [tilespmem:s5+$0x18210]  }
0x212: {  	v10 =	vld [tilespmem:s5+$0x220];
	v3 =	vadd.f32 v3, v9;
	[tilespmem:s25+$0x260] =	vst v2;
	s25 =	smov.u32 s5  }
0x213: {  	v9 =	vld [tilespmem:s25+$0x18220]  }
.Ltmp5:
0x214: {  	v5 =	vadd.f32 v5, v6;
	v2 =	vld [tilespmem:s25+$0x230];
	[tilespmem:s25+$0x270] =	vst v3;
	(pc) =	sbr.rel @p0 .LBB2_12-.Ltmp5, $4  }
0x215: {  	v4 =	vld [tilespmem:s25+$0x18230]  }
0x216: {  	[tilespmem:s25+$0x200] =	vst v5;
	v5 =	vadd.f32 v7, v8;
	v3 =	vld [tilespmem:s25+$0x240]  }
0x217: {  	v6 =	vld [tilespmem:s25+$0x18240]  }
0x218: {  	[tilespmem:s25+$0x210] =	vst v5;
	v7 =	vadd.f32 v9, v10;
	v5 =	vld [tilespmem:s25+$0x250]  }
0x219: {  	v8 =	vld [tilespmem:s25+$0x18250]  }
0x21a: {  	v9 =	vld [tilespmem:s25+$0x260]  }
0x21b: {  	v10 =	vld [tilespmem:s25+$0x18260];
	_ =	sdelay $0x1  }
0x21c: {  	v2 =	vadd.f32 v4, v2  }
0x21d: {  	[tilespmem:s25+$0x220] =	vst v7;
	v3 =	vadd.f32 v6, v3  }
0x21e: {  	[tilespmem:s25+$0x230] =	vst v2;
	v2 =	vadd.f32 v8, v5  }
0x21f: {  	[tilespmem:s25+$0x240] =	vst v3;
	v3 =	vadd.f32 v10, v9  }
0x220: {  	[tilespmem:s25+$0x250] =	vst v2  }
0x221: {  	[tilespmem:s25+$0x260] =	vst v3  }
0x222: {  	s23 =	simm.s32 $0x0;
	s0 =	rddreg [dreg:$0x1e]  }
0x223: {  	[hbm4b:s0+s23] =	stream.linear.scatter [tilespmem:s11], [sflag:$0x6], $0x4000, $0x38;
	[tilespmem:$0x1C200] =	vst v63  }
0x224: {  	_ =	swait.ge [sflag:s21], $0x4000  }
0x225: {  	[sflag:s21] =	ssyncset.done $0x0  }
0x226: {  	[sflag:s21] =	ssyncadd.s32 $0xFFFFC000  }
0x227: {  	v2 =	vld.msk [tilespmem:$0x90], $0xff;
	_ =	sdelay $0x4  }
0x228: {  	v3 =	vshll.u32 v2, $0x4  }
0x229: {  	v2 =	vand.u32 $0x7, v2;
	v3 =	vand.u32 $0xFFFFFF80, v3  }
0x22a: {  	v2 =	vor.u32 v2, v3  }
0x22b: {  	v2 =	vperm.xlane v2, v0;
	_ =	sdelay $0x1  }
0x22c: {  	v2 =	vadd.s32 v1, v2;
	_ =	sdelay $0x4  }
0x22d: {  	[tilespmem:s10], [sflag:$0x5] =	stream.indirect_vreg.gather [hbm4b:s1+s23], $0x80, v2, vm0, $0xb8;
	[tilespmem:$0x1C200] =	vst v63  }
0x22e: {  	s25 =	simm.s32 $0x10A00  }
0x22f: {  	[tilespmem:s25], [sflag:$0x5] =	stream.indirect_vreg.gather [hbm4b:s24+s23], $0x80, v2, vm0, $0xb8;
	[tilespmem:$0x1C200] =	vst v63  }
0x230: {  	s5 =	simm.s32 $0x11200  }
0x231: {  	[tilespmem:s5], [sflag:$0x5] =	stream.indirect_vreg.gather [hbm4b:s26+s23], $0x80, v2, vm0, $0xb8;
	[tilespmem:$0x1C200] =	vst v63  }
0x232: {  	s6 =	simm.s32 $0x11A00  }
0x233: {  	[tilespmem:s6], [sflag:$0x5] =	stream.indirect_vreg.gather [hbm4b:s28+s23], $0x80, v2, vm0, $0xb8;
	[tilespmem:$0x1C200] =	vst v63  }
0x234: {  	s25 =	simm.s32 $0x12200  }
0x235: {  	[tilespmem:s25], [sflag:$0x5] =	stream.indirect_vreg.gather [hbm4b:s29+s23], $0x80, v2, vm0, $0xb8;
	[tilespmem:$0x1C200] =	vst v63  }
0x236: {  	s5 =	simm.s32 $0x12A00  }
0x237: {  	[tilespmem:s5], [sflag:$0x5] =	stream.indirect_vreg.gather [hbm4b:s30+s23], $0x80, v2, vm0, $0xb8;
	[tilespmem:$0x1C200] =	vst v63  }
0x238: {  	s6 =	simm.s32 $0x13200  }
0x239: {  	[tilespmem:s6], [sflag:$0x5] =	stream.indirect_vreg.gather [hbm4b:s31+s23], $0x80, v2, vm0, $0xb8;
	[tilespmem:$0x1C200] =	vst v63  }
0x23a: {  	s25 =	simm.s32 $0x13A00  }
0x23b: {  	[tilespmem:s25], [sflag:$0x5] =	stream.indirect_vreg.gather [hbm4b:s2+s23], $0x80, v2, vm0, $0xb8;
	[tilespmem:$0x1C200] =	vst v63  }
0x23c: {  	s0 =	simm.s32 $0x0;
	_ =	swait.ge [sflag:s7], $0x4000  }
0x23d: {  	s5 =	sand.u32 $0x3C00, s23;
	s6 =	sand.u32 $0x380, s0;
	[sflag:s7] =	ssyncset.done $0x0  }
0x23e: {  	s25 =	sor.u32 s6, s5;
	[sflag:s7] =	ssyncadd.s32 $0xFFFFC000  }
0x23f: {  	v2 =	vld [tilespmem:s25+$0x4270]  }
0x240: {  	v3 =	vld [tilespmem:s25+$0x18270]  }
0x241: {  	v4 =	vld [tilespmem:s25+$0x4200]  }
0x242: {  	v5 =	vld [tilespmem:s25+$0x18200]  }
0x243: {  	v6 =	vld [tilespmem:s25+$0x4210]  }
0x244: {  	v7 =	vld [tilespmem:s25+$0x18210]  }
0x245: {  	v8 =	vld [tilespmem:s25+$0x4220]  }
0x246: {  	v63 =	vld [tilespmem:s25+$0x18220]  }
0x247: {  	v3 =	vadd.f32 v3, v2;
	v2 =	vld [tilespmem:s25+$0x4230]  }
0x248: {  	v5 =	vadd.f32 v5, v4;
	v4 =	vld [tilespmem:s25+$0x18230]  }
0x249: {  	v7 =	vadd.f32 v7, v6;
	v6 =	vld [tilespmem:s25+$0x18240];
	[tilespmem:s25+$0x4270] =	vst v3  }
0x24a: {  	v3 =	vld [tilespmem:s25+$0x4240];
	[tilespmem:s25+$0x4200] =	vst v5  }
0x24b: {  	[tilespmem:s25+$0x4210] =	vst v7;
	v7 =	vadd.f32 v63, v8;
	v5 =	vld [tilespmem:s25+$0x4250]  }
.LBB2_14:
0x24c: {  	s0 =	sadd.s32 $0x8, s0;
	v8 =	vld [tilespmem:s25+$0x18250];
	s23 =	sadd.s32 $0x400, s23  }
0x24d: {  	s5 =	sand.u32 $0x3C00, s23;
	s6 =	sand.u32 $0x380, s0;
	p0 =	slt.u32 s0, $0x3F8;
	[tilespmem:s25+$0x4220] =	vst v7;
	v2 =	vadd.f32 v4, v2;
	v4 =	vld [tilespmem:s25+$0x4260]  }
0x24e: {  	s5 =	sor.u32 s6, s5;
	v7 =	vld [tilespmem:s25+$0x18260]  }
0x24f: {  	v9 =	vld [tilespmem:s5+$0x4270];
	[tilespmem:s25+$0x4230] =	vst v2;
	v2 =	vadd.f32 v6, v3  }
0x250: {  	v3 =	vld [tilespmem:s5+$0x18270]  }
0x251: {  	v6 =	vld [tilespmem:s5+$0x4200];
	[tilespmem:s25+$0x4240] =	vst v2;
	v2 =	vadd.f32 v8, v5  }
0x252: {  	v5 =	vld [tilespmem:s5+$0x18200]  }
0x253: {  	v8 =	vld [tilespmem:s5+$0x4210];
	[tilespmem:s25+$0x4250] =	vst v2;
	v2 =	vadd.f32 v7, v4  }
0x254: {  	v7 =	vld [tilespmem:s5+$0x18210]  }
0x255: {  	v10 =	vld [tilespmem:s5+$0x4220];
	v3 =	vadd.f32 v3, v9;
	[tilespmem:s25+$0x4260] =	vst v2;
	s25 =	smov.u32 s5  }
0x256: {  	v9 =	vld [tilespmem:s25+$0x18220]  }
.Ltmp6:
0x257: {  	v5 =	vadd.f32 v5, v6;
	v2 =	vld [tilespmem:s25+$0x4230];
	[tilespmem:s25+$0x4270] =	vst v3;
	(pc) =	sbr.rel @p0 .LBB2_14-.Ltmp6, $4  }
0x258: {  	v4 =	vld [tilespmem:s25+$0x18230]  }
0x259: {  	[tilespmem:s25+$0x4200] =	vst v5;
	v5 =	vadd.f32 v7, v8;
	v3 =	vld [tilespmem:s25+$0x4240]  }
0x25a: {  	v6 =	vld [tilespmem:s25+$0x18240]  }
0x25b: {  	[tilespmem:s25+$0x4210] =	vst v5;
	v7 =	vadd.f32 v9, v10;
	v5 =	vld [tilespmem:s25+$0x4250]  }
0x25c: {  	v8 =	vld [tilespmem:s25+$0x18250]  }
0x25d: {  	v9 =	vld [tilespmem:s25+$0x4260]  }
0x25e: {  	v10 =	vld [tilespmem:s25+$0x18260];
	_ =	sdelay $0x1  }
0x25f: {  	v2 =	vadd.f32 v4, v2  }
0x260: {  	[tilespmem:s25+$0x4220] =	vst v7;
	v3 =	vadd.f32 v6, v3  }
0x261: {  	[tilespmem:s25+$0x4230] =	vst v2;
	v2 =	vadd.f32 v8, v5  }
0x262: {  	[tilespmem:s25+$0x4240] =	vst v3;
	v3 =	vadd.f32 v10, v9  }
0x263: {  	[tilespmem:s25+$0x4250] =	vst v2  }
0x264: {  	[tilespmem:s25+$0x4260] =	vst v3  }
0x265: {  	s23 =	simm.s32 $0x0;
	s0 =	rddreg [dreg:$0x1d]  }
0x266: {  	[hbm4b:s0+s23] =	stream.linear.scatter [tilespmem:s19], [sflag:$0x7], $0x4000, $0x38;
	[tilespmem:$0x1C200] =	vst v63  }
0x267: {  	_ =	swait.ge [sflag:s12], $0x4000  }
0x268: {  	[sflag:s12] =	ssyncset.done $0x0  }
0x269: {  	[sflag:s12] =	ssyncadd.s32 $0xFFFFC000  }
0x26a: {  	v2 =	vld.msk [tilespmem:$0x110], $0xff;
	_ =	sdelay $0x4  }
0x26b: {  	v3 =	vshll.u32 v2, $0x4  }
0x26c: {  	v2 =	vand.u32 $0x7, v2;
	v3 =	vand.u32 $0xFFFFFF80, v3  }
0x26d: {  	v2 =	vor.u32 v2, v3  }
0x26e: {  	v2 =	vperm.xlane v2, v0;
	_ =	sdelay $0x1  }
0x26f: {  	v2 =	vadd.s32 v1, v2;
	_ =	sdelay $0x4  }
0x270: {  	[tilespmem:s11], [sflag:$0x1] =	stream.indirect_vreg.gather [hbm4b:s1+s23], $0x80, v2, vm0, $0xb8;
	[tilespmem:$0x1C200] =	vst v63  }
0x271: {  	s25 =	simm.s32 $0xA00  }
0x272: {  	[tilespmem:s25], [sflag:$0x1] =	stream.indirect_vreg.gather [hbm4b:s24+s23], $0x80, v2, vm0, $0xb8;
	[tilespmem:$0x1C200] =	vst v63  }
0x273: {  	s5 =	simm.s32 $0x1200  }
0x274: {  	[tilespmem:s5], [sflag:$0x1] =	stream.indirect_vreg.gather [hbm4b:s26+s23], $0x80, v2, vm0, $0xb8;
	[tilespmem:$0x1C200] =	vst v63  }
0x275: {  	s6 =	simm.s32 $0x1A00  }
0x276: {  	[tilespmem:s6], [sflag:$0x1] =	stream.indirect_vreg.gather [hbm4b:s28+s23], $0x80, v2, vm0, $0xb8;
	[tilespmem:$0x1C200] =	vst v63  }
0x277: {  	s25 =	simm.s32 $0x2200  }
0x278: {  	[tilespmem:s25], [sflag:$0x1] =	stream.indirect_vreg.gather [hbm4b:s29+s23], $0x80, v2, vm0, $0xb8;
	[tilespmem:$0x1C200] =	vst v63  }
0x279: {  	s5 =	simm.s32 $0x2A00  }
0x27a: {  	[tilespmem:s5], [sflag:$0x1] =	stream.indirect_vreg.gather [hbm4b:s30+s23], $0x80, v2, vm0, $0xb8;
	[tilespmem:$0x1C200] =	vst v63  }
0x27b: {  	s6 =	simm.s32 $0x3200  }
0x27c: {  	[tilespmem:s6], [sflag:$0x1] =	stream.indirect_vreg.gather [hbm4b:s31+s23], $0x80, v2, vm0, $0xb8;
	[tilespmem:$0x1C200] =	vst v63  }
0x27d: {  	s25 =	simm.s32 $0x3A00  }
0x27e: {  	[tilespmem:s25], [sflag:$0x1] =	stream.indirect_vreg.gather [hbm4b:s2+s23], $0x80, v2, vm0, $0xb8;
	[tilespmem:$0x1C200] =	vst v63  }
0x27f: {  	s0 =	simm.s32 $0x0;
	_ =	swait.ge [sflag:s13], $0x4000  }
0x280: {  	s5 =	sand.u32 $0x3C00, s23;
	s6 =	sand.u32 $0x380, s0;
	[sflag:s13] =	ssyncset.done $0x0  }
0x281: {  	s25 =	sor.u32 s6, s5;
	[sflag:s13] =	ssyncadd.s32 $0xFFFFC000  }
0x282: {  	v2 =	vld [tilespmem:s25+$0x8270]  }
0x283: {  	v3 =	vld [tilespmem:s25+$0x18270]  }
0x284: {  	v4 =	vld [tilespmem:s25+$0x8200]  }
0x285: {  	v5 =	vld [tilespmem:s25+$0x18200]  }
0x286: {  	v6 =	vld [tilespmem:s25+$0x8210]  }
0x287: {  	v7 =	vld [tilespmem:s25+$0x18210]  }
0x288: {  	v8 =	vld [tilespmem:s25+$0x8220]  }
0x289: {  	v63 =	vld [tilespmem:s25+$0x18220]  }
0x28a: {  	v3 =	vadd.f32 v3, v2;
	v2 =	vld [tilespmem:s25+$0x8230]  }
0x28b: {  	v5 =	vadd.f32 v5, v4;
	v4 =	vld [tilespmem:s25+$0x18230]  }
0x28c: {  	v7 =	vadd.f32 v7, v6;
	v6 =	vld [tilespmem:s25+$0x18240];
	[tilespmem:s25+$0x8270] =	vst v3  }
0x28d: {  	v3 =	vld [tilespmem:s25+$0x8240];
	[tilespmem:s25+$0x8200] =	vst v5  }
0x28e: {  	[tilespmem:s25+$0x8210] =	vst v7;
	v7 =	vadd.f32 v63, v8;
	v5 =	vld [tilespmem:s25+$0x8250]  }
.LBB2_16:
0x28f: {  	s0 =	sadd.s32 $0x8, s0;
	v8 =	vld [tilespmem:s25+$0x18250];
	s23 =	sadd.s32 $0x400, s23  }
0x290: {  	s5 =	sand.u32 $0x3C00, s23;
	s6 =	sand.u32 $0x380, s0;
	p0 =	slt.u32 s0, $0x3F8;
	[tilespmem:s25+$0x8220] =	vst v7;
	v2 =	vadd.f32 v4, v2;
	v4 =	vld [tilespmem:s25+$0x8260]  }
0x291: {  	s5 =	sor.u32 s6, s5;
	v7 =	vld [tilespmem:s25+$0x18260]  }
0x292: {  	v9 =	vld [tilespmem:s5+$0x8270];
	[tilespmem:s25+$0x8230] =	vst v2;
	v2 =	vadd.f32 v6, v3  }
0x293: {  	v3 =	vld [tilespmem:s5+$0x18270]  }
0x294: {  	v6 =	vld [tilespmem:s5+$0x8200];
	[tilespmem:s25+$0x8240] =	vst v2;
	v2 =	vadd.f32 v8, v5  }
0x295: {  	v5 =	vld [tilespmem:s5+$0x18200]  }
0x296: {  	v8 =	vld [tilespmem:s5+$0x8210];
	[tilespmem:s25+$0x8250] =	vst v2;
	v2 =	vadd.f32 v7, v4  }
0x297: {  	v7 =	vld [tilespmem:s5+$0x18210]  }
0x298: {  	v10 =	vld [tilespmem:s5+$0x8220];
	v3 =	vadd.f32 v3, v9;
	[tilespmem:s25+$0x8260] =	vst v2;
	s25 =	smov.u32 s5  }
0x299: {  	v9 =	vld [tilespmem:s25+$0x18220]  }
.Ltmp7:
0x29a: {  	v5 =	vadd.f32 v5, v6;
	v2 =	vld [tilespmem:s25+$0x8230];
	[tilespmem:s25+$0x8270] =	vst v3;
	(pc) =	sbr.rel @p0 .LBB2_16-.Ltmp7, $4  }
0x29b: {  	v4 =	vld [tilespmem:s25+$0x18230]  }
0x29c: {  	[tilespmem:s25+$0x8200] =	vst v5;
	v5 =	vadd.f32 v7, v8;
	v3 =	vld [tilespmem:s25+$0x8240]  }
0x29d: {  	v6 =	vld [tilespmem:s25+$0x18240]  }
0x29e: {  	[tilespmem:s25+$0x8210] =	vst v5;
	v7 =	vadd.f32 v9, v10;
	v5 =	vld [tilespmem:s25+$0x8250]  }
0x29f: {  	v8 =	vld [tilespmem:s25+$0x18250]  }
0x2a0: {  	v9 =	vld [tilespmem:s25+$0x8260]  }
0x2a1: {  	v10 =	vld [tilespmem:s25+$0x18260];
	_ =	sdelay $0x1  }
0x2a2: {  	v2 =	vadd.f32 v4, v2  }
0x2a3: {  	[tilespmem:s25+$0x8220] =	vst v7;
	v3 =	vadd.f32 v6, v3  }
0x2a4: {  	[tilespmem:s25+$0x8230] =	vst v2;
	v2 =	vadd.f32 v8, v5  }
0x2a5: {  	[tilespmem:s25+$0x8240] =	vst v3;
	v3 =	vadd.f32 v10, v9  }
0x2a6: {  	[tilespmem:s25+$0x8250] =	vst v2  }
0x2a7: {  	[tilespmem:s25+$0x8260] =	vst v3  }
0x2a8: {  	s23 =	simm.s32 $0x0;
	s5 =	simm.s32 $0x8200;
	s0 =	rddreg [dreg:$0x1f]  }
0x2a9: {  	[hbm4b:s0+s23] =	stream.linear.scatter [tilespmem:s5], [sflag:$0x8], $0x4000, $0x38;
	[tilespmem:$0x1C200] =	vst v63  }
0x2aa: {  	s25 =	simm.s32 $0x18200;
	s6 =	rddreg [dreg:$0xe]  }
0x2ab: {  	[tilespmem:s25], [sflag:$0xC] =	stream.linear.gather [hbm4b:s6+s23], $0x4000, $0x38;
	[tilespmem:$0x1C200] =	vst v63  }
0x2ac: {  	_ =	swait.ge [sflag:s14], $0x4000  }
0x2ad: {  	[sflag:s14] =	ssyncset.done $0x0  }
0x2ae: {  	[sflag:s14] =	ssyncadd.s32 $0xFFFFC000  }
0x2af: {  	v2 =	vld.msk [tilespmem:$0x190], $0xff;
	_ =	sdelay $0x4  }
0x2b0: {  	v3 =	vshll.u32 v2, $0x4  }
0x2b1: {  	v2 =	vand.u32 $0x7, v2;
	v3 =	vand.u32 $0xFFFFFF80, v3  }
0x2b2: {  	v2 =	vor.u32 v2, v3  }
0x2b3: {  	v2 =	vperm.xlane v2, v0;
	_ =	sdelay $0x1  }
0x2b4: {  	v2 =	vadd.s32 v1, v2;
	_ =	sdelay $0x4  }
0x2b5: {  	[tilespmem:s19], [sflag:$0x2] =	stream.indirect_vreg.gather [hbm4b:s1+s23], $0x80, v2, vm0, $0xb8;
	[tilespmem:$0x1C200] =	vst v63  }
0x2b6: {  	s6 =	simm.s32 $0x4A00  }
0x2b7: {  	[tilespmem:s6], [sflag:$0x2] =	stream.indirect_vreg.gather [hbm4b:s24+s23], $0x80, v2, vm0, $0xb8;
	[tilespmem:$0x1C200] =	vst v63  }
0x2b8: {  	s25 =	simm.s32 $0x5200  }
0x2b9: {  	[tilespmem:s25], [sflag:$0x2] =	stream.indirect_vreg.gather [hbm4b:s26+s23], $0x80, v2, vm0, $0xb8;
	[tilespmem:$0x1C200] =	vst v63  }
0x2ba: {  	s5 =	simm.s32 $0x5A00  }
0x2bb: {  	[tilespmem:s5], [sflag:$0x2] =	stream.indirect_vreg.gather [hbm4b:s28+s23], $0x80, v2, vm0, $0xb8;
	[tilespmem:$0x1C200] =	vst v63  }
0x2bc: {  	s6 =	simm.s32 $0x6200  }
0x2bd: {  	[tilespmem:s6], [sflag:$0x2] =	stream.indirect_vreg.gather [hbm4b:s29+s23], $0x80, v2, vm0, $0xb8;
	[tilespmem:$0x1C200] =	vst v63  }
0x2be: {  	s25 =	simm.s32 $0x6A00  }
0x2bf: {  	[tilespmem:s25], [sflag:$0x2] =	stream.indirect_vreg.gather [hbm4b:s30+s23], $0x80, v2, vm0, $0xb8;
	[tilespmem:$0x1C200] =	vst v63  }
0x2c0: {  	s5 =	simm.s32 $0x7200  }
0x2c1: {  	[tilespmem:s5], [sflag:$0x2] =	stream.indirect_vreg.gather [hbm4b:s31+s23], $0x80, v2, vm0, $0xb8;
	[tilespmem:$0x1C200] =	vst v63  }
0x2c2: {  	s6 =	simm.s32 $0x7A00  }
0x2c3: {  	[tilespmem:s6], [sflag:$0x2] =	stream.indirect_vreg.gather [hbm4b:s2+s23], $0x80, v2, vm0, $0xb8;
	[tilespmem:$0x1C200] =	vst v63  }
0x2c4: {  	_ =	swait.ge [sflag:s15], $0x4000  }
0x2c5: {  	[sflag:s15] =	ssyncset.done $0x0  }
0x2c6: {  	[sflag:s15] =	ssyncadd.s32 $0xFFFFC000  }
0x2c7: {  	s0 =	simm.s32 $0x0;
	_ =	swait.ge [sflag:s9], $0x4000  }
0x2c8: {  	s25 =	sand.u32 $0x3C00, s23;
	s6 =	sand.u32 $0x380, s0;
	[sflag:s9] =	ssyncset.done $0x0  }
0x2c9: {  	s25 =	sor.u32 s6, s25;
	[sflag:s9] =	ssyncadd.s32 $0xFFFFC000  }
0x2ca: {  	v2 =	vld [tilespmem:s25+$0xC270]  }
0x2cb: {  	v3 =	vld [tilespmem:s25+$0x14270]  }
0x2cc: {  	v4 =	vld [tilespmem:s25+$0xC200]  }
0x2cd: {  	v5 =	vld [tilespmem:s25+$0x14200]  }
0x2ce: {  	v6 =	vld [tilespmem:s25+$0xC210]  }
0x2cf: {  	v7 =	vld [tilespmem:s25+$0x14210]  }
0x2d0: {  	v8 =	vld [tilespmem:s25+$0xC220]  }
0x2d1: {  	v63 =	vld [tilespmem:s25+$0x14220]  }
0x2d2: {  	v3 =	vadd.f32 v3, v2;
	v2 =	vld [tilespmem:s25+$0xC230]  }
0x2d3: {  	v5 =	vadd.f32 v5, v4;
	v4 =	vld [tilespmem:s25+$0x14230]  }
0x2d4: {  	v7 =	vadd.f32 v7, v6;
	v6 =	vld [tilespmem:s25+$0x14240];
	[tilespmem:s25+$0xC270] =	vst v3  }
0x2d5: {  	v3 =	vld [tilespmem:s25+$0xC240];
	[tilespmem:s25+$0xC200] =	vst v5  }
0x2d6: {  	[tilespmem:s25+$0xC210] =	vst v7;
	v7 =	vadd.f32 v63, v8;
	v5 =	vld [tilespmem:s25+$0xC250]  }
.LBB2_18:
0x2d7: {  	s0 =	sadd.s32 $0x8, s0;
	v8 =	vld [tilespmem:s25+$0x14250];
	s23 =	sadd.s32 $0x400, s23  }
0x2d8: {  	s5 =	sand.u32 $0x3C00, s23;
	s6 =	sand.u32 $0x380, s0;
	p0 =	slt.u32 s0, $0x3F8;
	[tilespmem:s25+$0xC220] =	vst v7;
	v2 =	vadd.f32 v4, v2;
	v4 =	vld [tilespmem:s25+$0xC260]  }
0x2d9: {  	s5 =	sor.u32 s6, s5;
	v7 =	vld [tilespmem:s25+$0x14260]  }
0x2da: {  	v9 =	vld [tilespmem:s5+$0xC270];
	[tilespmem:s25+$0xC230] =	vst v2;
	v2 =	vadd.f32 v6, v3  }
0x2db: {  	v3 =	vld [tilespmem:s5+$0x14270]  }
0x2dc: {  	v6 =	vld [tilespmem:s5+$0xC200];
	[tilespmem:s25+$0xC240] =	vst v2;
	v2 =	vadd.f32 v8, v5  }
0x2dd: {  	v5 =	vld [tilespmem:s5+$0x14200]  }
0x2de: {  	v8 =	vld [tilespmem:s5+$0xC210];
	[tilespmem:s25+$0xC250] =	vst v2;
	v2 =	vadd.f32 v7, v4  }
0x2df: {  	v7 =	vld [tilespmem:s5+$0x14210]  }
0x2e0: {  	v10 =	vld [tilespmem:s5+$0xC220];
	v3 =	vadd.f32 v3, v9;
	[tilespmem:s25+$0xC260] =	vst v2;
	s25 =	smov.u32 s5  }
0x2e1: {  	v9 =	vld [tilespmem:s25+$0x14220]  }
.Ltmp8:
0x2e2: {  	v5 =	vadd.f32 v5, v6;
	v2 =	vld [tilespmem:s25+$0xC230];
	[tilespmem:s25+$0xC270] =	vst v3;
	(pc) =	sbr.rel @p0 .LBB2_18-.Ltmp8, $4  }
0x2e3: {  	v4 =	vld [tilespmem:s25+$0x14230]  }
0x2e4: {  	[tilespmem:s25+$0xC200] =	vst v5;
	v5 =	vadd.f32 v7, v8;
	v3 =	vld [tilespmem:s25+$0xC240]  }
0x2e5: {  	v6 =	vld [tilespmem:s25+$0x14240]  }
0x2e6: {  	[tilespmem:s25+$0xC210] =	vst v5;
	v7 =	vadd.f32 v9, v10;
	v5 =	vld [tilespmem:s25+$0xC250]  }
0x2e7: {  	v8 =	vld [tilespmem:s25+$0x14250]  }
0x2e8: {  	v9 =	vld [tilespmem:s25+$0xC260]  }
0x2e9: {  	v10 =	vld [tilespmem:s25+$0x14260];
	_ =	sdelay $0x1  }
0x2ea: {  	v2 =	vadd.f32 v4, v2  }
0x2eb: {  	[tilespmem:s25+$0xC220] =	vst v7;
	v3 =	vadd.f32 v6, v3  }
0x2ec: {  	[tilespmem:s25+$0xC230] =	vst v2;
	v2 =	vadd.f32 v8, v5  }
0x2ed: {  	[tilespmem:s25+$0xC240] =	vst v3;
	v3 =	vadd.f32 v10, v9  }
0x2ee: {  	[tilespmem:s25+$0xC250] =	vst v2  }
0x2ef: {  	[tilespmem:s25+$0xC260] =	vst v3  }
0x2f0: {  	s23 =	simm.s32 $0x0;
	s0 =	rddreg [dreg:$0xf]  }
0x2f1: {  	[hbm4b:s0+s23] =	stream.linear.scatter [tilespmem:s8], [sflag:$0x9], $0x4000, $0x38;
	[tilespmem:$0x1C200] =	vst v63  }
0x2f2: {  	_ =	swait.ge [sflag:s16], $0x4000  }
0x2f3: {  	[sflag:s16] =	ssyncset.done $0x0  }
0x2f4: {  	[sflag:s16] =	ssyncadd.s32 $0xFFFFC000  }
0x2f5: {  	v2 =	vld.msk [tilespmem:$0x18], $0xff;
	_ =	sdelay $0x4  }
0x2f6: {  	v3 =	vshll.u32 v2, $0x4  }
0x2f7: {  	v2 =	vand.u32 $0x7, v2;
	v3 =	vand.u32 $0xFFFFFF80, v3  }
0x2f8: {  	v2 =	vor.u32 v2, v3  }
0x2f9: {  	v2 =	vperm.xlane v2, v0;
	_ =	sdelay $0x1  }
0x2fa: {  	v2 =	vadd.s32 v1, v2;
	_ =	sdelay $0x3  }
0x2fb: {  	s6 =	simm.s32 $0x8200  }
0x2fc: {  	[tilespmem:s6], [sflag:$0x3] =	stream.indirect_vreg.gather [hbm4b:s1+s23], $0x80, v2, vm0, $0xb8;
	[tilespmem:$0x1C200] =	vst v63  }
0x2fd: {  	s25 =	simm.s32 $0x8A00  }
0x2fe: {  	[tilespmem:s25], [sflag:$0x3] =	stream.indirect_vreg.gather [hbm4b:s24+s23], $0x80, v2, vm0, $0xb8;
	[tilespmem:$0x1C200] =	vst v63  }
0x2ff: {  	s5 =	simm.s32 $0x9200  }
0x300: {  	[tilespmem:s5], [sflag:$0x3] =	stream.indirect_vreg.gather [hbm4b:s26+s23], $0x80, v2, vm0, $0xb8;
	[tilespmem:$0x1C200] =	vst v63  }
0x301: {  	s6 =	simm.s32 $0x9A00  }
0x302: {  	[tilespmem:s6], [sflag:$0x3] =	stream.indirect_vreg.gather [hbm4b:s28+s23], $0x80, v2, vm0, $0xb8;
	[tilespmem:$0x1C200] =	vst v63  }
0x303: {  	s25 =	simm.s32 $0xA200  }
0x304: {  	[tilespmem:s25], [sflag:$0x3] =	stream.indirect_vreg.gather [hbm4b:s29+s23], $0x80, v2, vm0, $0xb8;
	[tilespmem:$0x1C200] =	vst v63  }
0x305: {  	s5 =	simm.s32 $0xAA00  }
0x306: {  	[tilespmem:s5], [sflag:$0x3] =	stream.indirect_vreg.gather [hbm4b:s30+s23], $0x80, v2, vm0, $0xb8;
	[tilespmem:$0x1C200] =	vst v63  }
0x307: {  	s6 =	simm.s32 $0xB200  }
0x308: {  	[tilespmem:s6], [sflag:$0x3] =	stream.indirect_vreg.gather [hbm4b:s31+s23], $0x80, v2, vm0, $0xb8;
	[tilespmem:$0x1C200] =	vst v63  }
0x309: {  	s25 =	simm.s32 $0xBA00  }
0x30a: {  	[tilespmem:s25], [sflag:$0x3] =	stream.indirect_vreg.gather [hbm4b:s2+s23], $0x80, v2, vm0, $0xb8;
	[tilespmem:$0x1C200] =	vst v63  }
0x30b: {  	s0 =	simm.s32 $0x0;
	_ =	swait.ge [sflag:s17], $0x4000  }
0x30c: {  	s5 =	sand.u32 $0x3C00, s23;
	s6 =	sand.u32 $0x380, s0;
	[sflag:s17] =	ssyncset.done $0x0  }
0x30d: {  	s25 =	sor.u32 s6, s5;
	[sflag:s17] =	ssyncadd.s32 $0xFFFFC000  }
0x30e: {  	v2 =	vld [tilespmem:s25+$0x10270]  }
0x30f: {  	v3 =	vld [tilespmem:s25+$0x14270]  }
0x310: {  	v4 =	vld [tilespmem:s25+$0x10200]  }
0x311: {  	v5 =	vld [tilespmem:s25+$0x14200]  }
0x312: {  	v6 =	vld [tilespmem:s25+$0x10210]  }
0x313: {  	v7 =	vld [tilespmem:s25+$0x14210]  }
0x314: {  	v8 =	vld [tilespmem:s25+$0x10220]  }
0x315: {  	v63 =	vld [tilespmem:s25+$0x14220]  }
0x316: {  	v3 =	vadd.f32 v3, v2;
	v2 =	vld [tilespmem:s25+$0x10230]  }
0x317: {  	v5 =	vadd.f32 v5, v4;
	v4 =	vld [tilespmem:s25+$0x14230]  }
0x318: {  	v7 =	vadd.f32 v7, v6;
	v6 =	vld [tilespmem:s25+$0x14240];
	[tilespmem:s25+$0x10270] =	vst v3  }
0x319: {  	v3 =	vld [tilespmem:s25+$0x10240];
	[tilespmem:s25+$0x10200] =	vst v5  }
0x31a: {  	[tilespmem:s25+$0x10210] =	vst v7;
	v7 =	vadd.f32 v63, v8;
	v5 =	vld [tilespmem:s25+$0x10250]  }
.LBB2_20:
0x31b: {  	s0 =	sadd.s32 $0x8, s0;
	v8 =	vld [tilespmem:s25+$0x14250];
	s23 =	sadd.s32 $0x400, s23  }
0x31c: {  	s5 =	sand.u32 $0x3C00, s23;
	s6 =	sand.u32 $0x380, s0;
	p0 =	slt.u32 s0, $0x3F8;
	[tilespmem:s25+$0x10220] =	vst v7;
	v2 =	vadd.f32 v4, v2;
	v4 =	vld [tilespmem:s25+$0x10260]  }
0x31d: {  	s5 =	sor.u32 s6, s5;
	v7 =	vld [tilespmem:s25+$0x14260]  }
0x31e: {  	v9 =	vld [tilespmem:s5+$0x10270];
	[tilespmem:s25+$0x10230] =	vst v2;
	v2 =	vadd.f32 v6, v3  }
0x31f: {  	v3 =	vld [tilespmem:s5+$0x14270]  }
0x320: {  	v6 =	vld [tilespmem:s5+$0x10200];
	[tilespmem:s25+$0x10240] =	vst v2;
	v2 =	vadd.f32 v8, v5  }
0x321: {  	v5 =	vld [tilespmem:s5+$0x14200]  }
0x322: {  	v8 =	vld [tilespmem:s5+$0x10210];
	[tilespmem:s25+$0x10250] =	vst v2;
	v2 =	vadd.f32 v7, v4  }
0x323: {  	v7 =	vld [tilespmem:s5+$0x14210]  }
0x324: {  	v10 =	vld [tilespmem:s5+$0x10220];
	v3 =	vadd.f32 v3, v9;
	[tilespmem:s25+$0x10260] =	vst v2;
	s25 =	smov.u32 s5  }
0x325: {  	v9 =	vld [tilespmem:s25+$0x14220]  }
.Ltmp9:
0x326: {  	v5 =	vadd.f32 v5, v6;
	v2 =	vld [tilespmem:s25+$0x10230];
	[tilespmem:s25+$0x10270] =	vst v3;
	(pc) =	sbr.rel @p0 .LBB2_20-.Ltmp9, $4  }
0x327: {  	v4 =	vld [tilespmem:s25+$0x14230]  }
0x328: {  	[tilespmem:s25+$0x10200] =	vst v5;
	v5 =	vadd.f32 v7, v8;
	v3 =	vld [tilespmem:s25+$0x10240]  }
0x329: {  	v6 =	vld [tilespmem:s25+$0x14240]  }
0x32a: {  	[tilespmem:s25+$0x10210] =	vst v5;
	v7 =	vadd.f32 v9, v10;
	v5 =	vld [tilespmem:s25+$0x10250]  }
0x32b: {  	v8 =	vld [tilespmem:s25+$0x14250]  }
0x32c: {  	v9 =	vld [tilespmem:s25+$0x10260]  }
0x32d: {  	v10 =	vld [tilespmem:s25+$0x14260];
	_ =	sdelay $0x1  }
0x32e: {  	v2 =	vadd.f32 v4, v2  }
0x32f: {  	[tilespmem:s25+$0x10220] =	vst v7;
	v3 =	vadd.f32 v6, v3  }
0x330: {  	[tilespmem:s25+$0x10230] =	vst v2;
	v2 =	vadd.f32 v8, v5  }
0x331: {  	[tilespmem:s25+$0x10240] =	vst v3;
	v3 =	vadd.f32 v10, v9  }
0x332: {  	[tilespmem:s25+$0x10250] =	vst v2  }
0x333: {  	[tilespmem:s25+$0x10260] =	vst v3  }
0x334: {  	s0 =	sld [smem:$0x7EC];
	_ =	sdelay $0x1  }
0x335: {  	s23 =	simm.s32 $0x0  }
0x336: {  	[hbm4b:s0+s23] =	stream.linear.scatter [tilespmem:s10], [sflag:$0xA], $0x4000, $0x38;
	[tilespmem:$0x1C200] =	vst v63  }
0x337: {  	_ =	swait.ge [sflag:s20], $0x4000  }
0x338: {  	[sflag:s20] =	ssyncset.done $0x0  }
0x339: {  	[sflag:s20] =	ssyncadd.s32 $0xFFFFC000  }
0x33a: {  	v2 =	vld.msk [tilespmem:$0x98], $0xff;
	_ =	sdelay $0x4  }
0x33b: {  	v3 =	vshll.u32 v2, $0x4  }
0x33c: {  	v2 =	vand.u32 $0x7, v2;
	v3 =	vand.u32 $0xFFFFFF80, v3  }
0x33d: {  	v2 =	vor.u32 v2, v3  }
0x33e: {  	v2 =	vperm.xlane v2, v0;
	_ =	sdelay $0x1  }
0x33f: {  	v2 =	vadd.s32 v1, v2;
	_ =	sdelay $0x4  }
0x340: {  	[tilespmem:s8], [sflag:$0x4] =	stream.indirect_vreg.gather [hbm4b:s1+s23], $0x80, v2, vm0, $0xb8;
	[tilespmem:$0x1C200] =	vst v63  }
0x341: {  	s25 =	simm.s32 $0xCA00  }
0x342: {  	[tilespmem:s25], [sflag:$0x4] =	stream.indirect_vreg.gather [hbm4b:s24+s23], $0x80, v2, vm0, $0xb8;
	[tilespmem:$0x1C200] =	vst v63  }
0x343: {  	s5 =	simm.s32 $0xD200  }
0x344: {  	[tilespmem:s5], [sflag:$0x4] =	stream.indirect_vreg.gather [hbm4b:s26+s23], $0x80, v2, vm0, $0xb8;
	[tilespmem:$0x1C200] =	vst v63  }
0x345: {  	s6 =	simm.s32 $0xDA00  }
0x346: {  	[tilespmem:s6], [sflag:$0x4] =	stream.indirect_vreg.gather [hbm4b:s28+s23], $0x80, v2, vm0, $0xb8;
	[tilespmem:$0x1C200] =	vst v63  }
0x347: {  	s25 =	simm.s32 $0xE200  }
0x348: {  	[tilespmem:s25], [sflag:$0x4] =	stream.indirect_vreg.gather [hbm4b:s29+s23], $0x80, v2, vm0, $0xb8;
	[tilespmem:$0x1C200] =	vst v63  }
0x349: {  	s5 =	simm.s32 $0xEA00  }
0x34a: {  	[tilespmem:s5], [sflag:$0x4] =	stream.indirect_vreg.gather [hbm4b:s30+s23], $0x80, v2, vm0, $0xb8;
	[tilespmem:$0x1C200] =	vst v63  }
0x34b: {  	s6 =	simm.s32 $0xF200  }
0x34c: {  	[tilespmem:s6], [sflag:$0x4] =	stream.indirect_vreg.gather [hbm4b:s31+s23], $0x80, v2, vm0, $0xb8;
	[tilespmem:$0x1C200] =	vst v63  }
0x34d: {  	s25 =	simm.s32 $0xFA00  }
0x34e: {  	[tilespmem:s25], [sflag:$0x4] =	stream.indirect_vreg.gather [hbm4b:s2+s23], $0x80, v2, vm0, $0xb8;
	[tilespmem:$0x1C200] =	vst v63  }
0x34f: {  	s0 =	simm.s32 $0x0;
	_ =	swait.ge [sflag:s4], $0x4000  }
0x350: {  	s5 =	sand.u32 $0x3C00, s23;
	s6 =	sand.u32 $0x380, s0;
	[sflag:s4] =	ssyncset.done $0x0  }
0x351: {  	s25 =	sor.u32 s6, s5;
	[sflag:s4] =	ssyncadd.s32 $0xFFFFC000  }
0x352: {  	v2 =	vld [tilespmem:s25+$0x270]  }
0x353: {  	v3 =	vld [tilespmem:s25+$0x14270]  }
0x354: {  	v4 =	vld [tilespmem:s25+$0x200]  }
0x355: {  	v5 =	vld [tilespmem:s25+$0x14200]  }
0x356: {  	v6 =	vld [tilespmem:s25+$0x210]  }
0x357: {  	v7 =	vld [tilespmem:s25+$0x14210]  }
0x358: {  	v8 =	vld [tilespmem:s25+$0x220]  }
0x359: {  	v63 =	vld [tilespmem:s25+$0x14220]  }
0x35a: {  	v3 =	vadd.f32 v3, v2;
	v2 =	vld [tilespmem:s25+$0x230]  }
0x35b: {  	v5 =	vadd.f32 v5, v4;
	v4 =	vld [tilespmem:s25+$0x14230]  }
0x35c: {  	v7 =	vadd.f32 v7, v6;
	v6 =	vld [tilespmem:s25+$0x14240];
	[tilespmem:s25+$0x270] =	vst v3  }
0x35d: {  	v3 =	vld [tilespmem:s25+$0x240];
	[tilespmem:s25+$0x200] =	vst v5  }
0x35e: {  	[tilespmem:s25+$0x210] =	vst v7;
	v7 =	vadd.f32 v63, v8;
	v5 =	vld [tilespmem:s25+$0x250]  }
.LBB2_22:
0x35f: {  	s0 =	sadd.s32 $0x8, s0;
	v8 =	vld [tilespmem:s25+$0x14250];
	s23 =	sadd.s32 $0x400, s23  }
0x360: {  	s5 =	sand.u32 $0x3C00, s23;
	s6 =	sand.u32 $0x380, s0;
	p0 =	slt.u32 s0, $0x3F8;
	[tilespmem:s25+$0x220] =	vst v7;
	v2 =	vadd.f32 v4, v2;
	v4 =	vld [tilespmem:s25+$0x260]  }
0x361: {  	s5 =	sor.u32 s6, s5;
	v7 =	vld [tilespmem:s25+$0x14260]  }
0x362: {  	v9 =	vld [tilespmem:s5+$0x270];
	[tilespmem:s25+$0x230] =	vst v2;
	v2 =	vadd.f32 v6, v3  }
0x363: {  	v3 =	vld [tilespmem:s5+$0x14270]  }
0x364: {  	v6 =	vld [tilespmem:s5+$0x200];
	[tilespmem:s25+$0x240] =	vst v2;
	v2 =	vadd.f32 v8, v5  }
0x365: {  	v5 =	vld [tilespmem:s5+$0x14200]  }
0x366: {  	v8 =	vld [tilespmem:s5+$0x210];
	[tilespmem:s25+$0x250] =	vst v2;
	v2 =	vadd.f32 v7, v4  }
0x367: {  	v7 =	vld [tilespmem:s5+$0x14210]  }
0x368: {  	v10 =	vld [tilespmem:s5+$0x220];
	v3 =	vadd.f32 v3, v9;
	[tilespmem:s25+$0x260] =	vst v2;
	s25 =	smov.u32 s5  }
0x369: {  	v9 =	vld [tilespmem:s25+$0x14220]  }
.Ltmp10:
0x36a: {  	v5 =	vadd.f32 v5, v6;
	v2 =	vld [tilespmem:s25+$0x230];
	[tilespmem:s25+$0x270] =	vst v3;
	(pc) =	sbr.rel @p0 .LBB2_22-.Ltmp10, $4  }
0x36b: {  	v4 =	vld [tilespmem:s25+$0x14230]  }
0x36c: {  	[tilespmem:s25+$0x200] =	vst v5;
	v5 =	vadd.f32 v7, v8;
	v3 =	vld [tilespmem:s25+$0x240]  }
0x36d: {  	v6 =	vld [tilespmem:s25+$0x14240]  }
0x36e: {  	[tilespmem:s25+$0x210] =	vst v5;
	v7 =	vadd.f32 v9, v10;
	v5 =	vld [tilespmem:s25+$0x250]  }
0x36f: {  	v8 =	vld [tilespmem:s25+$0x14250]  }
0x370: {  	v9 =	vld [tilespmem:s25+$0x260]  }
0x371: {  	v10 =	vld [tilespmem:s25+$0x14260];
	_ =	sdelay $0x1  }
0x372: {  	v2 =	vadd.f32 v4, v2  }
0x373: {  	[tilespmem:s25+$0x220] =	vst v7;
	v3 =	vadd.f32 v6, v3  }
0x374: {  	[tilespmem:s25+$0x230] =	vst v2;
	v2 =	vadd.f32 v8, v5  }
0x375: {  	[tilespmem:s25+$0x240] =	vst v3;
	v3 =	vadd.f32 v10, v9  }
0x376: {  	[tilespmem:s25+$0x250] =	vst v2  }
0x377: {  	[tilespmem:s25+$0x260] =	vst v3  }
0x378: {  	s0 =	sld [smem:$0x7ED];
	_ =	sdelay $0x1  }
0x379: {  	s23 =	simm.s32 $0x0  }
0x37a: {  	[hbm4b:s0+s23] =	stream.linear.scatter [tilespmem:s11], [sflag:$0x6], $0x4000, $0x38;
	[tilespmem:$0x1C200] =	vst v63  }
0x37b: {  	_ =	swait.ge [sflag:s21], $0x4000  }
0x37c: {  	[sflag:s21] =	ssyncset.done $0x0  }
0x37d: {  	[sflag:s21] =	ssyncadd.s32 $0xFFFFC000  }
0x37e: {  	v2 =	vld.msk [tilespmem:$0x118], $0xff;
	_ =	sdelay $0x4  }
0x37f: {  	v3 =	vshll.u32 v2, $0x4  }
0x380: {  	v2 =	vand.u32 $0x7, v2;
	v3 =	vand.u32 $0xFFFFFF80, v3  }
0x381: {  	v2 =	vor.u32 v2, v3  }
0x382: {  	v2 =	vperm.xlane v2, v0;
	_ =	sdelay $0x1  }
0x383: {  	v2 =	vadd.s32 v1, v2;
	_ =	sdelay $0x4  }
0x384: {  	[tilespmem:s10], [sflag:$0x5] =	stream.indirect_vreg.gather [hbm4b:s1+s23], $0x80, v2, vm0, $0xb8;
	[tilespmem:$0x1C200] =	vst v63  }
0x385: {  	s25 =	simm.s32 $0x10A00  }
0x386: {  	[tilespmem:s25], [sflag:$0x5] =	stream.indirect_vreg.gather [hbm4b:s24+s23], $0x80, v2, vm0, $0xb8;
	[tilespmem:$0x1C200] =	vst v63  }
0x387: {  	s5 =	simm.s32 $0x11200  }
0x388: {  	[tilespmem:s5], [sflag:$0x5] =	stream.indirect_vreg.gather [hbm4b:s26+s23], $0x80, v2, vm0, $0xb8;
	[tilespmem:$0x1C200] =	vst v63  }
0x389: {  	s6 =	simm.s32 $0x11A00  }
0x38a: {  	[tilespmem:s6], [sflag:$0x5] =	stream.indirect_vreg.gather [hbm4b:s28+s23], $0x80, v2, vm0, $0xb8;
	[tilespmem:$0x1C200] =	vst v63  }
0x38b: {  	s25 =	simm.s32 $0x12200  }
0x38c: {  	[tilespmem:s25], [sflag:$0x5] =	stream.indirect_vreg.gather [hbm4b:s29+s23], $0x80, v2, vm0, $0xb8;
	[tilespmem:$0x1C200] =	vst v63  }
0x38d: {  	s5 =	simm.s32 $0x12A00  }
0x38e: {  	[tilespmem:s5], [sflag:$0x5] =	stream.indirect_vreg.gather [hbm4b:s30+s23], $0x80, v2, vm0, $0xb8;
	[tilespmem:$0x1C200] =	vst v63  }
0x38f: {  	s6 =	simm.s32 $0x13200  }
0x390: {  	[tilespmem:s6], [sflag:$0x5] =	stream.indirect_vreg.gather [hbm4b:s31+s23], $0x80, v2, vm0, $0xb8;
	[tilespmem:$0x1C200] =	vst v63  }
0x391: {  	s25 =	simm.s32 $0x13A00  }
0x392: {  	[tilespmem:s25], [sflag:$0x5] =	stream.indirect_vreg.gather [hbm4b:s2+s23], $0x80, v2, vm0, $0xb8;
	[tilespmem:$0x1C200] =	vst v63  }
0x393: {  	s0 =	simm.s32 $0x0;
	_ =	swait.ge [sflag:s7], $0x4000  }
0x394: {  	s5 =	sand.u32 $0x3C00, s23;
	s6 =	sand.u32 $0x380, s0;
	[sflag:s7] =	ssyncset.done $0x0  }
0x395: {  	s25 =	sor.u32 s6, s5;
	[sflag:s7] =	ssyncadd.s32 $0xFFFFC000  }
0x396: {  	v2 =	vld [tilespmem:s25+$0x4270]  }
0x397: {  	v3 =	vld [tilespmem:s25+$0x14270]  }
0x398: {  	v4 =	vld [tilespmem:s25+$0x4200]  }
0x399: {  	v5 =	vld [tilespmem:s25+$0x14200]  }
0x39a: {  	v6 =	vld [tilespmem:s25+$0x4210]  }
0x39b: {  	v7 =	vld [tilespmem:s25+$0x14210]  }
0x39c: {  	v8 =	vld [tilespmem:s25+$0x4220]  }
0x39d: {  	v63 =	vld [tilespmem:s25+$0x14220]  }
0x39e: {  	v3 =	vadd.f32 v3, v2;
	v2 =	vld [tilespmem:s25+$0x4230]  }
0x39f: {  	v5 =	vadd.f32 v5, v4;
	v4 =	vld [tilespmem:s25+$0x14230]  }
0x3a0: {  	v7 =	vadd.f32 v7, v6;
	v6 =	vld [tilespmem:s25+$0x14240];
	[tilespmem:s25+$0x4270] =	vst v3  }
0x3a1: {  	v3 =	vld [tilespmem:s25+$0x4240];
	[tilespmem:s25+$0x4200] =	vst v5  }
0x3a2: {  	[tilespmem:s25+$0x4210] =	vst v7;
	v7 =	vadd.f32 v63, v8;
	v5 =	vld [tilespmem:s25+$0x4250]  }
.LBB2_24:
0x3a3: {  	s0 =	sadd.s32 $0x8, s0;
	v8 =	vld [tilespmem:s25+$0x14250];
	s23 =	sadd.s32 $0x400, s23  }
0x3a4: {  	s5 =	sand.u32 $0x3C00, s23;
	s6 =	sand.u32 $0x380, s0;
	p0 =	slt.u32 s0, $0x3F8;
	[tilespmem:s25+$0x4220] =	vst v7;
	v2 =	vadd.f32 v4, v2;
	v4 =	vld [tilespmem:s25+$0x4260]  }
0x3a5: {  	s5 =	sor.u32 s6, s5;
	v7 =	vld [tilespmem:s25+$0x14260]  }
0x3a6: {  	v9 =	vld [tilespmem:s5+$0x4270];
	[tilespmem:s25+$0x4230] =	vst v2;
	v2 =	vadd.f32 v6, v3  }
0x3a7: {  	v3 =	vld [tilespmem:s5+$0x14270]  }
0x3a8: {  	v6 =	vld [tilespmem:s5+$0x4200];
	[tilespmem:s25+$0x4240] =	vst v2;
	v2 =	vadd.f32 v8, v5  }
0x3a9: {  	v5 =	vld [tilespmem:s5+$0x14200]  }
0x3aa: {  	v8 =	vld [tilespmem:s5+$0x4210];
	[tilespmem:s25+$0x4250] =	vst v2;
	v2 =	vadd.f32 v7, v4  }
0x3ab: {  	v7 =	vld [tilespmem:s5+$0x14210]  }
0x3ac: {  	v10 =	vld [tilespmem:s5+$0x4220];
	v3 =	vadd.f32 v3, v9;
	[tilespmem:s25+$0x4260] =	vst v2;
	s25 =	smov.u32 s5  }
0x3ad: {  	v9 =	vld [tilespmem:s25+$0x14220]  }
.Ltmp11:
0x3ae: {  	v5 =	vadd.f32 v5, v6;
	v2 =	vld [tilespmem:s25+$0x4230];
	[tilespmem:s25+$0x4270] =	vst v3;
	(pc) =	sbr.rel @p0 .LBB2_24-.Ltmp11, $4  }
0x3af: {  	v4 =	vld [tilespmem:s25+$0x14230]  }
0x3b0: {  	[tilespmem:s25+$0x4200] =	vst v5;
	v5 =	vadd.f32 v7, v8;
	v3 =	vld [tilespmem:s25+$0x4240]  }
0x3b1: {  	v6 =	vld [tilespmem:s25+$0x14240]  }
0x3b2: {  	[tilespmem:s25+$0x4210] =	vst v5;
	v7 =	vadd.f32 v9, v10;
	v5 =	vld [tilespmem:s25+$0x4250]  }
0x3b3: {  	v8 =	vld [tilespmem:s25+$0x14250]  }
0x3b4: {  	v9 =	vld [tilespmem:s25+$0x4260]  }
0x3b5: {  	v10 =	vld [tilespmem:s25+$0x14260];
	_ =	sdelay $0x1  }
0x3b6: {  	v2 =	vadd.f32 v4, v2  }
0x3b7: {  	[tilespmem:s25+$0x4220] =	vst v7;
	v3 =	vadd.f32 v6, v3  }
0x3b8: {  	[tilespmem:s25+$0x4230] =	vst v2;
	v2 =	vadd.f32 v8, v5  }
0x3b9: {  	[tilespmem:s25+$0x4240] =	vst v3;
	v3 =	vadd.f32 v10, v9  }
0x3ba: {  	[tilespmem:s25+$0x4250] =	vst v2  }
0x3bb: {  	[tilespmem:s25+$0x4260] =	vst v3  }
0x3bc: {  	s0 =	sld [smem:$0x7EE];
	_ =	sdelay $0x1  }
0x3bd: {  	s23 =	simm.s32 $0x0  }
0x3be: {  	[hbm4b:s0+s23] =	stream.linear.scatter [tilespmem:s19], [sflag:$0x7], $0x4000, $0x38;
	[tilespmem:$0x1C200] =	vst v63  }
0x3bf: {  	s5 =	simm.s32 $0x14200;
	s25 =	rddreg [dreg:$0x10]  }
0x3c0: {  	[tilespmem:s5], [sflag:$0xB] =	stream.linear.gather [hbm4b:s25+s23], $0x4000, $0x38;
	[tilespmem:$0x1C200] =	vst v63  }
0x3c1: {  	_ =	swait.ge [sflag:s12], $0x4000  }
0x3c2: {  	[sflag:s12] =	ssyncset.done $0x0  }
0x3c3: {  	[sflag:s12] =	ssyncadd.s32 $0xFFFFC000  }
0x3c4: {  	v2 =	vld.msk [tilespmem:$0x198], $0xff;
	_ =	sdelay $0x4  }
0x3c5: {  	v3 =	vshll.u32 v2, $0x4  }
0x3c6: {  	v2 =	vand.u32 $0x7, v2;
	v3 =	vand.u32 $0xFFFFFF80, v3  }
0x3c7: {  	v2 =	vor.u32 v2, v3  }
0x3c8: {  	v2 =	vperm.xlane v2, v0;
	_ =	sdelay $0x1  }
0x3c9: {  	v2 =	vadd.s32 v1, v2;
	_ =	sdelay $0x4  }
0x3ca: {  	[tilespmem:s11], [sflag:$0x1] =	stream.indirect_vreg.gather [hbm4b:s1+s23], $0x80, v2, vm0, $0xb8;
	[tilespmem:$0x1C200] =	vst v63  }
0x3cb: {  	s6 =	simm.s32 $0xA00  }
0x3cc: {  	[tilespmem:s6], [sflag:$0x1] =	stream.indirect_vreg.gather [hbm4b:s24+s23], $0x80, v2, vm0, $0xb8;
	[tilespmem:$0x1C200] =	vst v63  }
0x3cd: {  	s25 =	simm.s32 $0x1200  }
0x3ce: {  	[tilespmem:s25], [sflag:$0x1] =	stream.indirect_vreg.gather [hbm4b:s26+s23], $0x80, v2, vm0, $0xb8;
	[tilespmem:$0x1C200] =	vst v63  }
0x3cf: {  	s5 =	simm.s32 $0x1A00  }
0x3d0: {  	[tilespmem:s5], [sflag:$0x1] =	stream.indirect_vreg.gather [hbm4b:s28+s23], $0x80, v2, vm0, $0xb8;
	[tilespmem:$0x1C200] =	vst v63  }
0x3d1: {  	s6 =	simm.s32 $0x2200  }
0x3d2: {  	[tilespmem:s6], [sflag:$0x1] =	stream.indirect_vreg.gather [hbm4b:s29+s23], $0x80, v2, vm0, $0xb8;
	[tilespmem:$0x1C200] =	vst v63  }
0x3d3: {  	s25 =	simm.s32 $0x2A00  }
0x3d4: {  	[tilespmem:s25], [sflag:$0x1] =	stream.indirect_vreg.gather [hbm4b:s30+s23], $0x80, v2, vm0, $0xb8;
	[tilespmem:$0x1C200] =	vst v63  }
0x3d5: {  	s5 =	simm.s32 $0x3200  }
0x3d6: {  	[tilespmem:s5], [sflag:$0x1] =	stream.indirect_vreg.gather [hbm4b:s31+s23], $0x80, v2, vm0, $0xb8;
	[tilespmem:$0x1C200] =	vst v63  }
0x3d7: {  	s6 =	simm.s32 $0x3A00  }
0x3d8: {  	[tilespmem:s6], [sflag:$0x1] =	stream.indirect_vreg.gather [hbm4b:s2+s23], $0x80, v2, vm0, $0xb8;
	[tilespmem:$0x1C200] =	vst v63  }
0x3d9: {  	_ =	swait.ge [sflag:s13], $0x4000  }
0x3da: {  	[sflag:s13] =	ssyncset.done $0x0  }
0x3db: {  	[sflag:s13] =	ssyncadd.s32 $0xFFFFC000  }
0x3dc: {  	s0 =	simm.s32 $0x0;
	_ =	swait.ge [sflag:s18], $0x4000  }
0x3dd: {  	s25 =	sand.u32 $0x3C00, s23;
	s6 =	sand.u32 $0x380, s0;
	[sflag:s18] =	ssyncset.done $0x0  }
0x3de: {  	s25 =	sor.u32 s6, s25;
	[sflag:s18] =	ssyncadd.s32 $0xFFFFC000  }
0x3df: {  	v2 =	vld [tilespmem:s25+$0x8270]  }
0x3e0: {  	v3 =	vld [tilespmem:s25+$0x18270]  }
0x3e1: {  	v4 =	vld [tilespmem:s25+$0x8200]  }
0x3e2: {  	v5 =	vld [tilespmem:s25+$0x18200]  }
0x3e3: {  	v6 =	vld [tilespmem:s25+$0x8210]  }
0x3e4: {  	v7 =	vld [tilespmem:s25+$0x18210]  }
0x3e5: {  	v8 =	vld [tilespmem:s25+$0x8220]  }
0x3e6: {  	v63 =	vld [tilespmem:s25+$0x18220]  }
0x3e7: {  	v3 =	vadd.f32 v3, v2;
	v2 =	vld [tilespmem:s25+$0x8230]  }
0x3e8: {  	v5 =	vadd.f32 v5, v4;
	v4 =	vld [tilespmem:s25+$0x18230]  }
0x3e9: {  	v7 =	vadd.f32 v7, v6;
	v6 =	vld [tilespmem:s25+$0x18240];
	[tilespmem:s25+$0x8270] =	vst v3  }
0x3ea: {  	v3 =	vld [tilespmem:s25+$0x8240];
	[tilespmem:s25+$0x8200] =	vst v5  }
0x3eb: {  	[tilespmem:s25+$0x8210] =	vst v7;
	v7 =	vadd.f32 v63, v8;
	v5 =	vld [tilespmem:s25+$0x8250]  }
.LBB2_26:
0x3ec: {  	s0 =	sadd.s32 $0x8, s0;
	v8 =	vld [tilespmem:s25+$0x18250];
	s23 =	sadd.s32 $0x400, s23  }
0x3ed: {  	s5 =	sand.u32 $0x3C00, s23;
	s6 =	sand.u32 $0x380, s0;
	p0 =	slt.u32 s0, $0x3F8;
	[tilespmem:s25+$0x8220] =	vst v7;
	v2 =	vadd.f32 v4, v2;
	v4 =	vld [tilespmem:s25+$0x8260]  }
0x3ee: {  	s5 =	sor.u32 s6, s5;
	v7 =	vld [tilespmem:s25+$0x18260]  }
0x3ef: {  	v9 =	vld [tilespmem:s5+$0x8270];
	[tilespmem:s25+$0x8230] =	vst v2;
	v2 =	vadd.f32 v6, v3  }
0x3f0: {  	v3 =	vld [tilespmem:s5+$0x18270]  }
0x3f1: {  	v6 =	vld [tilespmem:s5+$0x8200];
	[tilespmem:s25+$0x8240] =	vst v2;
	v2 =	vadd.f32 v8, v5  }
0x3f2: {  	v5 =	vld [tilespmem:s5+$0x18200]  }
0x3f3: {  	v8 =	vld [tilespmem:s5+$0x8210];
	[tilespmem:s25+$0x8250] =	vst v2;
	v2 =	vadd.f32 v7, v4  }
0x3f4: {  	v7 =	vld [tilespmem:s5+$0x18210]  }
0x3f5: {  	v10 =	vld [tilespmem:s5+$0x8220];
	v3 =	vadd.f32 v3, v9;
	[tilespmem:s25+$0x8260] =	vst v2;
	s25 =	smov.u32 s5  }
0x3f6: {  	v9 =	vld [tilespmem:s25+$0x18220]  }
.Ltmp12:
0x3f7: {  	v5 =	vadd.f32 v5, v6;
	v2 =	vld [tilespmem:s25+$0x8230];
	[tilespmem:s25+$0x8270] =	vst v3;
	(pc) =	sbr.rel @p0 .LBB2_26-.Ltmp12, $4  }
0x3f8: {  	v4 =	vld [tilespmem:s25+$0x18230]  }
0x3f9: {  	[tilespmem:s25+$0x8200] =	vst v5;
	v5 =	vadd.f32 v7, v8;
	v3 =	vld [tilespmem:s25+$0x8240]  }
0x3fa: {  	v6 =	vld [tilespmem:s25+$0x18240]  }
0x3fb: {  	[tilespmem:s25+$0x8210] =	vst v5;
	v7 =	vadd.f32 v9, v10;
	v5 =	vld [tilespmem:s25+$0x8250]  }
0x3fc: {  	v8 =	vld [tilespmem:s25+$0x18250]  }
0x3fd: {  	v9 =	vld [tilespmem:s25+$0x8260]  }
0x3fe: {  	v10 =	vld [tilespmem:s25+$0x18260];
	_ =	sdelay $0x1  }
0x3ff: {  	v2 =	vadd.f32 v4, v2  }
0x400: {  	[tilespmem:s25+$0x8220] =	vst v7;
	v3 =	vadd.f32 v6, v3  }
0x401: {  	[tilespmem:s25+$0x8230] =	vst v2;
	v2 =	vadd.f32 v8, v5  }
0x402: {  	[tilespmem:s25+$0x8240] =	vst v3;
	v3 =	vadd.f32 v10, v9  }
0x403: {  	[tilespmem:s25+$0x8250] =	vst v2  }
0x404: {  	[tilespmem:s25+$0x8260] =	vst v3  }
0x405: {  	s23 =	simm.s32 $0x0;
	s5 =	simm.s32 $0x8200;
	s0 =	rddreg [dreg:$0x11]  }
0x406: {  	[hbm4b:s0+s23] =	stream.linear.scatter [tilespmem:s5], [sflag:$0x8], $0x4000, $0x38;
	[tilespmem:$0x1C200] =	vst v63  }
0x407: {  	_ =	swait.ge [sflag:s14], $0x4000  }
0x408: {  	[sflag:s14] =	ssyncset.done $0x0  }
0x409: {  	[sflag:s14] =	ssyncadd.s32 $0xFFFFC000  }
0x40a: {  	v2 =	vld.msk [tilespmem:$0x20], $0xff;
	_ =	sdelay $0x4  }
0x40b: {  	v3 =	vshll.u32 v2, $0x4  }
0x40c: {  	v2 =	vand.u32 $0x7, v2;
	v3 =	vand.u32 $0xFFFFFF80, v3  }
0x40d: {  	v2 =	vor.u32 v2, v3  }
0x40e: {  	v2 =	vperm.xlane v2, v0;
	_ =	sdelay $0x1  }
0x40f: {  	v2 =	vadd.s32 v1, v2;
	_ =	sdelay $0x4  }
0x410: {  	[tilespmem:s19], [sflag:$0x2] =	stream.indirect_vreg.gather [hbm4b:s1+s23], $0x80, v2, vm0, $0xb8;
	[tilespmem:$0x1C200] =	vst v63  }
0x411: {  	s6 =	simm.s32 $0x4A00  }
0x412: {  	[tilespmem:s6], [sflag:$0x2] =	stream.indirect_vreg.gather [hbm4b:s24+s23], $0x80, v2, vm0, $0xb8;
	[tilespmem:$0x1C200] =	vst v63  }
0x413: {  	s25 =	simm.s32 $0x5200  }
0x414: {  	[tilespmem:s25], [sflag:$0x2] =	stream.indirect_vreg.gather [hbm4b:s26+s23], $0x80, v2, vm0, $0xb8;
	[tilespmem:$0x1C200] =	vst v63  }
0x415: {  	s5 =	simm.s32 $0x5A00  }
0x416: {  	[tilespmem:s5], [sflag:$0x2] =	stream.indirect_vreg.gather [hbm4b:s28+s23], $0x80, v2, vm0, $0xb8;
	[tilespmem:$0x1C200] =	vst v63  }
0x417: {  	s6 =	simm.s32 $0x6200  }
0x418: {  	[tilespmem:s6], [sflag:$0x2] =	stream.indirect_vreg.gather [hbm4b:s29+s23], $0x80, v2, vm0, $0xb8;
	[tilespmem:$0x1C200] =	vst v63  }
0x419: {  	s25 =	simm.s32 $0x6A00  }
0x41a: {  	[tilespmem:s25], [sflag:$0x2] =	stream.indirect_vreg.gather [hbm4b:s30+s23], $0x80, v2, vm0, $0xb8;
	[tilespmem:$0x1C200] =	vst v63  }
0x41b: {  	s5 =	simm.s32 $0x7200  }
0x41c: {  	[tilespmem:s5], [sflag:$0x2] =	stream.indirect_vreg.gather [hbm4b:s31+s23], $0x80, v2, vm0, $0xb8;
	[tilespmem:$0x1C200] =	vst v63  }
0x41d: {  	s6 =	simm.s32 $0x7A00  }
0x41e: {  	[tilespmem:s6], [sflag:$0x2] =	stream.indirect_vreg.gather [hbm4b:s2+s23], $0x80, v2, vm0, $0xb8;
	[tilespmem:$0x1C200] =	vst v63  }
0x41f: {  	s0 =	simm.s32 $0x0;
	_ =	swait.ge [sflag:s15], $0x4000  }
0x420: {  	s25 =	sand.u32 $0x3C00, s23;
	s6 =	sand.u32 $0x380, s0;
	[sflag:s15] =	ssyncset.done $0x0  }
0x421: {  	s25 =	sor.u32 s6, s25;
	[sflag:s15] =	ssyncadd.s32 $0xFFFFC000  }
0x422: {  	v2 =	vld [tilespmem:s25+$0xC270]  }
0x423: {  	v3 =	vld [tilespmem:s25+$0x18270]  }
0x424: {  	v4 =	vld [tilespmem:s25+$0xC200]  }
0x425: {  	v5 =	vld [tilespmem:s25+$0x18200]  }
0x426: {  	v6 =	vld [tilespmem:s25+$0xC210]  }
0x427: {  	v7 =	vld [tilespmem:s25+$0x18210]  }
0x428: {  	v8 =	vld [tilespmem:s25+$0xC220]  }
0x429: {  	v63 =	vld [tilespmem:s25+$0x18220]  }
0x42a: {  	v3 =	vadd.f32 v3, v2;
	v2 =	vld [tilespmem:s25+$0xC230]  }
0x42b: {  	v5 =	vadd.f32 v5, v4;
	v4 =	vld [tilespmem:s25+$0x18230]  }
0x42c: {  	v7 =	vadd.f32 v7, v6;
	v6 =	vld [tilespmem:s25+$0x18240];
	[tilespmem:s25+$0xC270] =	vst v3  }
0x42d: {  	v3 =	vld [tilespmem:s25+$0xC240];
	[tilespmem:s25+$0xC200] =	vst v5  }
0x42e: {  	[tilespmem:s25+$0xC210] =	vst v7;
	v7 =	vadd.f32 v63, v8;
	v5 =	vld [tilespmem:s25+$0xC250]  }
.LBB2_28:
0x42f: {  	s0 =	sadd.s32 $0x8, s0;
	v8 =	vld [tilespmem:s25+$0x18250];
	s23 =	sadd.s32 $0x400, s23  }
0x430: {  	s5 =	sand.u32 $0x3C00, s23;
	s6 =	sand.u32 $0x380, s0;
	p0 =	slt.u32 s0, $0x3F8;
	[tilespmem:s25+$0xC220] =	vst v7;
	v2 =	vadd.f32 v4, v2;
	v4 =	vld [tilespmem:s25+$0xC260]  }
0x431: {  	s5 =	sor.u32 s6, s5;
	v7 =	vld [tilespmem:s25+$0x18260]  }
0x432: {  	v9 =	vld [tilespmem:s5+$0xC270];
	[tilespmem:s25+$0xC230] =	vst v2;
	v2 =	vadd.f32 v6, v3  }
0x433: {  	v3 =	vld [tilespmem:s5+$0x18270]  }
0x434: {  	v6 =	vld [tilespmem:s5+$0xC200];
	[tilespmem:s25+$0xC240] =	vst v2;
	v2 =	vadd.f32 v8, v5  }
0x435: {  	v5 =	vld [tilespmem:s5+$0x18200]  }
0x436: {  	v8 =	vld [tilespmem:s5+$0xC210];
	[tilespmem:s25+$0xC250] =	vst v2;
	v2 =	vadd.f32 v7, v4  }
0x437: {  	v7 =	vld [tilespmem:s5+$0x18210]  }
0x438: {  	v10 =	vld [tilespmem:s5+$0xC220];
	v3 =	vadd.f32 v3, v9;
	[tilespmem:s25+$0xC260] =	vst v2;
	s25 =	smov.u32 s5  }
0x439: {  	v9 =	vld [tilespmem:s25+$0x18220]  }
.Ltmp13:
0x43a: {  	v5 =	vadd.f32 v5, v6;
	v2 =	vld [tilespmem:s25+$0xC230];
	[tilespmem:s25+$0xC270] =	vst v3;
	(pc) =	sbr.rel @p0 .LBB2_28-.Ltmp13, $4  }
0x43b: {  	v4 =	vld [tilespmem:s25+$0x18230]  }
0x43c: {  	[tilespmem:s25+$0xC200] =	vst v5;
	v5 =	vadd.f32 v7, v8;
	v3 =	vld [tilespmem:s25+$0xC240]  }
0x43d: {  	v6 =	vld [tilespmem:s25+$0x18240]  }
0x43e: {  	[tilespmem:s25+$0xC210] =	vst v5;
	v7 =	vadd.f32 v9, v10;
	v5 =	vld [tilespmem:s25+$0xC250]  }
0x43f: {  	v8 =	vld [tilespmem:s25+$0x18250]  }
0x440: {  	v9 =	vld [tilespmem:s25+$0xC260]  }
0x441: {  	v10 =	vld [tilespmem:s25+$0x18260];
	_ =	sdelay $0x1  }
0x442: {  	v2 =	vadd.f32 v4, v2  }
0x443: {  	[tilespmem:s25+$0xC220] =	vst v7;
	v3 =	vadd.f32 v6, v3  }
0x444: {  	[tilespmem:s25+$0xC230] =	vst v2;
	v2 =	vadd.f32 v8, v5  }
0x445: {  	[tilespmem:s25+$0xC240] =	vst v3;
	v3 =	vadd.f32 v10, v9  }
0x446: {  	[tilespmem:s25+$0xC250] =	vst v2  }
0x447: {  	[tilespmem:s25+$0xC260] =	vst v3  }
0x448: {  	s0 =	sld [smem:$0x7F0];
	_ =	sdelay $0x1  }
0x449: {  	s23 =	simm.s32 $0x0  }
0x44a: {  	[hbm4b:s0+s23] =	stream.linear.scatter [tilespmem:s8], [sflag:$0x9], $0x4000, $0x38;
	[tilespmem:$0x1C200] =	vst v63  }
0x44b: {  	_ =	swait.ge [sflag:s16], $0x4000  }
0x44c: {  	[sflag:s16] =	ssyncset.done $0x0  }
0x44d: {  	[sflag:s16] =	ssyncadd.s32 $0xFFFFC000  }
0x44e: {  	v2 =	vld.msk [tilespmem:$0xA0], $0xff;
	_ =	sdelay $0x4  }
0x44f: {  	v3 =	vshll.u32 v2, $0x4  }
0x450: {  	v2 =	vand.u32 $0x7, v2;
	v3 =	vand.u32 $0xFFFFFF80, v3  }
0x451: {  	v2 =	vor.u32 v2, v3  }
0x452: {  	v2 =	vperm.xlane v2, v0;
	_ =	sdelay $0x1  }
0x453: {  	v2 =	vadd.s32 v1, v2;
	_ =	sdelay $0x3  }
0x454: {  	s6 =	simm.s32 $0x8200  }
0x455: {  	[tilespmem:s6], [sflag:$0x3] =	stream.indirect_vreg.gather [hbm4b:s1+s23], $0x80, v2, vm0, $0xb8;
	[tilespmem:$0x1C200] =	vst v63  }
0x456: {  	s25 =	simm.s32 $0x8A00  }
0x457: {  	[tilespmem:s25], [sflag:$0x3] =	stream.indirect_vreg.gather [hbm4b:s24+s23], $0x80, v2, vm0, $0xb8;
	[tilespmem:$0x1C200] =	vst v63  }
0x458: {  	s5 =	simm.s32 $0x9200  }
0x459: {  	[tilespmem:s5], [sflag:$0x3] =	stream.indirect_vreg.gather [hbm4b:s26+s23], $0x80, v2, vm0, $0xb8;
	[tilespmem:$0x1C200] =	vst v63  }
0x45a: {  	s6 =	simm.s32 $0x9A00  }
0x45b: {  	[tilespmem:s6], [sflag:$0x3] =	stream.indirect_vreg.gather [hbm4b:s28+s23], $0x80, v2, vm0, $0xb8;
	[tilespmem:$0x1C200] =	vst v63  }
0x45c: {  	s25 =	simm.s32 $0xA200  }
0x45d: {  	[tilespmem:s25], [sflag:$0x3] =	stream.indirect_vreg.gather [hbm4b:s29+s23], $0x80, v2, vm0, $0xb8;
	[tilespmem:$0x1C200] =	vst v63  }
0x45e: {  	s5 =	simm.s32 $0xAA00  }
0x45f: {  	[tilespmem:s5], [sflag:$0x3] =	stream.indirect_vreg.gather [hbm4b:s30+s23], $0x80, v2, vm0, $0xb8;
	[tilespmem:$0x1C200] =	vst v63  }
0x460: {  	s6 =	simm.s32 $0xB200  }
0x461: {  	[tilespmem:s6], [sflag:$0x3] =	stream.indirect_vreg.gather [hbm4b:s31+s23], $0x80, v2, vm0, $0xb8;
	[tilespmem:$0x1C200] =	vst v63  }
0x462: {  	s25 =	simm.s32 $0xBA00  }
0x463: {  	[tilespmem:s25], [sflag:$0x3] =	stream.indirect_vreg.gather [hbm4b:s2+s23], $0x80, v2, vm0, $0xb8;
	[tilespmem:$0x1C200] =	vst v63  }
0x464: {  	s0 =	simm.s32 $0x0;
	_ =	swait.ge [sflag:s17], $0x4000  }
0x465: {  	s5 =	sand.u32 $0x3C00, s23;
	s6 =	sand.u32 $0x380, s0;
	[sflag:s17] =	ssyncset.done $0x0  }
0x466: {  	s25 =	sor.u32 s6, s5;
	[sflag:s17] =	ssyncadd.s32 $0xFFFFC000  }
0x467: {  	v2 =	vld [tilespmem:s25+$0x10270]  }
0x468: {  	v3 =	vld [tilespmem:s25+$0x18270]  }
0x469: {  	v4 =	vld [tilespmem:s25+$0x10200]  }
0x46a: {  	v5 =	vld [tilespmem:s25+$0x18200]  }
0x46b: {  	v6 =	vld [tilespmem:s25+$0x10210]  }
0x46c: {  	v7 =	vld [tilespmem:s25+$0x18210]  }
0x46d: {  	v8 =	vld [tilespmem:s25+$0x10220]  }
0x46e: {  	v63 =	vld [tilespmem:s25+$0x18220]  }
0x46f: {  	v3 =	vadd.f32 v3, v2;
	v2 =	vld [tilespmem:s25+$0x10230]  }
0x470: {  	v5 =	vadd.f32 v5, v4;
	v4 =	vld [tilespmem:s25+$0x18230]  }
0x471: {  	v7 =	vadd.f32 v7, v6;
	v6 =	vld [tilespmem:s25+$0x18240];
	[tilespmem:s25+$0x10270] =	vst v3  }
0x472: {  	v3 =	vld [tilespmem:s25+$0x10240];
	[tilespmem:s25+$0x10200] =	vst v5  }
0x473: {  	[tilespmem:s25+$0x10210] =	vst v7;
	v7 =	vadd.f32 v63, v8;
	v5 =	vld [tilespmem:s25+$0x10250]  }
.LBB2_30:
0x474: {  	s0 =	sadd.s32 $0x8, s0;
	v8 =	vld [tilespmem:s25+$0x18250];
	s23 =	sadd.s32 $0x400, s23  }
0x475: {  	s5 =	sand.u32 $0x3C00, s23;
	s6 =	sand.u32 $0x380, s0;
	p0 =	slt.u32 s0, $0x3F8;
	[tilespmem:s25+$0x10220] =	vst v7;
	v2 =	vadd.f32 v4, v2;
	v4 =	vld [tilespmem:s25+$0x10260]  }
0x476: {  	s5 =	sor.u32 s6, s5;
	v7 =	vld [tilespmem:s25+$0x18260]  }
0x477: {  	v9 =	vld [tilespmem:s5+$0x10270];
	[tilespmem:s25+$0x10230] =	vst v2;
	v2 =	vadd.f32 v6, v3  }
0x478: {  	v3 =	vld [tilespmem:s5+$0x18270]  }
0x479: {  	v6 =	vld [tilespmem:s5+$0x10200];
	[tilespmem:s25+$0x10240] =	vst v2;
	v2 =	vadd.f32 v8, v5  }
0x47a: {  	v5 =	vld [tilespmem:s5+$0x18200]  }
0x47b: {  	v8 =	vld [tilespmem:s5+$0x10210];
	[tilespmem:s25+$0x10250] =	vst v2;
	v2 =	vadd.f32 v7, v4  }
0x47c: {  	v7 =	vld [tilespmem:s5+$0x18210]  }
0x47d: {  	v10 =	vld [tilespmem:s5+$0x10220];
	v3 =	vadd.f32 v3, v9;
	[tilespmem:s25+$0x10260] =	vst v2;
	s25 =	smov.u32 s5  }
0x47e: {  	v9 =	vld [tilespmem:s25+$0x18220]  }
.Ltmp14:
0x47f: {  	v5 =	vadd.f32 v5, v6;
	v2 =	vld [tilespmem:s25+$0x10230];
	[tilespmem:s25+$0x10270] =	vst v3;
	(pc) =	sbr.rel @p0 .LBB2_30-.Ltmp14, $4  }
0x480: {  	v4 =	vld [tilespmem:s25+$0x18230]  }
0x481: {  	[tilespmem:s25+$0x10200] =	vst v5;
	v5 =	vadd.f32 v7, v8;
	v3 =	vld [tilespmem:s25+$0x10240]  }
0x482: {  	v6 =	vld [tilespmem:s25+$0x18240]  }
0x483: {  	[tilespmem:s25+$0x10210] =	vst v5;
	v7 =	vadd.f32 v9, v10;
	v5 =	vld [tilespmem:s25+$0x10250]  }
0x484: {  	v8 =	vld [tilespmem:s25+$0x18250]  }
0x485: {  	v9 =	vld [tilespmem:s25+$0x10260]  }
0x486: {  	v10 =	vld [tilespmem:s25+$0x18260];
	_ =	sdelay $0x1  }
0x487: {  	v2 =	vadd.f32 v4, v2  }
0x488: {  	[tilespmem:s25+$0x10220] =	vst v7;
	v3 =	vadd.f32 v6, v3  }
0x489: {  	[tilespmem:s25+$0x10230] =	vst v2;
	v2 =	vadd.f32 v8, v5  }
0x48a: {  	[tilespmem:s25+$0x10240] =	vst v3;
	v3 =	vadd.f32 v10, v9  }
0x48b: {  	[tilespmem:s25+$0x10250] =	vst v2  }
0x48c: {  	[tilespmem:s25+$0x10260] =	vst v3  }
0x48d: {  	s0 =	sld [smem:$0x7EF];
	_ =	sdelay $0x1  }
0x48e: {  	s23 =	simm.s32 $0x0  }
0x48f: {  	[hbm4b:s0+s23] =	stream.linear.scatter [tilespmem:s10], [sflag:$0xA], $0x4000, $0x38;
	[tilespmem:$0x1C200] =	vst v63  }
0x490: {  	_ =	swait.ge [sflag:s20], $0x4000  }
0x491: {  	[sflag:s20] =	ssyncset.done $0x0  }
0x492: {  	[sflag:s20] =	ssyncadd.s32 $0xFFFFC000  }
0x493: {  	v2 =	vld.msk [tilespmem:$0x120], $0xff;
	_ =	sdelay $0x4  }
0x494: {  	v3 =	vshll.u32 v2, $0x4  }
0x495: {  	v2 =	vand.u32 $0x7, v2;
	v3 =	vand.u32 $0xFFFFFF80, v3  }
0x496: {  	v2 =	vor.u32 v2, v3  }
0x497: {  	v2 =	vperm.xlane v2, v0;
	_ =	sdelay $0x1  }
0x498: {  	v2 =	vadd.s32 v1, v2;
	_ =	sdelay $0x4  }
0x499: {  	[tilespmem:s8], [sflag:$0x4] =	stream.indirect_vreg.gather [hbm4b:s1+s23], $0x80, v2, vm0, $0xb8;
	[tilespmem:$0x1C200] =	vst v63  }
0x49a: {  	s25 =	simm.s32 $0xCA00  }
0x49b: {  	[tilespmem:s25], [sflag:$0x4] =	stream.indirect_vreg.gather [hbm4b:s24+s23], $0x80, v2, vm0, $0xb8;
	[tilespmem:$0x1C200] =	vst v63  }
0x49c: {  	s5 =	simm.s32 $0xD200  }
0x49d: {  	[tilespmem:s5], [sflag:$0x4] =	stream.indirect_vreg.gather [hbm4b:s26+s23], $0x80, v2, vm0, $0xb8;
	[tilespmem:$0x1C200] =	vst v63  }
0x49e: {  	s6 =	simm.s32 $0xDA00  }
0x49f: {  	[tilespmem:s6], [sflag:$0x4] =	stream.indirect_vreg.gather [hbm4b:s28+s23], $0x80, v2, vm0, $0xb8;
	[tilespmem:$0x1C200] =	vst v63  }
0x4a0: {  	s25 =	simm.s32 $0xE200  }
0x4a1: {  	[tilespmem:s25], [sflag:$0x4] =	stream.indirect_vreg.gather [hbm4b:s29+s23], $0x80, v2, vm0, $0xb8;
	[tilespmem:$0x1C200] =	vst v63  }
0x4a2: {  	s5 =	simm.s32 $0xEA00  }
0x4a3: {  	[tilespmem:s5], [sflag:$0x4] =	stream.indirect_vreg.gather [hbm4b:s30+s23], $0x80, v2, vm0, $0xb8;
	[tilespmem:$0x1C200] =	vst v63  }
0x4a4: {  	s6 =	simm.s32 $0xF200  }
0x4a5: {  	[tilespmem:s6], [sflag:$0x4] =	stream.indirect_vreg.gather [hbm4b:s31+s23], $0x80, v2, vm0, $0xb8;
	[tilespmem:$0x1C200] =	vst v63  }
0x4a6: {  	s25 =	simm.s32 $0xFA00  }
0x4a7: {  	[tilespmem:s25], [sflag:$0x4] =	stream.indirect_vreg.gather [hbm4b:s2+s23], $0x80, v2, vm0, $0xb8;
	[tilespmem:$0x1C200] =	vst v63  }
0x4a8: {  	s0 =	simm.s32 $0x0;
	_ =	swait.ge [sflag:s4], $0x4000  }
0x4a9: {  	s5 =	sand.u32 $0x3C00, s23;
	s6 =	sand.u32 $0x380, s0;
	[sflag:s4] =	ssyncset.done $0x0  }
0x4aa: {  	s25 =	sor.u32 s6, s5;
	[sflag:s4] =	ssyncadd.s32 $0xFFFFC000  }
0x4ab: {  	v2 =	vld [tilespmem:s25+$0x270]  }
0x4ac: {  	v3 =	vld [tilespmem:s25+$0x18270]  }
0x4ad: {  	v4 =	vld [tilespmem:s25+$0x200]  }
0x4ae: {  	v5 =	vld [tilespmem:s25+$0x18200]  }
0x4af: {  	v6 =	vld [tilespmem:s25+$0x210]  }
0x4b0: {  	v7 =	vld [tilespmem:s25+$0x18210]  }
0x4b1: {  	v8 =	vld [tilespmem:s25+$0x220]  }
0x4b2: {  	v63 =	vld [tilespmem:s25+$0x18220]  }
0x4b3: {  	v3 =	vadd.f32 v3, v2;
	v2 =	vld [tilespmem:s25+$0x230]  }
0x4b4: {  	v5 =	vadd.f32 v5, v4;
	v4 =	vld [tilespmem:s25+$0x18230]  }
0x4b5: {  	v7 =	vadd.f32 v7, v6;
	v6 =	vld [tilespmem:s25+$0x18240];
	[tilespmem:s25+$0x270] =	vst v3  }
0x4b6: {  	v3 =	vld [tilespmem:s25+$0x240];
	[tilespmem:s25+$0x200] =	vst v5  }
0x4b7: {  	[tilespmem:s25+$0x210] =	vst v7;
	v7 =	vadd.f32 v63, v8;
	v5 =	vld [tilespmem:s25+$0x250]  }
.LBB2_32:
0x4b8: {  	s0 =	sadd.s32 $0x8, s0;
	v8 =	vld [tilespmem:s25+$0x18250];
	s23 =	sadd.s32 $0x400, s23  }
0x4b9: {  	s5 =	sand.u32 $0x3C00, s23;
	s6 =	sand.u32 $0x380, s0;
	p0 =	slt.u32 s0, $0x3F8;
	[tilespmem:s25+$0x220] =	vst v7;
	v2 =	vadd.f32 v4, v2;
	v4 =	vld [tilespmem:s25+$0x260]  }
0x4ba: {  	s5 =	sor.u32 s6, s5;
	v7 =	vld [tilespmem:s25+$0x18260]  }
0x4bb: {  	v9 =	vld [tilespmem:s5+$0x270];
	[tilespmem:s25+$0x230] =	vst v2;
	v2 =	vadd.f32 v6, v3  }
0x4bc: {  	v3 =	vld [tilespmem:s5+$0x18270]  }
0x4bd: {  	v6 =	vld [tilespmem:s5+$0x200];
	[tilespmem:s25+$0x240] =	vst v2;
	v2 =	vadd.f32 v8, v5  }
0x4be: {  	v5 =	vld [tilespmem:s5+$0x18200]  }
0x4bf: {  	v8 =	vld [tilespmem:s5+$0x210];
	[tilespmem:s25+$0x250] =	vst v2;
	v2 =	vadd.f32 v7, v4  }
0x4c0: {  	v7 =	vld [tilespmem:s5+$0x18210]  }
0x4c1: {  	v10 =	vld [tilespmem:s5+$0x220];
	v3 =	vadd.f32 v3, v9;
	[tilespmem:s25+$0x260] =	vst v2;
	s25 =	smov.u32 s5  }
0x4c2: {  	v9 =	vld [tilespmem:s25+$0x18220]  }
.Ltmp15:
0x4c3: {  	v5 =	vadd.f32 v5, v6;
	v2 =	vld [tilespmem:s25+$0x230];
	[tilespmem:s25+$0x270] =	vst v3;
	(pc) =	sbr.rel @p0 .LBB2_32-.Ltmp15, $4  }
0x4c4: {  	v4 =	vld [tilespmem:s25+$0x18230]  }
0x4c5: {  	[tilespmem:s25+$0x200] =	vst v5;
	v5 =	vadd.f32 v7, v8;
	v3 =	vld [tilespmem:s25+$0x240]  }
0x4c6: {  	v6 =	vld [tilespmem:s25+$0x18240]  }
0x4c7: {  	[tilespmem:s25+$0x210] =	vst v5;
	v7 =	vadd.f32 v9, v10;
	v5 =	vld [tilespmem:s25+$0x250]  }
0x4c8: {  	v8 =	vld [tilespmem:s25+$0x18250]  }
0x4c9: {  	v9 =	vld [tilespmem:s25+$0x260]  }
0x4ca: {  	v10 =	vld [tilespmem:s25+$0x18260];
	_ =	sdelay $0x1  }
0x4cb: {  	v2 =	vadd.f32 v4, v2  }
0x4cc: {  	[tilespmem:s25+$0x220] =	vst v7;
	v3 =	vadd.f32 v6, v3  }
0x4cd: {  	[tilespmem:s25+$0x230] =	vst v2;
	v2 =	vadd.f32 v8, v5  }
0x4ce: {  	[tilespmem:s25+$0x240] =	vst v3;
	v3 =	vadd.f32 v10, v9  }
0x4cf: {  	[tilespmem:s25+$0x250] =	vst v2  }
0x4d0: {  	[tilespmem:s25+$0x260] =	vst v3  }
0x4d1: {  	s0 =	sld [smem:$0x7F1];
	_ =	sdelay $0x1  }
0x4d2: {  	s23 =	simm.s32 $0x0  }
0x4d3: {  	[hbm4b:s0+s23] =	stream.linear.scatter [tilespmem:s11], [sflag:$0x6], $0x4000, $0x38;
	[tilespmem:$0x1C200] =	vst v63  }
0x4d4: {  	s5 =	simm.s32 $0x18200;
	s25 =	rddreg [dreg:$0x12]  }
0x4d5: {  	[tilespmem:s5], [sflag:$0xC] =	stream.linear.gather [hbm4b:s25+s23], $0x4000, $0x38;
	[tilespmem:$0x1C200] =	vst v63  }
0x4d6: {  	_ =	swait.ge [sflag:s21], $0x4000  }
0x4d7: {  	[sflag:s21] =	ssyncset.done $0x0  }
0x4d8: {  	[sflag:s21] =	ssyncadd.s32 $0xFFFFC000  }
0x4d9: {  	v2 =	vld.msk [tilespmem:$0x1A0], $0xff;
	_ =	sdelay $0x4  }
0x4da: {  	v3 =	vshll.u32 v2, $0x4  }
0x4db: {  	v2 =	vand.u32 $0x7, v2;
	v3 =	vand.u32 $0xFFFFFF80, v3  }
0x4dc: {  	v2 =	vor.u32 v2, v3  }
0x4dd: {  	v2 =	vperm.xlane v2, v0;
	_ =	sdelay $0x1  }
0x4de: {  	v2 =	vadd.s32 v1, v2;
	_ =	sdelay $0x4  }
0x4df: {  	[tilespmem:s10], [sflag:$0x5] =	stream.indirect_vreg.gather [hbm4b:s1+s23], $0x80, v2, vm0, $0xb8;
	[tilespmem:$0x1C200] =	vst v63  }
0x4e0: {  	s6 =	simm.s32 $0x10A00  }
0x4e1: {  	[tilespmem:s6], [sflag:$0x5] =	stream.indirect_vreg.gather [hbm4b:s24+s23], $0x80, v2, vm0, $0xb8;
	[tilespmem:$0x1C200] =	vst v63  }
0x4e2: {  	s25 =	simm.s32 $0x11200  }
0x4e3: {  	[tilespmem:s25], [sflag:$0x5] =	stream.indirect_vreg.gather [hbm4b:s26+s23], $0x80, v2, vm0, $0xb8;
	[tilespmem:$0x1C200] =	vst v63  }
0x4e4: {  	s5 =	simm.s32 $0x11A00  }
0x4e5: {  	[tilespmem:s5], [sflag:$0x5] =	stream.indirect_vreg.gather [hbm4b:s28+s23], $0x80, v2, vm0, $0xb8;
	[tilespmem:$0x1C200] =	vst v63  }
0x4e6: {  	s6 =	simm.s32 $0x12200  }
0x4e7: {  	[tilespmem:s6], [sflag:$0x5] =	stream.indirect_vreg.gather [hbm4b:s29+s23], $0x80, v2, vm0, $0xb8;
	[tilespmem:$0x1C200] =	vst v63  }
0x4e8: {  	s25 =	simm.s32 $0x12A00  }
0x4e9: {  	[tilespmem:s25], [sflag:$0x5] =	stream.indirect_vreg.gather [hbm4b:s30+s23], $0x80, v2, vm0, $0xb8;
	[tilespmem:$0x1C200] =	vst v63  }
0x4ea: {  	s5 =	simm.s32 $0x13200  }
0x4eb: {  	[tilespmem:s5], [sflag:$0x5] =	stream.indirect_vreg.gather [hbm4b:s31+s23], $0x80, v2, vm0, $0xb8;
	[tilespmem:$0x1C200] =	vst v63  }
0x4ec: {  	s6 =	simm.s32 $0x13A00  }
0x4ed: {  	[tilespmem:s6], [sflag:$0x5] =	stream.indirect_vreg.gather [hbm4b:s2+s23], $0x80, v2, vm0, $0xb8;
	[tilespmem:$0x1C200] =	vst v63  }
0x4ee: {  	_ =	swait.ge [sflag:s7], $0x4000  }
0x4ef: {  	[sflag:s7] =	ssyncset.done $0x0  }
0x4f0: {  	[sflag:s7] =	ssyncadd.s32 $0xFFFFC000  }
0x4f1: {  	s0 =	simm.s32 $0x0;
	_ =	swait.ge [sflag:s9], $0x4000  }
0x4f2: {  	s25 =	sand.u32 $0x3C00, s23;
	s6 =	sand.u32 $0x380, s0;
	[sflag:s9] =	ssyncset.done $0x0  }
0x4f3: {  	s25 =	sor.u32 s6, s25;
	[sflag:s9] =	ssyncadd.s32 $0xFFFFC000  }
0x4f4: {  	v2 =	vld [tilespmem:s25+$0x4270]  }
0x4f5: {  	v3 =	vld [tilespmem:s25+$0x14270]  }
0x4f6: {  	v4 =	vld [tilespmem:s25+$0x4200]  }
0x4f7: {  	v5 =	vld [tilespmem:s25+$0x14200]  }
0x4f8: {  	v6 =	vld [tilespmem:s25+$0x4210]  }
0x4f9: {  	v7 =	vld [tilespmem:s25+$0x14210]  }
0x4fa: {  	v8 =	vld [tilespmem:s25+$0x4220]  }
0x4fb: {  	v63 =	vld [tilespmem:s25+$0x14220]  }
0x4fc: {  	v3 =	vadd.f32 v3, v2;
	v2 =	vld [tilespmem:s25+$0x4230]  }
0x4fd: {  	v5 =	vadd.f32 v5, v4;
	v4 =	vld [tilespmem:s25+$0x14230]  }
0x4fe: {  	v7 =	vadd.f32 v7, v6;
	v6 =	vld [tilespmem:s25+$0x14240];
	[tilespmem:s25+$0x4270] =	vst v3  }
0x4ff: {  	v3 =	vld [tilespmem:s25+$0x4240];
	[tilespmem:s25+$0x4200] =	vst v5  }
0x500: {  	[tilespmem:s25+$0x4210] =	vst v7;
	v7 =	vadd.f32 v63, v8;
	v5 =	vld [tilespmem:s25+$0x4250]  }
.LBB2_34:
0x501: {  	s0 =	sadd.s32 $0x8, s0;
	v8 =	vld [tilespmem:s25+$0x14250];
	s23 =	sadd.s32 $0x400, s23  }
0x502: {  	s5 =	sand.u32 $0x3C00, s23;
	s6 =	sand.u32 $0x380, s0;
	p0 =	slt.u32 s0, $0x3F8;
	[tilespmem:s25+$0x4220] =	vst v7;
	v2 =	vadd.f32 v4, v2;
	v4 =	vld [tilespmem:s25+$0x4260]  }
0x503: {  	s5 =	sor.u32 s6, s5;
	v7 =	vld [tilespmem:s25+$0x14260]  }
0x504: {  	v9 =	vld [tilespmem:s5+$0x4270];
	[tilespmem:s25+$0x4230] =	vst v2;
	v2 =	vadd.f32 v6, v3  }
0x505: {  	v3 =	vld [tilespmem:s5+$0x14270]  }
0x506: {  	v6 =	vld [tilespmem:s5+$0x4200];
	[tilespmem:s25+$0x4240] =	vst v2;
	v2 =	vadd.f32 v8, v5  }
0x507: {  	v5 =	vld [tilespmem:s5+$0x14200]  }
0x508: {  	v8 =	vld [tilespmem:s5+$0x4210];
	[tilespmem:s25+$0x4250] =	vst v2;
	v2 =	vadd.f32 v7, v4  }
0x509: {  	v7 =	vld [tilespmem:s5+$0x14210]  }
0x50a: {  	v10 =	vld [tilespmem:s5+$0x4220];
	v3 =	vadd.f32 v3, v9;
	[tilespmem:s25+$0x4260] =	vst v2;
	s25 =	smov.u32 s5  }
0x50b: {  	v9 =	vld [tilespmem:s25+$0x14220]  }
.Ltmp16:
0x50c: {  	v5 =	vadd.f32 v5, v6;
	v2 =	vld [tilespmem:s25+$0x4230];
	[tilespmem:s25+$0x4270] =	vst v3;
	(pc) =	sbr.rel @p0 .LBB2_34-.Ltmp16, $4  }
0x50d: {  	v4 =	vld [tilespmem:s25+$0x14230]  }
0x50e: {  	[tilespmem:s25+$0x4200] =	vst v5;
	v5 =	vadd.f32 v7, v8;
	v3 =	vld [tilespmem:s25+$0x4240]  }
0x50f: {  	v6 =	vld [tilespmem:s25+$0x14240]  }
0x510: {  	[tilespmem:s25+$0x4210] =	vst v5;
	v7 =	vadd.f32 v9, v10;
	v5 =	vld [tilespmem:s25+$0x4250]  }
0x511: {  	v8 =	vld [tilespmem:s25+$0x14250]  }
0x512: {  	v9 =	vld [tilespmem:s25+$0x4260]  }
0x513: {  	v10 =	vld [tilespmem:s25+$0x14260];
	_ =	sdelay $0x1  }
0x514: {  	v2 =	vadd.f32 v4, v2  }
0x515: {  	[tilespmem:s25+$0x4220] =	vst v7;
	v3 =	vadd.f32 v6, v3  }
0x516: {  	[tilespmem:s25+$0x4230] =	vst v2;
	v2 =	vadd.f32 v8, v5  }
0x517: {  	[tilespmem:s25+$0x4240] =	vst v3;
	v3 =	vadd.f32 v10, v9  }
0x518: {  	[tilespmem:s25+$0x4250] =	vst v2  }
0x519: {  	[tilespmem:s25+$0x4260] =	vst v3  }
0x51a: {  	s23 =	simm.s32 $0x0;
	s0 =	rddreg [dreg:$0x13]  }
0x51b: {  	[hbm4b:s0+s23] =	stream.linear.scatter [tilespmem:s19], [sflag:$0x7], $0x4000, $0x38;
	[tilespmem:$0x1C200] =	vst v63  }
0x51c: {  	_ =	swait.ge [sflag:s12], $0x4000  }
0x51d: {  	[sflag:s12] =	ssyncset.done $0x0  }
0x51e: {  	[sflag:s12] =	ssyncadd.s32 $0xFFFFC000  }
0x51f: {  	v2 =	vld.msk [tilespmem:$0x28], $0xff;
	_ =	sdelay $0x4  }
0x520: {  	v3 =	vshll.u32 v2, $0x4  }
0x521: {  	v2 =	vand.u32 $0x7, v2;
	v3 =	vand.u32 $0xFFFFFF80, v3  }
0x522: {  	v2 =	vor.u32 v2, v3  }
0x523: {  	v2 =	vperm.xlane v2, v0;
	_ =	sdelay $0x1  }
0x524: {  	v2 =	vadd.s32 v1, v2;
	_ =	sdelay $0x4  }
0x525: {  	[tilespmem:s11], [sflag:$0x1] =	stream.indirect_vreg.gather [hbm4b:s1+s23], $0x80, v2, vm0, $0xb8;
	[tilespmem:$0x1C200] =	vst v63  }
0x526: {  	s25 =	simm.s32 $0xA00  }
0x527: {  	[tilespmem:s25], [sflag:$0x1] =	stream.indirect_vreg.gather [hbm4b:s24+s23], $0x80, v2, vm0, $0xb8;
	[tilespmem:$0x1C200] =	vst v63  }
0x528: {  	s5 =	simm.s32 $0x1200  }
0x529: {  	[tilespmem:s5], [sflag:$0x1] =	stream.indirect_vreg.gather [hbm4b:s26+s23], $0x80, v2, vm0, $0xb8;
	[tilespmem:$0x1C200] =	vst v63  }
0x52a: {  	s6 =	simm.s32 $0x1A00  }
0x52b: {  	[tilespmem:s6], [sflag:$0x1] =	stream.indirect_vreg.gather [hbm4b:s28+s23], $0x80, v2, vm0, $0xb8;
	[tilespmem:$0x1C200] =	vst v63  }
0x52c: {  	s25 =	simm.s32 $0x2200  }
0x52d: {  	[tilespmem:s25], [sflag:$0x1] =	stream.indirect_vreg.gather [hbm4b:s29+s23], $0x80, v2, vm0, $0xb8;
	[tilespmem:$0x1C200] =	vst v63  }
0x52e: {  	s5 =	simm.s32 $0x2A00  }
0x52f: {  	[tilespmem:s5], [sflag:$0x1] =	stream.indirect_vreg.gather [hbm4b:s30+s23], $0x80, v2, vm0, $0xb8;
	[tilespmem:$0x1C200] =	vst v63  }
0x530: {  	s6 =	simm.s32 $0x3200  }
0x531: {  	[tilespmem:s6], [sflag:$0x1] =	stream.indirect_vreg.gather [hbm4b:s31+s23], $0x80, v2, vm0, $0xb8;
	[tilespmem:$0x1C200] =	vst v63  }
0x532: {  	s25 =	simm.s32 $0x3A00  }
0x533: {  	[tilespmem:s25], [sflag:$0x1] =	stream.indirect_vreg.gather [hbm4b:s2+s23], $0x80, v2, vm0, $0xb8;
	[tilespmem:$0x1C200] =	vst v63  }
0x534: {  	s0 =	simm.s32 $0x0;
	_ =	swait.ge [sflag:s13], $0x4000  }
0x535: {  	s5 =	sand.u32 $0x3C00, s23;
	s6 =	sand.u32 $0x380, s0;
	[sflag:s13] =	ssyncset.done $0x0  }
0x536: {  	s25 =	sor.u32 s6, s5;
	[sflag:s13] =	ssyncadd.s32 $0xFFFFC000  }
0x537: {  	v2 =	vld [tilespmem:s25+$0x8270]  }
0x538: {  	v3 =	vld [tilespmem:s25+$0x14270]  }
0x539: {  	v4 =	vld [tilespmem:s25+$0x8200]  }
0x53a: {  	v5 =	vld [tilespmem:s25+$0x14200]  }
0x53b: {  	v6 =	vld [tilespmem:s25+$0x8210]  }
0x53c: {  	v7 =	vld [tilespmem:s25+$0x14210]  }
0x53d: {  	v8 =	vld [tilespmem:s25+$0x8220]  }
0x53e: {  	v63 =	vld [tilespmem:s25+$0x14220]  }
0x53f: {  	v3 =	vadd.f32 v3, v2;
	v2 =	vld [tilespmem:s25+$0x8230]  }
0x540: {  	v5 =	vadd.f32 v5, v4;
	v4 =	vld [tilespmem:s25+$0x14230]  }
0x541: {  	v7 =	vadd.f32 v7, v6;
	v6 =	vld [tilespmem:s25+$0x14240];
	[tilespmem:s25+$0x8270] =	vst v3  }
0x542: {  	v3 =	vld [tilespmem:s25+$0x8240];
	[tilespmem:s25+$0x8200] =	vst v5  }
0x543: {  	[tilespmem:s25+$0x8210] =	vst v7;
	v7 =	vadd.f32 v63, v8;
	v5 =	vld [tilespmem:s25+$0x8250]  }
.LBB2_36:
0x544: {  	s0 =	sadd.s32 $0x8, s0;
	v8 =	vld [tilespmem:s25+$0x14250];
	s23 =	sadd.s32 $0x400, s23  }
0x545: {  	s5 =	sand.u32 $0x3C00, s23;
	s6 =	sand.u32 $0x380, s0;
	p0 =	slt.u32 s0, $0x3F8;
	[tilespmem:s25+$0x8220] =	vst v7;
	v2 =	vadd.f32 v4, v2;
	v4 =	vld [tilespmem:s25+$0x8260]  }
0x546: {  	s5 =	sor.u32 s6, s5;
	v7 =	vld [tilespmem:s25+$0x14260]  }
0x547: {  	v9 =	vld [tilespmem:s5+$0x8270];
	[tilespmem:s25+$0x8230] =	vst v2;
	v2 =	vadd.f32 v6, v3  }
0x548: {  	v3 =	vld [tilespmem:s5+$0x14270]  }
0x549: {  	v6 =	vld [tilespmem:s5+$0x8200];
	[tilespmem:s25+$0x8240] =	vst v2;
	v2 =	vadd.f32 v8, v5  }
0x54a: {  	v5 =	vld [tilespmem:s5+$0x14200]  }
0x54b: {  	v8 =	vld [tilespmem:s5+$0x8210];
	[tilespmem:s25+$0x8250] =	vst v2;
	v2 =	vadd.f32 v7, v4  }
0x54c: {  	v7 =	vld [tilespmem:s5+$0x14210]  }
0x54d: {  	v10 =	vld [tilespmem:s5+$0x8220];
	v3 =	vadd.f32 v3, v9;
	[tilespmem:s25+$0x8260] =	vst v2;
	s25 =	smov.u32 s5  }
0x54e: {  	v9 =	vld [tilespmem:s25+$0x14220]  }
.Ltmp17:
0x54f: {  	v5 =	vadd.f32 v5, v6;
	v2 =	vld [tilespmem:s25+$0x8230];
	[tilespmem:s25+$0x8270] =	vst v3;
	(pc) =	sbr.rel @p0 .LBB2_36-.Ltmp17, $4  }
0x550: {  	v4 =	vld [tilespmem:s25+$0x14230]  }
0x551: {  	[tilespmem:s25+$0x8200] =	vst v5;
	v5 =	vadd.f32 v7, v8;
	v3 =	vld [tilespmem:s25+$0x8240]  }
0x552: {  	v6 =	vld [tilespmem:s25+$0x14240]  }
0x553: {  	[tilespmem:s25+$0x8210] =	vst v5;
	v7 =	vadd.f32 v9, v10;
	v5 =	vld [tilespmem:s25+$0x8250]  }
0x554: {  	v8 =	vld [tilespmem:s25+$0x14250]  }
0x555: {  	v9 =	vld [tilespmem:s25+$0x8260]  }
0x556: {  	v10 =	vld [tilespmem:s25+$0x14260];
	_ =	sdelay $0x1  }
0x557: {  	v2 =	vadd.f32 v4, v2  }
0x558: {  	[tilespmem:s25+$0x8220] =	vst v7;
	v3 =	vadd.f32 v6, v3  }
0x559: {  	[tilespmem:s25+$0x8230] =	vst v2;
	v2 =	vadd.f32 v8, v5  }
0x55a: {  	[tilespmem:s25+$0x8240] =	vst v3;
	v3 =	vadd.f32 v10, v9  }
0x55b: {  	[tilespmem:s25+$0x8250] =	vst v2  }
0x55c: {  	[tilespmem:s25+$0x8260] =	vst v3  }
0x55d: {  	s0 =	sld [smem:$0x7F2];
	_ =	sdelay $0x1  }
0x55e: {  	s23 =	simm.s32 $0x0;
	s5 =	simm.s32 $0x8200  }
0x55f: {  	[hbm4b:s0+s23] =	stream.linear.scatter [tilespmem:s5], [sflag:$0x8], $0x4000, $0x38;
	[tilespmem:$0x1C200] =	vst v63  }
0x560: {  	_ =	swait.ge [sflag:s14], $0x4000  }
0x561: {  	[sflag:s14] =	ssyncset.done $0x0  }
0x562: {  	[sflag:s14] =	ssyncadd.s32 $0xFFFFC000  }
0x563: {  	v2 =	vld.msk [tilespmem:$0xA8], $0xff;
	_ =	sdelay $0x4  }
0x564: {  	v3 =	vshll.u32 v2, $0x4  }
0x565: {  	v2 =	vand.u32 $0x7, v2;
	v3 =	vand.u32 $0xFFFFFF80, v3  }
0x566: {  	v2 =	vor.u32 v2, v3  }
0x567: {  	v2 =	vperm.xlane v2, v0;
	_ =	sdelay $0x1  }
0x568: {  	v2 =	vadd.s32 v1, v2;
	_ =	sdelay $0x4  }
0x569: {  	[tilespmem:s19], [sflag:$0x2] =	stream.indirect_vreg.gather [hbm4b:s1+s23], $0x80, v2, vm0, $0xb8;
	[tilespmem:$0x1C200] =	vst v63  }
0x56a: {  	s6 =	simm.s32 $0x4A00  }
0x56b: {  	[tilespmem:s6], [sflag:$0x2] =	stream.indirect_vreg.gather [hbm4b:s24+s23], $0x80, v2, vm0, $0xb8;
	[tilespmem:$0x1C200] =	vst v63  }
0x56c: {  	s25 =	simm.s32 $0x5200  }
0x56d: {  	[tilespmem:s25], [sflag:$0x2] =	stream.indirect_vreg.gather [hbm4b:s26+s23], $0x80, v2, vm0, $0xb8;
	[tilespmem:$0x1C200] =	vst v63  }
0x56e: {  	s5 =	simm.s32 $0x5A00  }
0x56f: {  	[tilespmem:s5], [sflag:$0x2] =	stream.indirect_vreg.gather [hbm4b:s28+s23], $0x80, v2, vm0, $0xb8;
	[tilespmem:$0x1C200] =	vst v63  }
0x570: {  	s6 =	simm.s32 $0x6200  }
0x571: {  	[tilespmem:s6], [sflag:$0x2] =	stream.indirect_vreg.gather [hbm4b:s29+s23], $0x80, v2, vm0, $0xb8;
	[tilespmem:$0x1C200] =	vst v63  }
0x572: {  	s25 =	simm.s32 $0x6A00  }
0x573: {  	[tilespmem:s25], [sflag:$0x2] =	stream.indirect_vreg.gather [hbm4b:s30+s23], $0x80, v2, vm0, $0xb8;
	[tilespmem:$0x1C200] =	vst v63  }
0x574: {  	s5 =	simm.s32 $0x7200  }
0x575: {  	[tilespmem:s5], [sflag:$0x2] =	stream.indirect_vreg.gather [hbm4b:s31+s23], $0x80, v2, vm0, $0xb8;
	[tilespmem:$0x1C200] =	vst v63  }
0x576: {  	s6 =	simm.s32 $0x7A00  }
0x577: {  	[tilespmem:s6], [sflag:$0x2] =	stream.indirect_vreg.gather [hbm4b:s2+s23], $0x80, v2, vm0, $0xb8;
	[tilespmem:$0x1C200] =	vst v63  }
0x578: {  	s0 =	simm.s32 $0x0;
	_ =	swait.ge [sflag:s15], $0x4000  }
0x579: {  	s25 =	sand.u32 $0x3C00, s23;
	s6 =	sand.u32 $0x380, s0;
	[sflag:s15] =	ssyncset.done $0x0  }
0x57a: {  	s25 =	sor.u32 s6, s25;
	[sflag:s15] =	ssyncadd.s32 $0xFFFFC000  }
0x57b: {  	v2 =	vld [tilespmem:s25+$0xC270]  }
0x57c: {  	v3 =	vld [tilespmem:s25+$0x14270]  }
0x57d: {  	v4 =	vld [tilespmem:s25+$0xC200]  }
0x57e: {  	v5 =	vld [tilespmem:s25+$0x14200]  }
0x57f: {  	v6 =	vld [tilespmem:s25+$0xC210]  }
0x580: {  	v7 =	vld [tilespmem:s25+$0x14210]  }
0x581: {  	v8 =	vld [tilespmem:s25+$0xC220]  }
0x582: {  	v63 =	vld [tilespmem:s25+$0x14220]  }
0x583: {  	v3 =	vadd.f32 v3, v2;
	v2 =	vld [tilespmem:s25+$0xC230]  }
0x584: {  	v5 =	vadd.f32 v5, v4;
	v4 =	vld [tilespmem:s25+$0x14230]  }
0x585: {  	v7 =	vadd.f32 v7, v6;
	v6 =	vld [tilespmem:s25+$0x14240];
	[tilespmem:s25+$0xC270] =	vst v3  }
0x586: {  	v3 =	vld [tilespmem:s25+$0xC240];
	[tilespmem:s25+$0xC200] =	vst v5  }
0x587: {  	[tilespmem:s25+$0xC210] =	vst v7;
	v7 =	vadd.f32 v63, v8;
	v5 =	vld [tilespmem:s25+$0xC250]  }
.LBB2_38:
0x588: {  	s0 =	sadd.s32 $0x8, s0;
	v8 =	vld [tilespmem:s25+$0x14250];
	s23 =	sadd.s32 $0x400, s23  }
0x589: {  	s5 =	sand.u32 $0x3C00, s23;
	s6 =	sand.u32 $0x380, s0;
	p0 =	slt.u32 s0, $0x3F8;
	[tilespmem:s25+$0xC220] =	vst v7;
	v2 =	vadd.f32 v4, v2;
	v4 =	vld [tilespmem:s25+$0xC260]  }
0x58a: {  	s5 =	sor.u32 s6, s5;
	v7 =	vld [tilespmem:s25+$0x14260]  }
0x58b: {  	v9 =	vld [tilespmem:s5+$0xC270];
	[tilespmem:s25+$0xC230] =	vst v2;
	v2 =	vadd.f32 v6, v3  }
0x58c: {  	v3 =	vld [tilespmem:s5+$0x14270]  }
0x58d: {  	v6 =	vld [tilespmem:s5+$0xC200];
	[tilespmem:s25+$0xC240] =	vst v2;
	v2 =	vadd.f32 v8, v5  }
0x58e: {  	v5 =	vld [tilespmem:s5+$0x14200]  }
0x58f: {  	v8 =	vld [tilespmem:s5+$0xC210];
	[tilespmem:s25+$0xC250] =	vst v2;
	v2 =	vadd.f32 v7, v4  }
0x590: {  	v7 =	vld [tilespmem:s5+$0x14210]  }
0x591: {  	v10 =	vld [tilespmem:s5+$0xC220];
	v3 =	vadd.f32 v3, v9;
	[tilespmem:s25+$0xC260] =	vst v2;
	s25 =	smov.u32 s5  }
0x592: {  	v9 =	vld [tilespmem:s25+$0x14220]  }
.Ltmp18:
0x593: {  	v5 =	vadd.f32 v5, v6;
	v2 =	vld [tilespmem:s25+$0xC230];
	[tilespmem:s25+$0xC270] =	vst v3;
	(pc) =	sbr.rel @p0 .LBB2_38-.Ltmp18, $4  }
0x594: {  	v4 =	vld [tilespmem:s25+$0x14230]  }
0x595: {  	[tilespmem:s25+$0xC200] =	vst v5;
	v5 =	vadd.f32 v7, v8;
	v3 =	vld [tilespmem:s25+$0xC240]  }
0x596: {  	v6 =	vld [tilespmem:s25+$0x14240]  }
0x597: {  	[tilespmem:s25+$0xC210] =	vst v5;
	v7 =	vadd.f32 v9, v10;
	v5 =	vld [tilespmem:s25+$0xC250]  }
0x598: {  	v8 =	vld [tilespmem:s25+$0x14250]  }
0x599: {  	v9 =	vld [tilespmem:s25+$0xC260]  }
0x59a: {  	v10 =	vld [tilespmem:s25+$0x14260];
	_ =	sdelay $0x1  }
0x59b: {  	v2 =	vadd.f32 v4, v2  }
0x59c: {  	[tilespmem:s25+$0xC220] =	vst v7;
	v3 =	vadd.f32 v6, v3  }
0x59d: {  	[tilespmem:s25+$0xC230] =	vst v2;
	v2 =	vadd.f32 v8, v5  }
0x59e: {  	[tilespmem:s25+$0xC240] =	vst v3;
	v3 =	vadd.f32 v10, v9  }
0x59f: {  	[tilespmem:s25+$0xC250] =	vst v2  }
0x5a0: {  	[tilespmem:s25+$0xC260] =	vst v3  }
0x5a1: {  	s0 =	sld [smem:$0x7F3];
	_ =	sdelay $0x1  }
0x5a2: {  	s23 =	simm.s32 $0x0  }
0x5a3: {  	[hbm4b:s0+s23] =	stream.linear.scatter [tilespmem:s8], [sflag:$0x9], $0x4000, $0x38;
	[tilespmem:$0x1C200] =	vst v63  }
0x5a4: {  	_ =	swait.ge [sflag:s16], $0x4000  }
0x5a5: {  	[sflag:s16] =	ssyncset.done $0x0  }
0x5a6: {  	[sflag:s16] =	ssyncadd.s32 $0xFFFFC000  }
0x5a7: {  	v2 =	vld.msk [tilespmem:$0x128], $0xff;
	_ =	sdelay $0x4  }
0x5a8: {  	v3 =	vshll.u32 v2, $0x4  }
0x5a9: {  	v2 =	vand.u32 $0x7, v2;
	v3 =	vand.u32 $0xFFFFFF80, v3  }
0x5aa: {  	v2 =	vor.u32 v2, v3  }
0x5ab: {  	v2 =	vperm.xlane v2, v0;
	_ =	sdelay $0x1  }
0x5ac: {  	v2 =	vadd.s32 v1, v2;
	_ =	sdelay $0x3  }
0x5ad: {  	s6 =	simm.s32 $0x8200  }
0x5ae: {  	[tilespmem:s6], [sflag:$0x3] =	stream.indirect_vreg.gather [hbm4b:s1+s23], $0x80, v2, vm0, $0xb8;
	[tilespmem:$0x1C200] =	vst v63  }
0x5af: {  	s25 =	simm.s32 $0x8A00  }
0x5b0: {  	[tilespmem:s25], [sflag:$0x3] =	stream.indirect_vreg.gather [hbm4b:s24+s23], $0x80, v2, vm0, $0xb8;
	[tilespmem:$0x1C200] =	vst v63  }
0x5b1: {  	s5 =	simm.s32 $0x9200  }
0x5b2: {  	[tilespmem:s5], [sflag:$0x3] =	stream.indirect_vreg.gather [hbm4b:s26+s23], $0x80, v2, vm0, $0xb8;
	[tilespmem:$0x1C200] =	vst v63  }
0x5b3: {  	s6 =	simm.s32 $0x9A00  }
0x5b4: {  	[tilespmem:s6], [sflag:$0x3] =	stream.indirect_vreg.gather [hbm4b:s28+s23], $0x80, v2, vm0, $0xb8;
	[tilespmem:$0x1C200] =	vst v63  }
0x5b5: {  	s25 =	simm.s32 $0xA200  }
0x5b6: {  	[tilespmem:s25], [sflag:$0x3] =	stream.indirect_vreg.gather [hbm4b:s29+s23], $0x80, v2, vm0, $0xb8;
	[tilespmem:$0x1C200] =	vst v63  }
0x5b7: {  	s5 =	simm.s32 $0xAA00  }
0x5b8: {  	[tilespmem:s5], [sflag:$0x3] =	stream.indirect_vreg.gather [hbm4b:s30+s23], $0x80, v2, vm0, $0xb8;
	[tilespmem:$0x1C200] =	vst v63  }
0x5b9: {  	s6 =	simm.s32 $0xB200  }
0x5ba: {  	[tilespmem:s6], [sflag:$0x3] =	stream.indirect_vreg.gather [hbm4b:s31+s23], $0x80, v2, vm0, $0xb8;
	[tilespmem:$0x1C200] =	vst v63  }
0x5bb: {  	s25 =	simm.s32 $0xBA00  }
0x5bc: {  	[tilespmem:s25], [sflag:$0x3] =	stream.indirect_vreg.gather [hbm4b:s2+s23], $0x80, v2, vm0, $0xb8;
	[tilespmem:$0x1C200] =	vst v63  }
0x5bd: {  	s0 =	simm.s32 $0x0;
	_ =	swait.ge [sflag:s17], $0x4000  }
0x5be: {  	s5 =	sand.u32 $0x3C00, s23;
	s6 =	sand.u32 $0x380, s0;
	[sflag:s17] =	ssyncset.done $0x0  }
0x5bf: {  	s25 =	sor.u32 s6, s5;
	[sflag:s17] =	ssyncadd.s32 $0xFFFFC000  }
0x5c0: {  	v2 =	vld [tilespmem:s25+$0x10270]  }
0x5c1: {  	v3 =	vld [tilespmem:s25+$0x14270]  }
0x5c2: {  	v4 =	vld [tilespmem:s25+$0x10200]  }
0x5c3: {  	v5 =	vld [tilespmem:s25+$0x14200]  }
0x5c4: {  	v6 =	vld [tilespmem:s25+$0x10210]  }
0x5c5: {  	v7 =	vld [tilespmem:s25+$0x14210]  }
0x5c6: {  	v8 =	vld [tilespmem:s25+$0x10220]  }
0x5c7: {  	v63 =	vld [tilespmem:s25+$0x14220]  }
0x5c8: {  	v3 =	vadd.f32 v3, v2;
	v2 =	vld [tilespmem:s25+$0x10230]  }
0x5c9: {  	v5 =	vadd.f32 v5, v4;
	v4 =	vld [tilespmem:s25+$0x14230]  }
0x5ca: {  	v7 =	vadd.f32 v7, v6;
	v6 =	vld [tilespmem:s25+$0x14240];
	[tilespmem:s25+$0x10270] =	vst v3  }
0x5cb: {  	v3 =	vld [tilespmem:s25+$0x10240];
	[tilespmem:s25+$0x10200] =	vst v5  }
0x5cc: {  	[tilespmem:s25+$0x10210] =	vst v7;
	v7 =	vadd.f32 v63, v8;
	v5 =	vld [tilespmem:s25+$0x10250]  }
.LBB2_40:
0x5cd: {  	s0 =	sadd.s32 $0x8, s0;
	v8 =	vld [tilespmem:s25+$0x14250];
	s23 =	sadd.s32 $0x400, s23  }
0x5ce: {  	s5 =	sand.u32 $0x3C00, s23;
	s6 =	sand.u32 $0x380, s0;
	p0 =	slt.u32 s0, $0x3F8;
	[tilespmem:s25+$0x10220] =	vst v7;
	v2 =	vadd.f32 v4, v2;
	v4 =	vld [tilespmem:s25+$0x10260]  }
0x5cf: {  	s5 =	sor.u32 s6, s5;
	v7 =	vld [tilespmem:s25+$0x14260]  }
0x5d0: {  	v9 =	vld [tilespmem:s5+$0x10270];
	[tilespmem:s25+$0x10230] =	vst v2;
	v2 =	vadd.f32 v6, v3  }
0x5d1: {  	v3 =	vld [tilespmem:s5+$0x14270]  }
0x5d2: {  	v6 =	vld [tilespmem:s5+$0x10200];
	[tilespmem:s25+$0x10240] =	vst v2;
	v2 =	vadd.f32 v8, v5  }
0x5d3: {  	v5 =	vld [tilespmem:s5+$0x14200]  }
0x5d4: {  	v8 =	vld [tilespmem:s5+$0x10210];
	[tilespmem:s25+$0x10250] =	vst v2;
	v2 =	vadd.f32 v7, v4  }
0x5d5: {  	v7 =	vld [tilespmem:s5+$0x14210]  }
0x5d6: {  	v10 =	vld [tilespmem:s5+$0x10220];
	v3 =	vadd.f32 v3, v9;
	[tilespmem:s25+$0x10260] =	vst v2;
	s25 =	smov.u32 s5  }
0x5d7: {  	v9 =	vld [tilespmem:s25+$0x14220]  }
.Ltmp19:
0x5d8: {  	v5 =	vadd.f32 v5, v6;
	v2 =	vld [tilespmem:s25+$0x10230];
	[tilespmem:s25+$0x10270] =	vst v3;
	(pc) =	sbr.rel @p0 .LBB2_40-.Ltmp19, $4  }
0x5d9: {  	v4 =	vld [tilespmem:s25+$0x14230]  }
0x5da: {  	[tilespmem:s25+$0x10200] =	vst v5;
	v5 =	vadd.f32 v7, v8;
	v3 =	vld [tilespmem:s25+$0x10240]  }
0x5db: {  	v6 =	vld [tilespmem:s25+$0x14240]  }
0x5dc: {  	[tilespmem:s25+$0x10210] =	vst v5;
	v7 =	vadd.f32 v9, v10;
	v5 =	vld [tilespmem:s25+$0x10250]  }
0x5dd: {  	v8 =	vld [tilespmem:s25+$0x14250]  }
0x5de: {  	v9 =	vld [tilespmem:s25+$0x10260]  }
0x5df: {  	v10 =	vld [tilespmem:s25+$0x14260];
	_ =	sdelay $0x1  }
0x5e0: {  	v2 =	vadd.f32 v4, v2  }
0x5e1: {  	[tilespmem:s25+$0x10220] =	vst v7;
	v3 =	vadd.f32 v6, v3  }
0x5e2: {  	[tilespmem:s25+$0x10230] =	vst v2;
	v2 =	vadd.f32 v8, v5  }
0x5e3: {  	[tilespmem:s25+$0x10240] =	vst v3;
	v3 =	vadd.f32 v10, v9  }
0x5e4: {  	[tilespmem:s25+$0x10250] =	vst v2  }
0x5e5: {  	[tilespmem:s25+$0x10260] =	vst v3  }
0x5e6: {  	s0 =	sld [smem:$0x7F4];
	_ =	sdelay $0x1  }
0x5e7: {  	s23 =	simm.s32 $0x0  }
0x5e8: {  	[hbm4b:s0+s23] =	stream.linear.scatter [tilespmem:s10], [sflag:$0xA], $0x4000, $0x38;
	[tilespmem:$0x1C200] =	vst v63  }
0x5e9: {  	s5 =	simm.s32 $0x14200;
	s25 =	rddreg [dreg:$0x14]  }
0x5ea: {  	[tilespmem:s5], [sflag:$0xB] =	stream.linear.gather [hbm4b:s25+s23], $0x4000, $0x38;
	[tilespmem:$0x1C200] =	vst v63  }
0x5eb: {  	_ =	swait.ge [sflag:s20], $0x4000  }
0x5ec: {  	[sflag:s20] =	ssyncset.done $0x0  }
0x5ed: {  	[sflag:s20] =	ssyncadd.s32 $0xFFFFC000  }
0x5ee: {  	v2 =	vld.msk [tilespmem:$0x1A8], $0xff;
	_ =	sdelay $0x4  }
0x5ef: {  	v3 =	vshll.u32 v2, $0x4  }
0x5f0: {  	v2 =	vand.u32 $0x7, v2;
	v3 =	vand.u32 $0xFFFFFF80, v3  }
0x5f1: {  	v2 =	vor.u32 v2, v3  }
0x5f2: {  	v2 =	vperm.xlane v2, v0;
	_ =	sdelay $0x1  }
0x5f3: {  	v2 =	vadd.s32 v1, v2;
	_ =	sdelay $0x4  }
0x5f4: {  	[tilespmem:s8], [sflag:$0x4] =	stream.indirect_vreg.gather [hbm4b:s1+s23], $0x80, v2, vm0, $0xb8;
	[tilespmem:$0x1C200] =	vst v63  }
0x5f5: {  	s6 =	simm.s32 $0xCA00  }
0x5f6: {  	[tilespmem:s6], [sflag:$0x4] =	stream.indirect_vreg.gather [hbm4b:s24+s23], $0x80, v2, vm0, $0xb8;
	[tilespmem:$0x1C200] =	vst v63  }
0x5f7: {  	s25 =	simm.s32 $0xD200  }
0x5f8: {  	[tilespmem:s25], [sflag:$0x4] =	stream.indirect_vreg.gather [hbm4b:s26+s23], $0x80, v2, vm0, $0xb8;
	[tilespmem:$0x1C200] =	vst v63  }
0x5f9: {  	s5 =	simm.s32 $0xDA00  }
0x5fa: {  	[tilespmem:s5], [sflag:$0x4] =	stream.indirect_vreg.gather [hbm4b:s28+s23], $0x80, v2, vm0, $0xb8;
	[tilespmem:$0x1C200] =	vst v63  }
0x5fb: {  	s6 =	simm.s32 $0xE200  }
0x5fc: {  	[tilespmem:s6], [sflag:$0x4] =	stream.indirect_vreg.gather [hbm4b:s29+s23], $0x80, v2, vm0, $0xb8;
	[tilespmem:$0x1C200] =	vst v63  }
0x5fd: {  	s25 =	simm.s32 $0xEA00  }
0x5fe: {  	[tilespmem:s25], [sflag:$0x4] =	stream.indirect_vreg.gather [hbm4b:s30+s23], $0x80, v2, vm0, $0xb8;
	[tilespmem:$0x1C200] =	vst v63  }
0x5ff: {  	s5 =	simm.s32 $0xF200  }
0x600: {  	[tilespmem:s5], [sflag:$0x4] =	stream.indirect_vreg.gather [hbm4b:s31+s23], $0x80, v2, vm0, $0xb8;
	[tilespmem:$0x1C200] =	vst v63  }
0x601: {  	s6 =	simm.s32 $0xFA00  }
0x602: {  	[tilespmem:s6], [sflag:$0x4] =	stream.indirect_vreg.gather [hbm4b:s2+s23], $0x80, v2, vm0, $0xb8;
	[tilespmem:$0x1C200] =	vst v63  }
0x603: {  	_ =	swait.ge [sflag:s4], $0x4000  }
0x604: {  	[sflag:s4] =	ssyncset.done $0x0  }
0x605: {  	[sflag:s4] =	ssyncadd.s32 $0xFFFFC000  }
0x606: {  	s0 =	simm.s32 $0x0;
	_ =	swait.ge [sflag:s18], $0x4000  }
0x607: {  	s25 =	sand.u32 $0x3C00, s23;
	s6 =	sand.u32 $0x380, s0;
	[sflag:s18] =	ssyncset.done $0x0  }
0x608: {  	s25 =	sor.u32 s6, s25;
	[sflag:s18] =	ssyncadd.s32 $0xFFFFC000  }
0x609: {  	v2 =	vld [tilespmem:s25+$0x270]  }
0x60a: {  	v3 =	vld [tilespmem:s25+$0x18270]  }
0x60b: {  	v4 =	vld [tilespmem:s25+$0x200]  }
0x60c: {  	v5 =	vld [tilespmem:s25+$0x18200]  }
0x60d: {  	v6 =	vld [tilespmem:s25+$0x210]  }
0x60e: {  	v7 =	vld [tilespmem:s25+$0x18210]  }
0x60f: {  	v8 =	vld [tilespmem:s25+$0x220]  }
0x610: {  	v63 =	vld [tilespmem:s25+$0x18220]  }
0x611: {  	v3 =	vadd.f32 v3, v2;
	v2 =	vld [tilespmem:s25+$0x230]  }
0x612: {  	v5 =	vadd.f32 v5, v4;
	v4 =	vld [tilespmem:s25+$0x18230]  }
0x613: {  	v7 =	vadd.f32 v7, v6;
	v6 =	vld [tilespmem:s25+$0x18240];
	[tilespmem:s25+$0x270] =	vst v3  }
0x614: {  	v3 =	vld [tilespmem:s25+$0x240];
	[tilespmem:s25+$0x200] =	vst v5  }
0x615: {  	[tilespmem:s25+$0x210] =	vst v7;
	v7 =	vadd.f32 v63, v8;
	v5 =	vld [tilespmem:s25+$0x250]  }
.LBB2_42:
0x616: {  	s0 =	sadd.s32 $0x8, s0;
	v8 =	vld [tilespmem:s25+$0x18250];
	s23 =	sadd.s32 $0x400, s23  }
0x617: {  	s5 =	sand.u32 $0x3C00, s23;
	s6 =	sand.u32 $0x380, s0;
	p0 =	slt.u32 s0, $0x3F8;
	[tilespmem:s25+$0x220] =	vst v7;
	v2 =	vadd.f32 v4, v2;
	v4 =	vld [tilespmem:s25+$0x260]  }
0x618: {  	s5 =	sor.u32 s6, s5;
	v7 =	vld [tilespmem:s25+$0x18260]  }
0x619: {  	v9 =	vld [tilespmem:s5+$0x270];
	[tilespmem:s25+$0x230] =	vst v2;
	v2 =	vadd.f32 v6, v3  }
0x61a: {  	v3 =	vld [tilespmem:s5+$0x18270]  }
0x61b: {  	v6 =	vld [tilespmem:s5+$0x200];
	[tilespmem:s25+$0x240] =	vst v2;
	v2 =	vadd.f32 v8, v5  }
0x61c: {  	v5 =	vld [tilespmem:s5+$0x18200]  }
0x61d: {  	v8 =	vld [tilespmem:s5+$0x210];
	[tilespmem:s25+$0x250] =	vst v2;
	v2 =	vadd.f32 v7, v4  }
0x61e: {  	v7 =	vld [tilespmem:s5+$0x18210]  }
0x61f: {  	v10 =	vld [tilespmem:s5+$0x220];
	v3 =	vadd.f32 v3, v9;
	[tilespmem:s25+$0x260] =	vst v2;
	s25 =	smov.u32 s5  }
0x620: {  	v9 =	vld [tilespmem:s25+$0x18220]  }
.Ltmp20:
0x621: {  	v5 =	vadd.f32 v5, v6;
	v2 =	vld [tilespmem:s25+$0x230];
	[tilespmem:s25+$0x270] =	vst v3;
	(pc) =	sbr.rel @p0 .LBB2_42-.Ltmp20, $4  }
0x622: {  	v4 =	vld [tilespmem:s25+$0x18230]  }
0x623: {  	[tilespmem:s25+$0x200] =	vst v5;
	v5 =	vadd.f32 v7, v8;
	v3 =	vld [tilespmem:s25+$0x240]  }
0x624: {  	v6 =	vld [tilespmem:s25+$0x18240]  }
0x625: {  	[tilespmem:s25+$0x210] =	vst v5;
	v7 =	vadd.f32 v9, v10;
	v5 =	vld [tilespmem:s25+$0x250]  }
0x626: {  	v8 =	vld [tilespmem:s25+$0x18250]  }
0x627: {  	v9 =	vld [tilespmem:s25+$0x260]  }
0x628: {  	v10 =	vld [tilespmem:s25+$0x18260];
	_ =	sdelay $0x1  }
0x629: {  	v2 =	vadd.f32 v4, v2  }
0x62a: {  	[tilespmem:s25+$0x220] =	vst v7;
	v3 =	vadd.f32 v6, v3  }
0x62b: {  	[tilespmem:s25+$0x230] =	vst v2;
	v2 =	vadd.f32 v8, v5  }
0x62c: {  	[tilespmem:s25+$0x240] =	vst v3;
	v3 =	vadd.f32 v10, v9  }
0x62d: {  	[tilespmem:s25+$0x250] =	vst v2  }
0x62e: {  	[tilespmem:s25+$0x260] =	vst v3  }
0x62f: {  	s23 =	simm.s32 $0x0;
	s0 =	rddreg [dreg:$0x15]  }
0x630: {  	[hbm4b:s0+s23] =	stream.linear.scatter [tilespmem:s11], [sflag:$0x6], $0x4000, $0x38;
	[tilespmem:$0x1C200] =	vst v63  }
0x631: {  	_ =	swait.ge [sflag:s21], $0x4000  }
0x632: {  	[sflag:s21] =	ssyncset.done $0x0  }
0x633: {  	[sflag:s21] =	ssyncadd.s32 $0xFFFFC000  }
0x634: {  	v2 =	vld.msk [tilespmem:$0x30], $0xff;
	_ =	sdelay $0x4  }
0x635: {  	v3 =	vshll.u32 v2, $0x4  }
0x636: {  	v2 =	vand.u32 $0x7, v2;
	v3 =	vand.u32 $0xFFFFFF80, v3  }
0x637: {  	v2 =	vor.u32 v2, v3  }
0x638: {  	v2 =	vperm.xlane v2, v0;
	_ =	sdelay $0x1  }
0x639: {  	v2 =	vadd.s32 v1, v2;
	_ =	sdelay $0x4  }
0x63a: {  	[tilespmem:s10], [sflag:$0x5] =	stream.indirect_vreg.gather [hbm4b:s1+s23], $0x80, v2, vm0, $0xb8;
	[tilespmem:$0x1C200] =	vst v63  }
0x63b: {  	s25 =	simm.s32 $0x10A00  }
0x63c: {  	[tilespmem:s25], [sflag:$0x5] =	stream.indirect_vreg.gather [hbm4b:s24+s23], $0x80, v2, vm0, $0xb8;
	[tilespmem:$0x1C200] =	vst v63  }
0x63d: {  	s5 =	simm.s32 $0x11200  }
0x63e: {  	[tilespmem:s5], [sflag:$0x5] =	stream.indirect_vreg.gather [hbm4b:s26+s23], $0x80, v2, vm0, $0xb8;
	[tilespmem:$0x1C200] =	vst v63  }
0x63f: {  	s6 =	simm.s32 $0x11A00  }
0x640: {  	[tilespmem:s6], [sflag:$0x5] =	stream.indirect_vreg.gather [hbm4b:s28+s23], $0x80, v2, vm0, $0xb8;
	[tilespmem:$0x1C200] =	vst v63  }
0x641: {  	s25 =	simm.s32 $0x12200  }
0x642: {  	[tilespmem:s25], [sflag:$0x5] =	stream.indirect_vreg.gather [hbm4b:s29+s23], $0x80, v2, vm0, $0xb8;
	[tilespmem:$0x1C200] =	vst v63  }
0x643: {  	s5 =	simm.s32 $0x12A00  }
0x644: {  	[tilespmem:s5], [sflag:$0x5] =	stream.indirect_vreg.gather [hbm4b:s30+s23], $0x80, v2, vm0, $0xb8;
	[tilespmem:$0x1C200] =	vst v63  }
0x645: {  	s6 =	simm.s32 $0x13200  }
0x646: {  	[tilespmem:s6], [sflag:$0x5] =	stream.indirect_vreg.gather [hbm4b:s31+s23], $0x80, v2, vm0, $0xb8;
	[tilespmem:$0x1C200] =	vst v63  }
0x647: {  	s25 =	simm.s32 $0x13A00  }
0x648: {  	[tilespmem:s25], [sflag:$0x5] =	stream.indirect_vreg.gather [hbm4b:s2+s23], $0x80, v2, vm0, $0xb8;
	[tilespmem:$0x1C200] =	vst v63  }
0x649: {  	s0 =	simm.s32 $0x0;
	_ =	swait.ge [sflag:s7], $0x4000  }
0x64a: {  	s5 =	sand.u32 $0x3C00, s23;
	s6 =	sand.u32 $0x380, s0;
	[sflag:s7] =	ssyncset.done $0x0  }
0x64b: {  	s25 =	sor.u32 s6, s5;
	[sflag:s7] =	ssyncadd.s32 $0xFFFFC000  }
0x64c: {  	v2 =	vld [tilespmem:s25+$0x4270]  }
0x64d: {  	v3 =	vld [tilespmem:s25+$0x18270]  }
0x64e: {  	v4 =	vld [tilespmem:s25+$0x4200]  }
0x64f: {  	v5 =	vld [tilespmem:s25+$0x18200]  }
0x650: {  	v6 =	vld [tilespmem:s25+$0x4210]  }
0x651: {  	v7 =	vld [tilespmem:s25+$0x18210]  }
0x652: {  	v8 =	vld [tilespmem:s25+$0x4220]  }
0x653: {  	v63 =	vld [tilespmem:s25+$0x18220]  }
0x654: {  	v3 =	vadd.f32 v3, v2;
	v2 =	vld [tilespmem:s25+$0x4230]  }
0x655: {  	v5 =	vadd.f32 v5, v4;
	v4 =	vld [tilespmem:s25+$0x18230]  }
0x656: {  	v7 =	vadd.f32 v7, v6;
	v6 =	vld [tilespmem:s25+$0x18240];
	[tilespmem:s25+$0x4270] =	vst v3  }
0x657: {  	v3 =	vld [tilespmem:s25+$0x4240];
	[tilespmem:s25+$0x4200] =	vst v5  }
0x658: {  	[tilespmem:s25+$0x4210] =	vst v7;
	v7 =	vadd.f32 v63, v8;
	v5 =	vld [tilespmem:s25+$0x4250]  }
.LBB2_44:
0x659: {  	s0 =	sadd.s32 $0x8, s0;
	v8 =	vld [tilespmem:s25+$0x18250];
	s23 =	sadd.s32 $0x400, s23  }
0x65a: {  	s5 =	sand.u32 $0x3C00, s23;
	s6 =	sand.u32 $0x380, s0;
	p0 =	slt.u32 s0, $0x3F8;
	[tilespmem:s25+$0x4220] =	vst v7;
	v2 =	vadd.f32 v4, v2;
	v4 =	vld [tilespmem:s25+$0x4260]  }
0x65b: {  	s5 =	sor.u32 s6, s5;
	v7 =	vld [tilespmem:s25+$0x18260]  }
0x65c: {  	v9 =	vld [tilespmem:s5+$0x4270];
	[tilespmem:s25+$0x4230] =	vst v2;
	v2 =	vadd.f32 v6, v3  }
0x65d: {  	v3 =	vld [tilespmem:s5+$0x18270]  }
0x65e: {  	v6 =	vld [tilespmem:s5+$0x4200];
	[tilespmem:s25+$0x4240] =	vst v2;
	v2 =	vadd.f32 v8, v5  }
0x65f: {  	v5 =	vld [tilespmem:s5+$0x18200]  }
0x660: {  	v8 =	vld [tilespmem:s5+$0x4210];
	[tilespmem:s25+$0x4250] =	vst v2;
	v2 =	vadd.f32 v7, v4  }
0x661: {  	v7 =	vld [tilespmem:s5+$0x18210]  }
0x662: {  	v10 =	vld [tilespmem:s5+$0x4220];
	v3 =	vadd.f32 v3, v9;
	[tilespmem:s25+$0x4260] =	vst v2;
	s25 =	smov.u32 s5  }
0x663: {  	v9 =	vld [tilespmem:s25+$0x18220]  }
.Ltmp21:
0x664: {  	v5 =	vadd.f32 v5, v6;
	v2 =	vld [tilespmem:s25+$0x4230];
	[tilespmem:s25+$0x4270] =	vst v3;
	(pc) =	sbr.rel @p0 .LBB2_44-.Ltmp21, $4  }
0x665: {  	v4 =	vld [tilespmem:s25+$0x18230]  }
0x666: {  	[tilespmem:s25+$0x4200] =	vst v5;
	v5 =	vadd.f32 v7, v8;
	v3 =	vld [tilespmem:s25+$0x4240]  }
0x667: {  	v6 =	vld [tilespmem:s25+$0x18240]  }
0x668: {  	[tilespmem:s25+$0x4210] =	vst v5;
	v7 =	vadd.f32 v9, v10;
	v5 =	vld [tilespmem:s25+$0x4250]  }
0x669: {  	v8 =	vld [tilespmem:s25+$0x18250]  }
0x66a: {  	v9 =	vld [tilespmem:s25+$0x4260]  }
0x66b: {  	v10 =	vld [tilespmem:s25+$0x18260];
	_ =	sdelay $0x1  }
0x66c: {  	v2 =	vadd.f32 v4, v2  }
0x66d: {  	[tilespmem:s25+$0x4220] =	vst v7;
	v3 =	vadd.f32 v6, v3  }
0x66e: {  	[tilespmem:s25+$0x4230] =	vst v2;
	v2 =	vadd.f32 v8, v5  }
0x66f: {  	[tilespmem:s25+$0x4240] =	vst v3;
	v3 =	vadd.f32 v10, v9  }
0x670: {  	[tilespmem:s25+$0x4250] =	vst v2  }
0x671: {  	[tilespmem:s25+$0x4260] =	vst v3  }
0x672: {  	s0 =	sld [smem:$0x7F6];
	_ =	sdelay $0x1  }
0x673: {  	s23 =	simm.s32 $0x0  }
0x674: {  	[hbm4b:s0+s23] =	stream.linear.scatter [tilespmem:s19], [sflag:$0x7], $0x4000, $0x38;
	[tilespmem:$0x1C200] =	vst v63  }
0x675: {  	_ =	swait.ge [sflag:s12], $0x4000  }
0x676: {  	[sflag:s12] =	ssyncset.done $0x0  }
0x677: {  	[sflag:s12] =	ssyncadd.s32 $0xFFFFC000  }
0x678: {  	v2 =	vld.msk [tilespmem:$0xB0], $0xff;
	_ =	sdelay $0x4  }
0x679: {  	v3 =	vshll.u32 v2, $0x4  }
0x67a: {  	v2 =	vand.u32 $0x7, v2;
	v3 =	vand.u32 $0xFFFFFF80, v3  }
0x67b: {  	v2 =	vor.u32 v2, v3  }
0x67c: {  	v2 =	vperm.xlane v2, v0;
	_ =	sdelay $0x1  }
0x67d: {  	v2 =	vadd.s32 v1, v2;
	_ =	sdelay $0x4  }
0x67e: {  	[tilespmem:s11], [sflag:$0x1] =	stream.indirect_vreg.gather [hbm4b:s1+s23], $0x80, v2, vm0, $0xb8;
	[tilespmem:$0x1C200] =	vst v63  }
0x67f: {  	s25 =	simm.s32 $0xA00  }
0x680: {  	[tilespmem:s25], [sflag:$0x1] =	stream.indirect_vreg.gather [hbm4b:s24+s23], $0x80, v2, vm0, $0xb8;
	[tilespmem:$0x1C200] =	vst v63  }
0x681: {  	s5 =	simm.s32 $0x1200  }
0x682: {  	[tilespmem:s5], [sflag:$0x1] =	stream.indirect_vreg.gather [hbm4b:s26+s23], $0x80, v2, vm0, $0xb8;
	[tilespmem:$0x1C200] =	vst v63  }
0x683: {  	s6 =	simm.s32 $0x1A00  }
0x684: {  	[tilespmem:s6], [sflag:$0x1] =	stream.indirect_vreg.gather [hbm4b:s28+s23], $0x80, v2, vm0, $0xb8;
	[tilespmem:$0x1C200] =	vst v63  }
0x685: {  	s25 =	simm.s32 $0x2200  }
0x686: {  	[tilespmem:s25], [sflag:$0x1] =	stream.indirect_vreg.gather [hbm4b:s29+s23], $0x80, v2, vm0, $0xb8;
	[tilespmem:$0x1C200] =	vst v63  }
0x687: {  	s5 =	simm.s32 $0x2A00  }
0x688: {  	[tilespmem:s5], [sflag:$0x1] =	stream.indirect_vreg.gather [hbm4b:s30+s23], $0x80, v2, vm0, $0xb8;
	[tilespmem:$0x1C200] =	vst v63  }
0x689: {  	s6 =	simm.s32 $0x3200  }
0x68a: {  	[tilespmem:s6], [sflag:$0x1] =	stream.indirect_vreg.gather [hbm4b:s31+s23], $0x80, v2, vm0, $0xb8;
	[tilespmem:$0x1C200] =	vst v63  }
0x68b: {  	s25 =	simm.s32 $0x3A00  }
0x68c: {  	[tilespmem:s25], [sflag:$0x1] =	stream.indirect_vreg.gather [hbm4b:s2+s23], $0x80, v2, vm0, $0xb8;
	[tilespmem:$0x1C200] =	vst v63  }
0x68d: {  	s0 =	simm.s32 $0x0;
	_ =	swait.ge [sflag:s13], $0x4000  }
0x68e: {  	s5 =	sand.u32 $0x3C00, s23;
	s6 =	sand.u32 $0x380, s0;
	[sflag:s13] =	ssyncset.done $0x0  }
0x68f: {  	s25 =	sor.u32 s6, s5;
	[sflag:s13] =	ssyncadd.s32 $0xFFFFC000  }
0x690: {  	v2 =	vld [tilespmem:s25+$0x8270]  }
0x691: {  	v3 =	vld [tilespmem:s25+$0x18270]  }
0x692: {  	v4 =	vld [tilespmem:s25+$0x8200]  }
0x693: {  	v5 =	vld [tilespmem:s25+$0x18200]  }
0x694: {  	v6 =	vld [tilespmem:s25+$0x8210]  }
0x695: {  	v7 =	vld [tilespmem:s25+$0x18210]  }
0x696: {  	v8 =	vld [tilespmem:s25+$0x8220]  }
0x697: {  	v63 =	vld [tilespmem:s25+$0x18220]  }
0x698: {  	v3 =	vadd.f32 v3, v2;
	v2 =	vld [tilespmem:s25+$0x8230]  }
0x699: {  	v5 =	vadd.f32 v5, v4;
	v4 =	vld [tilespmem:s25+$0x18230]  }
0x69a: {  	v7 =	vadd.f32 v7, v6;
	v6 =	vld [tilespmem:s25+$0x18240];
	[tilespmem:s25+$0x8270] =	vst v3  }
0x69b: {  	v3 =	vld [tilespmem:s25+$0x8240];
	[tilespmem:s25+$0x8200] =	vst v5  }
0x69c: {  	[tilespmem:s25+$0x8210] =	vst v7;
	v7 =	vadd.f32 v63, v8;
	v5 =	vld [tilespmem:s25+$0x8250]  }
.LBB2_46:
0x69d: {  	s0 =	sadd.s32 $0x8, s0;
	v8 =	vld [tilespmem:s25+$0x18250];
	s23 =	sadd.s32 $0x400, s23  }
0x69e: {  	s5 =	sand.u32 $0x3C00, s23;
	s6 =	sand.u32 $0x380, s0;
	p0 =	slt.u32 s0, $0x3F8;
	[tilespmem:s25+$0x8220] =	vst v7;
	v2 =	vadd.f32 v4, v2;
	v4 =	vld [tilespmem:s25+$0x8260]  }
0x69f: {  	s5 =	sor.u32 s6, s5;
	v7 =	vld [tilespmem:s25+$0x18260]  }
0x6a0: {  	v9 =	vld [tilespmem:s5+$0x8270];
	[tilespmem:s25+$0x8230] =	vst v2;
	v2 =	vadd.f32 v6, v3  }
0x6a1: {  	v3 =	vld [tilespmem:s5+$0x18270]  }
0x6a2: {  	v6 =	vld [tilespmem:s5+$0x8200];
	[tilespmem:s25+$0x8240] =	vst v2;
	v2 =	vadd.f32 v8, v5  }
0x6a3: {  	v5 =	vld [tilespmem:s5+$0x18200]  }
0x6a4: {  	v8 =	vld [tilespmem:s5+$0x8210];
	[tilespmem:s25+$0x8250] =	vst v2;
	v2 =	vadd.f32 v7, v4  }
0x6a5: {  	v7 =	vld [tilespmem:s5+$0x18210]  }
0x6a6: {  	v10 =	vld [tilespmem:s5+$0x8220];
	v3 =	vadd.f32 v3, v9;
	[tilespmem:s25+$0x8260] =	vst v2;
	s25 =	smov.u32 s5  }
0x6a7: {  	v9 =	vld [tilespmem:s25+$0x18220]  }
.Ltmp22:
0x6a8: {  	v5 =	vadd.f32 v5, v6;
	v2 =	vld [tilespmem:s25+$0x8230];
	[tilespmem:s25+$0x8270] =	vst v3;
	(pc) =	sbr.rel @p0 .LBB2_46-.Ltmp22, $4  }
0x6a9: {  	v4 =	vld [tilespmem:s25+$0x18230]  }
0x6aa: {  	[tilespmem:s25+$0x8200] =	vst v5;
	v5 =	vadd.f32 v7, v8;
	v3 =	vld [tilespmem:s25+$0x8240]  }
0x6ab: {  	v6 =	vld [tilespmem:s25+$0x18240]  }
0x6ac: {  	[tilespmem:s25+$0x8210] =	vst v5;
	v7 =	vadd.f32 v9, v10;
	v5 =	vld [tilespmem:s25+$0x8250]  }
0x6ad: {  	v8 =	vld [tilespmem:s25+$0x18250]  }
0x6ae: {  	v9 =	vld [tilespmem:s25+$0x8260]  }
0x6af: {  	v10 =	vld [tilespmem:s25+$0x18260];
	_ =	sdelay $0x1  }
0x6b0: {  	v2 =	vadd.f32 v4, v2  }
0x6b1: {  	[tilespmem:s25+$0x8220] =	vst v7;
	v3 =	vadd.f32 v6, v3  }
0x6b2: {  	[tilespmem:s25+$0x8230] =	vst v2;
	v2 =	vadd.f32 v8, v5  }
0x6b3: {  	[tilespmem:s25+$0x8240] =	vst v3;
	v3 =	vadd.f32 v10, v9  }
0x6b4: {  	[tilespmem:s25+$0x8250] =	vst v2  }
0x6b5: {  	[tilespmem:s25+$0x8260] =	vst v3  }
0x6b6: {  	s0 =	sld [smem:$0x7F5];
	_ =	sdelay $0x1  }
0x6b7: {  	s23 =	simm.s32 $0x0;
	s5 =	simm.s32 $0x8200  }
0x6b8: {  	[hbm4b:s0+s23] =	stream.linear.scatter [tilespmem:s5], [sflag:$0x8], $0x4000, $0x38;
	[tilespmem:$0x1C200] =	vst v63  }
0x6b9: {  	_ =	swait.ge [sflag:s14], $0x4000  }
0x6ba: {  	[sflag:s14] =	ssyncset.done $0x0  }
0x6bb: {  	[sflag:s14] =	ssyncadd.s32 $0xFFFFC000  }
0x6bc: {  	v2 =	vld.msk [tilespmem:$0x130], $0xff;
	_ =	sdelay $0x4  }
0x6bd: {  	v3 =	vshll.u32 v2, $0x4  }
0x6be: {  	v2 =	vand.u32 $0x7, v2;
	v3 =	vand.u32 $0xFFFFFF80, v3  }
0x6bf: {  	v2 =	vor.u32 v2, v3  }
0x6c0: {  	v2 =	vperm.xlane v2, v0;
	_ =	sdelay $0x1  }
0x6c1: {  	v2 =	vadd.s32 v1, v2;
	_ =	sdelay $0x4  }
0x6c2: {  	[tilespmem:s19], [sflag:$0x2] =	stream.indirect_vreg.gather [hbm4b:s1+s23], $0x80, v2, vm0, $0xb8;
	[tilespmem:$0x1C200] =	vst v63  }
0x6c3: {  	s6 =	simm.s32 $0x4A00  }
0x6c4: {  	[tilespmem:s6], [sflag:$0x2] =	stream.indirect_vreg.gather [hbm4b:s24+s23], $0x80, v2, vm0, $0xb8;
	[tilespmem:$0x1C200] =	vst v63  }
0x6c5: {  	s25 =	simm.s32 $0x5200  }
0x6c6: {  	[tilespmem:s25], [sflag:$0x2] =	stream.indirect_vreg.gather [hbm4b:s26+s23], $0x80, v2, vm0, $0xb8;
	[tilespmem:$0x1C200] =	vst v63  }
0x6c7: {  	s5 =	simm.s32 $0x5A00  }
0x6c8: {  	[tilespmem:s5], [sflag:$0x2] =	stream.indirect_vreg.gather [hbm4b:s28+s23], $0x80, v2, vm0, $0xb8;
	[tilespmem:$0x1C200] =	vst v63  }
0x6c9: {  	s6 =	simm.s32 $0x6200  }
0x6ca: {  	[tilespmem:s6], [sflag:$0x2] =	stream.indirect_vreg.gather [hbm4b:s29+s23], $0x80, v2, vm0, $0xb8;
	[tilespmem:$0x1C200] =	vst v63  }
0x6cb: {  	s25 =	simm.s32 $0x6A00  }
0x6cc: {  	[tilespmem:s25], [sflag:$0x2] =	stream.indirect_vreg.gather [hbm4b:s30+s23], $0x80, v2, vm0, $0xb8;
	[tilespmem:$0x1C200] =	vst v63  }
0x6cd: {  	s5 =	simm.s32 $0x7200  }
0x6ce: {  	[tilespmem:s5], [sflag:$0x2] =	stream.indirect_vreg.gather [hbm4b:s31+s23], $0x80, v2, vm0, $0xb8;
	[tilespmem:$0x1C200] =	vst v63  }
0x6cf: {  	s6 =	simm.s32 $0x7A00  }
0x6d0: {  	[tilespmem:s6], [sflag:$0x2] =	stream.indirect_vreg.gather [hbm4b:s2+s23], $0x80, v2, vm0, $0xb8;
	[tilespmem:$0x1C200] =	vst v63  }
0x6d1: {  	s0 =	simm.s32 $0x0;
	_ =	swait.ge [sflag:s15], $0x4000  }
0x6d2: {  	s25 =	sand.u32 $0x3C00, s23;
	s6 =	sand.u32 $0x380, s0;
	[sflag:s15] =	ssyncset.done $0x0  }
0x6d3: {  	s25 =	sor.u32 s6, s25;
	[sflag:s15] =	ssyncadd.s32 $0xFFFFC000  }
0x6d4: {  	v2 =	vld [tilespmem:s25+$0xC270]  }
0x6d5: {  	v3 =	vld [tilespmem:s25+$0x18270]  }
0x6d6: {  	v4 =	vld [tilespmem:s25+$0xC200]  }
0x6d7: {  	v5 =	vld [tilespmem:s25+$0x18200]  }
0x6d8: {  	v6 =	vld [tilespmem:s25+$0xC210]  }
0x6d9: {  	v7 =	vld [tilespmem:s25+$0x18210]  }
0x6da: {  	v8 =	vld [tilespmem:s25+$0xC220]  }
0x6db: {  	v63 =	vld [tilespmem:s25+$0x18220]  }
0x6dc: {  	v3 =	vadd.f32 v3, v2;
	v2 =	vld [tilespmem:s25+$0xC230]  }
0x6dd: {  	v5 =	vadd.f32 v5, v4;
	v4 =	vld [tilespmem:s25+$0x18230]  }
0x6de: {  	v7 =	vadd.f32 v7, v6;
	v6 =	vld [tilespmem:s25+$0x18240];
	[tilespmem:s25+$0xC270] =	vst v3  }
0x6df: {  	v3 =	vld [tilespmem:s25+$0xC240];
	[tilespmem:s25+$0xC200] =	vst v5  }
0x6e0: {  	[tilespmem:s25+$0xC210] =	vst v7;
	v7 =	vadd.f32 v63, v8;
	v5 =	vld [tilespmem:s25+$0xC250]  }
.LBB2_48:
0x6e1: {  	s0 =	sadd.s32 $0x8, s0;
	v8 =	vld [tilespmem:s25+$0x18250];
	s23 =	sadd.s32 $0x400, s23  }
0x6e2: {  	s5 =	sand.u32 $0x3C00, s23;
	s6 =	sand.u32 $0x380, s0;
	p0 =	slt.u32 s0, $0x3F8;
	[tilespmem:s25+$0xC220] =	vst v7;
	v2 =	vadd.f32 v4, v2;
	v4 =	vld [tilespmem:s25+$0xC260]  }
0x6e3: {  	s5 =	sor.u32 s6, s5;
	v7 =	vld [tilespmem:s25+$0x18260]  }
0x6e4: {  	v9 =	vld [tilespmem:s5+$0xC270];
	[tilespmem:s25+$0xC230] =	vst v2;
	v2 =	vadd.f32 v6, v3  }
0x6e5: {  	v3 =	vld [tilespmem:s5+$0x18270]  }
0x6e6: {  	v6 =	vld [tilespmem:s5+$0xC200];
	[tilespmem:s25+$0xC240] =	vst v2;
	v2 =	vadd.f32 v8, v5  }
0x6e7: {  	v5 =	vld [tilespmem:s5+$0x18200]  }
0x6e8: {  	v8 =	vld [tilespmem:s5+$0xC210];
	[tilespmem:s25+$0xC250] =	vst v2;
	v2 =	vadd.f32 v7, v4  }
0x6e9: {  	v7 =	vld [tilespmem:s5+$0x18210]  }
0x6ea: {  	v10 =	vld [tilespmem:s5+$0xC220];
	v3 =	vadd.f32 v3, v9;
	[tilespmem:s25+$0xC260] =	vst v2;
	s25 =	smov.u32 s5  }
0x6eb: {  	v9 =	vld [tilespmem:s25+$0x18220]  }
.Ltmp23:
0x6ec: {  	v5 =	vadd.f32 v5, v6;
	v2 =	vld [tilespmem:s25+$0xC230];
	[tilespmem:s25+$0xC270] =	vst v3;
	(pc) =	sbr.rel @p0 .LBB2_48-.Ltmp23, $4  }
0x6ed: {  	v4 =	vld [tilespmem:s25+$0x18230]  }
0x6ee: {  	[tilespmem:s25+$0xC200] =	vst v5;
	v5 =	vadd.f32 v7, v8;
	v3 =	vld [tilespmem:s25+$0xC240]  }
0x6ef: {  	v6 =	vld [tilespmem:s25+$0x18240]  }
0x6f0: {  	[tilespmem:s25+$0xC210] =	vst v5;
	v7 =	vadd.f32 v9, v10;
	v5 =	vld [tilespmem:s25+$0xC250]  }
0x6f1: {  	v8 =	vld [tilespmem:s25+$0x18250]  }
0x6f2: {  	v9 =	vld [tilespmem:s25+$0xC260]  }
0x6f3: {  	v10 =	vld [tilespmem:s25+$0x18260];
	_ =	sdelay $0x1  }
0x6f4: {  	v2 =	vadd.f32 v4, v2  }
0x6f5: {  	[tilespmem:s25+$0xC220] =	vst v7;
	v3 =	vadd.f32 v6, v3  }
0x6f6: {  	[tilespmem:s25+$0xC230] =	vst v2;
	v2 =	vadd.f32 v8, v5  }
0x6f7: {  	[tilespmem:s25+$0xC240] =	vst v3;
	v3 =	vadd.f32 v10, v9  }
0x6f8: {  	[tilespmem:s25+$0xC250] =	vst v2  }
0x6f9: {  	[tilespmem:s25+$0xC260] =	vst v3  }
0x6fa: {  	s0 =	sld [smem:$0x7F7];
	_ =	sdelay $0x1  }
0x6fb: {  	s23 =	simm.s32 $0x0  }
0x6fc: {  	[hbm4b:s0+s23] =	stream.linear.scatter [tilespmem:s8], [sflag:$0x9], $0x4000, $0x38;
	[tilespmem:$0x1C200] =	vst v63  }
0x6fd: {  	s5 =	simm.s32 $0x18200;
	s25 =	rddreg [dreg:$0x16]  }
0x6fe: {  	[tilespmem:s5], [sflag:$0xC] =	stream.linear.gather [hbm4b:s25+s23], $0x4000, $0x38;
	[tilespmem:$0x1C200] =	vst v63  }
0x6ff: {  	_ =	swait.ge [sflag:s16], $0x4000  }
0x700: {  	[sflag:s16] =	ssyncset.done $0x0  }
0x701: {  	[sflag:s16] =	ssyncadd.s32 $0xFFFFC000  }
0x702: {  	v2 =	vld.msk [tilespmem:$0x1B0], $0xff;
	_ =	sdelay $0x4  }
0x703: {  	v3 =	vshll.u32 v2, $0x4  }
0x704: {  	v2 =	vand.u32 $0x7, v2;
	v3 =	vand.u32 $0xFFFFFF80, v3  }
0x705: {  	v2 =	vor.u32 v2, v3  }
0x706: {  	v2 =	vperm.xlane v2, v0;
	_ =	sdelay $0x1  }
0x707: {  	v2 =	vadd.s32 v1, v2;
	_ =	sdelay $0x3  }
0x708: {  	s5 =	simm.s32 $0x8200  }
0x709: {  	[tilespmem:s5], [sflag:$0x3] =	stream.indirect_vreg.gather [hbm4b:s1+s23], $0x80, v2, vm0, $0xb8;
	[tilespmem:$0x1C200] =	vst v63  }
0x70a: {  	s6 =	simm.s32 $0x8A00  }
0x70b: {  	[tilespmem:s6], [sflag:$0x3] =	stream.indirect_vreg.gather [hbm4b:s24+s23], $0x80, v2, vm0, $0xb8;
	[tilespmem:$0x1C200] =	vst v63  }
0x70c: {  	s25 =	simm.s32 $0x9200  }
0x70d: {  	[tilespmem:s25], [sflag:$0x3] =	stream.indirect_vreg.gather [hbm4b:s26+s23], $0x80, v2, vm0, $0xb8;
	[tilespmem:$0x1C200] =	vst v63  }
0x70e: {  	s5 =	simm.s32 $0x9A00  }
0x70f: {  	[tilespmem:s5], [sflag:$0x3] =	stream.indirect_vreg.gather [hbm4b:s28+s23], $0x80, v2, vm0, $0xb8;
	[tilespmem:$0x1C200] =	vst v63  }
0x710: {  	s6 =	simm.s32 $0xA200  }
0x711: {  	[tilespmem:s6], [sflag:$0x3] =	stream.indirect_vreg.gather [hbm4b:s29+s23], $0x80, v2, vm0, $0xb8;
	[tilespmem:$0x1C200] =	vst v63  }
0x712: {  	s25 =	simm.s32 $0xAA00  }
0x713: {  	[tilespmem:s25], [sflag:$0x3] =	stream.indirect_vreg.gather [hbm4b:s30+s23], $0x80, v2, vm0, $0xb8;
	[tilespmem:$0x1C200] =	vst v63  }
0x714: {  	s5 =	simm.s32 $0xB200  }
0x715: {  	[tilespmem:s5], [sflag:$0x3] =	stream.indirect_vreg.gather [hbm4b:s31+s23], $0x80, v2, vm0, $0xb8;
	[tilespmem:$0x1C200] =	vst v63  }
0x716: {  	s6 =	simm.s32 $0xBA00  }
0x717: {  	[tilespmem:s6], [sflag:$0x3] =	stream.indirect_vreg.gather [hbm4b:s2+s23], $0x80, v2, vm0, $0xb8;
	[tilespmem:$0x1C200] =	vst v63  }
0x718: {  	_ =	swait.ge [sflag:s17], $0x4000  }
0x719: {  	[sflag:s17] =	ssyncset.done $0x0  }
0x71a: {  	[sflag:s17] =	ssyncadd.s32 $0xFFFFC000  }
0x71b: {  	s0 =	simm.s32 $0x0;
	_ =	swait.ge [sflag:s9], $0x4000  }
0x71c: {  	s25 =	sand.u32 $0x3C00, s23;
	s6 =	sand.u32 $0x380, s0;
	[sflag:s9] =	ssyncset.done $0x0  }
0x71d: {  	s25 =	sor.u32 s6, s25;
	[sflag:s9] =	ssyncadd.s32 $0xFFFFC000  }
0x71e: {  	v2 =	vld [tilespmem:s25+$0x10270]  }
0x71f: {  	v3 =	vld [tilespmem:s25+$0x14270]  }
0x720: {  	v4 =	vld [tilespmem:s25+$0x10200]  }
0x721: {  	v5 =	vld [tilespmem:s25+$0x14200]  }
0x722: {  	v6 =	vld [tilespmem:s25+$0x10210]  }
0x723: {  	v7 =	vld [tilespmem:s25+$0x14210]  }
0x724: {  	v8 =	vld [tilespmem:s25+$0x10220]  }
0x725: {  	v63 =	vld [tilespmem:s25+$0x14220]  }
0x726: {  	v3 =	vadd.f32 v3, v2;
	v2 =	vld [tilespmem:s25+$0x10230]  }
0x727: {  	v5 =	vadd.f32 v5, v4;
	v4 =	vld [tilespmem:s25+$0x14230]  }
0x728: {  	v7 =	vadd.f32 v7, v6;
	v6 =	vld [tilespmem:s25+$0x14240];
	[tilespmem:s25+$0x10270] =	vst v3  }
0x729: {  	v3 =	vld [tilespmem:s25+$0x10240];
	[tilespmem:s25+$0x10200] =	vst v5  }
0x72a: {  	[tilespmem:s25+$0x10210] =	vst v7;
	v7 =	vadd.f32 v63, v8;
	v5 =	vld [tilespmem:s25+$0x10250]  }
.LBB2_50:
0x72b: {  	s0 =	sadd.s32 $0x8, s0;
	v8 =	vld [tilespmem:s25+$0x14250];
	s23 =	sadd.s32 $0x400, s23  }
0x72c: {  	s5 =	sand.u32 $0x3C00, s23;
	s6 =	sand.u32 $0x380, s0;
	p0 =	slt.u32 s0, $0x3F8;
	[tilespmem:s25+$0x10220] =	vst v7;
	v2 =	vadd.f32 v4, v2;
	v4 =	vld [tilespmem:s25+$0x10260]  }
0x72d: {  	s5 =	sor.u32 s6, s5;
	v7 =	vld [tilespmem:s25+$0x14260]  }
0x72e: {  	v9 =	vld [tilespmem:s5+$0x10270];
	[tilespmem:s25+$0x10230] =	vst v2;
	v2 =	vadd.f32 v6, v3  }
0x72f: {  	v3 =	vld [tilespmem:s5+$0x14270]  }
0x730: {  	v6 =	vld [tilespmem:s5+$0x10200];
	[tilespmem:s25+$0x10240] =	vst v2;
	v2 =	vadd.f32 v8, v5  }
0x731: {  	v5 =	vld [tilespmem:s5+$0x14200]  }
0x732: {  	v8 =	vld [tilespmem:s5+$0x10210];
	[tilespmem:s25+$0x10250] =	vst v2;
	v2 =	vadd.f32 v7, v4  }
0x733: {  	v7 =	vld [tilespmem:s5+$0x14210]  }
0x734: {  	v10 =	vld [tilespmem:s5+$0x10220];
	v3 =	vadd.f32 v3, v9;
	[tilespmem:s25+$0x10260] =	vst v2;
	s25 =	smov.u32 s5  }
0x735: {  	v9 =	vld [tilespmem:s25+$0x14220]  }
.Ltmp24:
0x736: {  	v5 =	vadd.f32 v5, v6;
	v2 =	vld [tilespmem:s25+$0x10230];
	[tilespmem:s25+$0x10270] =	vst v3;
	(pc) =	sbr.rel @p0 .LBB2_50-.Ltmp24, $4  }
0x737: {  	v4 =	vld [tilespmem:s25+$0x14230]  }
0x738: {  	[tilespmem:s25+$0x10200] =	vst v5;
	v5 =	vadd.f32 v7, v8;
	v3 =	vld [tilespmem:s25+$0x10240]  }
0x739: {  	v6 =	vld [tilespmem:s25+$0x14240]  }
0x73a: {  	[tilespmem:s25+$0x10210] =	vst v5;
	v7 =	vadd.f32 v9, v10;
	v5 =	vld [tilespmem:s25+$0x10250]  }
0x73b: {  	v8 =	vld [tilespmem:s25+$0x14250]  }
0x73c: {  	v9 =	vld [tilespmem:s25+$0x10260]  }
0x73d: {  	v10 =	vld [tilespmem:s25+$0x14260];
	_ =	sdelay $0x1  }
0x73e: {  	v2 =	vadd.f32 v4, v2  }
0x73f: {  	[tilespmem:s25+$0x10220] =	vst v7;
	v3 =	vadd.f32 v6, v3  }
0x740: {  	[tilespmem:s25+$0x10230] =	vst v2;
	v2 =	vadd.f32 v8, v5  }
0x741: {  	[tilespmem:s25+$0x10240] =	vst v3;
	v3 =	vadd.f32 v10, v9  }
0x742: {  	[tilespmem:s25+$0x10250] =	vst v2  }
0x743: {  	[tilespmem:s25+$0x10260] =	vst v3  }
0x744: {  	s23 =	simm.s32 $0x0;
	s0 =	rddreg [dreg:$0x17]  }
0x745: {  	[hbm4b:s0+s23] =	stream.linear.scatter [tilespmem:s10], [sflag:$0xA], $0x4000, $0x38;
	[tilespmem:$0x1C200] =	vst v63  }
0x746: {  	_ =	swait.ge [sflag:s20], $0x4000  }
0x747: {  	[sflag:s20] =	ssyncset.done $0x0  }
0x748: {  	[sflag:s20] =	ssyncadd.s32 $0xFFFFC000  }
0x749: {  	v2 =	vld.msk [tilespmem:$0x38], $0xff;
	_ =	sdelay $0x4  }
0x74a: {  	v3 =	vshll.u32 v2, $0x4  }
0x74b: {  	v2 =	vand.u32 $0x7, v2;
	v3 =	vand.u32 $0xFFFFFF80, v3  }
0x74c: {  	v2 =	vor.u32 v2, v3  }
0x74d: {  	v2 =	vperm.xlane v2, v0;
	_ =	sdelay $0x1  }
0x74e: {  	v2 =	vadd.s32 v1, v2;
	_ =	sdelay $0x4  }
0x74f: {  	[tilespmem:s8], [sflag:$0x4] =	stream.indirect_vreg.gather [hbm4b:s1+s23], $0x80, v2, vm0, $0xb8;
	[tilespmem:$0x1C200] =	vst v63  }
0x750: {  	s25 =	simm.s32 $0xCA00  }
0x751: {  	[tilespmem:s25], [sflag:$0x4] =	stream.indirect_vreg.gather [hbm4b:s24+s23], $0x80, v2, vm0, $0xb8;
	[tilespmem:$0x1C200] =	vst v63  }
0x752: {  	s5 =	simm.s32 $0xD200  }
0x753: {  	[tilespmem:s5], [sflag:$0x4] =	stream.indirect_vreg.gather [hbm4b:s26+s23], $0x80, v2, vm0, $0xb8;
	[tilespmem:$0x1C200] =	vst v63  }
0x754: {  	s6 =	simm.s32 $0xDA00  }
0x755: {  	[tilespmem:s6], [sflag:$0x4] =	stream.indirect_vreg.gather [hbm4b:s28+s23], $0x80, v2, vm0, $0xb8;
	[tilespmem:$0x1C200] =	vst v63  }
0x756: {  	s25 =	simm.s32 $0xE200  }
0x757: {  	[tilespmem:s25], [sflag:$0x4] =	stream.indirect_vreg.gather [hbm4b:s29+s23], $0x80, v2, vm0, $0xb8;
	[tilespmem:$0x1C200] =	vst v63  }
0x758: {  	s5 =	simm.s32 $0xEA00  }
0x759: {  	[tilespmem:s5], [sflag:$0x4] =	stream.indirect_vreg.gather [hbm4b:s30+s23], $0x80, v2, vm0, $0xb8;
	[tilespmem:$0x1C200] =	vst v63  }
0x75a: {  	s6 =	simm.s32 $0xF200  }
0x75b: {  	[tilespmem:s6], [sflag:$0x4] =	stream.indirect_vreg.gather [hbm4b:s31+s23], $0x80, v2, vm0, $0xb8;
	[tilespmem:$0x1C200] =	vst v63  }
0x75c: {  	s25 =	simm.s32 $0xFA00  }
0x75d: {  	[tilespmem:s25], [sflag:$0x4] =	stream.indirect_vreg.gather [hbm4b:s2+s23], $0x80, v2, vm0, $0xb8;
	[tilespmem:$0x1C200] =	vst v63  }
0x75e: {  	s0 =	simm.s32 $0x0;
	_ =	swait.ge [sflag:s4], $0x4000  }
0x75f: {  	s5 =	sand.u32 $0x3C00, s23;
	s6 =	sand.u32 $0x380, s0;
	[sflag:s4] =	ssyncset.done $0x0  }
0x760: {  	s25 =	sor.u32 s6, s5;
	[sflag:s4] =	ssyncadd.s32 $0xFFFFC000  }
0x761: {  	v2 =	vld [tilespmem:s25+$0x270]  }
0x762: {  	v3 =	vld [tilespmem:s25+$0x14270]  }
0x763: {  	v4 =	vld [tilespmem:s25+$0x200]  }
0x764: {  	v5 =	vld [tilespmem:s25+$0x14200]  }
0x765: {  	v6 =	vld [tilespmem:s25+$0x210]  }
0x766: {  	v7 =	vld [tilespmem:s25+$0x14210]  }
0x767: {  	v8 =	vld [tilespmem:s25+$0x220]  }
0x768: {  	v63 =	vld [tilespmem:s25+$0x14220]  }
0x769: {  	v3 =	vadd.f32 v3, v2;
	v2 =	vld [tilespmem:s25+$0x230]  }
0x76a: {  	v5 =	vadd.f32 v5, v4;
	v4 =	vld [tilespmem:s25+$0x14230]  }
0x76b: {  	v7 =	vadd.f32 v7, v6;
	v6 =	vld [tilespmem:s25+$0x14240];
	[tilespmem:s25+$0x270] =	vst v3  }
0x76c: {  	v3 =	vld [tilespmem:s25+$0x240];
	[tilespmem:s25+$0x200] =	vst v5  }
0x76d: {  	[tilespmem:s25+$0x210] =	vst v7;
	v7 =	vadd.f32 v63, v8;
	v5 =	vld [tilespmem:s25+$0x250]  }
.LBB2_52:
0x76e: {  	s0 =	sadd.s32 $0x8, s0;
	v8 =	vld [tilespmem:s25+$0x14250];
	s23 =	sadd.s32 $0x400, s23  }
0x76f: {  	s5 =	sand.u32 $0x3C00, s23;
	s6 =	sand.u32 $0x380, s0;
	p0 =	slt.u32 s0, $0x3F8;
	[tilespmem:s25+$0x220] =	vst v7;
	v2 =	vadd.f32 v4, v2;
	v4 =	vld [tilespmem:s25+$0x260]  }
0x770: {  	s5 =	sor.u32 s6, s5;
	v7 =	vld [tilespmem:s25+$0x14260]  }
0x771: {  	v9 =	vld [tilespmem:s5+$0x270];
	[tilespmem:s25+$0x230] =	vst v2;
	v2 =	vadd.f32 v6, v3  }
0x772: {  	v3 =	vld [tilespmem:s5+$0x14270]  }
0x773: {  	v6 =	vld [tilespmem:s5+$0x200];
	[tilespmem:s25+$0x240] =	vst v2;
	v2 =	vadd.f32 v8, v5  }
0x774: {  	v5 =	vld [tilespmem:s5+$0x14200]  }
0x775: {  	v8 =	vld [tilespmem:s5+$0x210];
	[tilespmem:s25+$0x250] =	vst v2;
	v2 =	vadd.f32 v7, v4  }
0x776: {  	v7 =	vld [tilespmem:s5+$0x14210]  }
0x777: {  	v10 =	vld [tilespmem:s5+$0x220];
	v3 =	vadd.f32 v3, v9;
	[tilespmem:s25+$0x260] =	vst v2;
	s25 =	smov.u32 s5  }
0x778: {  	v9 =	vld [tilespmem:s25+$0x14220]  }
.Ltmp25:
0x779: {  	v5 =	vadd.f32 v5, v6;
	v2 =	vld [tilespmem:s25+$0x230];
	[tilespmem:s25+$0x270] =	vst v3;
	(pc) =	sbr.rel @p0 .LBB2_52-.Ltmp25, $4  }
0x77a: {  	v4 =	vld [tilespmem:s25+$0x14230]  }
0x77b: {  	[tilespmem:s25+$0x200] =	vst v5;
	v5 =	vadd.f32 v7, v8;
	v3 =	vld [tilespmem:s25+$0x240]  }
0x77c: {  	v6 =	vld [tilespmem:s25+$0x14240]  }
0x77d: {  	[tilespmem:s25+$0x210] =	vst v5;
	v7 =	vadd.f32 v9, v10;
	v5 =	vld [tilespmem:s25+$0x250]  }
0x77e: {  	v8 =	vld [tilespmem:s25+$0x14250]  }
0x77f: {  	v9 =	vld [tilespmem:s25+$0x260]  }
0x780: {  	v10 =	vld [tilespmem:s25+$0x14260];
	_ =	sdelay $0x1  }
0x781: {  	v2 =	vadd.f32 v4, v2  }
0x782: {  	[tilespmem:s25+$0x220] =	vst v7;
	v3 =	vadd.f32 v6, v3  }
0x783: {  	[tilespmem:s25+$0x230] =	vst v2;
	v2 =	vadd.f32 v8, v5  }
0x784: {  	[tilespmem:s25+$0x240] =	vst v3;
	v3 =	vadd.f32 v10, v9  }
0x785: {  	[tilespmem:s25+$0x250] =	vst v2  }
0x786: {  	[tilespmem:s25+$0x260] =	vst v3  }
0x787: {  	s0 =	sld [smem:$0x7F8];
	_ =	sdelay $0x1  }
0x788: {  	s23 =	simm.s32 $0x0  }
0x789: {  	[hbm4b:s0+s23] =	stream.linear.scatter [tilespmem:s11], [sflag:$0x6], $0x4000, $0x38;
	[tilespmem:$0x1C200] =	vst v63  }
0x78a: {  	_ =	swait.ge [sflag:s21], $0x4000  }
0x78b: {  	[sflag:s21] =	ssyncset.done $0x0  }
0x78c: {  	[sflag:s21] =	ssyncadd.s32 $0xFFFFC000  }
0x78d: {  	v2 =	vld.msk [tilespmem:$0xB8], $0xff;
	_ =	sdelay $0x4  }
0x78e: {  	v3 =	vshll.u32 v2, $0x4  }
0x78f: {  	v2 =	vand.u32 $0x7, v2;
	v3 =	vand.u32 $0xFFFFFF80, v3  }
0x790: {  	v2 =	vor.u32 v2, v3  }
0x791: {  	v2 =	vperm.xlane v2, v0;
	_ =	sdelay $0x1  }
0x792: {  	v2 =	vadd.s32 v1, v2;
	_ =	sdelay $0x4  }
0x793: {  	[tilespmem:s10], [sflag:$0x5] =	stream.indirect_vreg.gather [hbm4b:s1+s23], $0x80, v2, vm0, $0xb8;
	[tilespmem:$0x1C200] =	vst v63  }
0x794: {  	s25 =	simm.s32 $0x10A00  }
0x795: {  	[tilespmem:s25], [sflag:$0x5] =	stream.indirect_vreg.gather [hbm4b:s24+s23], $0x80, v2, vm0, $0xb8;
	[tilespmem:$0x1C200] =	vst v63  }
0x796: {  	s5 =	simm.s32 $0x11200  }
0x797: {  	[tilespmem:s5], [sflag:$0x5] =	stream.indirect_vreg.gather [hbm4b:s26+s23], $0x80, v2, vm0, $0xb8;
	[tilespmem:$0x1C200] =	vst v63  }
0x798: {  	s6 =	simm.s32 $0x11A00  }
0x799: {  	[tilespmem:s6], [sflag:$0x5] =	stream.indirect_vreg.gather [hbm4b:s28+s23], $0x80, v2, vm0, $0xb8;
	[tilespmem:$0x1C200] =	vst v63  }
0x79a: {  	s25 =	simm.s32 $0x12200  }
0x79b: {  	[tilespmem:s25], [sflag:$0x5] =	stream.indirect_vreg.gather [hbm4b:s29+s23], $0x80, v2, vm0, $0xb8;
	[tilespmem:$0x1C200] =	vst v63  }
0x79c: {  	s5 =	simm.s32 $0x12A00  }
0x79d: {  	[tilespmem:s5], [sflag:$0x5] =	stream.indirect_vreg.gather [hbm4b:s30+s23], $0x80, v2, vm0, $0xb8;
	[tilespmem:$0x1C200] =	vst v63  }
0x79e: {  	s6 =	simm.s32 $0x13200  }
0x79f: {  	[tilespmem:s6], [sflag:$0x5] =	stream.indirect_vreg.gather [hbm4b:s31+s23], $0x80, v2, vm0, $0xb8;
	[tilespmem:$0x1C200] =	vst v63  }
0x7a0: {  	s25 =	simm.s32 $0x13A00  }
0x7a1: {  	[tilespmem:s25], [sflag:$0x5] =	stream.indirect_vreg.gather [hbm4b:s2+s23], $0x80, v2, vm0, $0xb8;
	[tilespmem:$0x1C200] =	vst v63  }
0x7a2: {  	s0 =	simm.s32 $0x0;
	_ =	swait.ge [sflag:s7], $0x4000  }
0x7a3: {  	s5 =	sand.u32 $0x3C00, s23;
	s6 =	sand.u32 $0x380, s0;
	[sflag:s7] =	ssyncset.done $0x0  }
0x7a4: {  	s25 =	sor.u32 s6, s5;
	[sflag:s7] =	ssyncadd.s32 $0xFFFFC000  }
0x7a5: {  	v2 =	vld [tilespmem:s25+$0x4270]  }
0x7a6: {  	v3 =	vld [tilespmem:s25+$0x14270]  }
0x7a7: {  	v4 =	vld [tilespmem:s25+$0x4200]  }
0x7a8: {  	v5 =	vld [tilespmem:s25+$0x14200]  }
0x7a9: {  	v6 =	vld [tilespmem:s25+$0x4210]  }
0x7aa: {  	v7 =	vld [tilespmem:s25+$0x14210]  }
0x7ab: {  	v8 =	vld [tilespmem:s25+$0x4220]  }
0x7ac: {  	v63 =	vld [tilespmem:s25+$0x14220]  }
0x7ad: {  	v3 =	vadd.f32 v3, v2;
	v2 =	vld [tilespmem:s25+$0x4230]  }
0x7ae: {  	v5 =	vadd.f32 v5, v4;
	v4 =	vld [tilespmem:s25+$0x14230]  }
0x7af: {  	v7 =	vadd.f32 v7, v6;
	v6 =	vld [tilespmem:s25+$0x14240];
	[tilespmem:s25+$0x4270] =	vst v3  }
0x7b0: {  	v3 =	vld [tilespmem:s25+$0x4240];
	[tilespmem:s25+$0x4200] =	vst v5  }
0x7b1: {  	[tilespmem:s25+$0x4210] =	vst v7;
	v7 =	vadd.f32 v63, v8;
	v5 =	vld [tilespmem:s25+$0x4250]  }
.LBB2_54:
0x7b2: {  	s0 =	sadd.s32 $0x8, s0;
	v8 =	vld [tilespmem:s25+$0x14250];
	s23 =	sadd.s32 $0x400, s23  }
0x7b3: {  	s5 =	sand.u32 $0x3C00, s23;
	s6 =	sand.u32 $0x380, s0;
	p0 =	slt.u32 s0, $0x3F8;
	[tilespmem:s25+$0x4220] =	vst v7;
	v2 =	vadd.f32 v4, v2;
	v4 =	vld [tilespmem:s25+$0x4260]  }
0x7b4: {  	s5 =	sor.u32 s6, s5;
	v7 =	vld [tilespmem:s25+$0x14260]  }
0x7b5: {  	v9 =	vld [tilespmem:s5+$0x4270];
	[tilespmem:s25+$0x4230] =	vst v2;
	v2 =	vadd.f32 v6, v3  }
0x7b6: {  	v3 =	vld [tilespmem:s5+$0x14270]  }
0x7b7: {  	v6 =	vld [tilespmem:s5+$0x4200];
	[tilespmem:s25+$0x4240] =	vst v2;
	v2 =	vadd.f32 v8, v5  }
0x7b8: {  	v5 =	vld [tilespmem:s5+$0x14200]  }
0x7b9: {  	v8 =	vld [tilespmem:s5+$0x4210];
	[tilespmem:s25+$0x4250] =	vst v2;
	v2 =	vadd.f32 v7, v4  }
0x7ba: {  	v7 =	vld [tilespmem:s5+$0x14210]  }
0x7bb: {  	v10 =	vld [tilespmem:s5+$0x4220];
	v3 =	vadd.f32 v3, v9;
	[tilespmem:s25+$0x4260] =	vst v2;
	s25 =	smov.u32 s5  }
0x7bc: {  	v9 =	vld [tilespmem:s25+$0x14220]  }
.Ltmp26:
0x7bd: {  	v5 =	vadd.f32 v5, v6;
	v2 =	vld [tilespmem:s25+$0x4230];
	[tilespmem:s25+$0x4270] =	vst v3;
	(pc) =	sbr.rel @p0 .LBB2_54-.Ltmp26, $4  }
0x7be: {  	v4 =	vld [tilespmem:s25+$0x14230]  }
0x7bf: {  	[tilespmem:s25+$0x4200] =	vst v5;
	v5 =	vadd.f32 v7, v8;
	v3 =	vld [tilespmem:s25+$0x4240]  }
0x7c0: {  	v6 =	vld [tilespmem:s25+$0x14240]  }
0x7c1: {  	[tilespmem:s25+$0x4210] =	vst v5;
	v7 =	vadd.f32 v9, v10;
	v5 =	vld [tilespmem:s25+$0x4250]  }
0x7c2: {  	v8 =	vld [tilespmem:s25+$0x14250]  }
0x7c3: {  	v9 =	vld [tilespmem:s25+$0x4260]  }
0x7c4: {  	v10 =	vld [tilespmem:s25+$0x14260];
	_ =	sdelay $0x1  }
0x7c5: {  	v2 =	vadd.f32 v4, v2  }
0x7c6: {  	[tilespmem:s25+$0x4220] =	vst v7;
	v3 =	vadd.f32 v6, v3  }
0x7c7: {  	[tilespmem:s25+$0x4230] =	vst v2;
	v2 =	vadd.f32 v8, v5  }
0x7c8: {  	[tilespmem:s25+$0x4240] =	vst v3;
	v3 =	vadd.f32 v10, v9  }
0x7c9: {  	[tilespmem:s25+$0x4250] =	vst v2  }
0x7ca: {  	[tilespmem:s25+$0x4260] =	vst v3  }
0x7cb: {  	s0 =	sld [smem:$0x7F9];
	_ =	sdelay $0x1  }
0x7cc: {  	s23 =	simm.s32 $0x0  }
0x7cd: {  	[hbm4b:s0+s23] =	stream.linear.scatter [tilespmem:s19], [sflag:$0x7], $0x4000, $0x38;
	[tilespmem:$0x1C200] =	vst v63  }
0x7ce: {  	_ =	swait.ge [sflag:s12], $0x4000  }
0x7cf: {  	[sflag:s12] =	ssyncset.done $0x0  }
0x7d0: {  	[sflag:s12] =	ssyncadd.s32 $0xFFFFC000  }
0x7d1: {  	v2 =	vld.msk [tilespmem:$0x138], $0xff;
	_ =	sdelay $0x4  }
0x7d2: {  	v3 =	vshll.u32 v2, $0x4  }
0x7d3: {  	v2 =	vand.u32 $0x7, v2;
	v3 =	vand.u32 $0xFFFFFF80, v3  }
0x7d4: {  	v2 =	vor.u32 v2, v3  }
0x7d5: {  	v2 =	vperm.xlane v2, v0;
	_ =	sdelay $0x1  }
0x7d6: {  	v2 =	vadd.s32 v1, v2;
	_ =	sdelay $0x4  }
0x7d7: {  	[tilespmem:s11], [sflag:$0x1] =	stream.indirect_vreg.gather [hbm4b:s1+s23], $0x80, v2, vm0, $0xb8;
	[tilespmem:$0x1C200] =	vst v63  }
0x7d8: {  	s25 =	simm.s32 $0xA00  }
0x7d9: {  	[tilespmem:s25], [sflag:$0x1] =	stream.indirect_vreg.gather [hbm4b:s24+s23], $0x80, v2, vm0, $0xb8;
	[tilespmem:$0x1C200] =	vst v63  }
0x7da: {  	s5 =	simm.s32 $0x1200  }
0x7db: {  	[tilespmem:s5], [sflag:$0x1] =	stream.indirect_vreg.gather [hbm4b:s26+s23], $0x80, v2, vm0, $0xb8;
	[tilespmem:$0x1C200] =	vst v63  }
0x7dc: {  	s6 =	simm.s32 $0x1A00  }
0x7dd: {  	[tilespmem:s6], [sflag:$0x1] =	stream.indirect_vreg.gather [hbm4b:s28+s23], $0x80, v2, vm0, $0xb8;
	[tilespmem:$0x1C200] =	vst v63  }
0x7de: {  	s25 =	simm.s32 $0x2200  }
0x7df: {  	[tilespmem:s25], [sflag:$0x1] =	stream.indirect_vreg.gather [hbm4b:s29+s23], $0x80, v2, vm0, $0xb8;
	[tilespmem:$0x1C200] =	vst v63  }
0x7e0: {  	s5 =	simm.s32 $0x2A00  }
0x7e1: {  	[tilespmem:s5], [sflag:$0x1] =	stream.indirect_vreg.gather [hbm4b:s30+s23], $0x80, v2, vm0, $0xb8;
	[tilespmem:$0x1C200] =	vst v63  }
0x7e2: {  	s6 =	simm.s32 $0x3200  }
0x7e3: {  	[tilespmem:s6], [sflag:$0x1] =	stream.indirect_vreg.gather [hbm4b:s31+s23], $0x80, v2, vm0, $0xb8;
	[tilespmem:$0x1C200] =	vst v63  }
0x7e4: {  	s25 =	simm.s32 $0x3A00  }
0x7e5: {  	[tilespmem:s25], [sflag:$0x1] =	stream.indirect_vreg.gather [hbm4b:s2+s23], $0x80, v2, vm0, $0xb8;
	[tilespmem:$0x1C200] =	vst v63  }
0x7e6: {  	s0 =	simm.s32 $0x0;
	_ =	swait.ge [sflag:s13], $0x4000  }
0x7e7: {  	s5 =	sand.u32 $0x3C00, s23;
	s6 =	sand.u32 $0x380, s0;
	[sflag:s13] =	ssyncset.done $0x0  }
0x7e8: {  	s25 =	sor.u32 s6, s5;
	[sflag:s13] =	ssyncadd.s32 $0xFFFFC000  }
0x7e9: {  	v2 =	vld [tilespmem:s25+$0x8270]  }
0x7ea: {  	v3 =	vld [tilespmem:s25+$0x14270]  }
0x7eb: {  	v4 =	vld [tilespmem:s25+$0x8200]  }
0x7ec: {  	v5 =	vld [tilespmem:s25+$0x14200]  }
0x7ed: {  	v6 =	vld [tilespmem:s25+$0x8210]  }
0x7ee: {  	v7 =	vld [tilespmem:s25+$0x14210]  }
0x7ef: {  	v8 =	vld [tilespmem:s25+$0x8220]  }
0x7f0: {  	v63 =	vld [tilespmem:s25+$0x14220]  }
0x7f1: {  	v3 =	vadd.f32 v3, v2;
	v2 =	vld [tilespmem:s25+$0x8230]  }
0x7f2: {  	v5 =	vadd.f32 v5, v4;
	v4 =	vld [tilespmem:s25+$0x14230]  }
0x7f3: {  	v7 =	vadd.f32 v7, v6;
	v6 =	vld [tilespmem:s25+$0x14240];
	[tilespmem:s25+$0x8270] =	vst v3  }
0x7f4: {  	v3 =	vld [tilespmem:s25+$0x8240];
	[tilespmem:s25+$0x8200] =	vst v5  }
0x7f5: {  	[tilespmem:s25+$0x8210] =	vst v7;
	v7 =	vadd.f32 v63, v8;
	v5 =	vld [tilespmem:s25+$0x8250]  }
.LBB2_56:
0x7f6: {  	s0 =	sadd.s32 $0x8, s0;
	v8 =	vld [tilespmem:s25+$0x14250];
	s23 =	sadd.s32 $0x400, s23  }
0x7f7: {  	s5 =	sand.u32 $0x3C00, s23;
	s6 =	sand.u32 $0x380, s0;
	p0 =	slt.u32 s0, $0x3F8;
	[tilespmem:s25+$0x8220] =	vst v7;
	v2 =	vadd.f32 v4, v2;
	v4 =	vld [tilespmem:s25+$0x8260]  }
0x7f8: {  	s5 =	sor.u32 s6, s5;
	v7 =	vld [tilespmem:s25+$0x14260]  }
0x7f9: {  	v9 =	vld [tilespmem:s5+$0x8270];
	[tilespmem:s25+$0x8230] =	vst v2;
	v2 =	vadd.f32 v6, v3  }
0x7fa: {  	v3 =	vld [tilespmem:s5+$0x14270]  }
0x7fb: {  	v6 =	vld [tilespmem:s5+$0x8200];
	[tilespmem:s25+$0x8240] =	vst v2;
	v2 =	vadd.f32 v8, v5  }
0x7fc: {  	v5 =	vld [tilespmem:s5+$0x14200]  }
0x7fd: {  	v8 =	vld [tilespmem:s5+$0x8210];
	[tilespmem:s25+$0x8250] =	vst v2;
	v2 =	vadd.f32 v7, v4  }
0x7fe: {  	v7 =	vld [tilespmem:s5+$0x14210]  }
0x7ff: {  	v10 =	vld [tilespmem:s5+$0x8220];
	v3 =	vadd.f32 v3, v9;
	[tilespmem:s25+$0x8260] =	vst v2;
	s25 =	smov.u32 s5  }
0x800: {  	v9 =	vld [tilespmem:s25+$0x14220]  }
.Ltmp27:
0x801: {  	v5 =	vadd.f32 v5, v6;
	v2 =	vld [tilespmem:s25+$0x8230];
	[tilespmem:s25+$0x8270] =	vst v3;
	(pc) =	sbr.rel @p0 .LBB2_56-.Ltmp27, $4  }
0x802: {  	v4 =	vld [tilespmem:s25+$0x14230]  }
0x803: {  	[tilespmem:s25+$0x8200] =	vst v5;
	v5 =	vadd.f32 v7, v8;
	v3 =	vld [tilespmem:s25+$0x8240]  }
0x804: {  	v6 =	vld [tilespmem:s25+$0x14240]  }
0x805: {  	[tilespmem:s25+$0x8210] =	vst v5;
	v7 =	vadd.f32 v9, v10;
	v5 =	vld [tilespmem:s25+$0x8250]  }
0x806: {  	v8 =	vld [tilespmem:s25+$0x14250]  }
0x807: {  	v9 =	vld [tilespmem:s25+$0x8260]  }
0x808: {  	v10 =	vld [tilespmem:s25+$0x14260];
	_ =	sdelay $0x1  }
0x809: {  	v2 =	vadd.f32 v4, v2  }
0x80a: {  	[tilespmem:s25+$0x8220] =	vst v7;
	v3 =	vadd.f32 v6, v3  }
0x80b: {  	[tilespmem:s25+$0x8230] =	vst v2;
	v2 =	vadd.f32 v8, v5  }
0x80c: {  	[tilespmem:s25+$0x8240] =	vst v3;
	v3 =	vadd.f32 v10, v9  }
0x80d: {  	[tilespmem:s25+$0x8250] =	vst v2  }
0x80e: {  	[tilespmem:s25+$0x8260] =	vst v3  }
0x80f: {  	s0 =	sld [smem:$0x7FA];
	_ =	sdelay $0x1  }
0x810: {  	s23 =	simm.s32 $0x0;
	s5 =	simm.s32 $0x8200  }
0x811: {  	[hbm4b:s0+s23] =	stream.linear.scatter [tilespmem:s5], [sflag:$0x8], $0x4000, $0x38;
	[tilespmem:$0x1C200] =	vst v63  }
0x812: {  	_ =	swait.ge [sflag:s14], $0x4000  }
0x813: {  	[sflag:s14] =	ssyncset.done $0x0  }
0x814: {  	[sflag:s14] =	ssyncadd.s32 $0xFFFFC000  }
0x815: {  	v2 =	vld.msk [tilespmem:$0x1B8], $0xff;
	_ =	sdelay $0x4  }
0x816: {  	v3 =	vshll.u32 v2, $0x4  }
0x817: {  	v2 =	vand.u32 $0x7, v2;
	v3 =	vand.u32 $0xFFFFFF80, v3  }
0x818: {  	v2 =	vor.u32 v2, v3  }
0x819: {  	v2 =	vperm.xlane v2, v0;
	_ =	sdelay $0x1  }
0x81a: {  	v2 =	vadd.s32 v1, v2;
	_ =	sdelay $0x4  }
0x81b: {  	[tilespmem:s19], [sflag:$0x2] =	stream.indirect_vreg.gather [hbm4b:s1+s23], $0x80, v2, vm0, $0xb8;
	[tilespmem:$0x1C200] =	vst v63  }
0x81c: {  	s6 =	simm.s32 $0x4A00  }
0x81d: {  	[tilespmem:s6], [sflag:$0x2] =	stream.indirect_vreg.gather [hbm4b:s24+s23], $0x80, v2, vm0, $0xb8;
	[tilespmem:$0x1C200] =	vst v63  }
0x81e: {  	s25 =	simm.s32 $0x5200  }
0x81f: {  	[tilespmem:s25], [sflag:$0x2] =	stream.indirect_vreg.gather [hbm4b:s26+s23], $0x80, v2, vm0, $0xb8;
	[tilespmem:$0x1C200] =	vst v63  }
0x820: {  	s5 =	simm.s32 $0x5A00  }
0x821: {  	[tilespmem:s5], [sflag:$0x2] =	stream.indirect_vreg.gather [hbm4b:s28+s23], $0x80, v2, vm0, $0xb8;
	[tilespmem:$0x1C200] =	vst v63  }
0x822: {  	s6 =	simm.s32 $0x6200  }
0x823: {  	[tilespmem:s6], [sflag:$0x2] =	stream.indirect_vreg.gather [hbm4b:s29+s23], $0x80, v2, vm0, $0xb8;
	[tilespmem:$0x1C200] =	vst v63  }
0x824: {  	s25 =	simm.s32 $0x6A00  }
0x825: {  	[tilespmem:s25], [sflag:$0x2] =	stream.indirect_vreg.gather [hbm4b:s30+s23], $0x80, v2, vm0, $0xb8;
	[tilespmem:$0x1C200] =	vst v63  }
0x826: {  	s5 =	simm.s32 $0x7200  }
0x827: {  	[tilespmem:s5], [sflag:$0x2] =	stream.indirect_vreg.gather [hbm4b:s31+s23], $0x80, v2, vm0, $0xb8;
	[tilespmem:$0x1C200] =	vst v63  }
0x828: {  	s6 =	simm.s32 $0x7A00  }
0x829: {  	[tilespmem:s6], [sflag:$0x2] =	stream.indirect_vreg.gather [hbm4b:s2+s23], $0x80, v2, vm0, $0xb8;
	[tilespmem:$0x1C200] =	vst v63  }
0x82a: {  	_ =	swait.ge [sflag:s15], $0x4000  }
0x82b: {  	[sflag:s15] =	ssyncset.done $0x0  }
0x82c: {  	[sflag:s15] =	ssyncadd.s32 $0xFFFFC000  }
0x82d: {  	s0 =	simm.s32 $0x0;
	_ =	swait.ge [sflag:s18], $0x4000  }
0x82e: {  	s25 =	sand.u32 $0x3C00, s23;
	s6 =	sand.u32 $0x380, s0;
	[sflag:s18] =	ssyncset.done $0x0  }
0x82f: {  	s25 =	sor.u32 s6, s25;
	[sflag:s18] =	ssyncadd.s32 $0xFFFFC000  }
0x830: {  	v2 =	vld [tilespmem:s25+$0xC270]  }
0x831: {  	v3 =	vld [tilespmem:s25+$0x18270]  }
0x832: {  	v4 =	vld [tilespmem:s25+$0xC200]  }
0x833: {  	v5 =	vld [tilespmem:s25+$0x18200]  }
0x834: {  	v6 =	vld [tilespmem:s25+$0xC210]  }
0x835: {  	v7 =	vld [tilespmem:s25+$0x18210]  }
0x836: {  	v8 =	vld [tilespmem:s25+$0xC220]  }
0x837: {  	v63 =	vld [tilespmem:s25+$0x18220]  }
0x838: {  	v3 =	vadd.f32 v3, v2;
	v2 =	vld [tilespmem:s25+$0xC230]  }
0x839: {  	v5 =	vadd.f32 v5, v4;
	v4 =	vld [tilespmem:s25+$0x18230]  }
0x83a: {  	v7 =	vadd.f32 v7, v6;
	v6 =	vld [tilespmem:s25+$0x18240];
	[tilespmem:s25+$0xC270] =	vst v3  }
0x83b: {  	v3 =	vld [tilespmem:s25+$0xC240];
	[tilespmem:s25+$0xC200] =	vst v5  }
0x83c: {  	[tilespmem:s25+$0xC210] =	vst v7;
	v7 =	vadd.f32 v63, v8;
	v5 =	vld [tilespmem:s25+$0xC250]  }
.LBB2_58:
0x83d: {  	s0 =	sadd.s32 $0x8, s0;
	v8 =	vld [tilespmem:s25+$0x18250];
	s23 =	sadd.s32 $0x400, s23  }
0x83e: {  	s5 =	sand.u32 $0x3C00, s23;
	s6 =	sand.u32 $0x380, s0;
	p0 =	slt.u32 s0, $0x3F8;
	[tilespmem:s25+$0xC220] =	vst v7;
	v2 =	vadd.f32 v4, v2;
	v4 =	vld [tilespmem:s25+$0xC260]  }
0x83f: {  	s5 =	sor.u32 s6, s5;
	v7 =	vld [tilespmem:s25+$0x18260]  }
0x840: {  	v9 =	vld [tilespmem:s5+$0xC270];
	[tilespmem:s25+$0xC230] =	vst v2;
	v2 =	vadd.f32 v6, v3  }
0x841: {  	v3 =	vld [tilespmem:s5+$0x18270]  }
0x842: {  	v6 =	vld [tilespmem:s5+$0xC200];
	[tilespmem:s25+$0xC240] =	vst v2;
	v2 =	vadd.f32 v8, v5  }
0x843: {  	v5 =	vld [tilespmem:s5+$0x18200]  }
0x844: {  	v8 =	vld [tilespmem:s5+$0xC210];
	[tilespmem:s25+$0xC250] =	vst v2;
	v2 =	vadd.f32 v7, v4  }
0x845: {  	v7 =	vld [tilespmem:s5+$0x18210]  }
0x846: {  	v10 =	vld [tilespmem:s5+$0xC220];
	v3 =	vadd.f32 v3, v9;
	[tilespmem:s25+$0xC260] =	vst v2;
	s25 =	smov.u32 s5  }
0x847: {  	v9 =	vld [tilespmem:s25+$0x18220]  }
.Ltmp28:
0x848: {  	v5 =	vadd.f32 v5, v6;
	v2 =	vld [tilespmem:s25+$0xC230];
	[tilespmem:s25+$0xC270] =	vst v3;
	(pc) =	sbr.rel @p0 .LBB2_58-.Ltmp28, $4  }
0x849: {  	v4 =	vld [tilespmem:s25+$0x18230]  }
0x84a: {  	[tilespmem:s25+$0xC200] =	vst v5;
	v5 =	vadd.f32 v7, v8;
	v3 =	vld [tilespmem:s25+$0xC240]  }
0x84b: {  	v6 =	vld [tilespmem:s25+$0x18240]  }
0x84c: {  	[tilespmem:s25+$0xC210] =	vst v5;
	v7 =	vadd.f32 v9, v10;
	v5 =	vld [tilespmem:s25+$0xC250]  }
0x84d: {  	v8 =	vld [tilespmem:s25+$0x18250]  }
0x84e: {  	v9 =	vld [tilespmem:s25+$0xC260]  }
0x84f: {  	v10 =	vld [tilespmem:s25+$0x18260];
	_ =	sdelay $0x1  }
0x850: {  	v2 =	vadd.f32 v4, v2  }
0x851: {  	[tilespmem:s25+$0xC220] =	vst v7;
	v3 =	vadd.f32 v6, v3  }
0x852: {  	[tilespmem:s25+$0xC230] =	vst v2;
	v2 =	vadd.f32 v8, v5  }
0x853: {  	[tilespmem:s25+$0xC240] =	vst v3;
	v3 =	vadd.f32 v10, v9  }
0x854: {  	[tilespmem:s25+$0xC250] =	vst v2  }
0x855: {  	[tilespmem:s25+$0xC260] =	vst v3  }
0x856: {  	s25 =	simm.s32 $0x0;
	s0 =	rddreg [dreg:$0x18]  }
0x857: {  	[hbm4b:s0+s25] =	stream.linear.scatter [tilespmem:s8], [sflag:$0x9], $0x4000, $0x38;
	[tilespmem:$0x1C200] =	vst v63  }
0x858: {  	s0 =	simm.s32 $0x0;
	_ =	swait.ge [sflag:s17], $0x4000  }
0x859: {  	s5 =	sand.u32 $0x3C00, s25;
	s6 =	sand.u32 $0x380, s0;
	[sflag:s17] =	ssyncset.done $0x0  }
0x85a: {  	s23 =	sor.u32 s6, s5;
	[sflag:s17] =	ssyncadd.s32 $0xFFFFC000  }
0x85b: {  	v2 =	vld [tilespmem:s23+$0x10270]  }
0x85c: {  	v3 =	vld [tilespmem:s23+$0x18270]  }
0x85d: {  	v4 =	vld [tilespmem:s23+$0x10200]  }
0x85e: {  	v5 =	vld [tilespmem:s23+$0x18200]  }
0x85f: {  	v6 =	vld [tilespmem:s23+$0x10210]  }
0x860: {  	v7 =	vld [tilespmem:s23+$0x18210]  }
0x861: {  	v8 =	vld [tilespmem:s23+$0x10220]  }
0x862: {  	v63 =	vld [tilespmem:s23+$0x18220]  }
0x863: {  	v3 =	vadd.f32 v3, v2;
	v2 =	vld [tilespmem:s23+$0x10230]  }
0x864: {  	v5 =	vadd.f32 v5, v4;
	v4 =	vld [tilespmem:s23+$0x18230]  }
0x865: {  	v7 =	vadd.f32 v7, v6;
	v6 =	vld [tilespmem:s23+$0x18240];
	[tilespmem:s23+$0x10270] =	vst v3  }
0x866: {  	v3 =	vld [tilespmem:s23+$0x10240];
	[tilespmem:s23+$0x10200] =	vst v5  }
0x867: {  	[tilespmem:s23+$0x10210] =	vst v7;
	v7 =	vadd.f32 v63, v8;
	v5 =	vld [tilespmem:s23+$0x10250]  }
.LBB2_60:
0x868: {  	s0 =	sadd.s32 $0x8, s0;
	v8 =	vld [tilespmem:s23+$0x18250];
	s25 =	sadd.s32 $0x400, s25  }
0x869: {  	s5 =	sand.u32 $0x3C00, s25;
	s6 =	sand.u32 $0x380, s0;
	p0 =	slt.u32 s0, $0x3F8;
	[tilespmem:s23+$0x10220] =	vst v7;
	v2 =	vadd.f32 v4, v2;
	v4 =	vld [tilespmem:s23+$0x10260]  }
0x86a: {  	s5 =	sor.u32 s6, s5;
	v7 =	vld [tilespmem:s23+$0x18260]  }
0x86b: {  	v9 =	vld [tilespmem:s5+$0x10270];
	[tilespmem:s23+$0x10230] =	vst v2;
	v2 =	vadd.f32 v6, v3  }
0x86c: {  	v3 =	vld [tilespmem:s5+$0x18270]  }
0x86d: {  	v6 =	vld [tilespmem:s5+$0x10200];
	[tilespmem:s23+$0x10240] =	vst v2;
	v2 =	vadd.f32 v8, v5  }
0x86e: {  	v5 =	vld [tilespmem:s5+$0x18200]  }
0x86f: {  	v8 =	vld [tilespmem:s5+$0x10210];
	[tilespmem:s23+$0x10250] =	vst v2;
	v2 =	vadd.f32 v7, v4  }
0x870: {  	v7 =	vld [tilespmem:s5+$0x18210]  }
0x871: {  	v10 =	vld [tilespmem:s5+$0x10220];
	v3 =	vadd.f32 v3, v9;
	[tilespmem:s23+$0x10260] =	vst v2;
	s23 =	smov.u32 s5  }
0x872: {  	v9 =	vld [tilespmem:s23+$0x18220]  }
.Ltmp29:
0x873: {  	v5 =	vadd.f32 v5, v6;
	v2 =	vld [tilespmem:s23+$0x10230];
	[tilespmem:s23+$0x10270] =	vst v3;
	(pc) =	sbr.rel @p0 .LBB2_60-.Ltmp29, $4  }
0x874: {  	v4 =	vld [tilespmem:s23+$0x18230]  }
0x875: {  	[tilespmem:s23+$0x10200] =	vst v5;
	v5 =	vadd.f32 v7, v8;
	v3 =	vld [tilespmem:s23+$0x10240]  }
0x876: {  	v6 =	vld [tilespmem:s23+$0x18240]  }
0x877: {  	[tilespmem:s23+$0x10210] =	vst v5;
	v7 =	vadd.f32 v9, v10;
	v5 =	vld [tilespmem:s23+$0x10250]  }
0x878: {  	v8 =	vld [tilespmem:s23+$0x18250]  }
0x879: {  	v9 =	vld [tilespmem:s23+$0x10260]  }
0x87a: {  	v10 =	vld [tilespmem:s23+$0x18260];
	_ =	sdelay $0x1  }
0x87b: {  	v2 =	vadd.f32 v4, v2  }
0x87c: {  	[tilespmem:s23+$0x10220] =	vst v7;
	v3 =	vadd.f32 v6, v3  }
0x87d: {  	[tilespmem:s23+$0x10230] =	vst v2;
	v2 =	vadd.f32 v8, v5  }
0x87e: {  	[tilespmem:s23+$0x10240] =	vst v3;
	v3 =	vadd.f32 v10, v9  }
0x87f: {  	[tilespmem:s23+$0x10250] =	vst v2  }
0x880: {  	[tilespmem:s23+$0x10260] =	vst v3  }
0x881: {  	s0 =	sld [smem:$0x7FB];
	_ =	sdelay $0x1  }
0x882: {  	s25 =	simm.s32 $0x0  }
0x883: {  	[hbm4b:s0+s25] =	stream.linear.scatter [tilespmem:s10], [sflag:$0xA], $0x4000, $0x38;
	[tilespmem:$0x1C200] =	vst v63  }
0x884: {  	s0 =	simm.s32 $0x0;
	_ =	swait.ge [sflag:s4], $0x4000  }
0x885: {  	s5 =	sand.u32 $0x3C00, s25;
	s6 =	sand.u32 $0x380, s0;
	[sflag:s4] =	ssyncset.done $0x0  }
0x886: {  	s23 =	sor.u32 s6, s5;
	[sflag:s4] =	ssyncadd.s32 $0xFFFFC000  }
0x887: {  	v2 =	vld [tilespmem:s23+$0x270]  }
0x888: {  	v3 =	vld [tilespmem:s23+$0x18270]  }
0x889: {  	v4 =	vld [tilespmem:s23+$0x200]  }
0x88a: {  	v5 =	vld [tilespmem:s23+$0x18200]  }
0x88b: {  	v6 =	vld [tilespmem:s23+$0x210]  }
0x88c: {  	v7 =	vld [tilespmem:s23+$0x18210]  }
0x88d: {  	v8 =	vld [tilespmem:s23+$0x220]  }
0x88e: {  	v63 =	vld [tilespmem:s23+$0x18220]  }
0x88f: {  	v3 =	vadd.f32 v3, v2;
	v2 =	vld [tilespmem:s23+$0x230]  }
0x890: {  	v5 =	vadd.f32 v5, v4;
	v4 =	vld [tilespmem:s23+$0x18230]  }
0x891: {  	v7 =	vadd.f32 v7, v6;
	v6 =	vld [tilespmem:s23+$0x18240];
	[tilespmem:s23+$0x270] =	vst v3  }
0x892: {  	v3 =	vld [tilespmem:s23+$0x240];
	[tilespmem:s23+$0x200] =	vst v5  }
0x893: {  	[tilespmem:s23+$0x210] =	vst v7;
	v7 =	vadd.f32 v63, v8;
	v5 =	vld [tilespmem:s23+$0x250]  }
.LBB2_62:
0x894: {  	s0 =	sadd.s32 $0x8, s0;
	v8 =	vld [tilespmem:s23+$0x18250];
	s25 =	sadd.s32 $0x400, s25  }
0x895: {  	s5 =	sand.u32 $0x3C00, s25;
	s6 =	sand.u32 $0x380, s0;
	p0 =	slt.u32 s0, $0x3F8;
	[tilespmem:s23+$0x220] =	vst v7;
	v2 =	vadd.f32 v4, v2;
	v4 =	vld [tilespmem:s23+$0x260]  }
0x896: {  	s5 =	sor.u32 s6, s5;
	v7 =	vld [tilespmem:s23+$0x18260]  }
0x897: {  	v9 =	vld [tilespmem:s5+$0x270];
	[tilespmem:s23+$0x230] =	vst v2;
	v2 =	vadd.f32 v6, v3  }
0x898: {  	v3 =	vld [tilespmem:s5+$0x18270]  }
0x899: {  	v6 =	vld [tilespmem:s5+$0x200];
	[tilespmem:s23+$0x240] =	vst v2;
	v2 =	vadd.f32 v8, v5  }
0x89a: {  	v5 =	vld [tilespmem:s5+$0x18200]  }
0x89b: {  	v8 =	vld [tilespmem:s5+$0x210];
	[tilespmem:s23+$0x250] =	vst v2;
	v2 =	vadd.f32 v7, v4  }
0x89c: {  	v7 =	vld [tilespmem:s5+$0x18210]  }
0x89d: {  	v10 =	vld [tilespmem:s5+$0x220];
	v3 =	vadd.f32 v3, v9;
	[tilespmem:s23+$0x260] =	vst v2;
	s23 =	smov.u32 s5  }
0x89e: {  	v9 =	vld [tilespmem:s23+$0x18220]  }
.Ltmp30:
0x89f: {  	v5 =	vadd.f32 v5, v6;
	v2 =	vld [tilespmem:s23+$0x230];
	[tilespmem:s23+$0x270] =	vst v3;
	(pc) =	sbr.rel @p0 .LBB2_62-.Ltmp30, $4  }
0x8a0: {  	v4 =	vld [tilespmem:s23+$0x18230]  }
0x8a1: {  	[tilespmem:s23+$0x200] =	vst v5;
	v5 =	vadd.f32 v7, v8;
	v3 =	vld [tilespmem:s23+$0x240]  }
0x8a2: {  	v6 =	vld [tilespmem:s23+$0x18240]  }
0x8a3: {  	[tilespmem:s23+$0x210] =	vst v5;
	v7 =	vadd.f32 v9, v10;
	v5 =	vld [tilespmem:s23+$0x250]  }
0x8a4: {  	v8 =	vld [tilespmem:s23+$0x18250]  }
0x8a5: {  	v9 =	vld [tilespmem:s23+$0x260]  }
0x8a6: {  	v10 =	vld [tilespmem:s23+$0x18260];
	_ =	sdelay $0x1  }
0x8a7: {  	v2 =	vadd.f32 v4, v2  }
0x8a8: {  	[tilespmem:s23+$0x220] =	vst v7;
	v3 =	vadd.f32 v6, v3  }
0x8a9: {  	[tilespmem:s23+$0x230] =	vst v2;
	v2 =	vadd.f32 v8, v5  }
0x8aa: {  	[tilespmem:s23+$0x240] =	vst v3;
	v3 =	vadd.f32 v10, v9  }
0x8ab: {  	[tilespmem:s23+$0x250] =	vst v2  }
0x8ac: {  	[tilespmem:s23+$0x260] =	vst v3  }
0x8ad: {  	s0 =	sld [smem:$0x7FC];
	_ =	sdelay $0x1  }
0x8ae: {  	s25 =	simm.s32 $0x0  }
0x8af: {  	[hbm4b:s0+s25] =	stream.linear.scatter [tilespmem:s11], [sflag:$0x6], $0x4000, $0x38;
	[tilespmem:$0x1C200] =	vst v63  }
0x8b0: {  	s0 =	simm.s32 $0x0;
	_ =	swait.ge [sflag:s7], $0x4000  }
0x8b1: {  	s5 =	sand.u32 $0x3C00, s25;
	s6 =	sand.u32 $0x380, s0;
	[sflag:s7] =	ssyncset.done $0x0  }
0x8b2: {  	s23 =	sor.u32 s6, s5;
	[sflag:s7] =	ssyncadd.s32 $0xFFFFC000  }
0x8b3: {  	v2 =	vld [tilespmem:s23+$0x4270]  }
0x8b4: {  	v3 =	vld [tilespmem:s23+$0x18270]  }
0x8b5: {  	v4 =	vld [tilespmem:s23+$0x4200]  }
0x8b6: {  	v5 =	vld [tilespmem:s23+$0x18200]  }
0x8b7: {  	v6 =	vld [tilespmem:s23+$0x4210]  }
0x8b8: {  	v7 =	vld [tilespmem:s23+$0x18210]  }
0x8b9: {  	v8 =	vld [tilespmem:s23+$0x4220]  }
0x8ba: {  	v63 =	vld [tilespmem:s23+$0x18220]  }
0x8bb: {  	v3 =	vadd.f32 v3, v2;
	v2 =	vld [tilespmem:s23+$0x4230]  }
0x8bc: {  	v5 =	vadd.f32 v5, v4;
	v4 =	vld [tilespmem:s23+$0x18230]  }
0x8bd: {  	v7 =	vadd.f32 v7, v6;
	v6 =	vld [tilespmem:s23+$0x18240];
	[tilespmem:s23+$0x4270] =	vst v3  }
0x8be: {  	v3 =	vld [tilespmem:s23+$0x4240];
	[tilespmem:s23+$0x4200] =	vst v5  }
0x8bf: {  	[tilespmem:s23+$0x4210] =	vst v7;
	v7 =	vadd.f32 v63, v8;
	v5 =	vld [tilespmem:s23+$0x4250]  }
.LBB2_64:
0x8c0: {  	s0 =	sadd.s32 $0x8, s0;
	v8 =	vld [tilespmem:s23+$0x18250];
	s25 =	sadd.s32 $0x400, s25  }
0x8c1: {  	s5 =	sand.u32 $0x3C00, s25;
	s6 =	sand.u32 $0x380, s0;
	p0 =	slt.u32 s0, $0x3F8;
	[tilespmem:s23+$0x4220] =	vst v7;
	v2 =	vadd.f32 v4, v2;
	v4 =	vld [tilespmem:s23+$0x4260]  }
0x8c2: {  	s5 =	sor.u32 s6, s5;
	v7 =	vld [tilespmem:s23+$0x18260]  }
0x8c3: {  	v9 =	vld [tilespmem:s5+$0x4270];
	[tilespmem:s23+$0x4230] =	vst v2;
	v2 =	vadd.f32 v6, v3  }
0x8c4: {  	v3 =	vld [tilespmem:s5+$0x18270]  }
0x8c5: {  	v6 =	vld [tilespmem:s5+$0x4200];
	[tilespmem:s23+$0x4240] =	vst v2;
	v2 =	vadd.f32 v8, v5  }
0x8c6: {  	v5 =	vld [tilespmem:s5+$0x18200]  }
0x8c7: {  	v8 =	vld [tilespmem:s5+$0x4210];
	[tilespmem:s23+$0x4250] =	vst v2;
	v2 =	vadd.f32 v7, v4  }
0x8c8: {  	v7 =	vld [tilespmem:s5+$0x18210]  }
0x8c9: {  	v10 =	vld [tilespmem:s5+$0x4220];
	v3 =	vadd.f32 v3, v9;
	[tilespmem:s23+$0x4260] =	vst v2;
	s23 =	smov.u32 s5  }
0x8ca: {  	v9 =	vld [tilespmem:s23+$0x18220]  }
.Ltmp31:
0x8cb: {  	v5 =	vadd.f32 v5, v6;
	v2 =	vld [tilespmem:s23+$0x4230];
	[tilespmem:s23+$0x4270] =	vst v3;
	(pc) =	sbr.rel @p0 .LBB2_64-.Ltmp31, $4  }
0x8cc: {  	v4 =	vld [tilespmem:s23+$0x18230]  }
0x8cd: {  	[tilespmem:s23+$0x4200] =	vst v5;
	v5 =	vadd.f32 v7, v8;
	v3 =	vld [tilespmem:s23+$0x4240]  }
0x8ce: {  	v6 =	vld [tilespmem:s23+$0x18240]  }
0x8cf: {  	[tilespmem:s23+$0x4210] =	vst v5;
	v7 =	vadd.f32 v9, v10;
	v5 =	vld [tilespmem:s23+$0x4250]  }
0x8d0: {  	v8 =	vld [tilespmem:s23+$0x18250]  }
0x8d1: {  	v9 =	vld [tilespmem:s23+$0x4260]  }
0x8d2: {  	v10 =	vld [tilespmem:s23+$0x18260];
	_ =	sdelay $0x1  }
0x8d3: {  	v2 =	vadd.f32 v4, v2  }
0x8d4: {  	[tilespmem:s23+$0x4220] =	vst v7;
	v3 =	vadd.f32 v6, v3  }
0x8d5: {  	[tilespmem:s23+$0x4230] =	vst v2;
	v2 =	vadd.f32 v8, v5  }
0x8d6: {  	[tilespmem:s23+$0x4240] =	vst v3;
	v3 =	vadd.f32 v10, v9  }
0x8d7: {  	[tilespmem:s23+$0x4250] =	vst v2  }
0x8d8: {  	[tilespmem:s23+$0x4260] =	vst v3  }
0x8d9: {  	s0 =	sld [smem:$0x7FD];
	_ =	sdelay $0x2  }
0x8da: {  	[hbm4b:s0+s3] =	stream.linear.scatter [tilespmem:s19], [sflag:$0x7], $0x4000, $0x38;
	[tilespmem:$0x1C200] =	vst v63  }
0x8db: {  	_ =	swait.ge [sflag:s12], $0x4000  }
0x8dc: {  	[sflag:s12] =	ssyncset.done $0x0  }
0x8dd: {  	[sflag:s12] =	ssyncadd.s32 $0xFFFFC000  }
0x8de: {  	_ =	swait.ge [sflag:s14], $0x4000  }
0x8df: {  	[sflag:s14] =	ssyncset.done $0x0  }
0x8e0: {  	[sflag:s14] =	ssyncadd.s32 $0xFFFFC000  }
0x8e1: {  	_ =	swait.ge [sflag:s16], $0x4000  }
0x8e2: {  	[sflag:s16] =	ssyncset.done $0x0  }
0x8e3: {  	[sflag:s16] =	ssyncadd.s32 $0xFFFFC000  }
0x8e4: {  	_ =	swait.ge [sflag:s20], $0x4000  }
0x8e5: {  	[sflag:s20] =	ssyncset.done $0x0  }
0x8e6: {  	[sflag:s20] =	ssyncadd.s32 $0xFFFFC000  }
0x8e7: {  	_ =	swait.ge [sflag:s21], $0x4000  }
0x8e8: {  	s22 =	sadd.s32 $0x1, s22;
	s25 =	rddreg [dreg:$0x19]  }
0x8e9: {  	p0 =	sne.s32 s22, s25  }
.Ltmp32:
0x8ea: {  	_ = 	snop;
	(pc) =	sbr.rel @p0 .LBB2_1-.Ltmp32, $3  }
0x8eb: {  	_ =	sdelay $0x1  }
0x8ec: {  	[sflag:s21] =	ssyncset.done $0x0  }
0x8ed: {  	[sflag:s21] =	ssyncadd.s32 $0xFFFFC000  }
0x8ee: {  	_ =	sfence.sel $0x180000  }
0x8ef: {  	[bflag:$0x0] =	sbarrier.arrive $0xFFFF  }
0x8f0: {  	_ =	strace $0x90000047  }
0x8f1: {  	s0 =	stileid.u32;
	[bflag:$0x2] =	sbarrier.arrive $0xFFFF  }
0x8f2: {  	p0 =	sne.s32 s0, $0x0;
	s0 =	rddreg [dreg:$0x4]  }
0x8f3: {  	s0 =	sadd.s32 @!p0 $0x100000, s0  }
0x8f4: {  	[sflag:s0] =	ssyncadd.tile.s32 @!p0 $0x1;
	_ =	shalt  }
.Lfunc_end2:
_tile_overlayer_lowered:
.L_overlay_start_2:
0x8f5: {  	(tag) =	ssettag $0x2  }
0x8f6: {  	s0 =	rddreg [dreg:$0x0];
	s2 =	stileid.u32  }
0x8f7: {  	s1 =	rddreg [dreg:$0x1];
	p0 =	sne.s32 s2, $0x0  }
0x8f8: {  	s3 =	rddreg [dreg:$0x2];
	[bflag:$0x3] =	sbarrier.arrive $0xFFFF;
	s2 =	simm.s32 @!p0 $0x1C0D  }
0x8f9: {  	[timem:s3], [sflag:s2] =	dma.local @!p0 [hbm:s0], s1  }
0x8fa: {  	s0 =	simm.s32 @!p0 $0xD  }
0x8fb: {  	_ =	swait.ge @!p0 [sflag:s0], s1  }
0x8fc: {  	s1 =	ssub.s32 @!p0 $0x0, s1;
	[sflag:s0] =	ssyncset.done @!p0 $0x0  }
0x8fd: {  	[sflag:s0] =	ssyncadd.s32 @!p0 s1  }
0x8fe: {  	[bflag:$0x3] =	sbarrier.arrive $0xFFFF  }
0x8ff: {  	_ =	shalt  }

</sc_bundles>
